<compile_context>
chip_gen: v7x
topology: tpu7x:2x2x1
jax: 0.10.2.dev20260603
libtpu: 0.0.44.dev20260713+nightly
codegen_flags: <defaults>
</compile_context>

<pallas_src>
import functools

import jax
import jax.numpy as jnp
from jax import lax
from jax.experimental import pallas as pl
from jax.experimental.pallas import tpu as pltpu
from jax.experimental.pallas import tpu_sc as plsc

NC = 2
NS = 16
L = 16
C = 128
NP = 2

CH0 = 112
CH1 = 48
CHT = NS * (CH0 + CH1)
JMAX = max(CH0, CH1)
WBUF = 56
DEGW = 40


def _matmul_body(x_ref, w_ref, o_ref):
    o_ref[...] = jnp.dot(x_ref[...], w_ref[...],
                         preferred_element_type=jnp.float32)


def _bn_relu_body(p_ref, bias_ref, gamma_ref, beta_ref, o_ref):
    n = o_ref.shape[0]
    pre = jnp.concatenate(
        [p_ref[0, 0] + p_ref[1, 0], p_ref[0, 1] + p_ref[1, 1]], axis=1)
    pre = pre[:n] + bias_ref[...]
    mean = jnp.sum(pre, axis=0, keepdims=True) * (1.0 / n)
    d = pre - mean
    var = jnp.sum(d * d, axis=0, keepdims=True) * (1.0 / n)
    inv = lax.rsqrt(var + 1e-5)
    o_ref[...] = jnp.maximum(d * inv * gamma_ref[...] + beta_ref[...], 0.0)


def _rsqrt16(d):
    i = plsc.bitcast(d, jnp.int32)
    i = jnp.int32(0x5F3759DF) - (i >> 1)
    y = plsc.bitcast(i, jnp.float32)
    for _ in range(3):
        y = y * (1.5 - 0.5 * d * y * y)
    return y


def _make_sc_kernel(Npad, D):
    SEG = Npad // NS
    K = SEG // C
    DP = D // NP
    DV = DP // L
    mesh = plsc.VectorSubcoreMesh(
        core_axis_name="c", subcore_axis_name="s",
        num_cores=NC, num_subcores=NS)

    @functools.partial(
        pl.kernel,
        out_type=jax.ShapeDtypeStruct((NC, NP, Npad, DP), jnp.float32),
        mesh=mesh,
        compiler_params=pltpu.CompilerParams(
            needs_layout_passes=False, use_tc_tiling_on_sc=False),
        scratch_types=[
            pltpu.VMEM((WBUF, C), jnp.int32),
            pltpu.VMEM((WBUF, C), jnp.int32),
            pltpu.VMEM((WBUF, C), jnp.float32),
            pltpu.VMEM((Npad,), jnp.float32),
            pltpu.VMEM((Npad,), jnp.float32),
            pltpu.VMEM((JMAX * C,), jnp.float32),
            pltpu.VMEM((C, DP), jnp.float32),
            pltpu.VMEM((SEG,), jnp.float32),
            pltpu.VMEM((SEG,), jnp.float32),
            pltpu.VMEM_SHARED((NS, Npad), jnp.float32),
            pltpu.VMEM_SHARED((Npad,), jnp.float32),
            pltpu.VMEM_SHARED((Npad, DP), jnp.float32),
            pltpu.SemaphoreType.DMA,
        ],
    )
    def sc_kernel(row_hbm, col_hbm, ew_hbm, h_hbm, outp_hbm,
                  rowbuf, colbuf, ewbuf, degv, disv, sbuf, rows_a,
                  tmpseg, accseg, deg_slab, dis_slab, out_acc, semg):
        cid = lax.axis_index("c")
        sid = lax.axis_index("s")
        seg0 = sid * SEG
        zero16 = jnp.zeros((L,), jnp.float32)

        def zdeg(i, _):
            degv[pl.ds(i * L, L)] = zero16
            return _
        lax.fori_loop(0, Npad // L, zdeg, None)

        for w in range(4):
            wbase = sid * (4 * DEGW) + w * DEGW
            pltpu.sync_copy(row_hbm.at[pl.ds(wbase, DEGW)],
                            rowbuf.at[pl.ds(0, DEGW)])
            pltpu.sync_copy(col_hbm.at[pl.ds(wbase, DEGW)],
                            colbuf.at[pl.ds(0, DEGW)])
            pltpu.sync_copy(ew_hbm.at[pl.ds(wbase, DEGW)],
                            ewbuf.at[pl.ds(0, DEGW)])

            def degacc(j, _):
                for g in range(C // L):
                    sl = pl.ds(g * L, L)
                    r16 = rowbuf[j, sl]
                    c16 = colbuf[j, sl]
                    w16 = ewbuf[j, sl]
                    wm = jnp.where(r16 != c16, w16, 0.0)
                    plsc.addupdate_scatter(degv, [c16], wm)
                return _
            lax.fori_loop(0, DEGW, degacc, None)

        pltpu.sync_copy(degv, deg_slab.at[sid])
        plsc.subcore_barrier()

        def zacc(i, _):
            accseg[pl.ds(i * L, L)] = zero16
            return _
        lax.fori_loop(0, SEG // L, zacc, None)
        for k in range(NS):
            pltpu.sync_copy(deg_slab.at[k, pl.ds(seg0, SEG)], tmpseg)

            def radd(i, _):
                sl = pl.ds(i * L, L)
                accseg[sl] = accseg[sl] + tmpseg[sl]
                return _
            lax.fori_loop(0, SEG // L, radd, None)

        def rsq(i, _):
            sl = pl.ds(i * L, L)
            d = accseg[sl] + 1.0
            accseg[sl] = _rsqrt16(d)
            return _
        lax.fori_loop(0, SEG // L, rsq, None)

        pltpu.sync_copy(accseg, dis_slab.at[pl.ds(seg0, SEG)])
        plsc.subcore_barrier()
        pltpu.sync_copy(dis_slab, disv)

        cbase = jnp.where(cid == 0, sid * CH0, NS * CH0 + sid * CH1)
        jt = jnp.where(cid == 0, CH0, CH1)

        cfac = jnp.float32(0.5)

        def compute_s(j, sb):
            for g in range(C // L):
                sl = pl.ds(g * L, L)
                r16 = rowbuf[j, sl]
                c16 = colbuf[j, sl]
                w16 = ewbuf[j, sl]
                wm = jnp.where(r16 != c16, w16, 0.0)
                s = plsc.load_gather(disv, [r16]) * wm \
                    * plsc.load_gather(disv, [c16])
                sbuf[pl.ds(sb + g * L, L)] = s

        for p in range(NP):
            for k in range(K):
                base = seg0 + k * C
                pltpu.sync_copy(h_hbm.at[p, pl.ds(base, C)], rows_a)

                def selfloop(e, _):
                    idx16 = jnp.full((L,), base + e, jnp.int32)
                    dv = plsc.load_gather(disv, [idx16])
                    sq = dv * dv * cfac
                    for d in range(DV):
                        sl = pl.ds(d * L, L)
                        rows_a[e, sl] = rows_a[e, sl] * sq
                    return _
                lax.fori_loop(0, C, selfloop, None)
                pltpu.sync_copy(rows_a, out_acc.at[pl.ds(base, C)])
            plsc.subcore_barrier()

            for w in range(JMAX // WBUF):
                wb = cbase + w * WBUF
                cnt = jnp.clip(jt - w * WBUF, 0, WBUF)
                pltpu.sync_copy(row_hbm.at[pl.ds(wb, WBUF)], rowbuf)
                pltpu.sync_copy(col_hbm.at[pl.ds(wb, WBUF)], colbuf)
                pltpu.sync_copy(ew_hbm.at[pl.ds(wb, WBUF)], ewbuf)

                def chunk(j, _):
                    cp = pltpu.async_copy(
                        h_hbm.at[p].at[rowbuf.at[j]], rows_a, semg)
                    sb = (w * WBUF + j) * C
                    if p == 0:
                        compute_s(j, sb)
                    cp.wait()

                    def scale(e, _):
                        sv = plsc.load_gather(
                            sbuf, [jnp.full((L,), sb + e, jnp.int32)])
                        for d in range(DV):
                            sl = pl.ds(d * L, L)
                            rows_a[e, sl] = rows_a[e, sl] * sv
                        return _
                    lax.fori_loop(0, C, scale, None)
                    pltpu.sync_copy(rows_a, out_acc.at[colbuf.at[j]],
                                    add=True)
                    return _
                lax.fori_loop(0, cnt, chunk, None)

            plsc.subcore_barrier()
            pltpu.sync_copy(out_acc.at[pl.ds(seg0, SEG)],
                            outp_hbm.at[cid, p, pl.ds(seg0, SEG)])
            if p + 1 < NP:
                plsc.subcore_barrier()

    return sc_kernel


def kernel(x, edge_index, edge_weights, W, bias, gamma, beta):
    n, d_in = x.shape
    d_out = W.shape[1]
    e = edge_weights.shape[0]

    npad = ((n + NS * C - 1) // (NS * C)) * (NS * C)
    assert e <= CHT * C, "edge count exceeds the configured chunk split"
    e_pad = (CHT + WBUF) * C
    dp = d_out // NP

    row2 = jnp.pad(edge_index[0], (0, e_pad - e)).reshape(-1, C)
    col2 = jnp.pad(edge_index[1], (0, e_pad - e)).reshape(-1, C)
    ew2 = jnp.pad(edge_weights, (0, e_pad - e)).reshape(-1, C)
    x_p = jnp.pad(x, ((0, npad - n), (0, 0)))

    blk = npad // 8
    h = pl.pallas_call(
        _matmul_body,
        grid=(8,),
        in_specs=[
            pl.BlockSpec((blk, d_in), lambda i: (i, 0)),
            pl.BlockSpec((d_in, d_out), lambda i: (0, 0)),
        ],
        out_specs=pl.BlockSpec((blk, d_out), lambda i: (i, 0)),
        out_shape=jax.ShapeDtypeStruct((npad, d_out), jnp.float32),
    )(x_p, W)

    h2 = jnp.stack([h[:, :dp], h[:, dp:]])

    outp = _make_sc_kernel(npad, d_out)(row2, col2, ew2, h2)

    return pl.pallas_call(
        _bn_relu_body,
        out_shape=jax.ShapeDtypeStruct((n, d_out), jnp.float32),
    )(outp, bias.reshape(1, -1), gamma.reshape(1, -1), beta.reshape(1, -1))

# --- scband reference (transcript-rebuilt; emitter-appended) ---
"""Pipeline reference for scband-gcnlayer-54735063220612 (READ-ONLY COPY).

The authoritative reference and input builder live on the scoring server;
editing this copy changes nothing except your own understanding.
"""

import jax, jax.numpy as jnp
import numpy as np

N = 10000
E = 320000
D_IN = 128
D_OUT = 128


def setup_inputs(seed: int = 0) -> dict:
    key = jax.random.key(seed)
    k1, k2, k3, k4 = jax.random.split(key, 4)
    x = jax.random.normal(k1, (N, D_IN), dtype=jnp.float32)
    edge_index = jax.random.randint(k2, (2, E), 0, N, dtype=jnp.int32)
    edge_weights = jax.random.uniform(k3, (E,), dtype=jnp.float32)
    # GCNConv linear weight (glorot-ish) and bias
    W = jax.random.normal(k4, (D_IN, D_OUT), dtype=jnp.float32) * (1.0 / np.sqrt(D_IN))
    bias = jnp.zeros((D_OUT,), dtype=jnp.float32)
    # BatchNorm1d affine params
    gamma = jnp.ones((D_OUT,), dtype=jnp.float32)
    beta = jnp.zeros((D_OUT,), dtype=jnp.float32)
    return {"x": x, "edge_index": edge_index, "edge_weights": edge_weights,
            "W": W, "bias": bias, "gamma": gamma, "beta": beta}


def reference(x, edge_index, edge_weights, W, bias, gamma, beta):
    n = x.shape[0]
    # Remove self-loops (module forward)
    mask = edge_index[0] != edge_index[1]
    ei = edge_index
    ew = jnp.where(mask, edge_weights, jnp.zeros((), dtype=edge_weights.dtype))
    # GCNConv: add self-loops with weight 1 (default add_self_loops=True)
    loops = jnp.arange(n, dtype=ei.dtype)
    row = jnp.concatenate([ei[0], loops])
    col = jnp.concatenate([ei[1], loops])
    w = jnp.concatenate([ew, jnp.ones((n,), dtype=ew.dtype)])
    # Symmetric normalization: deg over target nodes
    deg = jnp.zeros((n,), dtype=x.dtype).at[col].add(w)
    deg_inv_sqrt = jnp.where(deg > 0, 1.0 / jnp.sqrt(deg), 0.0)
    norm = deg_inv_sqrt[row] * w * deg_inv_sqrt[col]
    # Linear transform then propagate (gather messages, scatter-add to targets)
    h = x @ W
    msg = h[row] * norm[:, None]
    out = jnp.zeros((n, h.shape[1]), dtype=x.dtype).at[col].add(msg)
    out = out + bias
    # BatchNorm1d (training mode: batch statistics)
    mean = jnp.mean(out, axis=0)
    var = jnp.var(out, axis=0)
    out = (out - mean) / jnp.sqrt(var + 1e-5) * gamma + beta
    # ReLU
    return jax.nn.relu(out)

if __name__ == "__main__":
    import jax
    _d = setup_inputs()
    print(jax.jit(kernel)(*tuple(_d.values())))

</pallas_src>

<mosaic_0001>
#map = affine_map<(d0, d1) -> (0, 0)>
#map1 = affine_map<(d0, d1) -> (0, 0, 0)>
#map2 = affine_map<(d0, d1) -> (0, 0, 0, 0)>
module attributes {stable_mosaic.version = 14 : i64} {
  func.func @sc_kernel(%arg0: i32, %arg1: i32, %arg2: memref<2616x128xi32, #tpu.memory_space<hbm>>, %arg3: memref<2616x128xi32, #tpu.memory_space<hbm>>, %arg4: memref<2616x128xf32, #tpu.memory_space<hbm>>, %arg5: memref<2x10240x64xf32, #tpu.memory_space<hbm>>, %arg6: memref<2x2x10240x64xf32, #tpu.memory_space<hbm>>, %arg7: memref<56x128xi32, #tpu.memory_space<vmem>>, %arg8: memref<56x128xi32, #tpu.memory_space<vmem>>, %arg9: memref<56x128xf32, #tpu.memory_space<vmem>>, %arg10: memref<10240xf32, #tpu.memory_space<vmem>>, %arg11: memref<10240xf32, #tpu.memory_space<vmem>>, %arg12: memref<14336xf32, #tpu.memory_space<vmem>>, %arg13: memref<128x64xf32, #tpu.memory_space<vmem>>, %arg14: memref<640xf32, #tpu.memory_space<vmem>>, %arg15: memref<640xf32, #tpu.memory_space<vmem>>, %arg16: memref<16x10240xf32, #tpu.memory_space<vmem_shared>>, %arg17: memref<10240xf32, #tpu.memory_space<vmem_shared>>, %arg18: memref<10240x64xf32, #tpu.memory_space<vmem_shared>>, %arg19: memref<!tpu.dma_semaphore, #tpu.memory_space<semaphore_mem>>) attributes {dimension_semantics = [#tpu.dimension_semantics<core_parallel>, #tpu.dimension_semantics<subcore_parallel>], iteration_bounds = array<i64: 2, 16>, scalar_prefetch = 0 : i64, scratch_operands = 13 : i64, tpu.core_type = #tpu.core_type<sc_vector_subcore>, window_params = [{transform_indices = #map}, {transform_indices = #map}, {transform_indices = #map}, {transform_indices = #map1}, {transform_indices = #map2}]} {
    %mul3A = arith.constant 640 : i32
    %mul3A_0 = arith.muli %arg1, %mul3A : i32
    %broadcast_in_dim3A = arith.constant 0.000000e+00 : f32
    %broadcast_in_dim3A_1 = vector.broadcast %broadcast_in_dim3A : f32 to vector<16xf32>
    %scan3A = arith.constant 0 : i32
    %scan3A_2 = arith.constant 640 : i32
    %scan3A_3 = arith.addi %scan3A, %scan3A_2 : i32
    %scan3A_4 = arith.constant 1 : i32
    scf.for %scan3A_319 = %scan3A to %scan3A_3 step %scan3A_4  : i32 {
      %mul3A_320 = arith.constant 16 : i32
      %mul3A_321 = arith.muli %scan3A_319, %mul3A_320 : i32
      %swap3A = arith.index_cast %mul3A_321 : i32 to index
      %swap3A_322 = tpu.vector_load %arg10[%swap3A] {strides = array<i32>} : memref<10240xf32, #tpu.memory_space<vmem>>, vector<16xf32>,
      tpu.vector_store %arg10[%swap3A], %broadcast_in_dim3A_1 {strides = array<i32>} : memref<10240xf32, #tpu.memory_space<vmem>>, vector<16xf32>,
    }
    %scan3A_5 = arith.constant 640 : i32
    %mul3A_6 = arith.constant 160 : i32
    %mul3A_7 = arith.muli %arg1, %mul3A_6 : i32
    %add3A = arith.constant 0 : i32
    %add3A_8 = arith.addi %mul3A_7, %add3A : i32
    "tpu.region"() ({
      %run_scoped3A_319 = tpu.sem_alloc : memref<!tpu.dma_semaphore, #tpu.memory_space<semaphore_mem>>
      %dma_start3A = arith.constant 0 : i32
      %dma_start3A_320 = arith.constant 0 : i32
      %dma_start3A_321 = tpu.memref_slice %arg7[%dma_start3A, %dma_start3A_320] : memref<56x128xi32, #tpu.memory_space<vmem>> -> memref<40x128xi32, #tpu.memory_space<vmem>>
      %dma_start3A_322 = arith.constant 0 : i32
      %dma_start3A_323 = tpu.memref_slice %arg2[%add3A_8, %dma_start3A_322] : memref<2616x128xi32, #tpu.memory_space<hbm>> -> memref<40x128xi32, #tpu.memory_space<hbm>>
      %dma_start3A_324 = arith.constant 0 : i32
      %dma_start3A_325 = arith.constant 0 : i32
      %dma_start3A_326 = tpu.memref_slice %arg7[%dma_start3A_324, %dma_start3A_325] : memref<56x128xi32, #tpu.memory_space<vmem>> -> memref<40x128xi32, #tpu.memory_space<vmem>>
      %dma_start3A_327 = arith.constant 0 : i32
      %dma_start3A_328 = tpu.memref_slice %arg2[%add3A_8, %dma_start3A_327] : memref<2616x128xi32, #tpu.memory_space<hbm>> -> memref<40x128xi32, #tpu.memory_space<hbm>>
      tpu.enqueue_dma source(%dma_start3A_328 : memref<40x128xi32, #tpu.memory_space<hbm>>) target(%dma_start3A_326 : memref<40x128xi32, #tpu.memory_space<vmem>>) target_semaphore(%run_scoped3A_319 : memref<!tpu.dma_semaphore, #tpu.memory_space<semaphore_mem>>)
      %dma_wait3A = arith.constant 0 : i32
      %dma_wait3A_329 = arith.constant 0 : i32
      %dma_wait3A_330 = tpu.memref_slice %arg7[%dma_wait3A, %dma_wait3A_329] : memref<56x128xi32, #tpu.memory_space<vmem>> -> memref<40x128xi32, #tpu.memory_space<vmem>>
      %dma_wait3A_331 = arith.constant 0 : i32
      %dma_wait3A_332 = tpu.memref_slice %arg2[%add3A_8, %dma_wait3A_331] : memref<2616x128xi32, #tpu.memory_space<hbm>> -> memref<40x128xi32, #tpu.memory_space<hbm>>
      %dma_wait3A_333 = arith.constant 0 : i32
      %dma_wait3A_334 = arith.constant 0 : i32
      %dma_wait3A_335 = tpu.memref_slice %arg7[%dma_wait3A_333, %dma_wait3A_334] : memref<56x128xi32, #tpu.memory_space<vmem>> -> memref<40x128xi32, #tpu.memory_space<vmem>>
      %dma_wait3A_336 = arith.constant 0 : i32
      %dma_wait3A_337 = tpu.memref_slice %arg2[%add3A_8, %dma_wait3A_336] : memref<2616x128xi32, #tpu.memory_space<hbm>> -> memref<40x128xi32, #tpu.memory_space<hbm>>
      tpu.wait_dma2 semaphore(%run_scoped3A_319 : memref<!tpu.dma_semaphore, #tpu.memory_space<semaphore_mem>>) src(%dma_wait3A_337 : memref<40x128xi32, #tpu.memory_space<hbm>>) dst(%dma_wait3A_335 : memref<40x128xi32, #tpu.memory_space<vmem>>)
      tpu.yield
    }) : () -> ()
    "tpu.region"() ({
      %run_scoped3A_319 = tpu.sem_alloc : memref<!tpu.dma_semaphore, #tpu.memory_space<semaphore_mem>>
      %dma_start3A = arith.constant 0 : i32
      %dma_start3A_320 = arith.constant 0 : i32
      %dma_start3A_321 = tpu.memref_slice %arg8[%dma_start3A, %dma_start3A_320] : memref<56x128xi32, #tpu.memory_space<vmem>> -> memref<40x128xi32, #tpu.memory_space<vmem>>
      %dma_start3A_322 = arith.constant 0 : i32
      %dma_start3A_323 = tpu.memref_slice %arg3[%add3A_8, %dma_start3A_322] : memref<2616x128xi32, #tpu.memory_space<hbm>> -> memref<40x128xi32, #tpu.memory_space<hbm>>
      %dma_start3A_324 = arith.constant 0 : i32
      %dma_start3A_325 = arith.constant 0 : i32
      %dma_start3A_326 = tpu.memref_slice %arg8[%dma_start3A_324, %dma_start3A_325] : memref<56x128xi32, #tpu.memory_space<vmem>> -> memref<40x128xi32, #tpu.memory_space<vmem>>
      %dma_start3A_327 = arith.constant 0 : i32
      %dma_start3A_328 = tpu.memref_slice %arg3[%add3A_8, %dma_start3A_327] : memref<2616x128xi32, #tpu.memory_space<hbm>> -> memref<40x128xi32, #tpu.memory_space<hbm>>
      tpu.enqueue_dma source(%dma_start3A_328 : memref<40x128xi32, #tpu.memory_space<hbm>>) target(%dma_start3A_326 : memref<40x128xi32, #tpu.memory_space<vmem>>) target_semaphore(%run_scoped3A_319 : memref<!tpu.dma_semaphore, #tpu.memory_space<semaphore_mem>>)
      %dma_wait3A = arith.constant 0 : i32
      %dma_wait3A_329 = arith.constant 0 : i32
      %dma_wait3A_330 = tpu.memref_slice %arg8[%dma_wait3A, %dma_wait3A_329] : memref<56x128xi32, #tpu.memory_space<vmem>> -> memref<40x128xi32, #tpu.memory_space<vmem>>
      %dma_wait3A_331 = arith.constant 0 : i32
      %dma_wait3A_332 = tpu.memref_slice %arg3[%add3A_8, %dma_wait3A_331] : memref<2616x128xi32, #tpu.memory_space<hbm>> -> memref<40x128xi32, #tpu.memory_space<hbm>>
      %dma_wait3A_333 = arith.constant 0 : i32
      %dma_wait3A_334 = arith.constant 0 : i32
      %dma_wait3A_335 = tpu.memref_slice %arg8[%dma_wait3A_333, %dma_wait3A_334] : memref<56x128xi32, #tpu.memory_space<vmem>> -> memref<40x128xi32, #tpu.memory_space<vmem>>
      %dma_wait3A_336 = arith.constant 0 : i32
      %dma_wait3A_337 = tpu.memref_slice %arg3[%add3A_8, %dma_wait3A_336] : memref<2616x128xi32, #tpu.memory_space<hbm>> -> memref<40x128xi32, #tpu.memory_space<hbm>>
      tpu.wait_dma2 semaphore(%run_scoped3A_319 : memref<!tpu.dma_semaphore, #tpu.memory_space<semaphore_mem>>) src(%dma_wait3A_337 : memref<40x128xi32, #tpu.memory_space<hbm>>) dst(%dma_wait3A_335 : memref<40x128xi32, #tpu.memory_space<vmem>>)
      tpu.yield
    }) : () -> ()
    "tpu.region"() ({
      %run_scoped3A_319 = tpu.sem_alloc : memref<!tpu.dma_semaphore, #tpu.memory_space<semaphore_mem>>
      %dma_start3A = arith.constant 0 : i32
      %dma_start3A_320 = arith.constant 0 : i32
      %dma_start3A_321 = tpu.memref_slice %arg9[%dma_start3A, %dma_start3A_320] : memref<56x128xf32, #tpu.memory_space<vmem>> -> memref<40x128xf32, #tpu.memory_space<vmem>>
      %dma_start3A_322 = arith.constant 0 : i32
      %dma_start3A_323 = tpu.memref_slice %arg4[%add3A_8, %dma_start3A_322] : memref<2616x128xf32, #tpu.memory_space<hbm>> -> memref<40x128xf32, #tpu.memory_space<hbm>>
      %dma_start3A_324 = arith.constant 0 : i32
      %dma_start3A_325 = arith.constant 0 : i32
      %dma_start3A_326 = tpu.memref_slice %arg9[%dma_start3A_324, %dma_start3A_325] : memref<56x128xf32, #tpu.memory_space<vmem>> -> memref<40x128xf32, #tpu.memory_space<vmem>>
      %dma_start3A_327 = arith.constant 0 : i32
      %dma_start3A_328 = tpu.memref_slice %arg4[%add3A_8, %dma_start3A_327] : memref<2616x128xf32, #tpu.memory_space<hbm>> -> memref<40x128xf32, #tpu.memory_space<hbm>>
      tpu.enqueue_dma source(%dma_start3A_328 : memref<40x128xf32, #tpu.memory_space<hbm>>) target(%dma_start3A_326 : memref<40x128xf32, #tpu.memory_space<vmem>>) target_semaphore(%run_scoped3A_319 : memref<!tpu.dma_semaphore, #tpu.memory_space<semaphore_mem>>)
      %dma_wait3A = arith.constant 0 : i32
      %dma_wait3A_329 = arith.constant 0 : i32
      %dma_wait3A_330 = tpu.memref_slice %arg9[%dma_wait3A, %dma_wait3A_329] : memref<56x128xf32, #tpu.memory_space<vmem>> -> memref<40x128xf32, #tpu.memory_space<vmem>>
      %dma_wait3A_331 = arith.constant 0 : i32
      %dma_wait3A_332 = tpu.memref_slice %arg4[%add3A_8, %dma_wait3A_331] : memref<2616x128xf32, #tpu.memory_space<hbm>> -> memref<40x128xf32, #tpu.memory_space<hbm>>
      %dma_wait3A_333 = arith.constant 0 : i32
      %dma_wait3A_334 = arith.constant 0 : i32
      %dma_wait3A_335 = tpu.memref_slice %arg9[%dma_wait3A_333, %dma_wait3A_334] : memref<56x128xf32, #tpu.memory_space<vmem>> -> memref<40x128xf32, #tpu.memory_space<vmem>>
      %dma_wait3A_336 = arith.constant 0 : i32
      %dma_wait3A_337 = tpu.memref_slice %arg4[%add3A_8, %dma_wait3A_336] : memref<2616x128xf32, #tpu.memory_space<hbm>> -> memref<40x128xf32, #tpu.memory_space<hbm>>
      tpu.wait_dma2 semaphore(%run_scoped3A_319 : memref<!tpu.dma_semaphore, #tpu.memory_space<semaphore_mem>>) src(%dma_wait3A_337 : memref<40x128xf32, #tpu.memory_space<hbm>>) dst(%dma_wait3A_335 : memref<40x128xf32, #tpu.memory_space<vmem>>)
      tpu.yield
    }) : () -> ()
    %scan3A_9 = arith.constant 0 : i32
    %scan3A_10 = arith.constant 40 : i32
    %scan3A_11 = arith.addi %scan3A_9, %scan3A_10 : i32
    %scan3A_12 = arith.constant 1 : i32
    scf.for %scan3A_319 = %scan3A_9 to %scan3A_11 step %scan3A_12  : i32 {
      %get3A = arith.index_cast %scan3A_319 : i32 to index
      %get3A_320 = arith.constant 0 : index
      %get3A_321 = tpu.vector_load %arg7[%get3A, %get3A_320] {strides = array<i32>} : memref<56x128xi32, #tpu.memory_space<vmem>>, vector<16xi32>,
      %get3A_322 = arith.index_cast %scan3A_319 : i32 to index
      %get3A_323 = arith.constant 0 : index
      %get3A_324 = tpu.vector_load %arg8[%get3A_322, %get3A_323] {strides = array<i32>} : memref<56x128xi32, #tpu.memory_space<vmem>>, vector<16xi32>,
      %get3A_325 = arith.index_cast %scan3A_319 : i32 to index
      %get3A_326 = arith.constant 0 : index
      %get3A_327 = tpu.vector_load %arg9[%get3A_325, %get3A_326] {strides = array<i32>} : memref<56x128xf32, #tpu.memory_space<vmem>>, vector<16xf32>,
      %ne3A = arith.cmpi ne, %get3A_321, %get3A_324 : vector<16xi32>
      %jit3A_328 = arith.constant 0.000000e+00 : f32
      %broadcast_in_dim3A_329 = vector.broadcast %jit3A_328 : f32 to vector<16xf32>
      %select_n3A_330 = arith.select %ne3A, %get3A_327, %broadcast_in_dim3A_329 : vector<16xi1>, vector<16xf32>
      tpu.vector_store_idx %arg10[%get3A_324], %select_n3A_330 {add = true} : memref<10240xf32, #tpu.memory_space<vmem>>[vector<16xi32>], vector<16xf32>,
      %get3A_331 = arith.index_cast %scan3A_319 : i32 to index
      %get3A_332 = arith.constant 16 : index
      %get3A_333 = tpu.vector_load %arg7[%get3A_331, %get3A_332] {strides = array<i32>} : memref<56x128xi32, #tpu.memory_space<vmem>>, vector<16xi32>,
      %get3A_334 = arith.index_cast %scan3A_319 : i32 to index
      %get3A_335 = arith.constant 16 : index
      %get3A_336 = tpu.vector_load %arg8[%get3A_334, %get3A_335] {strides = array<i32>} : memref<56x128xi32, #tpu.memory_space<vmem>>, vector<16xi32>,
      %get3A_337 = arith.index_cast %scan3A_319 : i32 to index
      %get3A_338 = arith.constant 16 : index
      %get3A_339 = tpu.vector_load %arg9[%get3A_337, %get3A_338] {strides = array<i32>} : memref<56x128xf32, #tpu.memory_space<vmem>>, vector<16xf32>,
      %ne3A_340 = arith.cmpi ne, %get3A_333, %get3A_336 : vector<16xi32>
      %jit3A_341 = arith.constant 0.000000e+00 : f32
      %broadcast_in_dim3A_342 = vector.broadcast %jit3A_341 : f32 to vector<16xf32>
      %select_n3A_343 = arith.select %ne3A_340, %get3A_339, %broadcast_in_dim3A_342 : vector<16xi1>, vector<16xf32>
      tpu.vector_store_idx %arg10[%get3A_336], %select_n3A_343 {add = true} : memref<10240xf32, #tpu.memory_space<vmem>>[vector<16xi32>], vector<16xf32>,
      %get3A_344 = arith.index_cast %scan3A_319 : i32 to index
      %get3A_345 = arith.constant 32 : index
      %get3A_346 = tpu.vector_load %arg7[%get3A_344, %get3A_345] {strides = array<i32>} : memref<56x128xi32, #tpu.memory_space<vmem>>, vector<16xi32>,
      %get3A_347 = arith.index_cast %scan3A_319 : i32 to index
      %get3A_348 = arith.constant 32 : index
      %get3A_349 = tpu.vector_load %arg8[%get3A_347, %get3A_348] {strides = array<i32>} : memref<56x128xi32, #tpu.memory_space<vmem>>, vector<16xi32>,
      %get3A_350 = arith.index_cast %scan3A_319 : i32 to index
      %get3A_351 = arith.constant 32 : index
      %get3A_352 = tpu.vector_load %arg9[%get3A_350, %get3A_351] {strides = array<i32>} : memref<56x128xf32, #tpu.memory_space<vmem>>, vector<16xf32>,
      %ne3A_353 = arith.cmpi ne, %get3A_346, %get3A_349 : vector<16xi32>
      %jit3A_354 = arith.constant 0.000000e+00 : f32
      %broadcast_in_dim3A_355 = vector.broadcast %jit3A_354 : f32 to vector<16xf32>
      %select_n3A_356 = arith.select %ne3A_353, %get3A_352, %broadcast_in_dim3A_355 : vector<16xi1>, vector<16xf32>
      tpu.vector_store_idx %arg10[%get3A_349], %select_n3A_356 {add = true} : memref<10240xf32, #tpu.memory_space<vmem>>[vector<16xi32>], vector<16xf32>,
      %get3A_357 = arith.index_cast %scan3A_319 : i32 to index
      %get3A_358 = arith.constant 48 : index
      %get3A_359 = tpu.vector_load %arg7[%get3A_357, %get3A_358] {strides = array<i32>} : memref<56x128xi32, #tpu.memory_space<vmem>>, vector<16xi32>,
      %get3A_360 = arith.index_cast %scan3A_319 : i32 to index
      %get3A_361 = arith.constant 48 : index
      %get3A_362 = tpu.vector_load %arg8[%get3A_360, %get3A_361] {strides = array<i32>} : memref<56x128xi32, #tpu.memory_space<vmem>>, vector<16xi32>,
      %get3A_363 = arith.index_cast %scan3A_319 : i32 to index
      %get3A_364 = arith.constant 48 : index
      %get3A_365 = tpu.vector_load %arg9[%get3A_363, %get3A_364] {strides = array<i32>} : memref<56x128xf32, #tpu.memory_space<vmem>>, vector<16xf32>,
      %ne3A_366 = arith.cmpi ne, %get3A_359, %get3A_362 : vector<16xi32>
      %jit3A_367 = arith.constant 0.000000e+00 : f32
      %broadcast_in_dim3A_368 = vector.broadcast %jit3A_367 : f32 to vector<16xf32>
      %select_n3A_369 = arith.select %ne3A_366, %get3A_365, %broadcast_in_dim3A_368 : vector<16xi1>, vector<16xf32>
      tpu.vector_store_idx %arg10[%get3A_362], %select_n3A_369 {add = true} : memref<10240xf32, #tpu.memory_space<vmem>>[vector<16xi32>], vector<16xf32>,
      %get3A_370 = arith.index_cast %scan3A_319 : i32 to index
      %get3A_371 = arith.constant 64 : index
      %get3A_372 = tpu.vector_load %arg7[%get3A_370, %get3A_371] {strides = array<i32>} : memref<56x128xi32, #tpu.memory_space<vmem>>, vector<16xi32>,
      %get3A_373 = arith.index_cast %scan3A_319 : i32 to index
      %get3A_374 = arith.constant 64 : index
      %get3A_375 = tpu.vector_load %arg8[%get3A_373, %get3A_374] {strides = array<i32>} : memref<56x128xi32, #tpu.memory_space<vmem>>, vector<16xi32>,
      %get3A_376 = arith.index_cast %scan3A_319 : i32 to index
      %get3A_377 = arith.constant 64 : index
      %get3A_378 = tpu.vector_load %arg9[%get3A_376, %get3A_377] {strides = array<i32>} : memref<56x128xf32, #tpu.memory_space<vmem>>, vector<16xf32>,
      %ne3A_379 = arith.cmpi ne, %get3A_372, %get3A_375 : vector<16xi32>
      %jit3A_380 = arith.constant 0.000000e+00 : f32
      %broadcast_in_dim3A_381 = vector.broadcast %jit3A_380 : f32 to vector<16xf32>
      %select_n3A_382 = arith.select %ne3A_379, %get3A_378, %broadcast_in_dim3A_381 : vector<16xi1>, vector<16xf32>
      tpu.vector_store_idx %arg10[%get3A_375], %select_n3A_382 {add = true} : memref<10240xf32, #tpu.memory_space<vmem>>[vector<16xi32>], vector<16xf32>,
      %get3A_383 = arith.index_cast %scan3A_319 : i32 to index
      %get3A_384 = arith.constant 80 : index
      %get3A_385 = tpu.vector_load %arg7[%get3A_383, %get3A_384] {strides = array<i32>} : memref<56x128xi32, #tpu.memory_space<vmem>>, vector<16xi32>,
      %get3A_386 = arith.index_cast %scan3A_319 : i32 to index
      %get3A_387 = arith.constant 80 : index
      %get3A_388 = tpu.vector_load %arg8[%get3A_386, %get3A_387] {strides = array<i32>} : memref<56x128xi32, #tpu.memory_space<vmem>>, vector<16xi32>,
      %get3A_389 = arith.index_cast %scan3A_319 : i32 to index
      %get3A_390 = arith.constant 80 : index
      %get3A_391 = tpu.vector_load %arg9[%get3A_389, %get3A_390] {strides = array<i32>} : memref<56x128xf32, #tpu.memory_space<vmem>>, vector<16xf32>,
      %ne3A_392 = arith.cmpi ne, %get3A_385, %get3A_388 : vector<16xi32>
      %jit3A_393 = arith.constant 0.000000e+00 : f32
      %broadcast_in_dim3A_394 = vector.broadcast %jit3A_393 : f32 to vector<16xf32>
      %select_n3A_395 = arith.select %ne3A_392, %get3A_391, %broadcast_in_dim3A_394 : vector<16xi1>, vector<16xf32>
      tpu.vector_store_idx %arg10[%get3A_388], %select_n3A_395 {add = true} : memref<10240xf32, #tpu.memory_space<vmem>>[vector<16xi32>], vector<16xf32>,
      %get3A_396 = arith.index_cast %scan3A_319 : i32 to index
      %get3A_397 = arith.constant 96 : index
      %get3A_398 = tpu.vector_load %arg7[%get3A_396, %get3A_397] {strides = array<i32>} : memref<56x128xi32, #tpu.memory_space<vmem>>, vector<16xi32>,
      %get3A_399 = arith.index_cast %scan3A_319 : i32 to index
      %get3A_400 = arith.constant 96 : index
      %get3A_401 = tpu.vector_load %arg8[%get3A_399, %get3A_400] {strides = array<i32>} : memref<56x128xi32, #tpu.memory_space<vmem>>, vector<16xi32>,
      %get3A_402 = arith.index_cast %scan3A_319 : i32 to index
      %get3A_403 = arith.constant 96 : index
      %get3A_404 = tpu.vector_load %arg9[%get3A_402, %get3A_403] {strides = array<i32>} : memref<56x128xf32, #tpu.memory_space<vmem>>, vector<16xf32>,
      %ne3A_405 = arith.cmpi ne, %get3A_398, %get3A_401 : vector<16xi32>
      %jit3A_406 = arith.constant 0.000000e+00 : f32
      %broadcast_in_dim3A_407 = vector.broadcast %jit3A_406 : f32 to vector<16xf32>
      %select_n3A_408 = arith.select %ne3A_405, %get3A_404, %broadcast_in_dim3A_407 : vector<16xi1>, vector<16xf32>
      tpu.vector_store_idx %arg10[%get3A_401], %select_n3A_408 {add = true} : memref<10240xf32, #tpu.memory_space<vmem>>[vector<16xi32>], vector<16xf32>,
      %get3A_409 = arith.index_cast %scan3A_319 : i32 to index
      %get3A_410 = arith.constant 112 : index
      %get3A_411 = tpu.vector_load %arg7[%get3A_409, %get3A_410] {strides = array<i32>} : memref<56x128xi32, #tpu.memory_space<vmem>>, vector<16xi32>,
      %get3A_412 = arith.index_cast %scan3A_319 : i32 to index
      %get3A_413 = arith.constant 112 : index
      %get3A_414 = tpu.vector_load %arg8[%get3A_412, %get3A_413] {strides = array<i32>} : memref<56x128xi32, #tpu.memory_space<vmem>>, vector<16xi32>,
      %get3A_415 = arith.index_cast %scan3A_319 : i32 to index
      %get3A_416 = arith.constant 112 : index
      %get3A_417 = tpu.vector_load %arg9[%get3A_415, %get3A_416] {strides = array<i32>} : memref<56x128xf32, #tpu.memory_space<vmem>>, vector<16xf32>,
      %ne3A_418 = arith.cmpi ne, %get3A_411, %get3A_414 : vector<16xi32>
      %jit3A_419 = arith.constant 0.000000e+00 : f32
      %broadcast_in_dim3A_420 = vector.broadcast %jit3A_419 : f32 to vector<16xf32>
      %select_n3A_421 = arith.select %ne3A_418, %get3A_417, %broadcast_in_dim3A_420 : vector<16xi1>, vector<16xf32>
      tpu.vector_store_idx %arg10[%get3A_414], %select_n3A_421 {add = true} : memref<10240xf32, #tpu.memory_space<vmem>>[vector<16xi32>], vector<16xf32>,
    }
    %scan3A_13 = arith.constant 40 : i32
    %mul3A_14 = arith.constant 160 : i32
    %mul3A_15 = arith.muli %arg1, %mul3A_14 : i32
    %add3A_16 = arith.constant 40 : i32
    %add3A_17 = arith.addi %mul3A_15, %add3A_16 : i32
    "tpu.region"() ({
      %run_scoped3A_319 = tpu.sem_alloc : memref<!tpu.dma_semaphore, #tpu.memory_space<semaphore_mem>>
      %dma_start3A = arith.constant 0 : i32
      %dma_start3A_320 = arith.constant 0 : i32
      %dma_start3A_321 = tpu.memref_slice %arg7[%dma_start3A, %dma_start3A_320] : memref<56x128xi32, #tpu.memory_space<vmem>> -> memref<40x128xi32, #tpu.memory_space<vmem>>
      %dma_start3A_322 = arith.constant 0 : i32
      %dma_start3A_323 = tpu.memref_slice %arg2[%add3A_17, %dma_start3A_322] : memref<2616x128xi32, #tpu.memory_space<hbm>> -> memref<40x128xi32, #tpu.memory_space<hbm>>
      %dma_start3A_324 = arith.constant 0 : i32
      %dma_start3A_325 = arith.constant 0 : i32
      %dma_start3A_326 = tpu.memref_slice %arg7[%dma_start3A_324, %dma_start3A_325] : memref<56x128xi32, #tpu.memory_space<vmem>> -> memref<40x128xi32, #tpu.memory_space<vmem>>
      %dma_start3A_327 = arith.constant 0 : i32
      %dma_start3A_328 = tpu.memref_slice %arg2[%add3A_17, %dma_start3A_327] : memref<2616x128xi32, #tpu.memory_space<hbm>> -> memref<40x128xi32, #tpu.memory_space<hbm>>
      tpu.enqueue_dma source(%dma_start3A_328 : memref<40x128xi32, #tpu.memory_space<hbm>>) target(%dma_start3A_326 : memref<40x128xi32, #tpu.memory_space<vmem>>) target_semaphore(%run_scoped3A_319 : memref<!tpu.dma_semaphore, #tpu.memory_space<semaphore_mem>>)
      %dma_wait3A = arith.constant 0 : i32
      %dma_wait3A_329 = arith.constant 0 : i32
      %dma_wait3A_330 = tpu.memref_slice %arg7[%dma_wait3A, %dma_wait3A_329] : memref<56x128xi32, #tpu.memory_space<vmem>> -> memref<40x128xi32, #tpu.memory_space<vmem>>
      %dma_wait3A_331 = arith.constant 0 : i32
      %dma_wait3A_332 = tpu.memref_slice %arg2[%add3A_17, %dma_wait3A_331] : memref<2616x128xi32, #tpu.memory_space<hbm>> -> memref<40x128xi32, #tpu.memory_space<hbm>>
      %dma_wait3A_333 = arith.constant 0 : i32
      %dma_wait3A_334 = arith.constant 0 : i32
      %dma_wait3A_335 = tpu.memref_slice %arg7[%dma_wait3A_333, %dma_wait3A_334] : memref<56x128xi32, #tpu.memory_space<vmem>> -> memref<40x128xi32, #tpu.memory_space<vmem>>
      %dma_wait3A_336 = arith.constant 0 : i32
      %dma_wait3A_337 = tpu.memref_slice %arg2[%add3A_17, %dma_wait3A_336] : memref<2616x128xi32, #tpu.memory_space<hbm>> -> memref<40x128xi32, #tpu.memory_space<hbm>>
      tpu.wait_dma2 semaphore(%run_scoped3A_319 : memref<!tpu.dma_semaphore, #tpu.memory_space<semaphore_mem>>) src(%dma_wait3A_337 : memref<40x128xi32, #tpu.memory_space<hbm>>) dst(%dma_wait3A_335 : memref<40x128xi32, #tpu.memory_space<vmem>>)
      tpu.yield
    }) : () -> ()
    "tpu.region"() ({
      %run_scoped3A_319 = tpu.sem_alloc : memref<!tpu.dma_semaphore, #tpu.memory_space<semaphore_mem>>
      %dma_start3A = arith.constant 0 : i32
      %dma_start3A_320 = arith.constant 0 : i32
      %dma_start3A_321 = tpu.memref_slice %arg8[%dma_start3A, %dma_start3A_320] : memref<56x128xi32, #tpu.memory_space<vmem>> -> memref<40x128xi32, #tpu.memory_space<vmem>>
      %dma_start3A_322 = arith.constant 0 : i32
      %dma_start3A_323 = tpu.memref_slice %arg3[%add3A_17, %dma_start3A_322] : memref<2616x128xi32, #tpu.memory_space<hbm>> -> memref<40x128xi32, #tpu.memory_space<hbm>>
      %dma_start3A_324 = arith.constant 0 : i32
      %dma_start3A_325 = arith.constant 0 : i32
      %dma_start3A_326 = tpu.memref_slice %arg8[%dma_start3A_324, %dma_start3A_325] : memref<56x128xi32, #tpu.memory_space<vmem>> -> memref<40x128xi32, #tpu.memory_space<vmem>>
      %dma_start3A_327 = arith.constant 0 : i32
      %dma_start3A_328 = tpu.memref_slice %arg3[%add3A_17, %dma_start3A_327] : memref<2616x128xi32, #tpu.memory_space<hbm>> -> memref<40x128xi32, #tpu.memory_space<hbm>>
      tpu.enqueue_dma source(%dma_start3A_328 : memref<40x128xi32, #tpu.memory_space<hbm>>) target(%dma_start3A_326 : memref<40x128xi32, #tpu.memory_space<vmem>>) target_semaphore(%run_scoped3A_319 : memref<!tpu.dma_semaphore, #tpu.memory_space<semaphore_mem>>)
      %dma_wait3A = arith.constant 0 : i32
      %dma_wait3A_329 = arith.constant 0 : i32
      %dma_wait3A_330 = tpu.memref_slice %arg8[%dma_wait3A, %dma_wait3A_329] : memref<56x128xi32, #tpu.memory_space<vmem>> -> memref<40x128xi32, #tpu.memory_space<vmem>>
      %dma_wait3A_331 = arith.constant 0 : i32
      %dma_wait3A_332 = tpu.memref_slice %arg3[%add3A_17, %dma_wait3A_331] : memref<2616x128xi32, #tpu.memory_space<hbm>> -> memref<40x128xi32, #tpu.memory_space<hbm>>
      %dma_wait3A_333 = arith.constant 0 : i32
      %dma_wait3A_334 = arith.constant 0 : i32
      %dma_wait3A_335 = tpu.memref_slice %arg8[%dma_wait3A_333, %dma_wait3A_334] : memref<56x128xi32, #tpu.memory_space<vmem>> -> memref<40x128xi32, #tpu.memory_space<vmem>>
      %dma_wait3A_336 = arith.constant 0 : i32
      %dma_wait3A_337 = tpu.memref_slice %arg3[%add3A_17, %dma_wait3A_336] : memref<2616x128xi32, #tpu.memory_space<hbm>> -> memref<40x128xi32, #tpu.memory_space<hbm>>
      tpu.wait_dma2 semaphore(%run_scoped3A_319 : memref<!tpu.dma_semaphore, #tpu.memory_space<semaphore_mem>>) src(%dma_wait3A_337 : memref<40x128xi32, #tpu.memory_space<hbm>>) dst(%dma_wait3A_335 : memref<40x128xi32, #tpu.memory_space<vmem>>)
      tpu.yield
    }) : () -> ()
    "tpu.region"() ({
      %run_scoped3A_319 = tpu.sem_alloc : memref<!tpu.dma_semaphore, #tpu.memory_space<semaphore_mem>>
      %dma_start3A = arith.constant 0 : i32
      %dma_start3A_320 = arith.constant 0 : i32
      %dma_start3A_321 = tpu.memref_slice %arg9[%dma_start3A, %dma_start3A_320] : memref<56x128xf32, #tpu.memory_space<vmem>> -> memref<40x128xf32, #tpu.memory_space<vmem>>
      %dma_start3A_322 = arith.constant 0 : i32
      %dma_start3A_323 = tpu.memref_slice %arg4[%add3A_17, %dma_start3A_322] : memref<2616x128xf32, #tpu.memory_space<hbm>> -> memref<40x128xf32, #tpu.memory_space<hbm>>
      %dma_start3A_324 = arith.constant 0 : i32
      %dma_start3A_325 = arith.constant 0 : i32
      %dma_start3A_326 = tpu.memref_slice %arg9[%dma_start3A_324, %dma_start3A_325] : memref<56x128xf32, #tpu.memory_space<vmem>> -> memref<40x128xf32, #tpu.memory_space<vmem>>
      %dma_start3A_327 = arith.constant 0 : i32
      %dma_start3A_328 = tpu.memref_slice %arg4[%add3A_17, %dma_start3A_327] : memref<2616x128xf32, #tpu.memory_space<hbm>> -> memref<40x128xf32, #tpu.memory_space<hbm>>
      tpu.enqueue_dma source(%dma_start3A_328 : memref<40x128xf32, #tpu.memory_space<hbm>>) target(%dma_start3A_326 : memref<40x128xf32, #tpu.memory_space<vmem>>) target_semaphore(%run_scoped3A_319 : memref<!tpu.dma_semaphore, #tpu.memory_space<semaphore_mem>>)
      %dma_wait3A = arith.constant 0 : i32
      %dma_wait3A_329 = arith.constant 0 : i32
      %dma_wait3A_330 = tpu.memref_slice %arg9[%dma_wait3A, %dma_wait3A_329] : memref<56x128xf32, #tpu.memory_space<vmem>> -> memref<40x128xf32, #tpu.memory_space<vmem>>
      %dma_wait3A_331 = arith.constant 0 : i32
      %dma_wait3A_332 = tpu.memref_slice %arg4[%add3A_17, %dma_wait3A_331] : memref<2616x128xf32, #tpu.memory_space<hbm>> -> memref<40x128xf32, #tpu.memory_space<hbm>>
      %dma_wait3A_333 = arith.constant 0 : i32
      %dma_wait3A_334 = arith.constant 0 : i32
      %dma_wait3A_335 = tpu.memref_slice %arg9[%dma_wait3A_333, %dma_wait3A_334] : memref<56x128xf32, #tpu.memory_space<vmem>> -> memref<40x128xf32, #tpu.memory_space<vmem>>
      %dma_wait3A_336 = arith.constant 0 : i32
      %dma_wait3A_337 = tpu.memref_slice %arg4[%add3A_17, %dma_wait3A_336] : memref<2616x128xf32, #tpu.memory_space<hbm>> -> memref<40x128xf32, #tpu.memory_space<hbm>>
      tpu.wait_dma2 semaphore(%run_scoped3A_319 : memref<!tpu.dma_semaphore, #tpu.memory_space<semaphore_mem>>) src(%dma_wait3A_337 : memref<40x128xf32, #tpu.memory_space<hbm>>) dst(%dma_wait3A_335 : memref<40x128xf32, #tpu.memory_space<vmem>>)
      tpu.yield
    }) : () -> ()
    %scan3A_18 = arith.constant 0 : i32
    %scan3A_19 = arith.constant 40 : i32
    %scan3A_20 = arith.addi %scan3A_18, %scan3A_19 : i32
    %scan3A_21 = arith.constant 1 : i32
    scf.for %scan3A_319 = %scan3A_18 to %scan3A_20 step %scan3A_21  : i32 {
      %get3A = arith.index_cast %scan3A_319 : i32 to index
      %get3A_320 = arith.constant 0 : index
      %get3A_321 = tpu.vector_load %arg7[%get3A, %get3A_320] {strides = array<i32>} : memref<56x128xi32, #tpu.memory_space<vmem>>, vector<16xi32>,
      %get3A_322 = arith.index_cast %scan3A_319 : i32 to index
      %get3A_323 = arith.constant 0 : index
      %get3A_324 = tpu.vector_load %arg8[%get3A_322, %get3A_323] {strides = array<i32>} : memref<56x128xi32, #tpu.memory_space<vmem>>, vector<16xi32>,
      %get3A_325 = arith.index_cast %scan3A_319 : i32 to index
      %get3A_326 = arith.constant 0 : index
      %get3A_327 = tpu.vector_load %arg9[%get3A_325, %get3A_326] {strides = array<i32>} : memref<56x128xf32, #tpu.memory_space<vmem>>, vector<16xf32>,
      %ne3A = arith.cmpi ne, %get3A_321, %get3A_324 : vector<16xi32>
      %jit3A_328 = arith.constant 0.000000e+00 : f32
      %broadcast_in_dim3A_329 = vector.broadcast %jit3A_328 : f32 to vector<16xf32>
      %select_n3A_330 = arith.select %ne3A, %get3A_327, %broadcast_in_dim3A_329 : vector<16xi1>, vector<16xf32>
      tpu.vector_store_idx %arg10[%get3A_324], %select_n3A_330 {add = true} : memref<10240xf32, #tpu.memory_space<vmem>>[vector<16xi32>], vector<16xf32>,
      %get3A_331 = arith.index_cast %scan3A_319 : i32 to index
      %get3A_332 = arith.constant 16 : index
      %get3A_333 = tpu.vector_load %arg7[%get3A_331, %get3A_332] {strides = array<i32>} : memref<56x128xi32, #tpu.memory_space<vmem>>, vector<16xi32>,
      %get3A_334 = arith.index_cast %scan3A_319 : i32 to index
      %get3A_335 = arith.constant 16 : index
      %get3A_336 = tpu.vector_load %arg8[%get3A_334, %get3A_335] {strides = array<i32>} : memref<56x128xi32, #tpu.memory_space<vmem>>, vector<16xi32>,
      %get3A_337 = arith.index_cast %scan3A_319 : i32 to index
      %get3A_338 = arith.constant 16 : index
      %get3A_339 = tpu.vector_load %arg9[%get3A_337, %get3A_338] {strides = array<i32>} : memref<56x128xf32, #tpu.memory_space<vmem>>, vector<16xf32>,
      %ne3A_340 = arith.cmpi ne, %get3A_333, %get3A_336 : vector<16xi32>
      %jit3A_341 = arith.constant 0.000000e+00 : f32
      %broadcast_in_dim3A_342 = vector.broadcast %jit3A_341 : f32 to vector<16xf32>
      %select_n3A_343 = arith.select %ne3A_340, %get3A_339, %broadcast_in_dim3A_342 : vector<16xi1>, vector<16xf32>
      tpu.vector_store_idx %arg10[%get3A_336], %select_n3A_343 {add = true} : memref<10240xf32, #tpu.memory_space<vmem>>[vector<16xi32>], vector<16xf32>,
      %get3A_344 = arith.index_cast %scan3A_319 : i32 to index
      %get3A_345 = arith.constant 32 : index
      %get3A_346 = tpu.vector_load %arg7[%get3A_344, %get3A_345] {strides = array<i32>} : memref<56x128xi32, #tpu.memory_space<vmem>>, vector<16xi32>,
      %get3A_347 = arith.index_cast %scan3A_319 : i32 to index
      %get3A_348 = arith.constant 32 : index
      %get3A_349 = tpu.vector_load %arg8[%get3A_347, %get3A_348] {strides = array<i32>} : memref<56x128xi32, #tpu.memory_space<vmem>>, vector<16xi32>,
      %get3A_350 = arith.index_cast %scan3A_319 : i32 to index
      %get3A_351 = arith.constant 32 : index
      %get3A_352 = tpu.vector_load %arg9[%get3A_350, %get3A_351] {strides = array<i32>} : memref<56x128xf32, #tpu.memory_space<vmem>>, vector<16xf32>,
      %ne3A_353 = arith.cmpi ne, %get3A_346, %get3A_349 : vector<16xi32>
      %jit3A_354 = arith.constant 0.000000e+00 : f32
      %broadcast_in_dim3A_355 = vector.broadcast %jit3A_354 : f32 to vector<16xf32>
      %select_n3A_356 = arith.select %ne3A_353, %get3A_352, %broadcast_in_dim3A_355 : vector<16xi1>, vector<16xf32>
      tpu.vector_store_idx %arg10[%get3A_349], %select_n3A_356 {add = true} : memref<10240xf32, #tpu.memory_space<vmem>>[vector<16xi32>], vector<16xf32>,
      %get3A_357 = arith.index_cast %scan3A_319 : i32 to index
      %get3A_358 = arith.constant 48 : index
      %get3A_359 = tpu.vector_load %arg7[%get3A_357, %get3A_358] {strides = array<i32>} : memref<56x128xi32, #tpu.memory_space<vmem>>, vector<16xi32>,
      %get3A_360 = arith.index_cast %scan3A_319 : i32 to index
      %get3A_361 = arith.constant 48 : index
      %get3A_362 = tpu.vector_load %arg8[%get3A_360, %get3A_361] {strides = array<i32>} : memref<56x128xi32, #tpu.memory_space<vmem>>, vector<16xi32>,
      %get3A_363 = arith.index_cast %scan3A_319 : i32 to index
      %get3A_364 = arith.constant 48 : index
      %get3A_365 = tpu.vector_load %arg9[%get3A_363, %get3A_364] {strides = array<i32>} : memref<56x128xf32, #tpu.memory_space<vmem>>, vector<16xf32>,
      %ne3A_366 = arith.cmpi ne, %get3A_359, %get3A_362 : vector<16xi32>
      %jit3A_367 = arith.constant 0.000000e+00 : f32
      %broadcast_in_dim3A_368 = vector.broadcast %jit3A_367 : f32 to vector<16xf32>
      %select_n3A_369 = arith.select %ne3A_366, %get3A_365, %broadcast_in_dim3A_368 : vector<16xi1>, vector<16xf32>
      tpu.vector_store_idx %arg10[%get3A_362], %select_n3A_369 {add = true} : memref<10240xf32, #tpu.memory_space<vmem>>[vector<16xi32>], vector<16xf32>,
      %get3A_370 = arith.index_cast %scan3A_319 : i32 to index
      %get3A_371 = arith.constant 64 : index
      %get3A_372 = tpu.vector_load %arg7[%get3A_370, %get3A_371] {strides = array<i32>} : memref<56x128xi32, #tpu.memory_space<vmem>>, vector<16xi32>,
      %get3A_373 = arith.index_cast %scan3A_319 : i32 to index
      %get3A_374 = arith.constant 64 : index
      %get3A_375 = tpu.vector_load %arg8[%get3A_373, %get3A_374] {strides = array<i32>} : memref<56x128xi32, #tpu.memory_space<vmem>>, vector<16xi32>,
      %get3A_376 = arith.index_cast %scan3A_319 : i32 to index
      %get3A_377 = arith.constant 64 : index
      %get3A_378 = tpu.vector_load %arg9[%get3A_376, %get3A_377] {strides = array<i32>} : memref<56x128xf32, #tpu.memory_space<vmem>>, vector<16xf32>,
      %ne3A_379 = arith.cmpi ne, %get3A_372, %get3A_375 : vector<16xi32>
      %jit3A_380 = arith.constant 0.000000e+00 : f32
      %broadcast_in_dim3A_381 = vector.broadcast %jit3A_380 : f32 to vector<16xf32>
      %select_n3A_382 = arith.select %ne3A_379, %get3A_378, %broadcast_in_dim3A_381 : vector<16xi1>, vector<16xf32>
      tpu.vector_store_idx %arg10[%get3A_375], %select_n3A_382 {add = true} : memref<10240xf32, #tpu.memory_space<vmem>>[vector<16xi32>], vector<16xf32>,
      %get3A_383 = arith.index_cast %scan3A_319 : i32 to index
      %get3A_384 = arith.constant 80 : index
      %get3A_385 = tpu.vector_load %arg7[%get3A_383, %get3A_384] {strides = array<i32>} : memref<56x128xi32, #tpu.memory_space<vmem>>, vector<16xi32>,
      %get3A_386 = arith.index_cast %scan3A_319 : i32 to index
      %get3A_387 = arith.constant 80 : index
      %get3A_388 = tpu.vector_load %arg8[%get3A_386, %get3A_387] {strides = array<i32>} : memref<56x128xi32, #tpu.memory_space<vmem>>, vector<16xi32>,
      %get3A_389 = arith.index_cast %scan3A_319 : i32 to index
      %get3A_390 = arith.constant 80 : index
      %get3A_391 = tpu.vector_load %arg9[%get3A_389, %get3A_390] {strides = array<i32>} : memref<56x128xf32, #tpu.memory_space<vmem>>, vector<16xf32>,
      %ne3A_392 = arith.cmpi ne, %get3A_385, %get3A_388 : vector<16xi32>
      %jit3A_393 = arith.constant 0.000000e+00 : f32
      %broadcast_in_dim3A_394 = vector.broadcast %jit3A_393 : f32 to vector<16xf32>
      %select_n3A_395 = arith.select %ne3A_392, %get3A_391, %broadcast_in_dim3A_394 : vector<16xi1>, vector<16xf32>
      tpu.vector_store_idx %arg10[%get3A_388], %select_n3A_395 {add = true} : memref<10240xf32, #tpu.memory_space<vmem>>[vector<16xi32>], vector<16xf32>,
      %get3A_396 = arith.index_cast %scan3A_319 : i32 to index
      %get3A_397 = arith.constant 96 : index
      %get3A_398 = tpu.vector_load %arg7[%get3A_396, %get3A_397] {strides = array<i32>} : memref<56x128xi32, #tpu.memory_space<vmem>>, vector<16xi32>,
      %get3A_399 = arith.index_cast %scan3A_319 : i32 to index
      %get3A_400 = arith.constant 96 : index
      %get3A_401 = tpu.vector_load %arg8[%get3A_399, %get3A_400] {strides = array<i32>} : memref<56x128xi32, #tpu.memory_space<vmem>>, vector<16xi32>,
      %get3A_402 = arith.index_cast %scan3A_319 : i32 to index
      %get3A_403 = arith.constant 96 : index
      %get3A_404 = tpu.vector_load %arg9[%get3A_402, %get3A_403] {strides = array<i32>} : memref<56x128xf32, #tpu.memory_space<vmem>>, vector<16xf32>,
      %ne3A_405 = arith.cmpi ne, %get3A_398, %get3A_401 : vector<16xi32>
      %jit3A_406 = arith.constant 0.000000e+00 : f32
      %broadcast_in_dim3A_407 = vector.broadcast %jit3A_406 : f32 to vector<16xf32>
      %select_n3A_408 = arith.select %ne3A_405, %get3A_404, %broadcast_in_dim3A_407 : vector<16xi1>, vector<16xf32>
      tpu.vector_store_idx %arg10[%get3A_401], %select_n3A_408 {add = true} : memref<10240xf32, #tpu.memory_space<vmem>>[vector<16xi32>], vector<16xf32>,
      %get3A_409 = arith.index_cast %scan3A_319 : i32 to index
      %get3A_410 = arith.constant 112 : index
      %get3A_411 = tpu.vector_load %arg7[%get3A_409, %get3A_410] {strides = array<i32>} : memref<56x128xi32, #tpu.memory_space<vmem>>, vector<16xi32>,
      %get3A_412 = arith.index_cast %scan3A_319 : i32 to index
      %get3A_413 = arith.constant 112 : index
      %get3A_414 = tpu.vector_load %arg8[%get3A_412, %get3A_413] {strides = array<i32>} : memref<56x128xi32, #tpu.memory_space<vmem>>, vector<16xi32>,
      %get3A_415 = arith.index_cast %scan3A_319 : i32 to index
      %get3A_416 = arith.constant 112 : index
      %get3A_417 = tpu.vector_load %arg9[%get3A_415, %get3A_416] {strides = array<i32>} : memref<56x128xf32, #tpu.memory_space<vmem>>, vector<16xf32>,
      %ne3A_418 = arith.cmpi ne, %get3A_411, %get3A_414 : vector<16xi32>
      %jit3A_419 = arith.constant 0.000000e+00 : f32
      %broadcast_in_dim3A_420 = vector.broadcast %jit3A_419 : f32 to vector<16xf32>
      %select_n3A_421 = arith.select %ne3A_418, %get3A_417, %broadcast_in_dim3A_420 : vector<16xi1>, vector<16xf32>
      tpu.vector_store_idx %arg10[%get3A_414], %select_n3A_421 {add = true} : memref<10240xf32, #tpu.memory_space<vmem>>[vector<16xi32>], vector<16xf32>,
    }
    %scan3A_22 = arith.constant 40 : i32
    %mul3A_23 = arith.constant 160 : i32
    %mul3A_24 = arith.muli %arg1, %mul3A_23 : i32
    %add3A_25 = arith.constant 80 : i32
    %add3A_26 = arith.addi %mul3A_24, %add3A_25 : i32
    "tpu.region"() ({
      %run_scoped3A_319 = tpu.sem_alloc : memref<!tpu.dma_semaphore, #tpu.memory_space<semaphore_mem>>
      %dma_start3A = arith.constant 0 : i32
      %dma_start3A_320 = arith.constant 0 : i32
      %dma_start3A_321 = tpu.memref_slice %arg7[%dma_start3A, %dma_start3A_320] : memref<56x128xi32, #tpu.memory_space<vmem>> -> memref<40x128xi32, #tpu.memory_space<vmem>>
      %dma_start3A_322 = arith.constant 0 : i32
      %dma_start3A_323 = tpu.memref_slice %arg2[%add3A_26, %dma_start3A_322] : memref<2616x128xi32, #tpu.memory_space<hbm>> -> memref<40x128xi32, #tpu.memory_space<hbm>>
      %dma_start3A_324 = arith.constant 0 : i32
      %dma_start3A_325 = arith.constant 0 : i32
      %dma_start3A_326 = tpu.memref_slice %arg7[%dma_start3A_324, %dma_start3A_325] : memref<56x128xi32, #tpu.memory_space<vmem>> -> memref<40x128xi32, #tpu.memory_space<vmem>>
      %dma_start3A_327 = arith.constant 0 : i32
      %dma_start3A_328 = tpu.memref_slice %arg2[%add3A_26, %dma_start3A_327] : memref<2616x128xi32, #tpu.memory_space<hbm>> -> memref<40x128xi32, #tpu.memory_space<hbm>>
      tpu.enqueue_dma source(%dma_start3A_328 : memref<40x128xi32, #tpu.memory_space<hbm>>) target(%dma_start3A_326 : memref<40x128xi32, #tpu.memory_space<vmem>>) target_semaphore(%run_scoped3A_319 : memref<!tpu.dma_semaphore, #tpu.memory_space<semaphore_mem>>)
      %dma_wait3A = arith.constant 0 : i32
      %dma_wait3A_329 = arith.constant 0 : i32
      %dma_wait3A_330 = tpu.memref_slice %arg7[%dma_wait3A, %dma_wait3A_329] : memref<56x128xi32, #tpu.memory_space<vmem>> -> memref<40x128xi32, #tpu.memory_space<vmem>>
      %dma_wait3A_331 = arith.constant 0 : i32
      %dma_wait3A_332 = tpu.memref_slice %arg2[%add3A_26, %dma_wait3A_331] : memref<2616x128xi32, #tpu.memory_space<hbm>> -> memref<40x128xi32, #tpu.memory_space<hbm>>
      %dma_wait3A_333 = arith.constant 0 : i32
      %dma_wait3A_334 = arith.constant 0 : i32
      %dma_wait3A_335 = tpu.memref_slice %arg7[%dma_wait3A_333, %dma_wait3A_334] : memref<56x128xi32, #tpu.memory_space<vmem>> -> memref<40x128xi32, #tpu.memory_space<vmem>>
      %dma_wait3A_336 = arith.constant 0 : i32
      %dma_wait3A_337 = tpu.memref_slice %arg2[%add3A_26, %dma_wait3A_336] : memref<2616x128xi32, #tpu.memory_space<hbm>> -> memref<40x128xi32, #tpu.memory_space<hbm>>
      tpu.wait_dma2 semaphore(%run_scoped3A_319 : memref<!tpu.dma_semaphore, #tpu.memory_space<semaphore_mem>>) src(%dma_wait3A_337 : memref<40x128xi32, #tpu.memory_space<hbm>>) dst(%dma_wait3A_335 : memref<40x128xi32, #tpu.memory_space<vmem>>)
      tpu.yield
    }) : () -> ()
    "tpu.region"() ({
      %run_scoped3A_319 = tpu.sem_alloc : memref<!tpu.dma_semaphore, #tpu.memory_space<semaphore_mem>>
      %dma_start3A = arith.constant 0 : i32
      %dma_start3A_320 = arith.constant 0 : i32
      %dma_start3A_321 = tpu.memref_slice %arg8[%dma_start3A, %dma_start3A_320] : memref<56x128xi32, #tpu.memory_space<vmem>> -> memref<40x128xi32, #tpu.memory_space<vmem>>
      %dma_start3A_322 = arith.constant 0 : i32
      %dma_start3A_323 = tpu.memref_slice %arg3[%add3A_26, %dma_start3A_322] : memref<2616x128xi32, #tpu.memory_space<hbm>> -> memref<40x128xi32, #tpu.memory_space<hbm>>
      %dma_start3A_324 = arith.constant 0 : i32
      %dma_start3A_325 = arith.constant 0 : i32
      %dma_start3A_326 = tpu.memref_slice %arg8[%dma_start3A_324, %dma_start3A_325] : memref<56x128xi32, #tpu.memory_space<vmem>> -> memref<40x128xi32, #tpu.memory_space<vmem>>
      %dma_start3A_327 = arith.constant 0 : i32
      %dma_start3A_328 = tpu.memref_slice %arg3[%add3A_26, %dma_start3A_327] : memref<2616x128xi32, #tpu.memory_space<hbm>> -> memref<40x128xi32, #tpu.memory_space<hbm>>
      tpu.enqueue_dma source(%dma_start3A_328 : memref<40x128xi32, #tpu.memory_space<hbm>>) target(%dma_start3A_326 : memref<40x128xi32, #tpu.memory_space<vmem>>) target_semaphore(%run_scoped3A_319 : memref<!tpu.dma_semaphore, #tpu.memory_space<semaphore_mem>>)
      %dma_wait3A = arith.constant 0 : i32
      %dma_wait3A_329 = arith.constant 0 : i32
      %dma_wait3A_330 = tpu.memref_slice %arg8[%dma_wait3A, %dma_wait3A_329] : memref<56x128xi32, #tpu.memory_space<vmem>> -> memref<40x128xi32, #tpu.memory_space<vmem>>
      %dma_wait3A_331 = arith.constant 0 : i32
      %dma_wait3A_332 = tpu.memref_slice %arg3[%add3A_26, %dma_wait3A_331] : memref<2616x128xi32, #tpu.memory_space<hbm>> -> memref<40x128xi32, #tpu.memory_space<hbm>>
      %dma_wait3A_333 = arith.constant 0 : i32
      %dma_wait3A_334 = arith.constant 0 : i32
      %dma_wait3A_335 = tpu.memref_slice %arg8[%dma_wait3A_333, %dma_wait3A_334] : memref<56x128xi32, #tpu.memory_space<vmem>> -> memref<40x128xi32, #tpu.memory_space<vmem>>
      %dma_wait3A_336 = arith.constant 0 : i32
      %dma_wait3A_337 = tpu.memref_slice %arg3[%add3A_26, %dma_wait3A_336] : memref<2616x128xi32, #tpu.memory_space<hbm>> -> memref<40x128xi32, #tpu.memory_space<hbm>>
      tpu.wait_dma2 semaphore(%run_scoped3A_319 : memref<!tpu.dma_semaphore, #tpu.memory_space<semaphore_mem>>) src(%dma_wait3A_337 : memref<40x128xi32, #tpu.memory_space<hbm>>) dst(%dma_wait3A_335 : memref<40x128xi32, #tpu.memory_space<vmem>>)
      tpu.yield
    }) : () -> ()
    "tpu.region"() ({
      %run_scoped3A_319 = tpu.sem_alloc : memref<!tpu.dma_semaphore, #tpu.memory_space<semaphore_mem>>
      %dma_start3A = arith.constant 0 : i32
      %dma_start3A_320 = arith.constant 0 : i32
      %dma_start3A_321 = tpu.memref_slice %arg9[%dma_start3A, %dma_start3A_320] : memref<56x128xf32, #tpu.memory_space<vmem>> -> memref<40x128xf32, #tpu.memory_space<vmem>>
      %dma_start3A_322 = arith.constant 0 : i32
      %dma_start3A_323 = tpu.memref_slice %arg4[%add3A_26, %dma_start3A_322] : memref<2616x128xf32, #tpu.memory_space<hbm>> -> memref<40x128xf32, #tpu.memory_space<hbm>>
      %dma_start3A_324 = arith.constant 0 : i32
      %dma_start3A_325 = arith.constant 0 : i32
      %dma_start3A_326 = tpu.memref_slice %arg9[%dma_start3A_324, %dma_start3A_325] : memref<56x128xf32, #tpu.memory_space<vmem>> -> memref<40x128xf32, #tpu.memory_space<vmem>>
      %dma_start3A_327 = arith.constant 0 : i32
      %dma_start3A_328 = tpu.memref_slice %arg4[%add3A_26, %dma_start3A_327] : memref<2616x128xf32, #tpu.memory_space<hbm>> -> memref<40x128xf32, #tpu.memory_space<hbm>>
      tpu.enqueue_dma source(%dma_start3A_328 : memref<40x128xf32, #tpu.memory_space<hbm>>) target(%dma_start3A_326 : memref<40x128xf32, #tpu.memory_space<vmem>>) target_semaphore(%run_scoped3A_319 : memref<!tpu.dma_semaphore, #tpu.memory_space<semaphore_mem>>)
      %dma_wait3A = arith.constant 0 : i32
      %dma_wait3A_329 = arith.constant 0 : i32
      %dma_wait3A_330 = tpu.memref_slice %arg9[%dma_wait3A, %dma_wait3A_329] : memref<56x128xf32, #tpu.memory_space<vmem>> -> memref<40x128xf32, #tpu.memory_space<vmem>>
      %dma_wait3A_331 = arith.constant 0 : i32
      %dma_wait3A_332 = tpu.memref_slice %arg4[%add3A_26, %dma_wait3A_331] : memref<2616x128xf32, #tpu.memory_space<hbm>> -> memref<40x128xf32, #tpu.memory_space<hbm>>
      %dma_wait3A_333 = arith.constant 0 : i32
      %dma_wait3A_334 = arith.constant 0 : i32
      %dma_wait3A_335 = tpu.memref_slice %arg9[%dma_wait3A_333, %dma_wait3A_334] : memref<56x128xf32, #tpu.memory_space<vmem>> -> memref<40x128xf32, #tpu.memory_space<vmem>>
      %dma_wait3A_336 = arith.constant 0 : i32
      %dma_wait3A_337 = tpu.memref_slice %arg4[%add3A_26, %dma_wait3A_336] : memref<2616x128xf32, #tpu.memory_space<hbm>> -> memref<40x128xf32, #tpu.memory_space<hbm>>
      tpu.wait_dma2 semaphore(%run_scoped3A_319 : memref<!tpu.dma_semaphore, #tpu.memory_space<semaphore_mem>>) src(%dma_wait3A_337 : memref<40x128xf32, #tpu.memory_space<hbm>>) dst(%dma_wait3A_335 : memref<40x128xf32, #tpu.memory_space<vmem>>)
      tpu.yield
    }) : () -> ()
    %scan3A_27 = arith.constant 0 : i32
    %scan3A_28 = arith.constant 40 : i32
    %scan3A_29 = arith.addi %scan3A_27, %scan3A_28 : i32
    %scan3A_30 = arith.constant 1 : i32
    scf.for %scan3A_319 = %scan3A_27 to %scan3A_29 step %scan3A_30  : i32 {
      %get3A = arith.index_cast %scan3A_319 : i32 to index
      %get3A_320 = arith.constant 0 : index
      %get3A_321 = tpu.vector_load %arg7[%get3A, %get3A_320] {strides = array<i32>} : memref<56x128xi32, #tpu.memory_space<vmem>>, vector<16xi32>,
      %get3A_322 = arith.index_cast %scan3A_319 : i32 to index
      %get3A_323 = arith.constant 0 : index
      %get3A_324 = tpu.vector_load %arg8[%get3A_322, %get3A_323] {strides = array<i32>} : memref<56x128xi32, #tpu.memory_space<vmem>>, vector<16xi32>,
      %get3A_325 = arith.index_cast %scan3A_319 : i32 to index
      %get3A_326 = arith.constant 0 : index
      %get3A_327 = tpu.vector_load %arg9[%get3A_325, %get3A_326] {strides = array<i32>} : memref<56x128xf32, #tpu.memory_space<vmem>>, vector<16xf32>,
      %ne3A = arith.cmpi ne, %get3A_321, %get3A_324 : vector<16xi32>
      %jit3A_328 = arith.constant 0.000000e+00 : f32
      %broadcast_in_dim3A_329 = vector.broadcast %jit3A_328 : f32 to vector<16xf32>
      %select_n3A_330 = arith.select %ne3A, %get3A_327, %broadcast_in_dim3A_329 : vector<16xi1>, vector<16xf32>
      tpu.vector_store_idx %arg10[%get3A_324], %select_n3A_330 {add = true} : memref<10240xf32, #tpu.memory_space<vmem>>[vector<16xi32>], vector<16xf32>,
      %get3A_331 = arith.index_cast %scan3A_319 : i32 to index
      %get3A_332 = arith.constant 16 : index
      %get3A_333 = tpu.vector_load %arg7[%get3A_331, %get3A_332] {strides = array<i32>} : memref<56x128xi32, #tpu.memory_space<vmem>>, vector<16xi32>,
      %get3A_334 = arith.index_cast %scan3A_319 : i32 to index
      %get3A_335 = arith.constant 16 : index
      %get3A_336 = tpu.vector_load %arg8[%get3A_334, %get3A_335] {strides = array<i32>} : memref<56x128xi32, #tpu.memory_space<vmem>>, vector<16xi32>,
      %get3A_337 = arith.index_cast %scan3A_319 : i32 to index
      %get3A_338 = arith.constant 16 : index
      %get3A_339 = tpu.vector_load %arg9[%get3A_337, %get3A_338] {strides = array<i32>} : memref<56x128xf32, #tpu.memory_space<vmem>>, vector<16xf32>,
      %ne3A_340 = arith.cmpi ne, %get3A_333, %get3A_336 : vector<16xi32>
      %jit3A_341 = arith.constant 0.000000e+00 : f32
      %broadcast_in_dim3A_342 = vector.broadcast %jit3A_341 : f32 to vector<16xf32>
      %select_n3A_343 = arith.select %ne3A_340, %get3A_339, %broadcast_in_dim3A_342 : vector<16xi1>, vector<16xf32>
      tpu.vector_store_idx %arg10[%get3A_336], %select_n3A_343 {add = true} : memref<10240xf32, #tpu.memory_space<vmem>>[vector<16xi32>], vector<16xf32>,
      %get3A_344 = arith.index_cast %scan3A_319 : i32 to index
      %get3A_345 = arith.constant 32 : index
      %get3A_346 = tpu.vector_load %arg7[%get3A_344, %get3A_345] {strides = array<i32>} : memref<56x128xi32, #tpu.memory_space<vmem>>, vector<16xi32>,
      %get3A_347 = arith.index_cast %scan3A_319 : i32 to index
      %get3A_348 = arith.constant 32 : index
      %get3A_349 = tpu.vector_load %arg8[%get3A_347, %get3A_348] {strides = array<i32>} : memref<56x128xi32, #tpu.memory_space<vmem>>, vector<16xi32>,
      %get3A_350 = arith.index_cast %scan3A_319 : i32 to index
      %get3A_351 = arith.constant 32 : index
      %get3A_352 = tpu.vector_load %arg9[%get3A_350, %get3A_351] {strides = array<i32>} : memref<56x128xf32, #tpu.memory_space<vmem>>, vector<16xf32>,
      %ne3A_353 = arith.cmpi ne, %get3A_346, %get3A_349 : vector<16xi32>
      %jit3A_354 = arith.constant 0.000000e+00 : f32
      %broadcast_in_dim3A_355 = vector.broadcast %jit3A_354 : f32 to vector<16xf32>
      %select_n3A_356 = arith.select %ne3A_353, %get3A_352, %broadcast_in_dim3A_355 : vector<16xi1>, vector<16xf32>
      tpu.vector_store_idx %arg10[%get3A_349], %select_n3A_356 {add = true} : memref<10240xf32, #tpu.memory_space<vmem>>[vector<16xi32>], vector<16xf32>,
      %get3A_357 = arith.index_cast %scan3A_319 : i32 to index
      %get3A_358 = arith.constant 48 : index
      %get3A_359 = tpu.vector_load %arg7[%get3A_357, %get3A_358] {strides = array<i32>} : memref<56x128xi32, #tpu.memory_space<vmem>>, vector<16xi32>,
      %get3A_360 = arith.index_cast %scan3A_319 : i32 to index
      %get3A_361 = arith.constant 48 : index
      %get3A_362 = tpu.vector_load %arg8[%get3A_360, %get3A_361] {strides = array<i32>} : memref<56x128xi32, #tpu.memory_space<vmem>>, vector<16xi32>,
      %get3A_363 = arith.index_cast %scan3A_319 : i32 to index
      %get3A_364 = arith.constant 48 : index
      %get3A_365 = tpu.vector_load %arg9[%get3A_363, %get3A_364] {strides = array<i32>} : memref<56x128xf32, #tpu.memory_space<vmem>>, vector<16xf32>,
      %ne3A_366 = arith.cmpi ne, %get3A_359, %get3A_362 : vector<16xi32>
      %jit3A_367 = arith.constant 0.000000e+00 : f32
      %broadcast_in_dim3A_368 = vector.broadcast %jit3A_367 : f32 to vector<16xf32>
      %select_n3A_369 = arith.select %ne3A_366, %get3A_365, %broadcast_in_dim3A_368 : vector<16xi1>, vector<16xf32>
      tpu.vector_store_idx %arg10[%get3A_362], %select_n3A_369 {add = true} : memref<10240xf32, #tpu.memory_space<vmem>>[vector<16xi32>], vector<16xf32>,
      %get3A_370 = arith.index_cast %scan3A_319 : i32 to index
      %get3A_371 = arith.constant 64 : index
      %get3A_372 = tpu.vector_load %arg7[%get3A_370, %get3A_371] {strides = array<i32>} : memref<56x128xi32, #tpu.memory_space<vmem>>, vector<16xi32>,
      %get3A_373 = arith.index_cast %scan3A_319 : i32 to index
      %get3A_374 = arith.constant 64 : index
      %get3A_375 = tpu.vector_load %arg8[%get3A_373, %get3A_374] {strides = array<i32>} : memref<56x128xi32, #tpu.memory_space<vmem>>, vector<16xi32>,
      %get3A_376 = arith.index_cast %scan3A_319 : i32 to index
      %get3A_377 = arith.constant 64 : index
      %get3A_378 = tpu.vector_load %arg9[%get3A_376, %get3A_377] {strides = array<i32>} : memref<56x128xf32, #tpu.memory_space<vmem>>, vector<16xf32>,
      %ne3A_379 = arith.cmpi ne, %get3A_372, %get3A_375 : vector<16xi32>
      %jit3A_380 = arith.constant 0.000000e+00 : f32
      %broadcast_in_dim3A_381 = vector.broadcast %jit3A_380 : f32 to vector<16xf32>
      %select_n3A_382 = arith.select %ne3A_379, %get3A_378, %broadcast_in_dim3A_381 : vector<16xi1>, vector<16xf32>
      tpu.vector_store_idx %arg10[%get3A_375], %select_n3A_382 {add = true} : memref<10240xf32, #tpu.memory_space<vmem>>[vector<16xi32>], vector<16xf32>,
      %get3A_383 = arith.index_cast %scan3A_319 : i32 to index
      %get3A_384 = arith.constant 80 : index
      %get3A_385 = tpu.vector_load %arg7[%get3A_383, %get3A_384] {strides = array<i32>} : memref<56x128xi32, #tpu.memory_space<vmem>>, vector<16xi32>,
      %get3A_386 = arith.index_cast %scan3A_319 : i32 to index
      %get3A_387 = arith.constant 80 : index
      %get3A_388 = tpu.vector_load %arg8[%get3A_386, %get3A_387] {strides = array<i32>} : memref<56x128xi32, #tpu.memory_space<vmem>>, vector<16xi32>,
      %get3A_389 = arith.index_cast %scan3A_319 : i32 to index
      %get3A_390 = arith.constant 80 : index
      %get3A_391 = tpu.vector_load %arg9[%get3A_389, %get3A_390] {strides = array<i32>} : memref<56x128xf32, #tpu.memory_space<vmem>>, vector<16xf32>,
      %ne3A_392 = arith.cmpi ne, %get3A_385, %get3A_388 : vector<16xi32>
      %jit3A_393 = arith.constant 0.000000e+00 : f32
      %broadcast_in_dim3A_394 = vector.broadcast %jit3A_393 : f32 to vector<16xf32>
      %select_n3A_395 = arith.select %ne3A_392, %get3A_391, %broadcast_in_dim3A_394 : vector<16xi1>, vector<16xf32>
      tpu.vector_store_idx %arg10[%get3A_388], %select_n3A_395 {add = true} : memref<10240xf32, #tpu.memory_space<vmem>>[vector<16xi32>], vector<16xf32>,
      %get3A_396 = arith.index_cast %scan3A_319 : i32 to index
      %get3A_397 = arith.constant 96 : index
      %get3A_398 = tpu.vector_load %arg7[%get3A_396, %get3A_397] {strides = array<i32>} : memref<56x128xi32, #tpu.memory_space<vmem>>, vector<16xi32>,
      %get3A_399 = arith.index_cast %scan3A_319 : i32 to index
      %get3A_400 = arith.constant 96 : index
      %get3A_401 = tpu.vector_load %arg8[%get3A_399, %get3A_400] {strides = array<i32>} : memref<56x128xi32, #tpu.memory_space<vmem>>, vector<16xi32>,
      %get3A_402 = arith.index_cast %scan3A_319 : i32 to index
      %get3A_403 = arith.constant 96 : index
      %get3A_404 = tpu.vector_load %arg9[%get3A_402, %get3A_403] {strides = array<i32>} : memref<56x128xf32, #tpu.memory_space<vmem>>, vector<16xf32>,
      %ne3A_405 = arith.cmpi ne, %get3A_398, %get3A_401 : vector<16xi32>
      %jit3A_406 = arith.constant 0.000000e+00 : f32
      %broadcast_in_dim3A_407 = vector.broadcast %jit3A_406 : f32 to vector<16xf32>
      %select_n3A_408 = arith.select %ne3A_405, %get3A_404, %broadcast_in_dim3A_407 : vector<16xi1>, vector<16xf32>
      tpu.vector_store_idx %arg10[%get3A_401], %select_n3A_408 {add = true} : memref<10240xf32, #tpu.memory_space<vmem>>[vector<16xi32>], vector<16xf32>,
      %get3A_409 = arith.index_cast %scan3A_319 : i32 to index
      %get3A_410 = arith.constant 112 : index
      %get3A_411 = tpu.vector_load %arg7[%get3A_409, %get3A_410] {strides = array<i32>} : memref<56x128xi32, #tpu.memory_space<vmem>>, vector<16xi32>,
      %get3A_412 = arith.index_cast %scan3A_319 : i32 to index
      %get3A_413 = arith.constant 112 : index
      %get3A_414 = tpu.vector_load %arg8[%get3A_412, %get3A_413] {strides = array<i32>} : memref<56x128xi32, #tpu.memory_space<vmem>>, vector<16xi32>,
      %get3A_415 = arith.index_cast %scan3A_319 : i32 to index
      %get3A_416 = arith.constant 112 : index
      %get3A_417 = tpu.vector_load %arg9[%get3A_415, %get3A_416] {strides = array<i32>} : memref<56x128xf32, #tpu.memory_space<vmem>>, vector<16xf32>,
      %ne3A_418 = arith.cmpi ne, %get3A_411, %get3A_414 : vector<16xi32>
      %jit3A_419 = arith.constant 0.000000e+00 : f32
      %broadcast_in_dim3A_420 = vector.broadcast %jit3A_419 : f32 to vector<16xf32>
      %select_n3A_421 = arith.select %ne3A_418, %get3A_417, %broadcast_in_dim3A_420 : vector<16xi1>, vector<16xf32>
      tpu.vector_store_idx %arg10[%get3A_414], %select_n3A_421 {add = true} : memref<10240xf32, #tpu.memory_space<vmem>>[vector<16xi32>], vector<16xf32>,
    }
    %scan3A_31 = arith.constant 40 : i32
    %mul3A_32 = arith.constant 160 : i32
    %mul3A_33 = arith.muli %arg1, %mul3A_32 : i32
    %add3A_34 = arith.constant 120 : i32
    %add3A_35 = arith.addi %mul3A_33, %add3A_34 : i32
    "tpu.region"() ({
      %run_scoped3A_319 = tpu.sem_alloc : memref<!tpu.dma_semaphore, #tpu.memory_space<semaphore_mem>>
      %dma_start3A = arith.constant 0 : i32
      %dma_start3A_320 = arith.constant 0 : i32
      %dma_start3A_321 = tpu.memref_slice %arg7[%dma_start3A, %dma_start3A_320] : memref<56x128xi32, #tpu.memory_space<vmem>> -> memref<40x128xi32, #tpu.memory_space<vmem>>
      %dma_start3A_322 = arith.constant 0 : i32
      %dma_start3A_323 = tpu.memref_slice %arg2[%add3A_35, %dma_start3A_322] : memref<2616x128xi32, #tpu.memory_space<hbm>> -> memref<40x128xi32, #tpu.memory_space<hbm>>
      %dma_start3A_324 = arith.constant 0 : i32
      %dma_start3A_325 = arith.constant 0 : i32
      %dma_start3A_326 = tpu.memref_slice %arg7[%dma_start3A_324, %dma_start3A_325] : memref<56x128xi32, #tpu.memory_space<vmem>> -> memref<40x128xi32, #tpu.memory_space<vmem>>
      %dma_start3A_327 = arith.constant 0 : i32
      %dma_start3A_328 = tpu.memref_slice %arg2[%add3A_35, %dma_start3A_327] : memref<2616x128xi32, #tpu.memory_space<hbm>> -> memref<40x128xi32, #tpu.memory_space<hbm>>
      tpu.enqueue_dma source(%dma_start3A_328 : memref<40x128xi32, #tpu.memory_space<hbm>>) target(%dma_start3A_326 : memref<40x128xi32, #tpu.memory_space<vmem>>) target_semaphore(%run_scoped3A_319 : memref<!tpu.dma_semaphore, #tpu.memory_space<semaphore_mem>>)
      %dma_wait3A = arith.constant 0 : i32
      %dma_wait3A_329 = arith.constant 0 : i32
      %dma_wait3A_330 = tpu.memref_slice %arg7[%dma_wait3A, %dma_wait3A_329] : memref<56x128xi32, #tpu.memory_space<vmem>> -> memref<40x128xi32, #tpu.memory_space<vmem>>
      %dma_wait3A_331 = arith.constant 0 : i32
      %dma_wait3A_332 = tpu.memref_slice %arg2[%add3A_35, %dma_wait3A_331] : memref<2616x128xi32, #tpu.memory_space<hbm>> -> memref<40x128xi32, #tpu.memory_space<hbm>>
      %dma_wait3A_333 = arith.constant 0 : i32
      %dma_wait3A_334 = arith.constant 0 : i32
      %dma_wait3A_335 = tpu.memref_slice %arg7[%dma_wait3A_333, %dma_wait3A_334] : memref<56x128xi32, #tpu.memory_space<vmem>> -> memref<40x128xi32, #tpu.memory_space<vmem>>
      %dma_wait3A_336 = arith.constant 0 : i32
      %dma_wait3A_337 = tpu.memref_slice %arg2[%add3A_35, %dma_wait3A_336] : memref<2616x128xi32, #tpu.memory_space<hbm>> -> memref<40x128xi32, #tpu.memory_space<hbm>>
      tpu.wait_dma2 semaphore(%run_scoped3A_319 : memref<!tpu.dma_semaphore, #tpu.memory_space<semaphore_mem>>) src(%dma_wait3A_337 : memref<40x128xi32, #tpu.memory_space<hbm>>) dst(%dma_wait3A_335 : memref<40x128xi32, #tpu.memory_space<vmem>>)
      tpu.yield
    }) : () -> ()
    "tpu.region"() ({
      %run_scoped3A_319 = tpu.sem_alloc : memref<!tpu.dma_semaphore, #tpu.memory_space<semaphore_mem>>
      %dma_start3A = arith.constant 0 : i32
      %dma_start3A_320 = arith.constant 0 : i32
      %dma_start3A_321 = tpu.memref_slice %arg8[%dma_start3A, %dma_start3A_320] : memref<56x128xi32, #tpu.memory_space<vmem>> -> memref<40x128xi32, #tpu.memory_space<vmem>>
      %dma_start3A_322 = arith.constant 0 : i32
      %dma_start3A_323 = tpu.memref_slice %arg3[%add3A_35, %dma_start3A_322] : memref<2616x128xi32, #tpu.memory_space<hbm>> -> memref<40x128xi32, #tpu.memory_space<hbm>>
      %dma_start3A_324 = arith.constant 0 : i32
      %dma_start3A_325 = arith.constant 0 : i32
      %dma_start3A_326 = tpu.memref_slice %arg8[%dma_start3A_324, %dma_start3A_325] : memref<56x128xi32, #tpu.memory_space<vmem>> -> memref<40x128xi32, #tpu.memory_space<vmem>>
      %dma_start3A_327 = arith.constant 0 : i32
      %dma_start3A_328 = tpu.memref_slice %arg3[%add3A_35, %dma_start3A_327] : memref<2616x128xi32, #tpu.memory_space<hbm>> -> memref<40x128xi32, #tpu.memory_space<hbm>>
      tpu.enqueue_dma source(%dma_start3A_328 : memref<40x128xi32, #tpu.memory_space<hbm>>) target(%dma_start3A_326 : memref<40x128xi32, #tpu.memory_space<vmem>>) target_semaphore(%run_scoped3A_319 : memref<!tpu.dma_semaphore, #tpu.memory_space<semaphore_mem>>)
      %dma_wait3A = arith.constant 0 : i32
      %dma_wait3A_329 = arith.constant 0 : i32
      %dma_wait3A_330 = tpu.memref_slice %arg8[%dma_wait3A, %dma_wait3A_329] : memref<56x128xi32, #tpu.memory_space<vmem>> -> memref<40x128xi32, #tpu.memory_space<vmem>>
      %dma_wait3A_331 = arith.constant 0 : i32
      %dma_wait3A_332 = tpu.memref_slice %arg3[%add3A_35, %dma_wait3A_331] : memref<2616x128xi32, #tpu.memory_space<hbm>> -> memref<40x128xi32, #tpu.memory_space<hbm>>
      %dma_wait3A_333 = arith.constant 0 : i32
      %dma_wait3A_334 = arith.constant 0 : i32
      %dma_wait3A_335 = tpu.memref_slice %arg8[%dma_wait3A_333, %dma_wait3A_334] : memref<56x128xi32, #tpu.memory_space<vmem>> -> memref<40x128xi32, #tpu.memory_space<vmem>>
      %dma_wait3A_336 = arith.constant 0 : i32
      %dma_wait3A_337 = tpu.memref_slice %arg3[%add3A_35, %dma_wait3A_336] : memref<2616x128xi32, #tpu.memory_space<hbm>> -> memref<40x128xi32, #tpu.memory_space<hbm>>
      tpu.wait_dma2 semaphore(%run_scoped3A_319 : memref<!tpu.dma_semaphore, #tpu.memory_space<semaphore_mem>>) src(%dma_wait3A_337 : memref<40x128xi32, #tpu.memory_space<hbm>>) dst(%dma_wait3A_335 : memref<40x128xi32, #tpu.memory_space<vmem>>)
      tpu.yield
    }) : () -> ()
    "tpu.region"() ({
      %run_scoped3A_319 = tpu.sem_alloc : memref<!tpu.dma_semaphore, #tpu.memory_space<semaphore_mem>>
      %dma_start3A = arith.constant 0 : i32
      %dma_start3A_320 = arith.constant 0 : i32
      %dma_start3A_321 = tpu.memref_slice %arg9[%dma_start3A, %dma_start3A_320] : memref<56x128xf32, #tpu.memory_space<vmem>> -> memref<40x128xf32, #tpu.memory_space<vmem>>
      %dma_start3A_322 = arith.constant 0 : i32
      %dma_start3A_323 = tpu.memref_slice %arg4[%add3A_35, %dma_start3A_322] : memref<2616x128xf32, #tpu.memory_space<hbm>> -> memref<40x128xf32, #tpu.memory_space<hbm>>
      %dma_start3A_324 = arith.constant 0 : i32
      %dma_start3A_325 = arith.constant 0 : i32
      %dma_start3A_326 = tpu.memref_slice %arg9[%dma_start3A_324, %dma_start3A_325] : memref<56x128xf32, #tpu.memory_space<vmem>> -> memref<40x128xf32, #tpu.memory_space<vmem>>
      %dma_start3A_327 = arith.constant 0 : i32
      %dma_start3A_328 = tpu.memref_slice %arg4[%add3A_35, %dma_start3A_327] : memref<2616x128xf32, #tpu.memory_space<hbm>> -> memref<40x128xf32, #tpu.memory_space<hbm>>
      tpu.enqueue_dma source(%dma_start3A_328 : memref<40x128xf32, #tpu.memory_space<hbm>>) target(%dma_start3A_326 : memref<40x128xf32, #tpu.memory_space<vmem>>) target_semaphore(%run_scoped3A_319 : memref<!tpu.dma_semaphore, #tpu.memory_space<semaphore_mem>>)
      %dma_wait3A = arith.constant 0 : i32
      %dma_wait3A_329 = arith.constant 0 : i32
      %dma_wait3A_330 = tpu.memref_slice %arg9[%dma_wait3A, %dma_wait3A_329] : memref<56x128xf32, #tpu.memory_space<vmem>> -> memref<40x128xf32, #tpu.memory_space<vmem>>
      %dma_wait3A_331 = arith.constant 0 : i32
      %dma_wait3A_332 = tpu.memref_slice %arg4[%add3A_35, %dma_wait3A_331] : memref<2616x128xf32, #tpu.memory_space<hbm>> -> memref<40x128xf32, #tpu.memory_space<hbm>>
      %dma_wait3A_333 = arith.constant 0 : i32
      %dma_wait3A_334 = arith.constant 0 : i32
      %dma_wait3A_335 = tpu.memref_slice %arg9[%dma_wait3A_333, %dma_wait3A_334] : memref<56x128xf32, #tpu.memory_space<vmem>> -> memref<40x128xf32, #tpu.memory_space<vmem>>
      %dma_wait3A_336 = arith.constant 0 : i32
      %dma_wait3A_337 = tpu.memref_slice %arg4[%add3A_35, %dma_wait3A_336] : memref<2616x128xf32, #tpu.memory_space<hbm>> -> memref<40x128xf32, #tpu.memory_space<hbm>>
      tpu.wait_dma2 semaphore(%run_scoped3A_319 : memref<!tpu.dma_semaphore, #tpu.memory_space<semaphore_mem>>) src(%dma_wait3A_337 : memref<40x128xf32, #tpu.memory_space<hbm>>) dst(%dma_wait3A_335 : memref<40x128xf32, #tpu.memory_space<vmem>>)
      tpu.yield
    }) : () -> ()
    %scan3A_36 = arith.constant 0 : i32
    %scan3A_37 = arith.constant 40 : i32
    %scan3A_38 = arith.addi %scan3A_36, %scan3A_37 : i32
    %scan3A_39 = arith.constant 1 : i32
    scf.for %scan3A_319 = %scan3A_36 to %scan3A_38 step %scan3A_39  : i32 {
      %get3A = arith.index_cast %scan3A_319 : i32 to index
      %get3A_320 = arith.constant 0 : index
      %get3A_321 = tpu.vector_load %arg7[%get3A, %get3A_320] {strides = array<i32>} : memref<56x128xi32, #tpu.memory_space<vmem>>, vector<16xi32>,
      %get3A_322 = arith.index_cast %scan3A_319 : i32 to index
      %get3A_323 = arith.constant 0 : index
      %get3A_324 = tpu.vector_load %arg8[%get3A_322, %get3A_323] {strides = array<i32>} : memref<56x128xi32, #tpu.memory_space<vmem>>, vector<16xi32>,
      %get3A_325 = arith.index_cast %scan3A_319 : i32 to index
      %get3A_326 = arith.constant 0 : index
      %get3A_327 = tpu.vector_load %arg9[%get3A_325, %get3A_326] {strides = array<i32>} : memref<56x128xf32, #tpu.memory_space<vmem>>, vector<16xf32>,
      %ne3A = arith.cmpi ne, %get3A_321, %get3A_324 : vector<16xi32>
      %jit3A_328 = arith.constant 0.000000e+00 : f32
      %broadcast_in_dim3A_329 = vector.broadcast %jit3A_328 : f32 to vector<16xf32>
      %select_n3A_330 = arith.select %ne3A, %get3A_327, %broadcast_in_dim3A_329 : vector<16xi1>, vector<16xf32>
      tpu.vector_store_idx %arg10[%get3A_324], %select_n3A_330 {add = true} : memref<10240xf32, #tpu.memory_space<vmem>>[vector<16xi32>], vector<16xf32>,
      %get3A_331 = arith.index_cast %scan3A_319 : i32 to index
      %get3A_332 = arith.constant 16 : index
      %get3A_333 = tpu.vector_load %arg7[%get3A_331, %get3A_332] {strides = array<i32>} : memref<56x128xi32, #tpu.memory_space<vmem>>, vector<16xi32>,
      %get3A_334 = arith.index_cast %scan3A_319 : i32 to index
      %get3A_335 = arith.constant 16 : index
      %get3A_336 = tpu.vector_load %arg8[%get3A_334, %get3A_335] {strides = array<i32>} : memref<56x128xi32, #tpu.memory_space<vmem>>, vector<16xi32>,
      %get3A_337 = arith.index_cast %scan3A_319 : i32 to index
      %get3A_338 = arith.constant 16 : index
      %get3A_339 = tpu.vector_load %arg9[%get3A_337, %get3A_338] {strides = array<i32>} : memref<56x128xf32, #tpu.memory_space<vmem>>, vector<16xf32>,
      %ne3A_340 = arith.cmpi ne, %get3A_333, %get3A_336 : vector<16xi32>
      %jit3A_341 = arith.constant 0.000000e+00 : f32
      %broadcast_in_dim3A_342 = vector.broadcast %jit3A_341 : f32 to vector<16xf32>
      %select_n3A_343 = arith.select %ne3A_340, %get3A_339, %broadcast_in_dim3A_342 : vector<16xi1>, vector<16xf32>
      tpu.vector_store_idx %arg10[%get3A_336], %select_n3A_343 {add = true} : memref<10240xf32, #tpu.memory_space<vmem>>[vector<16xi32>], vector<16xf32>,
      %get3A_344 = arith.index_cast %scan3A_319 : i32 to index
      %get3A_345 = arith.constant 32 : index
      %get3A_346 = tpu.vector_load %arg7[%get3A_344, %get3A_345] {strides = array<i32>} : memref<56x128xi32, #tpu.memory_space<vmem>>, vector<16xi32>,
      %get3A_347 = arith.index_cast %scan3A_319 : i32 to index
      %get3A_348 = arith.constant 32 : index
      %get3A_349 = tpu.vector_load %arg8[%get3A_347, %get3A_348] {strides = array<i32>} : memref<56x128xi32, #tpu.memory_space<vmem>>, vector<16xi32>,
      %get3A_350 = arith.index_cast %scan3A_319 : i32 to index
      %get3A_351 = arith.constant 32 : index
      %get3A_352 = tpu.vector_load %arg9[%get3A_350, %get3A_351] {strides = array<i32>} : memref<56x128xf32, #tpu.memory_space<vmem>>, vector<16xf32>,
      %ne3A_353 = arith.cmpi ne, %get3A_346, %get3A_349 : vector<16xi32>
      %jit3A_354 = arith.constant 0.000000e+00 : f32
      %broadcast_in_dim3A_355 = vector.broadcast %jit3A_354 : f32 to vector<16xf32>
      %select_n3A_356 = arith.select %ne3A_353, %get3A_352, %broadcast_in_dim3A_355 : vector<16xi1>, vector<16xf32>
      tpu.vector_store_idx %arg10[%get3A_349], %select_n3A_356 {add = true} : memref<10240xf32, #tpu.memory_space<vmem>>[vector<16xi32>], vector<16xf32>,
      %get3A_357 = arith.index_cast %scan3A_319 : i32 to index
      %get3A_358 = arith.constant 48 : index
      %get3A_359 = tpu.vector_load %arg7[%get3A_357, %get3A_358] {strides = array<i32>} : memref<56x128xi32, #tpu.memory_space<vmem>>, vector<16xi32>,
      %get3A_360 = arith.index_cast %scan3A_319 : i32 to index
      %get3A_361 = arith.constant 48 : index
      %get3A_362 = tpu.vector_load %arg8[%get3A_360, %get3A_361] {strides = array<i32>} : memref<56x128xi32, #tpu.memory_space<vmem>>, vector<16xi32>,
      %get3A_363 = arith.index_cast %scan3A_319 : i32 to index
      %get3A_364 = arith.constant 48 : index
      %get3A_365 = tpu.vector_load %arg9[%get3A_363, %get3A_364] {strides = array<i32>} : memref<56x128xf32, #tpu.memory_space<vmem>>, vector<16xf32>,
      %ne3A_366 = arith.cmpi ne, %get3A_359, %get3A_362 : vector<16xi32>
      %jit3A_367 = arith.constant 0.000000e+00 : f32
      %broadcast_in_dim3A_368 = vector.broadcast %jit3A_367 : f32 to vector<16xf32>
      %select_n3A_369 = arith.select %ne3A_366, %get3A_365, %broadcast_in_dim3A_368 : vector<16xi1>, vector<16xf32>
      tpu.vector_store_idx %arg10[%get3A_362], %select_n3A_369 {add = true} : memref<10240xf32, #tpu.memory_space<vmem>>[vector<16xi32>], vector<16xf32>,
      %get3A_370 = arith.index_cast %scan3A_319 : i32 to index
      %get3A_371 = arith.constant 64 : index
      %get3A_372 = tpu.vector_load %arg7[%get3A_370, %get3A_371] {strides = array<i32>} : memref<56x128xi32, #tpu.memory_space<vmem>>, vector<16xi32>,
      %get3A_373 = arith.index_cast %scan3A_319 : i32 to index
      %get3A_374 = arith.constant 64 : index
      %get3A_375 = tpu.vector_load %arg8[%get3A_373, %get3A_374] {strides = array<i32>} : memref<56x128xi32, #tpu.memory_space<vmem>>, vector<16xi32>,
      %get3A_376 = arith.index_cast %scan3A_319 : i32 to index
      %get3A_377 = arith.constant 64 : index
      %get3A_378 = tpu.vector_load %arg9[%get3A_376, %get3A_377] {strides = array<i32>} : memref<56x128xf32, #tpu.memory_space<vmem>>, vector<16xf32>,
      %ne3A_379 = arith.cmpi ne, %get3A_372, %get3A_375 : vector<16xi32>
      %jit3A_380 = arith.constant 0.000000e+00 : f32
      %broadcast_in_dim3A_381 = vector.broadcast %jit3A_380 : f32 to vector<16xf32>
      %select_n3A_382 = arith.select %ne3A_379, %get3A_378, %broadcast_in_dim3A_381 : vector<16xi1>, vector<16xf32>
      tpu.vector_store_idx %arg10[%get3A_375], %select_n3A_382 {add = true} : memref<10240xf32, #tpu.memory_space<vmem>>[vector<16xi32>], vector<16xf32>,
      %get3A_383 = arith.index_cast %scan3A_319 : i32 to index
      %get3A_384 = arith.constant 80 : index
      %get3A_385 = tpu.vector_load %arg7[%get3A_383, %get3A_384] {strides = array<i32>} : memref<56x128xi32, #tpu.memory_space<vmem>>, vector<16xi32>,
      %get3A_386 = arith.index_cast %scan3A_319 : i32 to index
      %get3A_387 = arith.constant 80 : index
      %get3A_388 = tpu.vector_load %arg8[%get3A_386, %get3A_387] {strides = array<i32>} : memref<56x128xi32, #tpu.memory_space<vmem>>, vector<16xi32>,
      %get3A_389 = arith.index_cast %scan3A_319 : i32 to index
      %get3A_390 = arith.constant 80 : index
      %get3A_391 = tpu.vector_load %arg9[%get3A_389, %get3A_390] {strides = array<i32>} : memref<56x128xf32, #tpu.memory_space<vmem>>, vector<16xf32>,
      %ne3A_392 = arith.cmpi ne, %get3A_385, %get3A_388 : vector<16xi32>
      %jit3A_393 = arith.constant 0.000000e+00 : f32
      %broadcast_in_dim3A_394 = vector.broadcast %jit3A_393 : f32 to vector<16xf32>
      %select_n3A_395 = arith.select %ne3A_392, %get3A_391, %broadcast_in_dim3A_394 : vector<16xi1>, vector<16xf32>
      tpu.vector_store_idx %arg10[%get3A_388], %select_n3A_395 {add = true} : memref<10240xf32, #tpu.memory_space<vmem>>[vector<16xi32>], vector<16xf32>,
      %get3A_396 = arith.index_cast %scan3A_319 : i32 to index
      %get3A_397 = arith.constant 96 : index
      %get3A_398 = tpu.vector_load %arg7[%get3A_396, %get3A_397] {strides = array<i32>} : memref<56x128xi32, #tpu.memory_space<vmem>>, vector<16xi32>,
      %get3A_399 = arith.index_cast %scan3A_319 : i32 to index
      %get3A_400 = arith.constant 96 : index
      %get3A_401 = tpu.vector_load %arg8[%get3A_399, %get3A_400] {strides = array<i32>} : memref<56x128xi32, #tpu.memory_space<vmem>>, vector<16xi32>,
      %get3A_402 = arith.index_cast %scan3A_319 : i32 to index
      %get3A_403 = arith.constant 96 : index
      %get3A_404 = tpu.vector_load %arg9[%get3A_402, %get3A_403] {strides = array<i32>} : memref<56x128xf32, #tpu.memory_space<vmem>>, vector<16xf32>,
      %ne3A_405 = arith.cmpi ne, %get3A_398, %get3A_401 : vector<16xi32>
      %jit3A_406 = arith.constant 0.000000e+00 : f32
      %broadcast_in_dim3A_407 = vector.broadcast %jit3A_406 : f32 to vector<16xf32>
      %select_n3A_408 = arith.select %ne3A_405, %get3A_404, %broadcast_in_dim3A_407 : vector<16xi1>, vector<16xf32>
      tpu.vector_store_idx %arg10[%get3A_401], %select_n3A_408 {add = true} : memref<10240xf32, #tpu.memory_space<vmem>>[vector<16xi32>], vector<16xf32>,
      %get3A_409 = arith.index_cast %scan3A_319 : i32 to index
      %get3A_410 = arith.constant 112 : index
      %get3A_411 = tpu.vector_load %arg7[%get3A_409, %get3A_410] {strides = array<i32>} : memref<56x128xi32, #tpu.memory_space<vmem>>, vector<16xi32>,
      %get3A_412 = arith.index_cast %scan3A_319 : i32 to index
      %get3A_413 = arith.constant 112 : index
      %get3A_414 = tpu.vector_load %arg8[%get3A_412, %get3A_413] {strides = array<i32>} : memref<56x128xi32, #tpu.memory_space<vmem>>, vector<16xi32>,
      %get3A_415 = arith.index_cast %scan3A_319 : i32 to index
      %get3A_416 = arith.constant 112 : index
      %get3A_417 = tpu.vector_load %arg9[%get3A_415, %get3A_416] {strides = array<i32>} : memref<56x128xf32, #tpu.memory_space<vmem>>, vector<16xf32>,
      %ne3A_418 = arith.cmpi ne, %get3A_411, %get3A_414 : vector<16xi32>
      %jit3A_419 = arith.constant 0.000000e+00 : f32
      %broadcast_in_dim3A_420 = vector.broadcast %jit3A_419 : f32 to vector<16xf32>
      %select_n3A_421 = arith.select %ne3A_418, %get3A_417, %broadcast_in_dim3A_420 : vector<16xi1>, vector<16xf32>
      tpu.vector_store_idx %arg10[%get3A_414], %select_n3A_421 {add = true} : memref<10240xf32, #tpu.memory_space<vmem>>[vector<16xi32>], vector<16xf32>,
    }
    %scan3A_40 = arith.constant 40 : i32
    "tpu.region"() ({
      %run_scoped3A_319 = tpu.sem_alloc : memref<!tpu.dma_semaphore, #tpu.memory_space<semaphore_mem>>
      %dma_start3A = arith.constant 0 : i32
      %dma_start3A_320 = tpu.memref_slice %arg16[%arg1, %dma_start3A] : memref<16x10240xf32, #tpu.memory_space<vmem_shared>> -> memref<1x10240xf32, #tpu.memory_space<vmem_shared>>
      %dma_start3A_321 = tpu.memref_squeeze %dma_start3A_320 : memref<1x10240xf32, #tpu.memory_space<vmem_shared>> -> memref<10240xf32, #tpu.memory_space<vmem_shared>>
      %dma_start3A_322 = arith.constant 0 : i32
      %dma_start3A_323 = tpu.memref_slice %arg16[%arg1, %dma_start3A_322] : memref<16x10240xf32, #tpu.memory_space<vmem_shared>> -> memref<1x10240xf32, #tpu.memory_space<vmem_shared>>
      %dma_start3A_324 = tpu.memref_squeeze %dma_start3A_323 : memref<1x10240xf32, #tpu.memory_space<vmem_shared>> -> memref<10240xf32, #tpu.memory_space<vmem_shared>>
      tpu.enqueue_dma source(%arg10 : memref<10240xf32, #tpu.memory_space<vmem>>) target(%dma_start3A_324 : memref<10240xf32, #tpu.memory_space<vmem_shared>>) target_semaphore(%run_scoped3A_319 : memref<!tpu.dma_semaphore, #tpu.memory_space<semaphore_mem>>)
      %dma_wait3A = arith.constant 0 : i32
      %dma_wait3A_325 = tpu.memref_slice %arg16[%arg1, %dma_wait3A] : memref<16x10240xf32, #tpu.memory_space<vmem_shared>> -> memref<1x10240xf32, #tpu.memory_space<vmem_shared>>
      %dma_wait3A_326 = tpu.memref_squeeze %dma_wait3A_325 : memref<1x10240xf32, #tpu.memory_space<vmem_shared>> -> memref<10240xf32, #tpu.memory_space<vmem_shared>>
      %dma_wait3A_327 = arith.constant 0 : i32
      %dma_wait3A_328 = tpu.memref_slice %arg16[%arg1, %dma_wait3A_327] : memref<16x10240xf32, #tpu.memory_space<vmem_shared>> -> memref<1x10240xf32, #tpu.memory_space<vmem_shared>>
      %dma_wait3A_329 = tpu.memref_squeeze %dma_wait3A_328 : memref<1x10240xf32, #tpu.memory_space<vmem_shared>> -> memref<10240xf32, #tpu.memory_space<vmem_shared>>
      tpu.wait_dma2 semaphore(%run_scoped3A_319 : memref<!tpu.dma_semaphore, #tpu.memory_space<semaphore_mem>>) src(%arg10 : memref<10240xf32, #tpu.memory_space<vmem>>) dst(%dma_wait3A_329 : memref<10240xf32, #tpu.memory_space<vmem_shared>>)
      tpu.yield
    }) : () -> ()
    %barrier3A = arith.constant 0 : index
    tpu.barrier barrier_id(%barrier3A)
    %scan3A_41 = arith.constant 0 : i32
    %scan3A_42 = arith.constant 40 : i32
    %scan3A_43 = arith.addi %scan3A_41, %scan3A_42 : i32
    %scan3A_44 = arith.constant 1 : i32
    scf.for %scan3A_319 = %scan3A_41 to %scan3A_43 step %scan3A_44  : i32 {
      %mul3A_320 = arith.constant 16 : i32
      %mul3A_321 = arith.muli %scan3A_319, %mul3A_320 : i32
      %swap3A = arith.index_cast %mul3A_321 : i32 to index
      %swap3A_322 = tpu.vector_load %arg15[%swap3A] {strides = array<i32>} : memref<640xf32, #tpu.memory_space<vmem>>, vector<16xf32>,
      tpu.vector_store %arg15[%swap3A], %broadcast_in_dim3A_1 {strides = array<i32>} : memref<640xf32, #tpu.memory_space<vmem>>, vector<16xf32>,
    }
    %scan3A_45 = arith.constant 40 : i32
    %run_scoped3A = arith.constant 0 : i32
    "tpu.region"() ({
      %run_scoped3A_319 = tpu.sem_alloc : memref<!tpu.dma_semaphore, #tpu.memory_space<semaphore_mem>>
      %dma_start3A = tpu.memref_slice %arg16[%run_scoped3A, %mul3A_0] : memref<16x10240xf32, #tpu.memory_space<vmem_shared>> -> memref<1x640xf32, #tpu.memory_space<vmem_shared>>
      %dma_start3A_320 = tpu.memref_squeeze %dma_start3A : memref<1x640xf32, #tpu.memory_space<vmem_shared>> -> memref<640xf32, #tpu.memory_space<vmem_shared>>
      %dma_start3A_321 = tpu.memref_slice %arg16[%run_scoped3A, %mul3A_0] : memref<16x10240xf32, #tpu.memory_space<vmem_shared>> -> memref<1x640xf32, #tpu.memory_space<vmem_shared>>
      %dma_start3A_322 = tpu.memref_squeeze %dma_start3A_321 : memref<1x640xf32, #tpu.memory_space<vmem_shared>> -> memref<640xf32, #tpu.memory_space<vmem_shared>>
      tpu.enqueue_dma source(%dma_start3A_322 : memref<640xf32, #tpu.memory_space<vmem_shared>>) target(%arg14 : memref<640xf32, #tpu.memory_space<vmem>>) target_semaphore(%run_scoped3A_319 : memref<!tpu.dma_semaphore, #tpu.memory_space<semaphore_mem>>)
      %dma_wait3A = tpu.memref_slice %arg16[%run_scoped3A, %mul3A_0] : memref<16x10240xf32, #tpu.memory_space<vmem_shared>> -> memref<1x640xf32, #tpu.memory_space<vmem_shared>>
      %dma_wait3A_323 = tpu.memref_squeeze %dma_wait3A : memref<1x640xf32, #tpu.memory_space<vmem_shared>> -> memref<640xf32, #tpu.memory_space<vmem_shared>>
      %dma_wait3A_324 = tpu.memref_slice %arg16[%run_scoped3A, %mul3A_0] : memref<16x10240xf32, #tpu.memory_space<vmem_shared>> -> memref<1x640xf32, #tpu.memory_space<vmem_shared>>
      %dma_wait3A_325 = tpu.memref_squeeze %dma_wait3A_324 : memref<1x640xf32, #tpu.memory_space<vmem_shared>> -> memref<640xf32, #tpu.memory_space<vmem_shared>>
      tpu.wait_dma2 semaphore(%run_scoped3A_319 : memref<!tpu.dma_semaphore, #tpu.memory_space<semaphore_mem>>) src(%dma_wait3A_325 : memref<640xf32, #tpu.memory_space<vmem_shared>>) dst(%arg14 : memref<640xf32, #tpu.memory_space<vmem>>)
      tpu.yield
    }) : () -> ()
    %scan3A_46 = arith.constant 0 : i32
    %scan3A_47 = arith.constant 40 : i32
    %scan3A_48 = arith.addi %scan3A_46, %scan3A_47 : i32
    %scan3A_49 = arith.constant 1 : i32
    scf.for %scan3A_319 = %scan3A_46 to %scan3A_48 step %scan3A_49  : i32 {
      %mul3A_320 = arith.constant 16 : i32
      %mul3A_321 = arith.muli %scan3A_319, %mul3A_320 : i32
      %get3A = arith.index_cast %mul3A_321 : i32 to index
      %get3A_322 = tpu.vector_load %arg15[%get3A] {strides = array<i32>} : memref<640xf32, #tpu.memory_space<vmem>>, vector<16xf32>,
      %get3A_323 = arith.index_cast %mul3A_321 : i32 to index
      %get3A_324 = tpu.vector_load %arg14[%get3A_323] {strides = array<i32>} : memref<640xf32, #tpu.memory_space<vmem>>, vector<16xf32>,
      %add3A_325 = arith.addf %get3A_322, %get3A_324 : vector<16xf32>
      %swap3A = arith.index_cast %mul3A_321 : i32 to index
      %swap3A_326 = tpu.vector_load %arg15[%swap3A] {strides = array<i32>} : memref<640xf32, #tpu.memory_space<vmem>>, vector<16xf32>,
      tpu.vector_store %arg15[%swap3A], %add3A_325 {strides = array<i32>} : memref<640xf32, #tpu.memory_space<vmem>>, vector<16xf32>,
    }
    %scan3A_50 = arith.constant 40 : i32
    %run_scoped3A_51 = arith.constant 1 : i32
    "tpu.region"() ({
      %run_scoped3A_319 = tpu.sem_alloc : memref<!tpu.dma_semaphore, #tpu.memory_space<semaphore_mem>>
      %dma_start3A = tpu.memref_slice %arg16[%run_scoped3A_51, %mul3A_0] : memref<16x10240xf32, #tpu.memory_space<vmem_shared>> -> memref<1x640xf32, #tpu.memory_space<vmem_shared>>
      %dma_start3A_320 = tpu.memref_squeeze %dma_start3A : memref<1x640xf32, #tpu.memory_space<vmem_shared>> -> memref<640xf32, #tpu.memory_space<vmem_shared>>
      %dma_start3A_321 = tpu.memref_slice %arg16[%run_scoped3A_51, %mul3A_0] : memref<16x10240xf32, #tpu.memory_space<vmem_shared>> -> memref<1x640xf32, #tpu.memory_space<vmem_shared>>
      %dma_start3A_322 = tpu.memref_squeeze %dma_start3A_321 : memref<1x640xf32, #tpu.memory_space<vmem_shared>> -> memref<640xf32, #tpu.memory_space<vmem_shared>>
      tpu.enqueue_dma source(%dma_start3A_322 : memref<640xf32, #tpu.memory_space<vmem_shared>>) target(%arg14 : memref<640xf32, #tpu.memory_space<vmem>>) target_semaphore(%run_scoped3A_319 : memref<!tpu.dma_semaphore, #tpu.memory_space<semaphore_mem>>)
      %dma_wait3A = tpu.memref_slice %arg16[%run_scoped3A_51, %mul3A_0] : memref<16x10240xf32, #tpu.memory_space<vmem_shared>> -> memref<1x640xf32, #tpu.memory_space<vmem_shared>>
      %dma_wait3A_323 = tpu.memref_squeeze %dma_wait3A : memref<1x640xf32, #tpu.memory_space<vmem_shared>> -> memref<640xf32, #tpu.memory_space<vmem_shared>>
      %dma_wait3A_324 = tpu.memref_slice %arg16[%run_scoped3A_51, %mul3A_0] : memref<16x10240xf32, #tpu.memory_space<vmem_shared>> -> memref<1x640xf32, #tpu.memory_space<vmem_shared>>
      %dma_wait3A_325 = tpu.memref_squeeze %dma_wait3A_324 : memref<1x640xf32, #tpu.memory_space<vmem_shared>> -> memref<640xf32, #tpu.memory_space<vmem_shared>>
      tpu.wait_dma2 semaphore(%run_scoped3A_319 : memref<!tpu.dma_semaphore, #tpu.memory_space<semaphore_mem>>) src(%dma_wait3A_325 : memref<640xf32, #tpu.memory_space<vmem_shared>>) dst(%arg14 : memref<640xf32, #tpu.memory_space<vmem>>)
      tpu.yield
    }) : () -> ()
    %scan3A_52 = arith.constant 0 : i32
    %scan3A_53 = arith.constant 40 : i32
    %scan3A_54 = arith.addi %scan3A_52, %scan3A_53 : i32
    %scan3A_55 = arith.constant 1 : i32
    scf.for %scan3A_319 = %scan3A_52 to %scan3A_54 step %scan3A_55  : i32 {
      %mul3A_320 = arith.constant 16 : i32
      %mul3A_321 = arith.muli %scan3A_319, %mul3A_320 : i32
      %get3A = arith.index_cast %mul3A_321 : i32 to index
      %get3A_322 = tpu.vector_load %arg15[%get3A] {strides = array<i32>} : memref<640xf32, #tpu.memory_space<vmem>>, vector<16xf32>,
      %get3A_323 = arith.index_cast %mul3A_321 : i32 to index
      %get3A_324 = tpu.vector_load %arg14[%get3A_323] {strides = array<i32>} : memref<640xf32, #tpu.memory_space<vmem>>, vector<16xf32>,
      %add3A_325 = arith.addf %get3A_322, %get3A_324 : vector<16xf32>
      %swap3A = arith.index_cast %mul3A_321 : i32 to index
      %swap3A_326 = tpu.vector_load %arg15[%swap3A] {strides = array<i32>} : memref<640xf32, #tpu.memory_space<vmem>>, vector<16xf32>,
      tpu.vector_store %arg15[%swap3A], %add3A_325 {strides = array<i32>} : memref<640xf32, #tpu.memory_space<vmem>>, vector<16xf32>,
    }
    %scan3A_56 = arith.constant 40 : i32
    %run_scoped3A_57 = arith.constant 2 : i32
    "tpu.region"() ({
      %run_scoped3A_319 = tpu.sem_alloc : memref<!tpu.dma_semaphore, #tpu.memory_space<semaphore_mem>>
      %dma_start3A = tpu.memref_slice %arg16[%run_scoped3A_57, %mul3A_0] : memref<16x10240xf32, #tpu.memory_space<vmem_shared>> -> memref<1x640xf32, #tpu.memory_space<vmem_shared>>
      %dma_start3A_320 = tpu.memref_squeeze %dma_start3A : memref<1x640xf32, #tpu.memory_space<vmem_shared>> -> memref<640xf32, #tpu.memory_space<vmem_shared>>
      %dma_start3A_321 = tpu.memref_slice %arg16[%run_scoped3A_57, %mul3A_0] : memref<16x10240xf32, #tpu.memory_space<vmem_shared>> -> memref<1x640xf32, #tpu.memory_space<vmem_shared>>
      %dma_start3A_322 = tpu.memref_squeeze %dma_start3A_321 : memref<1x640xf32, #tpu.memory_space<vmem_shared>> -> memref<640xf32, #tpu.memory_space<vmem_shared>>
      tpu.enqueue_dma source(%dma_start3A_322 : memref<640xf32, #tpu.memory_space<vmem_shared>>) target(%arg14 : memref<640xf32, #tpu.memory_space<vmem>>) target_semaphore(%run_scoped3A_319 : memref<!tpu.dma_semaphore, #tpu.memory_space<semaphore_mem>>)
      %dma_wait3A = tpu.memref_slice %arg16[%run_scoped3A_57, %mul3A_0] : memref<16x10240xf32, #tpu.memory_space<vmem_shared>> -> memref<1x640xf32, #tpu.memory_space<vmem_shared>>
      %dma_wait3A_323 = tpu.memref_squeeze %dma_wait3A : memref<1x640xf32, #tpu.memory_space<vmem_shared>> -> memref<640xf32, #tpu.memory_space<vmem_shared>>
      %dma_wait3A_324 = tpu.memref_slice %arg16[%run_scoped3A_57, %mul3A_0] : memref<16x10240xf32, #tpu.memory_space<vmem_shared>> -> memref<1x640xf32, #tpu.memory_space<vmem_shared>>
      %dma_wait3A_325 = tpu.memref_squeeze %dma_wait3A_324 : memref<1x640xf32, #tpu.memory_space<vmem_shared>> -> memref<640xf32, #tpu.memory_space<vmem_shared>>
      tpu.wait_dma2 semaphore(%run_scoped3A_319 : memref<!tpu.dma_semaphore, #tpu.memory_space<semaphore_mem>>) src(%dma_wait3A_325 : memref<640xf32, #tpu.memory_space<vmem_shared>>) dst(%arg14 : memref<640xf32, #tpu.memory_space<vmem>>)
      tpu.yield
    }) : () -> ()
    %scan3A_58 = arith.constant 0 : i32
    %scan3A_59 = arith.constant 40 : i32
    %scan3A_60 = arith.addi %scan3A_58, %scan3A_59 : i32
    %scan3A_61 = arith.constant 1 : i32
    scf.for %scan3A_319 = %scan3A_58 to %scan3A_60 step %scan3A_61  : i32 {
      %mul3A_320 = arith.constant 16 : i32
      %mul3A_321 = arith.muli %scan3A_319, %mul3A_320 : i32
      %get3A = arith.index_cast %mul3A_321 : i32 to index
      %get3A_322 = tpu.vector_load %arg15[%get3A] {strides = array<i32>} : memref<640xf32, #tpu.memory_space<vmem>>, vector<16xf32>,
      %get3A_323 = arith.index_cast %mul3A_321 : i32 to index
      %get3A_324 = tpu.vector_load %arg14[%get3A_323] {strides = array<i32>} : memref<640xf32, #tpu.memory_space<vmem>>, vector<16xf32>,
      %add3A_325 = arith.addf %get3A_322, %get3A_324 : vector<16xf32>
      %swap3A = arith.index_cast %mul3A_321 : i32 to index
      %swap3A_326 = tpu.vector_load %arg15[%swap3A] {strides = array<i32>} : memref<640xf32, #tpu.memory_space<vmem>>, vector<16xf32>,
      tpu.vector_store %arg15[%swap3A], %add3A_325 {strides = array<i32>} : memref<640xf32, #tpu.memory_space<vmem>>, vector<16xf32>,
    }
    %scan3A_62 = arith.constant 40 : i32
    %run_scoped3A_63 = arith.constant 3 : i32
    "tpu.region"() ({
      %run_scoped3A_319 = tpu.sem_alloc : memref<!tpu.dma_semaphore, #tpu.memory_space<semaphore_mem>>
      %dma_start3A = tpu.memref_slice %arg16[%run_scoped3A_63, %mul3A_0] : memref<16x10240xf32, #tpu.memory_space<vmem_shared>> -> memref<1x640xf32, #tpu.memory_space<vmem_shared>>
      %dma_start3A_320 = tpu.memref_squeeze %dma_start3A : memref<1x640xf32, #tpu.memory_space<vmem_shared>> -> memref<640xf32, #tpu.memory_space<vmem_shared>>
      %dma_start3A_321 = tpu.memref_slice %arg16[%run_scoped3A_63, %mul3A_0] : memref<16x10240xf32, #tpu.memory_space<vmem_shared>> -> memref<1x640xf32, #tpu.memory_space<vmem_shared>>
      %dma_start3A_322 = tpu.memref_squeeze %dma_start3A_321 : memref<1x640xf32, #tpu.memory_space<vmem_shared>> -> memref<640xf32, #tpu.memory_space<vmem_shared>>
      tpu.enqueue_dma source(%dma_start3A_322 : memref<640xf32, #tpu.memory_space<vmem_shared>>) target(%arg14 : memref<640xf32, #tpu.memory_space<vmem>>) target_semaphore(%run_scoped3A_319 : memref<!tpu.dma_semaphore, #tpu.memory_space<semaphore_mem>>)
      %dma_wait3A = tpu.memref_slice %arg16[%run_scoped3A_63, %mul3A_0] : memref<16x10240xf32, #tpu.memory_space<vmem_shared>> -> memref<1x640xf32, #tpu.memory_space<vmem_shared>>
      %dma_wait3A_323 = tpu.memref_squeeze %dma_wait3A : memref<1x640xf32, #tpu.memory_space<vmem_shared>> -> memref<640xf32, #tpu.memory_space<vmem_shared>>
      %dma_wait3A_324 = tpu.memref_slice %arg16[%run_scoped3A_63, %mul3A_0] : memref<16x10240xf32, #tpu.memory_space<vmem_shared>> -> memref<1x640xf32, #tpu.memory_space<vmem_shared>>
      %dma_wait3A_325 = tpu.memref_squeeze %dma_wait3A_324 : memref<1x640xf32, #tpu.memory_space<vmem_shared>> -> memref<640xf32, #tpu.memory_space<vmem_shared>>
      tpu.wait_dma2 semaphore(%run_scoped3A_319 : memref<!tpu.dma_semaphore, #tpu.memory_space<semaphore_mem>>) src(%dma_wait3A_325 : memref<640xf32, #tpu.memory_space<vmem_shared>>) dst(%arg14 : memref<640xf32, #tpu.memory_space<vmem>>)
      tpu.yield
    }) : () -> ()
    %scan3A_64 = arith.constant 0 : i32
    %scan3A_65 = arith.constant 40 : i32
    %scan3A_66 = arith.addi %scan3A_64, %scan3A_65 : i32
    %scan3A_67 = arith.constant 1 : i32
    scf.for %scan3A_319 = %scan3A_64 to %scan3A_66 step %scan3A_67  : i32 {
      %mul3A_320 = arith.constant 16 : i32
      %mul3A_321 = arith.muli %scan3A_319, %mul3A_320 : i32
      %get3A = arith.index_cast %mul3A_321 : i32 to index
      %get3A_322 = tpu.vector_load %arg15[%get3A] {strides = array<i32>} : memref<640xf32, #tpu.memory_space<vmem>>, vector<16xf32>,
      %get3A_323 = arith.index_cast %mul3A_321 : i32 to index
      %get3A_324 = tpu.vector_load %arg14[%get3A_323] {strides = array<i32>} : memref<640xf32, #tpu.memory_space<vmem>>, vector<16xf32>,
      %add3A_325 = arith.addf %get3A_322, %get3A_324 : vector<16xf32>
      %swap3A = arith.index_cast %mul3A_321 : i32 to index
      %swap3A_326 = tpu.vector_load %arg15[%swap3A] {strides = array<i32>} : memref<640xf32, #tpu.memory_space<vmem>>, vector<16xf32>,
      tpu.vector_store %arg15[%swap3A], %add3A_325 {strides = array<i32>} : memref<640xf32, #tpu.memory_space<vmem>>, vector<16xf32>,
    }
    %scan3A_68 = arith.constant 40 : i32
    %run_scoped3A_69 = arith.constant 4 : i32
    "tpu.region"() ({
      %run_scoped3A_319 = tpu.sem_alloc : memref<!tpu.dma_semaphore, #tpu.memory_space<semaphore_mem>>
      %dma_start3A = tpu.memref_slice %arg16[%run_scoped3A_69, %mul3A_0] : memref<16x10240xf32, #tpu.memory_space<vmem_shared>> -> memref<1x640xf32, #tpu.memory_space<vmem_shared>>
      %dma_start3A_320 = tpu.memref_squeeze %dma_start3A : memref<1x640xf32, #tpu.memory_space<vmem_shared>> -> memref<640xf32, #tpu.memory_space<vmem_shared>>
      %dma_start3A_321 = tpu.memref_slice %arg16[%run_scoped3A_69, %mul3A_0] : memref<16x10240xf32, #tpu.memory_space<vmem_shared>> -> memref<1x640xf32, #tpu.memory_space<vmem_shared>>
      %dma_start3A_322 = tpu.memref_squeeze %dma_start3A_321 : memref<1x640xf32, #tpu.memory_space<vmem_shared>> -> memref<640xf32, #tpu.memory_space<vmem_shared>>
      tpu.enqueue_dma source(%dma_start3A_322 : memref<640xf32, #tpu.memory_space<vmem_shared>>) target(%arg14 : memref<640xf32, #tpu.memory_space<vmem>>) target_semaphore(%run_scoped3A_319 : memref<!tpu.dma_semaphore, #tpu.memory_space<semaphore_mem>>)
      %dma_wait3A = tpu.memref_slice %arg16[%run_scoped3A_69, %mul3A_0] : memref<16x10240xf32, #tpu.memory_space<vmem_shared>> -> memref<1x640xf32, #tpu.memory_space<vmem_shared>>
      %dma_wait3A_323 = tpu.memref_squeeze %dma_wait3A : memref<1x640xf32, #tpu.memory_space<vmem_shared>> -> memref<640xf32, #tpu.memory_space<vmem_shared>>
      %dma_wait3A_324 = tpu.memref_slice %arg16[%run_scoped3A_69, %mul3A_0] : memref<16x10240xf32, #tpu.memory_space<vmem_shared>> -> memref<1x640xf32, #tpu.memory_space<vmem_shared>>
      %dma_wait3A_325 = tpu.memref_squeeze %dma_wait3A_324 : memref<1x640xf32, #tpu.memory_space<vmem_shared>> -> memref<640xf32, #tpu.memory_space<vmem_shared>>
      tpu.wait_dma2 semaphore(%run_scoped3A_319 : memref<!tpu.dma_semaphore, #tpu.memory_space<semaphore_mem>>) src(%dma_wait3A_325 : memref<640xf32, #tpu.memory_space<vmem_shared>>) dst(%arg14 : memref<640xf32, #tpu.memory_space<vmem>>)
      tpu.yield
    }) : () -> ()
    %scan3A_70 = arith.constant 0 : i32
    %scan3A_71 = arith.constant 40 : i32
    %scan3A_72 = arith.addi %scan3A_70, %scan3A_71 : i32
    %scan3A_73 = arith.constant 1 : i32
    scf.for %scan3A_319 = %scan3A_70 to %scan3A_72 step %scan3A_73  : i32 {
      %mul3A_320 = arith.constant 16 : i32
      %mul3A_321 = arith.muli %scan3A_319, %mul3A_320 : i32
      %get3A = arith.index_cast %mul3A_321 : i32 to index
      %get3A_322 = tpu.vector_load %arg15[%get3A] {strides = array<i32>} : memref<640xf32, #tpu.memory_space<vmem>>, vector<16xf32>,
      %get3A_323 = arith.index_cast %mul3A_321 : i32 to index
      %get3A_324 = tpu.vector_load %arg14[%get3A_323] {strides = array<i32>} : memref<640xf32, #tpu.memory_space<vmem>>, vector<16xf32>,
      %add3A_325 = arith.addf %get3A_322, %get3A_324 : vector<16xf32>
      %swap3A = arith.index_cast %mul3A_321 : i32 to index
      %swap3A_326 = tpu.vector_load %arg15[%swap3A] {strides = array<i32>} : memref<640xf32, #tpu.memory_space<vmem>>, vector<16xf32>,
      tpu.vector_store %arg15[%swap3A], %add3A_325 {strides = array<i32>} : memref<640xf32, #tpu.memory_space<vmem>>, vector<16xf32>,
    }
    %scan3A_74 = arith.constant 40 : i32
    %run_scoped3A_75 = arith.constant 5 : i32
    "tpu.region"() ({
      %run_scoped3A_319 = tpu.sem_alloc : memref<!tpu.dma_semaphore, #tpu.memory_space<semaphore_mem>>
      %dma_start3A = tpu.memref_slice %arg16[%run_scoped3A_75, %mul3A_0] : memref<16x10240xf32, #tpu.memory_space<vmem_shared>> -> memref<1x640xf32, #tpu.memory_space<vmem_shared>>
      %dma_start3A_320 = tpu.memref_squeeze %dma_start3A : memref<1x640xf32, #tpu.memory_space<vmem_shared>> -> memref<640xf32, #tpu.memory_space<vmem_shared>>
      %dma_start3A_321 = tpu.memref_slice %arg16[%run_scoped3A_75, %mul3A_0] : memref<16x10240xf32, #tpu.memory_space<vmem_shared>> -> memref<1x640xf32, #tpu.memory_space<vmem_shared>>
      %dma_start3A_322 = tpu.memref_squeeze %dma_start3A_321 : memref<1x640xf32, #tpu.memory_space<vmem_shared>> -> memref<640xf32, #tpu.memory_space<vmem_shared>>
      tpu.enqueue_dma source(%dma_start3A_322 : memref<640xf32, #tpu.memory_space<vmem_shared>>) target(%arg14 : memref<640xf32, #tpu.memory_space<vmem>>) target_semaphore(%run_scoped3A_319 : memref<!tpu.dma_semaphore, #tpu.memory_space<semaphore_mem>>)
      %dma_wait3A = tpu.memref_slice %arg16[%run_scoped3A_75, %mul3A_0] : memref<16x10240xf32, #tpu.memory_space<vmem_shared>> -> memref<1x640xf32, #tpu.memory_space<vmem_shared>>
      %dma_wait3A_323 = tpu.memref_squeeze %dma_wait3A : memref<1x640xf32, #tpu.memory_space<vmem_shared>> -> memref<640xf32, #tpu.memory_space<vmem_shared>>
      %dma_wait3A_324 = tpu.memref_slice %arg16[%run_scoped3A_75, %mul3A_0] : memref<16x10240xf32, #tpu.memory_space<vmem_shared>> -> memref<1x640xf32, #tpu.memory_space<vmem_shared>>
      %dma_wait3A_325 = tpu.memref_squeeze %dma_wait3A_324 : memref<1x640xf32, #tpu.memory_space<vmem_shared>> -> memref<640xf32, #tpu.memory_space<vmem_shared>>
      tpu.wait_dma2 semaphore(%run_scoped3A_319 : memref<!tpu.dma_semaphore, #tpu.memory_space<semaphore_mem>>) src(%dma_wait3A_325 : memref<640xf32, #tpu.memory_space<vmem_shared>>) dst(%arg14 : memref<640xf32, #tpu.memory_space<vmem>>)
      tpu.yield
    }) : () -> ()
    %scan3A_76 = arith.constant 0 : i32
    %scan3A_77 = arith.constant 40 : i32
    %scan3A_78 = arith.addi %scan3A_76, %scan3A_77 : i32
    %scan3A_79 = arith.constant 1 : i32
    scf.for %scan3A_319 = %scan3A_76 to %scan3A_78 step %scan3A_79  : i32 {
      %mul3A_320 = arith.constant 16 : i32
      %mul3A_321 = arith.muli %scan3A_319, %mul3A_320 : i32
      %get3A = arith.index_cast %mul3A_321 : i32 to index
      %get3A_322 = tpu.vector_load %arg15[%get3A] {strides = array<i32>} : memref<640xf32, #tpu.memory_space<vmem>>, vector<16xf32>,
      %get3A_323 = arith.index_cast %mul3A_321 : i32 to index
      %get3A_324 = tpu.vector_load %arg14[%get3A_323] {strides = array<i32>} : memref<640xf32, #tpu.memory_space<vmem>>, vector<16xf32>,
      %add3A_325 = arith.addf %get3A_322, %get3A_324 : vector<16xf32>
      %swap3A = arith.index_cast %mul3A_321 : i32 to index
      %swap3A_326 = tpu.vector_load %arg15[%swap3A] {strides = array<i32>} : memref<640xf32, #tpu.memory_space<vmem>>, vector<16xf32>,
      tpu.vector_store %arg15[%swap3A], %add3A_325 {strides = array<i32>} : memref<640xf32, #tpu.memory_space<vmem>>, vector<16xf32>,
    }
    %scan3A_80 = arith.constant 40 : i32
    %run_scoped3A_81 = arith.constant 6 : i32
    "tpu.region"() ({
      %run_scoped3A_319 = tpu.sem_alloc : memref<!tpu.dma_semaphore, #tpu.memory_space<semaphore_mem>>
      %dma_start3A = tpu.memref_slice %arg16[%run_scoped3A_81, %mul3A_0] : memref<16x10240xf32, #tpu.memory_space<vmem_shared>> -> memref<1x640xf32, #tpu.memory_space<vmem_shared>>
      %dma_start3A_320 = tpu.memref_squeeze %dma_start3A : memref<1x640xf32, #tpu.memory_space<vmem_shared>> -> memref<640xf32, #tpu.memory_space<vmem_shared>>
      %dma_start3A_321 = tpu.memref_slice %arg16[%run_scoped3A_81, %mul3A_0] : memref<16x10240xf32, #tpu.memory_space<vmem_shared>> -> memref<1x640xf32, #tpu.memory_space<vmem_shared>>
      %dma_start3A_322 = tpu.memref_squeeze %dma_start3A_321 : memref<1x640xf32, #tpu.memory_space<vmem_shared>> -> memref<640xf32, #tpu.memory_space<vmem_shared>>
      tpu.enqueue_dma source(%dma_start3A_322 : memref<640xf32, #tpu.memory_space<vmem_shared>>) target(%arg14 : memref<640xf32, #tpu.memory_space<vmem>>) target_semaphore(%run_scoped3A_319 : memref<!tpu.dma_semaphore, #tpu.memory_space<semaphore_mem>>)
      %dma_wait3A = tpu.memref_slice %arg16[%run_scoped3A_81, %mul3A_0] : memref<16x10240xf32, #tpu.memory_space<vmem_shared>> -> memref<1x640xf32, #tpu.memory_space<vmem_shared>>
      %dma_wait3A_323 = tpu.memref_squeeze %dma_wait3A : memref<1x640xf32, #tpu.memory_space<vmem_shared>> -> memref<640xf32, #tpu.memory_space<vmem_shared>>
      %dma_wait3A_324 = tpu.memref_slice %arg16[%run_scoped3A_81, %mul3A_0] : memref<16x10240xf32, #tpu.memory_space<vmem_shared>> -> memref<1x640xf32, #tpu.memory_space<vmem_shared>>
      %dma_wait3A_325 = tpu.memref_squeeze %dma_wait3A_324 : memref<1x640xf32, #tpu.memory_space<vmem_shared>> -> memref<640xf32, #tpu.memory_space<vmem_shared>>
      tpu.wait_dma2 semaphore(%run_scoped3A_319 : memref<!tpu.dma_semaphore, #tpu.memory_space<semaphore_mem>>) src(%dma_wait3A_325 : memref<640xf32, #tpu.memory_space<vmem_shared>>) dst(%arg14 : memref<640xf32, #tpu.memory_space<vmem>>)
      tpu.yield
    }) : () -> ()
    %scan3A_82 = arith.constant 0 : i32
    %scan3A_83 = arith.constant 40 : i32
    %scan3A_84 = arith.addi %scan3A_82, %scan3A_83 : i32
    %scan3A_85 = arith.constant 1 : i32
    scf.for %scan3A_319 = %scan3A_82 to %scan3A_84 step %scan3A_85  : i32 {
      %mul3A_320 = arith.constant 16 : i32
      %mul3A_321 = arith.muli %scan3A_319, %mul3A_320 : i32
      %get3A = arith.index_cast %mul3A_321 : i32 to index
      %get3A_322 = tpu.vector_load %arg15[%get3A] {strides = array<i32>} : memref<640xf32, #tpu.memory_space<vmem>>, vector<16xf32>,
      %get3A_323 = arith.index_cast %mul3A_321 : i32 to index
      %get3A_324 = tpu.vector_load %arg14[%get3A_323] {strides = array<i32>} : memref<640xf32, #tpu.memory_space<vmem>>, vector<16xf32>,
      %add3A_325 = arith.addf %get3A_322, %get3A_324 : vector<16xf32>
      %swap3A = arith.index_cast %mul3A_321 : i32 to index
      %swap3A_326 = tpu.vector_load %arg15[%swap3A] {strides = array<i32>} : memref<640xf32, #tpu.memory_space<vmem>>, vector<16xf32>,
      tpu.vector_store %arg15[%swap3A], %add3A_325 {strides = array<i32>} : memref<640xf32, #tpu.memory_space<vmem>>, vector<16xf32>,
    }
    %scan3A_86 = arith.constant 40 : i32
    %run_scoped3A_87 = arith.constant 7 : i32
    "tpu.region"() ({
      %run_scoped3A_319 = tpu.sem_alloc : memref<!tpu.dma_semaphore, #tpu.memory_space<semaphore_mem>>
      %dma_start3A = tpu.memref_slice %arg16[%run_scoped3A_87, %mul3A_0] : memref<16x10240xf32, #tpu.memory_space<vmem_shared>> -> memref<1x640xf32, #tpu.memory_space<vmem_shared>>
      %dma_start3A_320 = tpu.memref_squeeze %dma_start3A : memref<1x640xf32, #tpu.memory_space<vmem_shared>> -> memref<640xf32, #tpu.memory_space<vmem_shared>>
      %dma_start3A_321 = tpu.memref_slice %arg16[%run_scoped3A_87, %mul3A_0] : memref<16x10240xf32, #tpu.memory_space<vmem_shared>> -> memref<1x640xf32, #tpu.memory_space<vmem_shared>>
      %dma_start3A_322 = tpu.memref_squeeze %dma_start3A_321 : memref<1x640xf32, #tpu.memory_space<vmem_shared>> -> memref<640xf32, #tpu.memory_space<vmem_shared>>
      tpu.enqueue_dma source(%dma_start3A_322 : memref<640xf32, #tpu.memory_space<vmem_shared>>) target(%arg14 : memref<640xf32, #tpu.memory_space<vmem>>) target_semaphore(%run_scoped3A_319 : memref<!tpu.dma_semaphore, #tpu.memory_space<semaphore_mem>>)
      %dma_wait3A = tpu.memref_slice %arg16[%run_scoped3A_87, %mul3A_0] : memref<16x10240xf32, #tpu.memory_space<vmem_shared>> -> memref<1x640xf32, #tpu.memory_space<vmem_shared>>
      %dma_wait3A_323 = tpu.memref_squeeze %dma_wait3A : memref<1x640xf32, #tpu.memory_space<vmem_shared>> -> memref<640xf32, #tpu.memory_space<vmem_shared>>
      %dma_wait3A_324 = tpu.memref_slice %arg16[%run_scoped3A_87, %mul3A_0] : memref<16x10240xf32, #tpu.memory_space<vmem_shared>> -> memref<1x640xf32, #tpu.memory_space<vmem_shared>>
      %dma_wait3A_325 = tpu.memref_squeeze %dma_wait3A_324 : memref<1x640xf32, #tpu.memory_space<vmem_shared>> -> memref<640xf32, #tpu.memory_space<vmem_shared>>
      tpu.wait_dma2 semaphore(%run_scoped3A_319 : memref<!tpu.dma_semaphore, #tpu.memory_space<semaphore_mem>>) src(%dma_wait3A_325 : memref<640xf32, #tpu.memory_space<vmem_shared>>) dst(%arg14 : memref<640xf32, #tpu.memory_space<vmem>>)
      tpu.yield
    }) : () -> ()
    %scan3A_88 = arith.constant 0 : i32
    %scan3A_89 = arith.constant 40 : i32
    %scan3A_90 = arith.addi %scan3A_88, %scan3A_89 : i32
    %scan3A_91 = arith.constant 1 : i32
    scf.for %scan3A_319 = %scan3A_88 to %scan3A_90 step %scan3A_91  : i32 {
      %mul3A_320 = arith.constant 16 : i32
      %mul3A_321 = arith.muli %scan3A_319, %mul3A_320 : i32
      %get3A = arith.index_cast %mul3A_321 : i32 to index
      %get3A_322 = tpu.vector_load %arg15[%get3A] {strides = array<i32>} : memref<640xf32, #tpu.memory_space<vmem>>, vector<16xf32>,
      %get3A_323 = arith.index_cast %mul3A_321 : i32 to index
      %get3A_324 = tpu.vector_load %arg14[%get3A_323] {strides = array<i32>} : memref<640xf32, #tpu.memory_space<vmem>>, vector<16xf32>,
      %add3A_325 = arith.addf %get3A_322, %get3A_324 : vector<16xf32>
      %swap3A = arith.index_cast %mul3A_321 : i32 to index
      %swap3A_326 = tpu.vector_load %arg15[%swap3A] {strides = array<i32>} : memref<640xf32, #tpu.memory_space<vmem>>, vector<16xf32>,
      tpu.vector_store %arg15[%swap3A], %add3A_325 {strides = array<i32>} : memref<640xf32, #tpu.memory_space<vmem>>, vector<16xf32>,
    }
    %scan3A_92 = arith.constant 40 : i32
    %run_scoped3A_93 = arith.constant 8 : i32
    "tpu.region"() ({
      %run_scoped3A_319 = tpu.sem_alloc : memref<!tpu.dma_semaphore, #tpu.memory_space<semaphore_mem>>
      %dma_start3A = tpu.memref_slice %arg16[%run_scoped3A_93, %mul3A_0] : memref<16x10240xf32, #tpu.memory_space<vmem_shared>> -> memref<1x640xf32, #tpu.memory_space<vmem_shared>>
      %dma_start3A_320 = tpu.memref_squeeze %dma_start3A : memref<1x640xf32, #tpu.memory_space<vmem_shared>> -> memref<640xf32, #tpu.memory_space<vmem_shared>>
      %dma_start3A_321 = tpu.memref_slice %arg16[%run_scoped3A_93, %mul3A_0] : memref<16x10240xf32, #tpu.memory_space<vmem_shared>> -> memref<1x640xf32, #tpu.memory_space<vmem_shared>>
      %dma_start3A_322 = tpu.memref_squeeze %dma_start3A_321 : memref<1x640xf32, #tpu.memory_space<vmem_shared>> -> memref<640xf32, #tpu.memory_space<vmem_shared>>
      tpu.enqueue_dma source(%dma_start3A_322 : memref<640xf32, #tpu.memory_space<vmem_shared>>) target(%arg14 : memref<640xf32, #tpu.memory_space<vmem>>) target_semaphore(%run_scoped3A_319 : memref<!tpu.dma_semaphore, #tpu.memory_space<semaphore_mem>>)
      %dma_wait3A = tpu.memref_slice %arg16[%run_scoped3A_93, %mul3A_0] : memref<16x10240xf32, #tpu.memory_space<vmem_shared>> -> memref<1x640xf32, #tpu.memory_space<vmem_shared>>
      %dma_wait3A_323 = tpu.memref_squeeze %dma_wait3A : memref<1x640xf32, #tpu.memory_space<vmem_shared>> -> memref<640xf32, #tpu.memory_space<vmem_shared>>
      %dma_wait3A_324 = tpu.memref_slice %arg16[%run_scoped3A_93, %mul3A_0] : memref<16x10240xf32, #tpu.memory_space<vmem_shared>> -> memref<1x640xf32, #tpu.memory_space<vmem_shared>>
      %dma_wait3A_325 = tpu.memref_squeeze %dma_wait3A_324 : memref<1x640xf32, #tpu.memory_space<vmem_shared>> -> memref<640xf32, #tpu.memory_space<vmem_shared>>
      tpu.wait_dma2 semaphore(%run_scoped3A_319 : memref<!tpu.dma_semaphore, #tpu.memory_space<semaphore_mem>>) src(%dma_wait3A_325 : memref<640xf32, #tpu.memory_space<vmem_shared>>) dst(%arg14 : memref<640xf32, #tpu.memory_space<vmem>>)
      tpu.yield
    }) : () -> ()
    %scan3A_94 = arith.constant 0 : i32
    %scan3A_95 = arith.constant 40 : i32
    %scan3A_96 = arith.addi %scan3A_94, %scan3A_95 : i32
    %scan3A_97 = arith.constant 1 : i32
    scf.for %scan3A_319 = %scan3A_94 to %scan3A_96 step %scan3A_97  : i32 {
      %mul3A_320 = arith.constant 16 : i32
      %mul3A_321 = arith.muli %scan3A_319, %mul3A_320 : i32
      %get3A = arith.index_cast %mul3A_321 : i32 to index
      %get3A_322 = tpu.vector_load %arg15[%get3A] {strides = array<i32>} : memref<640xf32, #tpu.memory_space<vmem>>, vector<16xf32>,
      %get3A_323 = arith.index_cast %mul3A_321 : i32 to index
      %get3A_324 = tpu.vector_load %arg14[%get3A_323] {strides = array<i32>} : memref<640xf32, #tpu.memory_space<vmem>>, vector<16xf32>,
      %add3A_325 = arith.addf %get3A_322, %get3A_324 : vector<16xf32>
      %swap3A = arith.index_cast %mul3A_321 : i32 to index
      %swap3A_326 = tpu.vector_load %arg15[%swap3A] {strides = array<i32>} : memref<640xf32, #tpu.memory_space<vmem>>, vector<16xf32>,
      tpu.vector_store %arg15[%swap3A], %add3A_325 {strides = array<i32>} : memref<640xf32, #tpu.memory_space<vmem>>, vector<16xf32>,
    }
    %scan3A_98 = arith.constant 40 : i32
    %run_scoped3A_99 = arith.constant 9 : i32
    "tpu.region"() ({
      %run_scoped3A_319 = tpu.sem_alloc : memref<!tpu.dma_semaphore, #tpu.memory_space<semaphore_mem>>
      %dma_start3A = tpu.memref_slice %arg16[%run_scoped3A_99, %mul3A_0] : memref<16x10240xf32, #tpu.memory_space<vmem_shared>> -> memref<1x640xf32, #tpu.memory_space<vmem_shared>>
      %dma_start3A_320 = tpu.memref_squeeze %dma_start3A : memref<1x640xf32, #tpu.memory_space<vmem_shared>> -> memref<640xf32, #tpu.memory_space<vmem_shared>>
      %dma_start3A_321 = tpu.memref_slice %arg16[%run_scoped3A_99, %mul3A_0] : memref<16x10240xf32, #tpu.memory_space<vmem_shared>> -> memref<1x640xf32, #tpu.memory_space<vmem_shared>>
      %dma_start3A_322 = tpu.memref_squeeze %dma_start3A_321 : memref<1x640xf32, #tpu.memory_space<vmem_shared>> -> memref<640xf32, #tpu.memory_space<vmem_shared>>
      tpu.enqueue_dma source(%dma_start3A_322 : memref<640xf32, #tpu.memory_space<vmem_shared>>) target(%arg14 : memref<640xf32, #tpu.memory_space<vmem>>) target_semaphore(%run_scoped3A_319 : memref<!tpu.dma_semaphore, #tpu.memory_space<semaphore_mem>>)
      %dma_wait3A = tpu.memref_slice %arg16[%run_scoped3A_99, %mul3A_0] : memref<16x10240xf32, #tpu.memory_space<vmem_shared>> -> memref<1x640xf32, #tpu.memory_space<vmem_shared>>
      %dma_wait3A_323 = tpu.memref_squeeze %dma_wait3A : memref<1x640xf32, #tpu.memory_space<vmem_shared>> -> memref<640xf32, #tpu.memory_space<vmem_shared>>
      %dma_wait3A_324 = tpu.memref_slice %arg16[%run_scoped3A_99, %mul3A_0] : memref<16x10240xf32, #tpu.memory_space<vmem_shared>> -> memref<1x640xf32, #tpu.memory_space<vmem_shared>>
      %dma_wait3A_325 = tpu.memref_squeeze %dma_wait3A_324 : memref<1x640xf32, #tpu.memory_space<vmem_shared>> -> memref<640xf32, #tpu.memory_space<vmem_shared>>
      tpu.wait_dma2 semaphore(%run_scoped3A_319 : memref<!tpu.dma_semaphore, #tpu.memory_space<semaphore_mem>>) src(%dma_wait3A_325 : memref<640xf32, #tpu.memory_space<vmem_shared>>) dst(%arg14 : memref<640xf32, #tpu.memory_space<vmem>>)
      tpu.yield
    }) : () -> ()
    %scan3A_100 = arith.constant 0 : i32
    %scan3A_101 = arith.constant 40 : i32
    %scan3A_102 = arith.addi %scan3A_100, %scan3A_101 : i32
    %scan3A_103 = arith.constant 1 : i32
    scf.for %scan3A_319 = %scan3A_100 to %scan3A_102 step %scan3A_103  : i32 {
      %mul3A_320 = arith.constant 16 : i32
      %mul3A_321 = arith.muli %scan3A_319, %mul3A_320 : i32
      %get3A = arith.index_cast %mul3A_321 : i32 to index
      %get3A_322 = tpu.vector_load %arg15[%get3A] {strides = array<i32>} : memref<640xf32, #tpu.memory_space<vmem>>, vector<16xf32>,
      %get3A_323 = arith.index_cast %mul3A_321 : i32 to index
      %get3A_324 = tpu.vector_load %arg14[%get3A_323] {strides = array<i32>} : memref<640xf32, #tpu.memory_space<vmem>>, vector<16xf32>,
      %add3A_325 = arith.addf %get3A_322, %get3A_324 : vector<16xf32>
      %swap3A = arith.index_cast %mul3A_321 : i32 to index
      %swap3A_326 = tpu.vector_load %arg15[%swap3A] {strides = array<i32>} : memref<640xf32, #tpu.memory_space<vmem>>, vector<16xf32>,
      tpu.vector_store %arg15[%swap3A], %add3A_325 {strides = array<i32>} : memref<640xf32, #tpu.memory_space<vmem>>, vector<16xf32>,
    }
    %scan3A_104 = arith.constant 40 : i32
    %run_scoped3A_105 = arith.constant 10 : i32
    "tpu.region"() ({
      %run_scoped3A_319 = tpu.sem_alloc : memref<!tpu.dma_semaphore, #tpu.memory_space<semaphore_mem>>
      %dma_start3A = tpu.memref_slice %arg16[%run_scoped3A_105, %mul3A_0] : memref<16x10240xf32, #tpu.memory_space<vmem_shared>> -> memref<1x640xf32, #tpu.memory_space<vmem_shared>>
      %dma_start3A_320 = tpu.memref_squeeze %dma_start3A : memref<1x640xf32, #tpu.memory_space<vmem_shared>> -> memref<640xf32, #tpu.memory_space<vmem_shared>>
      %dma_start3A_321 = tpu.memref_slice %arg16[%run_scoped3A_105, %mul3A_0] : memref<16x10240xf32, #tpu.memory_space<vmem_shared>> -> memref<1x640xf32, #tpu.memory_space<vmem_shared>>
      %dma_start3A_322 = tpu.memref_squeeze %dma_start3A_321 : memref<1x640xf32, #tpu.memory_space<vmem_shared>> -> memref<640xf32, #tpu.memory_space<vmem_shared>>
      tpu.enqueue_dma source(%dma_start3A_322 : memref<640xf32, #tpu.memory_space<vmem_shared>>) target(%arg14 : memref<640xf32, #tpu.memory_space<vmem>>) target_semaphore(%run_scoped3A_319 : memref<!tpu.dma_semaphore, #tpu.memory_space<semaphore_mem>>)
      %dma_wait3A = tpu.memref_slice %arg16[%run_scoped3A_105, %mul3A_0] : memref<16x10240xf32, #tpu.memory_space<vmem_shared>> -> memref<1x640xf32, #tpu.memory_space<vmem_shared>>
      %dma_wait3A_323 = tpu.memref_squeeze %dma_wait3A : memref<1x640xf32, #tpu.memory_space<vmem_shared>> -> memref<640xf32, #tpu.memory_space<vmem_shared>>
      %dma_wait3A_324 = tpu.memref_slice %arg16[%run_scoped3A_105, %mul3A_0] : memref<16x10240xf32, #tpu.memory_space<vmem_shared>> -> memref<1x640xf32, #tpu.memory_space<vmem_shared>>
      %dma_wait3A_325 = tpu.memref_squeeze %dma_wait3A_324 : memref<1x640xf32, #tpu.memory_space<vmem_shared>> -> memref<640xf32, #tpu.memory_space<vmem_shared>>
      tpu.wait_dma2 semaphore(%run_scoped3A_319 : memref<!tpu.dma_semaphore, #tpu.memory_space<semaphore_mem>>) src(%dma_wait3A_325 : memref<640xf32, #tpu.memory_space<vmem_shared>>) dst(%arg14 : memref<640xf32, #tpu.memory_space<vmem>>)
      tpu.yield
    }) : () -> ()
    %scan3A_106 = arith.constant 0 : i32
    %scan3A_107 = arith.constant 40 : i32
    %scan3A_108 = arith.addi %scan3A_106, %scan3A_107 : i32
    %scan3A_109 = arith.constant 1 : i32
    scf.for %scan3A_319 = %scan3A_106 to %scan3A_108 step %scan3A_109  : i32 {
      %mul3A_320 = arith.constant 16 : i32
      %mul3A_321 = arith.muli %scan3A_319, %mul3A_320 : i32
      %get3A = arith.index_cast %mul3A_321 : i32 to index
      %get3A_322 = tpu.vector_load %arg15[%get3A] {strides = array<i32>} : memref<640xf32, #tpu.memory_space<vmem>>, vector<16xf32>,
      %get3A_323 = arith.index_cast %mul3A_321 : i32 to index
      %get3A_324 = tpu.vector_load %arg14[%get3A_323] {strides = array<i32>} : memref<640xf32, #tpu.memory_space<vmem>>, vector<16xf32>,
      %add3A_325 = arith.addf %get3A_322, %get3A_324 : vector<16xf32>
      %swap3A = arith.index_cast %mul3A_321 : i32 to index
      %swap3A_326 = tpu.vector_load %arg15[%swap3A] {strides = array<i32>} : memref<640xf32, #tpu.memory_space<vmem>>, vector<16xf32>,
      tpu.vector_store %arg15[%swap3A], %add3A_325 {strides = array<i32>} : memref<640xf32, #tpu.memory_space<vmem>>, vector<16xf32>,
    }
    %scan3A_110 = arith.constant 40 : i32
    %run_scoped3A_111 = arith.constant 11 : i32
    "tpu.region"() ({
      %run_scoped3A_319 = tpu.sem_alloc : memref<!tpu.dma_semaphore, #tpu.memory_space<semaphore_mem>>
      %dma_start3A = tpu.memref_slice %arg16[%run_scoped3A_111, %mul3A_0] : memref<16x10240xf32, #tpu.memory_space<vmem_shared>> -> memref<1x640xf32, #tpu.memory_space<vmem_shared>>
      %dma_start3A_320 = tpu.memref_squeeze %dma_start3A : memref<1x640xf32, #tpu.memory_space<vmem_shared>> -> memref<640xf32, #tpu.memory_space<vmem_shared>>
      %dma_start3A_321 = tpu.memref_slice %arg16[%run_scoped3A_111, %mul3A_0] : memref<16x10240xf32, #tpu.memory_space<vmem_shared>> -> memref<1x640xf32, #tpu.memory_space<vmem_shared>>
      %dma_start3A_322 = tpu.memref_squeeze %dma_start3A_321 : memref<1x640xf32, #tpu.memory_space<vmem_shared>> -> memref<640xf32, #tpu.memory_space<vmem_shared>>
      tpu.enqueue_dma source(%dma_start3A_322 : memref<640xf32, #tpu.memory_space<vmem_shared>>) target(%arg14 : memref<640xf32, #tpu.memory_space<vmem>>) target_semaphore(%run_scoped3A_319 : memref<!tpu.dma_semaphore, #tpu.memory_space<semaphore_mem>>)
      %dma_wait3A = tpu.memref_slice %arg16[%run_scoped3A_111, %mul3A_0] : memref<16x10240xf32, #tpu.memory_space<vmem_shared>> -> memref<1x640xf32, #tpu.memory_space<vmem_shared>>
      %dma_wait3A_323 = tpu.memref_squeeze %dma_wait3A : memref<1x640xf32, #tpu.memory_space<vmem_shared>> -> memref<640xf32, #tpu.memory_space<vmem_shared>>
      %dma_wait3A_324 = tpu.memref_slice %arg16[%run_scoped3A_111, %mul3A_0] : memref<16x10240xf32, #tpu.memory_space<vmem_shared>> -> memref<1x640xf32, #tpu.memory_space<vmem_shared>>
      %dma_wait3A_325 = tpu.memref_squeeze %dma_wait3A_324 : memref<1x640xf32, #tpu.memory_space<vmem_shared>> -> memref<640xf32, #tpu.memory_space<vmem_shared>>
      tpu.wait_dma2 semaphore(%run_scoped3A_319 : memref<!tpu.dma_semaphore, #tpu.memory_space<semaphore_mem>>) src(%dma_wait3A_325 : memref<640xf32, #tpu.memory_space<vmem_shared>>) dst(%arg14 : memref<640xf32, #tpu.memory_space<vmem>>)
      tpu.yield
    }) : () -> ()
    %scan3A_112 = arith.constant 0 : i32
    %scan3A_113 = arith.constant 40 : i32
    %scan3A_114 = arith.addi %scan3A_112, %scan3A_113 : i32
    %scan3A_115 = arith.constant 1 : i32
    scf.for %scan3A_319 = %scan3A_112 to %scan3A_114 step %scan3A_115  : i32 {
      %mul3A_320 = arith.constant 16 : i32
      %mul3A_321 = arith.muli %scan3A_319, %mul3A_320 : i32
      %get3A = arith.index_cast %mul3A_321 : i32 to index
      %get3A_322 = tpu.vector_load %arg15[%get3A] {strides = array<i32>} : memref<640xf32, #tpu.memory_space<vmem>>, vector<16xf32>,
      %get3A_323 = arith.index_cast %mul3A_321 : i32 to index
      %get3A_324 = tpu.vector_load %arg14[%get3A_323] {strides = array<i32>} : memref<640xf32, #tpu.memory_space<vmem>>, vector<16xf32>,
      %add3A_325 = arith.addf %get3A_322, %get3A_324 : vector<16xf32>
      %swap3A = arith.index_cast %mul3A_321 : i32 to index
      %swap3A_326 = tpu.vector_load %arg15[%swap3A] {strides = array<i32>} : memref<640xf32, #tpu.memory_space<vmem>>, vector<16xf32>,
      tpu.vector_store %arg15[%swap3A], %add3A_325 {strides = array<i32>} : memref<640xf32, #tpu.memory_space<vmem>>, vector<16xf32>,
    }
    %scan3A_116 = arith.constant 40 : i32
    %run_scoped3A_117 = arith.constant 12 : i32
    "tpu.region"() ({
      %run_scoped3A_319 = tpu.sem_alloc : memref<!tpu.dma_semaphore, #tpu.memory_space<semaphore_mem>>
      %dma_start3A = tpu.memref_slice %arg16[%run_scoped3A_117, %mul3A_0] : memref<16x10240xf32, #tpu.memory_space<vmem_shared>> -> memref<1x640xf32, #tpu.memory_space<vmem_shared>>
      %dma_start3A_320 = tpu.memref_squeeze %dma_start3A : memref<1x640xf32, #tpu.memory_space<vmem_shared>> -> memref<640xf32, #tpu.memory_space<vmem_shared>>
      %dma_start3A_321 = tpu.memref_slice %arg16[%run_scoped3A_117, %mul3A_0] : memref<16x10240xf32, #tpu.memory_space<vmem_shared>> -> memref<1x640xf32, #tpu.memory_space<vmem_shared>>
      %dma_start3A_322 = tpu.memref_squeeze %dma_start3A_321 : memref<1x640xf32, #tpu.memory_space<vmem_shared>> -> memref<640xf32, #tpu.memory_space<vmem_shared>>
      tpu.enqueue_dma source(%dma_start3A_322 : memref<640xf32, #tpu.memory_space<vmem_shared>>) target(%arg14 : memref<640xf32, #tpu.memory_space<vmem>>) target_semaphore(%run_scoped3A_319 : memref<!tpu.dma_semaphore, #tpu.memory_space<semaphore_mem>>)
      %dma_wait3A = tpu.memref_slice %arg16[%run_scoped3A_117, %mul3A_0] : memref<16x10240xf32, #tpu.memory_space<vmem_shared>> -> memref<1x640xf32, #tpu.memory_space<vmem_shared>>
      %dma_wait3A_323 = tpu.memref_squeeze %dma_wait3A : memref<1x640xf32, #tpu.memory_space<vmem_shared>> -> memref<640xf32, #tpu.memory_space<vmem_shared>>
      %dma_wait3A_324 = tpu.memref_slice %arg16[%run_scoped3A_117, %mul3A_0] : memref<16x10240xf32, #tpu.memory_space<vmem_shared>> -> memref<1x640xf32, #tpu.memory_space<vmem_shared>>
      %dma_wait3A_325 = tpu.memref_squeeze %dma_wait3A_324 : memref<1x640xf32, #tpu.memory_space<vmem_shared>> -> memref<640xf32, #tpu.memory_space<vmem_shared>>
      tpu.wait_dma2 semaphore(%run_scoped3A_319 : memref<!tpu.dma_semaphore, #tpu.memory_space<semaphore_mem>>) src(%dma_wait3A_325 : memref<640xf32, #tpu.memory_space<vmem_shared>>) dst(%arg14 : memref<640xf32, #tpu.memory_space<vmem>>)
      tpu.yield
    }) : () -> ()
    %scan3A_118 = arith.constant 0 : i32
    %scan3A_119 = arith.constant 40 : i32
    %scan3A_120 = arith.addi %scan3A_118, %scan3A_119 : i32
    %scan3A_121 = arith.constant 1 : i32
    scf.for %scan3A_319 = %scan3A_118 to %scan3A_120 step %scan3A_121  : i32 {
      %mul3A_320 = arith.constant 16 : i32
      %mul3A_321 = arith.muli %scan3A_319, %mul3A_320 : i32
      %get3A = arith.index_cast %mul3A_321 : i32 to index
      %get3A_322 = tpu.vector_load %arg15[%get3A] {strides = array<i32>} : memref<640xf32, #tpu.memory_space<vmem>>, vector<16xf32>,
      %get3A_323 = arith.index_cast %mul3A_321 : i32 to index
      %get3A_324 = tpu.vector_load %arg14[%get3A_323] {strides = array<i32>} : memref<640xf32, #tpu.memory_space<vmem>>, vector<16xf32>,
      %add3A_325 = arith.addf %get3A_322, %get3A_324 : vector<16xf32>
      %swap3A = arith.index_cast %mul3A_321 : i32 to index
      %swap3A_326 = tpu.vector_load %arg15[%swap3A] {strides = array<i32>} : memref<640xf32, #tpu.memory_space<vmem>>, vector<16xf32>,
      tpu.vector_store %arg15[%swap3A], %add3A_325 {strides = array<i32>} : memref<640xf32, #tpu.memory_space<vmem>>, vector<16xf32>,
    }
    %scan3A_122 = arith.constant 40 : i32
    %run_scoped3A_123 = arith.constant 13 : i32
    "tpu.region"() ({
      %run_scoped3A_319 = tpu.sem_alloc : memref<!tpu.dma_semaphore, #tpu.memory_space<semaphore_mem>>
      %dma_start3A = tpu.memref_slice %arg16[%run_scoped3A_123, %mul3A_0] : memref<16x10240xf32, #tpu.memory_space<vmem_shared>> -> memref<1x640xf32, #tpu.memory_space<vmem_shared>>
      %dma_start3A_320 = tpu.memref_squeeze %dma_start3A : memref<1x640xf32, #tpu.memory_space<vmem_shared>> -> memref<640xf32, #tpu.memory_space<vmem_shared>>
      %dma_start3A_321 = tpu.memref_slice %arg16[%run_scoped3A_123, %mul3A_0] : memref<16x10240xf32, #tpu.memory_space<vmem_shared>> -> memref<1x640xf32, #tpu.memory_space<vmem_shared>>
      %dma_start3A_322 = tpu.memref_squeeze %dma_start3A_321 : memref<1x640xf32, #tpu.memory_space<vmem_shared>> -> memref<640xf32, #tpu.memory_space<vmem_shared>>
      tpu.enqueue_dma source(%dma_start3A_322 : memref<640xf32, #tpu.memory_space<vmem_shared>>) target(%arg14 : memref<640xf32, #tpu.memory_space<vmem>>) target_semaphore(%run_scoped3A_319 : memref<!tpu.dma_semaphore, #tpu.memory_space<semaphore_mem>>)
      %dma_wait3A = tpu.memref_slice %arg16[%run_scoped3A_123, %mul3A_0] : memref<16x10240xf32, #tpu.memory_space<vmem_shared>> -> memref<1x640xf32, #tpu.memory_space<vmem_shared>>
      %dma_wait3A_323 = tpu.memref_squeeze %dma_wait3A : memref<1x640xf32, #tpu.memory_space<vmem_shared>> -> memref<640xf32, #tpu.memory_space<vmem_shared>>
      %dma_wait3A_324 = tpu.memref_slice %arg16[%run_scoped3A_123, %mul3A_0] : memref<16x10240xf32, #tpu.memory_space<vmem_shared>> -> memref<1x640xf32, #tpu.memory_space<vmem_shared>>
      %dma_wait3A_325 = tpu.memref_squeeze %dma_wait3A_324 : memref<1x640xf32, #tpu.memory_space<vmem_shared>> -> memref<640xf32, #tpu.memory_space<vmem_shared>>
      tpu.wait_dma2 semaphore(%run_scoped3A_319 : memref<!tpu.dma_semaphore, #tpu.memory_space<semaphore_mem>>) src(%dma_wait3A_325 : memref<640xf32, #tpu.memory_space<vmem_shared>>) dst(%arg14 : memref<640xf32, #tpu.memory_space<vmem>>)
      tpu.yield
    }) : () -> ()
    %scan3A_124 = arith.constant 0 : i32
    %scan3A_125 = arith.constant 40 : i32
    %scan3A_126 = arith.addi %scan3A_124, %scan3A_125 : i32
    %scan3A_127 = arith.constant 1 : i32
    scf.for %scan3A_319 = %scan3A_124 to %scan3A_126 step %scan3A_127  : i32 {
      %mul3A_320 = arith.constant 16 : i32
      %mul3A_321 = arith.muli %scan3A_319, %mul3A_320 : i32
      %get3A = arith.index_cast %mul3A_321 : i32 to index
      %get3A_322 = tpu.vector_load %arg15[%get3A] {strides = array<i32>} : memref<640xf32, #tpu.memory_space<vmem>>, vector<16xf32>,
      %get3A_323 = arith.index_cast %mul3A_321 : i32 to index
      %get3A_324 = tpu.vector_load %arg14[%get3A_323] {strides = array<i32>} : memref<640xf32, #tpu.memory_space<vmem>>, vector<16xf32>,
      %add3A_325 = arith.addf %get3A_322, %get3A_324 : vector<16xf32>
      %swap3A = arith.index_cast %mul3A_321 : i32 to index
      %swap3A_326 = tpu.vector_load %arg15[%swap3A] {strides = array<i32>} : memref<640xf32, #tpu.memory_space<vmem>>, vector<16xf32>,
      tpu.vector_store %arg15[%swap3A], %add3A_325 {strides = array<i32>} : memref<640xf32, #tpu.memory_space<vmem>>, vector<16xf32>,
    }
    %scan3A_128 = arith.constant 40 : i32
    %run_scoped3A_129 = arith.constant 14 : i32
    "tpu.region"() ({
      %run_scoped3A_319 = tpu.sem_alloc : memref<!tpu.dma_semaphore, #tpu.memory_space<semaphore_mem>>
      %dma_start3A = tpu.memref_slice %arg16[%run_scoped3A_129, %mul3A_0] : memref<16x10240xf32, #tpu.memory_space<vmem_shared>> -> memref<1x640xf32, #tpu.memory_space<vmem_shared>>
      %dma_start3A_320 = tpu.memref_squeeze %dma_start3A : memref<1x640xf32, #tpu.memory_space<vmem_shared>> -> memref<640xf32, #tpu.memory_space<vmem_shared>>
      %dma_start3A_321 = tpu.memref_slice %arg16[%run_scoped3A_129, %mul3A_0] : memref<16x10240xf32, #tpu.memory_space<vmem_shared>> -> memref<1x640xf32, #tpu.memory_space<vmem_shared>>
      %dma_start3A_322 = tpu.memref_squeeze %dma_start3A_321 : memref<1x640xf32, #tpu.memory_space<vmem_shared>> -> memref<640xf32, #tpu.memory_space<vmem_shared>>
      tpu.enqueue_dma source(%dma_start3A_322 : memref<640xf32, #tpu.memory_space<vmem_shared>>) target(%arg14 : memref<640xf32, #tpu.memory_space<vmem>>) target_semaphore(%run_scoped3A_319 : memref<!tpu.dma_semaphore, #tpu.memory_space<semaphore_mem>>)
      %dma_wait3A = tpu.memref_slice %arg16[%run_scoped3A_129, %mul3A_0] : memref<16x10240xf32, #tpu.memory_space<vmem_shared>> -> memref<1x640xf32, #tpu.memory_space<vmem_shared>>
      %dma_wait3A_323 = tpu.memref_squeeze %dma_wait3A : memref<1x640xf32, #tpu.memory_space<vmem_shared>> -> memref<640xf32, #tpu.memory_space<vmem_shared>>
      %dma_wait3A_324 = tpu.memref_slice %arg16[%run_scoped3A_129, %mul3A_0] : memref<16x10240xf32, #tpu.memory_space<vmem_shared>> -> memref<1x640xf32, #tpu.memory_space<vmem_shared>>
      %dma_wait3A_325 = tpu.memref_squeeze %dma_wait3A_324 : memref<1x640xf32, #tpu.memory_space<vmem_shared>> -> memref<640xf32, #tpu.memory_space<vmem_shared>>
      tpu.wait_dma2 semaphore(%run_scoped3A_319 : memref<!tpu.dma_semaphore, #tpu.memory_space<semaphore_mem>>) src(%dma_wait3A_325 : memref<640xf32, #tpu.memory_space<vmem_shared>>) dst(%arg14 : memref<640xf32, #tpu.memory_space<vmem>>)
      tpu.yield
    }) : () -> ()
    %scan3A_130 = arith.constant 0 : i32
    %scan3A_131 = arith.constant 40 : i32
    %scan3A_132 = arith.addi %scan3A_130, %scan3A_131 : i32
    %scan3A_133 = arith.constant 1 : i32
    scf.for %scan3A_319 = %scan3A_130 to %scan3A_132 step %scan3A_133  : i32 {
      %mul3A_320 = arith.constant 16 : i32
      %mul3A_321 = arith.muli %scan3A_319, %mul3A_320 : i32
      %get3A = arith.index_cast %mul3A_321 : i32 to index
      %get3A_322 = tpu.vector_load %arg15[%get3A] {strides = array<i32>} : memref<640xf32, #tpu.memory_space<vmem>>, vector<16xf32>,
      %get3A_323 = arith.index_cast %mul3A_321 : i32 to index
      %get3A_324 = tpu.vector_load %arg14[%get3A_323] {strides = array<i32>} : memref<640xf32, #tpu.memory_space<vmem>>, vector<16xf32>,
      %add3A_325 = arith.addf %get3A_322, %get3A_324 : vector<16xf32>
      %swap3A = arith.index_cast %mul3A_321 : i32 to index
      %swap3A_326 = tpu.vector_load %arg15[%swap3A] {strides = array<i32>} : memref<640xf32, #tpu.memory_space<vmem>>, vector<16xf32>,
      tpu.vector_store %arg15[%swap3A], %add3A_325 {strides = array<i32>} : memref<640xf32, #tpu.memory_space<vmem>>, vector<16xf32>,
    }
    %scan3A_134 = arith.constant 40 : i32
    %run_scoped3A_135 = arith.constant 15 : i32
    "tpu.region"() ({
      %run_scoped3A_319 = tpu.sem_alloc : memref<!tpu.dma_semaphore, #tpu.memory_space<semaphore_mem>>
      %dma_start3A = tpu.memref_slice %arg16[%run_scoped3A_135, %mul3A_0] : memref<16x10240xf32, #tpu.memory_space<vmem_shared>> -> memref<1x640xf32, #tpu.memory_space<vmem_shared>>
      %dma_start3A_320 = tpu.memref_squeeze %dma_start3A : memref<1x640xf32, #tpu.memory_space<vmem_shared>> -> memref<640xf32, #tpu.memory_space<vmem_shared>>
      %dma_start3A_321 = tpu.memref_slice %arg16[%run_scoped3A_135, %mul3A_0] : memref<16x10240xf32, #tpu.memory_space<vmem_shared>> -> memref<1x640xf32, #tpu.memory_space<vmem_shared>>
      %dma_start3A_322 = tpu.memref_squeeze %dma_start3A_321 : memref<1x640xf32, #tpu.memory_space<vmem_shared>> -> memref<640xf32, #tpu.memory_space<vmem_shared>>
      tpu.enqueue_dma source(%dma_start3A_322 : memref<640xf32, #tpu.memory_space<vmem_shared>>) target(%arg14 : memref<640xf32, #tpu.memory_space<vmem>>) target_semaphore(%run_scoped3A_319 : memref<!tpu.dma_semaphore, #tpu.memory_space<semaphore_mem>>)
      %dma_wait3A = tpu.memref_slice %arg16[%run_scoped3A_135, %mul3A_0] : memref<16x10240xf32, #tpu.memory_space<vmem_shared>> -> memref<1x640xf32, #tpu.memory_space<vmem_shared>>
      %dma_wait3A_323 = tpu.memref_squeeze %dma_wait3A : memref<1x640xf32, #tpu.memory_space<vmem_shared>> -> memref<640xf32, #tpu.memory_space<vmem_shared>>
      %dma_wait3A_324 = tpu.memref_slice %arg16[%run_scoped3A_135, %mul3A_0] : memref<16x10240xf32, #tpu.memory_space<vmem_shared>> -> memref<1x640xf32, #tpu.memory_space<vmem_shared>>
      %dma_wait3A_325 = tpu.memref_squeeze %dma_wait3A_324 : memref<1x640xf32, #tpu.memory_space<vmem_shared>> -> memref<640xf32, #tpu.memory_space<vmem_shared>>
      tpu.wait_dma2 semaphore(%run_scoped3A_319 : memref<!tpu.dma_semaphore, #tpu.memory_space<semaphore_mem>>) src(%dma_wait3A_325 : memref<640xf32, #tpu.memory_space<vmem_shared>>) dst(%arg14 : memref<640xf32, #tpu.memory_space<vmem>>)
      tpu.yield
    }) : () -> ()
    %scan3A_136 = arith.constant 0 : i32
    %scan3A_137 = arith.constant 40 : i32
    %scan3A_138 = arith.addi %scan3A_136, %scan3A_137 : i32
    %scan3A_139 = arith.constant 1 : i32
    scf.for %scan3A_319 = %scan3A_136 to %scan3A_138 step %scan3A_139  : i32 {
      %mul3A_320 = arith.constant 16 : i32
      %mul3A_321 = arith.muli %scan3A_319, %mul3A_320 : i32
      %get3A = arith.index_cast %mul3A_321 : i32 to index
      %get3A_322 = tpu.vector_load %arg15[%get3A] {strides = array<i32>} : memref<640xf32, #tpu.memory_space<vmem>>, vector<16xf32>,
      %get3A_323 = arith.index_cast %mul3A_321 : i32 to index
      %get3A_324 = tpu.vector_load %arg14[%get3A_323] {strides = array<i32>} : memref<640xf32, #tpu.memory_space<vmem>>, vector<16xf32>,
      %add3A_325 = arith.addf %get3A_322, %get3A_324 : vector<16xf32>
      %swap3A = arith.index_cast %mul3A_321 : i32 to index
      %swap3A_326 = tpu.vector_load %arg15[%swap3A] {strides = array<i32>} : memref<640xf32, #tpu.memory_space<vmem>>, vector<16xf32>,
      tpu.vector_store %arg15[%swap3A], %add3A_325 {strides = array<i32>} : memref<640xf32, #tpu.memory_space<vmem>>, vector<16xf32>,
    }
    %scan3A_140 = arith.constant 40 : i32
    %scan3A_141 = arith.constant 0 : i32
    %scan3A_142 = arith.constant 40 : i32
    %scan3A_143 = arith.addi %scan3A_141, %scan3A_142 : i32
    %scan3A_144 = arith.constant 1 : i32
    scf.for %scan3A_319 = %scan3A_141 to %scan3A_143 step %scan3A_144  : i32 {
      %mul3A_320 = arith.constant 16 : i32
      %mul3A_321 = arith.muli %scan3A_319, %mul3A_320 : i32
      %get3A = arith.index_cast %mul3A_321 : i32 to index
      %get3A_322 = tpu.vector_load %arg15[%get3A] {strides = array<i32>} : memref<640xf32, #tpu.memory_space<vmem>>, vector<16xf32>,
      %add3A_323 = arith.constant 1.000000e+00 : f32
      %add3A_324 = vector.broadcast %add3A_323 : f32 to vector<16xf32>
      %add3A_325 = arith.addf %get3A_322, %add3A_324 : vector<16xf32>
      %bitcast3A = vector.bitcast %add3A_325 : vector<16xf32> to vector<16xi32>
      %shift_right_arithmetic3A = arith.constant 1 : i32
      %shift_right_arithmetic3A_326 = vector.broadcast %shift_right_arithmetic3A : i32 to vector<16xi32>
      %shift_right_arithmetic3A_327 = arith.shrsi %bitcast3A, %shift_right_arithmetic3A_326 : vector<16xi32>
      %sub3A_328 = arith.constant 1597463007 : i32
      %sub3A_329 = vector.broadcast %sub3A_328 : i32 to vector<16xi32>
      %sub3A_330 = arith.subi %sub3A_329, %shift_right_arithmetic3A_327 : vector<16xi32>
      %bitcast3A_331 = vector.bitcast %sub3A_330 : vector<16xi32> to vector<16xf32>
      %mul3A_332 = arith.constant 5.000000e-01 : f32
      %mul3A_333 = vector.broadcast %mul3A_332 : f32 to vector<16xf32>
      %mul3A_334 = arith.mulf %mul3A_333, %add3A_325 : vector<16xf32>
      %mul3A_335 = arith.mulf %mul3A_334, %bitcast3A_331 : vector<16xf32>
      %mul3A_336 = arith.mulf %mul3A_335, %bitcast3A_331 : vector<16xf32>
      %sub3A_337 = arith.constant 1.500000e+00 : f32
      %sub3A_338 = vector.broadcast %sub3A_337 : f32 to vector<16xf32>
      %sub3A_339 = arith.subf %sub3A_338, %mul3A_336 : vector<16xf32>
      %mul3A_340 = arith.mulf %bitcast3A_331, %sub3A_339 : vector<16xf32>
      %mul3A_341 = arith.constant 5.000000e-01 : f32
      %mul3A_342 = vector.broadcast %mul3A_341 : f32 to vector<16xf32>
      %mul3A_343 = arith.mulf %mul3A_342, %add3A_325 : vector<16xf32>
      %mul3A_344 = arith.mulf %mul3A_343, %mul3A_340 : vector<16xf32>
      %mul3A_345 = arith.mulf %mul3A_344, %mul3A_340 : vector<16xf32>
      %sub3A_346 = arith.constant 1.500000e+00 : f32
      %sub3A_347 = vector.broadcast %sub3A_346 : f32 to vector<16xf32>
      %sub3A_348 = arith.subf %sub3A_347, %mul3A_345 : vector<16xf32>
      %mul3A_349 = arith.mulf %mul3A_340, %sub3A_348 : vector<16xf32>
      %mul3A_350 = arith.constant 5.000000e-01 : f32
      %mul3A_351 = vector.broadcast %mul3A_350 : f32 to vector<16xf32>
      %mul3A_352 = arith.mulf %mul3A_351, %add3A_325 : vector<16xf32>
      %mul3A_353 = arith.mulf %mul3A_352, %mul3A_349 : vector<16xf32>
      %mul3A_354 = arith.mulf %mul3A_353, %mul3A_349 : vector<16xf32>
      %sub3A_355 = arith.constant 1.500000e+00 : f32
      %sub3A_356 = vector.broadcast %sub3A_355 : f32 to vector<16xf32>
      %sub3A_357 = arith.subf %sub3A_356, %mul3A_354 : vector<16xf32>
      %mul3A_358 = arith.mulf %mul3A_349, %sub3A_357 : vector<16xf32>
      %swap3A = arith.index_cast %mul3A_321 : i32 to index
      %swap3A_359 = tpu.vector_load %arg15[%swap3A] {strides = array<i32>} : memref<640xf32, #tpu.memory_space<vmem>>, vector<16xf32>,
      tpu.vector_store %arg15[%swap3A], %mul3A_358 {strides = array<i32>} : memref<640xf32, #tpu.memory_space<vmem>>, vector<16xf32>,
    }
    %scan3A_145 = arith.constant 40 : i32
    "tpu.region"() ({
      %run_scoped3A_319 = tpu.sem_alloc : memref<!tpu.dma_semaphore, #tpu.memory_space<semaphore_mem>>
      %dma_start3A = tpu.memref_slice %arg17[%mul3A_0] : memref<10240xf32, #tpu.memory_space<vmem_shared>> -> memref<640xf32, #tpu.memory_space<vmem_shared>>
      %dma_start3A_320 = tpu.memref_slice %arg17[%mul3A_0] : memref<10240xf32, #tpu.memory_space<vmem_shared>> -> memref<640xf32, #tpu.memory_space<vmem_shared>>
      tpu.enqueue_dma source(%arg15 : memref<640xf32, #tpu.memory_space<vmem>>) target(%dma_start3A_320 : memref<640xf32, #tpu.memory_space<vmem_shared>>) target_semaphore(%run_scoped3A_319 : memref<!tpu.dma_semaphore, #tpu.memory_space<semaphore_mem>>)
      %dma_wait3A = tpu.memref_slice %arg17[%mul3A_0] : memref<10240xf32, #tpu.memory_space<vmem_shared>> -> memref<640xf32, #tpu.memory_space<vmem_shared>>
      %dma_wait3A_321 = tpu.memref_slice %arg17[%mul3A_0] : memref<10240xf32, #tpu.memory_space<vmem_shared>> -> memref<640xf32, #tpu.memory_space<vmem_shared>>
      tpu.wait_dma2 semaphore(%run_scoped3A_319 : memref<!tpu.dma_semaphore, #tpu.memory_space<semaphore_mem>>) src(%arg15 : memref<640xf32, #tpu.memory_space<vmem>>) dst(%dma_wait3A_321 : memref<640xf32, #tpu.memory_space<vmem_shared>>)
      tpu.yield
    }) : () -> ()
    %barrier3A_146 = arith.constant 0 : index
    tpu.barrier barrier_id(%barrier3A_146)
    "tpu.region"() ({
      %run_scoped3A_319 = tpu.sem_alloc : memref<!tpu.dma_semaphore, #tpu.memory_space<semaphore_mem>>
      tpu.enqueue_dma source(%arg17 : memref<10240xf32, #tpu.memory_space<vmem_shared>>) target(%arg11 : memref<10240xf32, #tpu.memory_space<vmem>>) target_semaphore(%run_scoped3A_319 : memref<!tpu.dma_semaphore, #tpu.memory_space<semaphore_mem>>)
      tpu.wait_dma2 semaphore(%run_scoped3A_319 : memref<!tpu.dma_semaphore, #tpu.memory_space<semaphore_mem>>) src(%arg17 : memref<10240xf32, #tpu.memory_space<vmem_shared>>) dst(%arg11 : memref<10240xf32, #tpu.memory_space<vmem>>)
      tpu.yield
    }) : () -> ()
    %eq3A = arith.constant 0 : i32
    %eq3A_147 = arith.cmpi eq, %arg0, %eq3A : i32
    %mul3A_148 = arith.constant 112 : i32
    %mul3A_149 = arith.muli %arg1, %mul3A_148 : i32
    %mul3A_150 = arith.constant 48 : i32
    %mul3A_151 = arith.muli %arg1, %mul3A_150 : i32
    %add3A_152 = arith.constant 1792 : i32
    %add3A_153 = arith.addi %add3A_152, %mul3A_151 : i32
    %select_n3A = arith.select %eq3A_147, %mul3A_149, %add3A_153 : i32
    %eq3A_154 = arith.constant 0 : i32
    %eq3A_155 = arith.cmpi eq, %arg0, %eq3A_154 : i32
    %jit3A = arith.constant 112 : i32
    %jit3A_156 = arith.constant 48 : i32
    %select_n3A_157 = arith.select %eq3A_155, %jit3A, %jit3A_156 : i32
    %add3A_158 = arith.constant 0 : i32
    %add3A_159 = arith.addi %mul3A_0, %add3A_158 : i32
    %run_scoped3A_160 = arith.constant 0 : i32
    "tpu.region"() ({
      %run_scoped3A_319 = tpu.sem_alloc : memref<!tpu.dma_semaphore, #tpu.memory_space<semaphore_mem>>
      %dma_start3A = arith.constant 0 : i32
      %dma_start3A_320 = tpu.memref_slice %arg5[%run_scoped3A_160, %add3A_159, %dma_start3A] : memref<2x10240x64xf32, #tpu.memory_space<hbm>> -> memref<1x128x64xf32, #tpu.memory_space<hbm>>
      %dma_start3A_321 = tpu.memref_squeeze %dma_start3A_320 : memref<1x128x64xf32, #tpu.memory_space<hbm>> -> memref<128x64xf32, #tpu.memory_space<hbm>>
      %dma_start3A_322 = arith.constant 0 : i32
      %dma_start3A_323 = tpu.memref_slice %arg5[%run_scoped3A_160, %add3A_159, %dma_start3A_322] : memref<2x10240x64xf32, #tpu.memory_space<hbm>> -> memref<1x128x64xf32, #tpu.memory_space<hbm>>
      %dma_start3A_324 = tpu.memref_squeeze %dma_start3A_323 : memref<1x128x64xf32, #tpu.memory_space<hbm>> -> memref<128x64xf32, #tpu.memory_space<hbm>>
      tpu.enqueue_dma source(%dma_start3A_324 : memref<128x64xf32, #tpu.memory_space<hbm>>) target(%arg13 : memref<128x64xf32, #tpu.memory_space<vmem>>) target_semaphore(%run_scoped3A_319 : memref<!tpu.dma_semaphore, #tpu.memory_space<semaphore_mem>>)
      %dma_wait3A = arith.constant 0 : i32
      %dma_wait3A_325 = tpu.memref_slice %arg5[%run_scoped3A_160, %add3A_159, %dma_wait3A] : memref<2x10240x64xf32, #tpu.memory_space<hbm>> -> memref<1x128x64xf32, #tpu.memory_space<hbm>>
      %dma_wait3A_326 = tpu.memref_squeeze %dma_wait3A_325 : memref<1x128x64xf32, #tpu.memory_space<hbm>> -> memref<128x64xf32, #tpu.memory_space<hbm>>
      %dma_wait3A_327 = arith.constant 0 : i32
      %dma_wait3A_328 = tpu.memref_slice %arg5[%run_scoped3A_160, %add3A_159, %dma_wait3A_327] : memref<2x10240x64xf32, #tpu.memory_space<hbm>> -> memref<1x128x64xf32, #tpu.memory_space<hbm>>
      %dma_wait3A_329 = tpu.memref_squeeze %dma_wait3A_328 : memref<1x128x64xf32, #tpu.memory_space<hbm>> -> memref<128x64xf32, #tpu.memory_space<hbm>>
      tpu.wait_dma2 semaphore(%run_scoped3A_319 : memref<!tpu.dma_semaphore, #tpu.memory_space<semaphore_mem>>) src(%dma_wait3A_329 : memref<128x64xf32, #tpu.memory_space<hbm>>) dst(%arg13 : memref<128x64xf32, #tpu.memory_space<vmem>>)
      tpu.yield
    }) : () -> ()
    %scan3A_161 = arith.constant 5.000000e-01 : f32
    %scan3A_162 = arith.constant 0 : i32
    %scan3A_163 = arith.constant 128 : i32
    %scan3A_164 = arith.addi %scan3A_162, %scan3A_163 : i32
    %scan3A_165 = arith.constant 1 : i32
    scf.for %scan3A_319 = %scan3A_162 to %scan3A_164 step %scan3A_165  : i32 {
      %add3A_320 = arith.addi %add3A_159, %scan3A_319 : i32
      %broadcast_in_dim3A_321 = vector.broadcast %add3A_320 : i32 to vector<16xi32>
      %gather3A = tpu.vector_load_idx %arg11[%broadcast_in_dim3A_321] : memref<10240xf32, #tpu.memory_space<vmem>>[vector<16xi32>], vector<16xf32>,
      %mul3A_322 = arith.mulf %gather3A, %gather3A : vector<16xf32>
      %mul3A_323 = vector.broadcast %scan3A_161 : f32 to vector<16xf32>
      %mul3A_324 = arith.mulf %mul3A_322, %mul3A_323 : vector<16xf32>
      %get3A = arith.index_cast %scan3A_319 : i32 to index
      %get3A_325 = arith.constant 0 : index
      %get3A_326 = tpu.vector_load %arg13[%get3A, %get3A_325] {strides = array<i32>} : memref<128x64xf32, #tpu.memory_space<vmem>>, vector<16xf32>,
      %mul3A_327 = arith.mulf %get3A_326, %mul3A_324 : vector<16xf32>
      %swap3A = arith.index_cast %scan3A_319 : i32 to index
      %swap3A_328 = arith.constant 0 : index
      %swap3A_329 = tpu.vector_load %arg13[%swap3A, %swap3A_328] {strides = array<i32>} : memref<128x64xf32, #tpu.memory_space<vmem>>, vector<16xf32>,
      tpu.vector_store %arg13[%swap3A, %swap3A_328], %mul3A_327 {strides = array<i32>} : memref<128x64xf32, #tpu.memory_space<vmem>>, vector<16xf32>,
      %get3A_330 = arith.index_cast %scan3A_319 : i32 to index
      %get3A_331 = arith.constant 16 : index
      %get3A_332 = tpu.vector_load %arg13[%get3A_330, %get3A_331] {strides = array<i32>} : memref<128x64xf32, #tpu.memory_space<vmem>>, vector<16xf32>,
      %mul3A_333 = arith.mulf %get3A_332, %mul3A_324 : vector<16xf32>
      %swap3A_334 = arith.index_cast %scan3A_319 : i32 to index
      %swap3A_335 = arith.constant 16 : index
      %swap3A_336 = tpu.vector_load %arg13[%swap3A_334, %swap3A_335] {strides = array<i32>} : memref<128x64xf32, #tpu.memory_space<vmem>>, vector<16xf32>,
      tpu.vector_store %arg13[%swap3A_334, %swap3A_335], %mul3A_333 {strides = array<i32>} : memref<128x64xf32, #tpu.memory_space<vmem>>, vector<16xf32>,
      %get3A_337 = arith.index_cast %scan3A_319 : i32 to index
      %get3A_338 = arith.constant 32 : index
      %get3A_339 = tpu.vector_load %arg13[%get3A_337, %get3A_338] {strides = array<i32>} : memref<128x64xf32, #tpu.memory_space<vmem>>, vector<16xf32>,
      %mul3A_340 = arith.mulf %get3A_339, %mul3A_324 : vector<16xf32>
      %swap3A_341 = arith.index_cast %scan3A_319 : i32 to index
      %swap3A_342 = arith.constant 32 : index
      %swap3A_343 = tpu.vector_load %arg13[%swap3A_341, %swap3A_342] {strides = array<i32>} : memref<128x64xf32, #tpu.memory_space<vmem>>, vector<16xf32>,
      tpu.vector_store %arg13[%swap3A_341, %swap3A_342], %mul3A_340 {strides = array<i32>} : memref<128x64xf32, #tpu.memory_space<vmem>>, vector<16xf32>,
      %get3A_344 = arith.index_cast %scan3A_319 : i32 to index
      %get3A_345 = arith.constant 48 : index
      %get3A_346 = tpu.vector_load %arg13[%get3A_344, %get3A_345] {strides = array<i32>} : memref<128x64xf32, #tpu.memory_space<vmem>>, vector<16xf32>,
      %mul3A_347 = arith.mulf %get3A_346, %mul3A_324 : vector<16xf32>
      %swap3A_348 = arith.index_cast %scan3A_319 : i32 to index
      %swap3A_349 = arith.constant 48 : index
      %swap3A_350 = tpu.vector_load %arg13[%swap3A_348, %swap3A_349] {strides = array<i32>} : memref<128x64xf32, #tpu.memory_space<vmem>>, vector<16xf32>,
      tpu.vector_store %arg13[%swap3A_348, %swap3A_349], %mul3A_347 {strides = array<i32>} : memref<128x64xf32, #tpu.memory_space<vmem>>, vector<16xf32>,
    }
    %scan3A_166 = arith.constant 128 : i32
    "tpu.region"() ({
      %run_scoped3A_319 = tpu.sem_alloc : memref<!tpu.dma_semaphore, #tpu.memory_space<semaphore_mem>>
      %dma_start3A = arith.constant 0 : i32
      %dma_start3A_320 = tpu.memref_slice %arg18[%add3A_159, %dma_start3A] : memref<10240x64xf32, #tpu.memory_space<vmem_shared>> -> memref<128x64xf32, #tpu.memory_space<vmem_shared>>
      %dma_start3A_321 = arith.constant 0 : i32
      %dma_start3A_322 = tpu.memref_slice %arg18[%add3A_159, %dma_start3A_321] : memref<10240x64xf32, #tpu.memory_space<vmem_shared>> -> memref<128x64xf32, #tpu.memory_space<vmem_shared>>
      tpu.enqueue_dma source(%arg13 : memref<128x64xf32, #tpu.memory_space<vmem>>) target(%dma_start3A_322 : memref<128x64xf32, #tpu.memory_space<vmem_shared>>) target_semaphore(%run_scoped3A_319 : memref<!tpu.dma_semaphore, #tpu.memory_space<semaphore_mem>>)
      %dma_wait3A = arith.constant 0 : i32
      %dma_wait3A_323 = tpu.memref_slice %arg18[%add3A_159, %dma_wait3A] : memref<10240x64xf32, #tpu.memory_space<vmem_shared>> -> memref<128x64xf32, #tpu.memory_space<vmem_shared>>
      %dma_wait3A_324 = arith.constant 0 : i32
      %dma_wait3A_325 = tpu.memref_slice %arg18[%add3A_159, %dma_wait3A_324] : memref<10240x64xf32, #tpu.memory_space<vmem_shared>> -> memref<128x64xf32, #tpu.memory_space<vmem_shared>>
      tpu.wait_dma2 semaphore(%run_scoped3A_319 : memref<!tpu.dma_semaphore, #tpu.memory_space<semaphore_mem>>) src(%arg13 : memref<128x64xf32, #tpu.memory_space<vmem>>) dst(%dma_wait3A_325 : memref<128x64xf32, #tpu.memory_space<vmem_shared>>)
      tpu.yield
    }) : () -> ()
    %add3A_167 = arith.constant 128 : i32
    %add3A_168 = arith.addi %mul3A_0, %add3A_167 : i32
    %run_scoped3A_169 = arith.constant 0 : i32
    "tpu.region"() ({
      %run_scoped3A_319 = tpu.sem_alloc : memref<!tpu.dma_semaphore, #tpu.memory_space<semaphore_mem>>
      %dma_start3A = arith.constant 0 : i32
      %dma_start3A_320 = tpu.memref_slice %arg5[%run_scoped3A_169, %add3A_168, %dma_start3A] : memref<2x10240x64xf32, #tpu.memory_space<hbm>> -> memref<1x128x64xf32, #tpu.memory_space<hbm>>
      %dma_start3A_321 = tpu.memref_squeeze %dma_start3A_320 : memref<1x128x64xf32, #tpu.memory_space<hbm>> -> memref<128x64xf32, #tpu.memory_space<hbm>>
      %dma_start3A_322 = arith.constant 0 : i32
      %dma_start3A_323 = tpu.memref_slice %arg5[%run_scoped3A_169, %add3A_168, %dma_start3A_322] : memref<2x10240x64xf32, #tpu.memory_space<hbm>> -> memref<1x128x64xf32, #tpu.memory_space<hbm>>
      %dma_start3A_324 = tpu.memref_squeeze %dma_start3A_323 : memref<1x128x64xf32, #tpu.memory_space<hbm>> -> memref<128x64xf32, #tpu.memory_space<hbm>>
      tpu.enqueue_dma source(%dma_start3A_324 : memref<128x64xf32, #tpu.memory_space<hbm>>) target(%arg13 : memref<128x64xf32, #tpu.memory_space<vmem>>) target_semaphore(%run_scoped3A_319 : memref<!tpu.dma_semaphore, #tpu.memory_space<semaphore_mem>>)
      %dma_wait3A = arith.constant 0 : i32
      %dma_wait3A_325 = tpu.memref_slice %arg5[%run_scoped3A_169, %add3A_168, %dma_wait3A] : memref<2x10240x64xf32, #tpu.memory_space<hbm>> -> memref<1x128x64xf32, #tpu.memory_space<hbm>>
      %dma_wait3A_326 = tpu.memref_squeeze %dma_wait3A_325 : memref<1x128x64xf32, #tpu.memory_space<hbm>> -> memref<128x64xf32, #tpu.memory_space<hbm>>
      %dma_wait3A_327 = arith.constant 0 : i32
      %dma_wait3A_328 = tpu.memref_slice %arg5[%run_scoped3A_169, %add3A_168, %dma_wait3A_327] : memref<2x10240x64xf32, #tpu.memory_space<hbm>> -> memref<1x128x64xf32, #tpu.memory_space<hbm>>
      %dma_wait3A_329 = tpu.memref_squeeze %dma_wait3A_328 : memref<1x128x64xf32, #tpu.memory_space<hbm>> -> memref<128x64xf32, #tpu.memory_space<hbm>>
      tpu.wait_dma2 semaphore(%run_scoped3A_319 : memref<!tpu.dma_semaphore, #tpu.memory_space<semaphore_mem>>) src(%dma_wait3A_329 : memref<128x64xf32, #tpu.memory_space<hbm>>) dst(%arg13 : memref<128x64xf32, #tpu.memory_space<vmem>>)
      tpu.yield
    }) : () -> ()
    %scan3A_170 = arith.constant 5.000000e-01 : f32
    %scan3A_171 = arith.constant 0 : i32
    %scan3A_172 = arith.constant 128 : i32
    %scan3A_173 = arith.addi %scan3A_171, %scan3A_172 : i32
    %scan3A_174 = arith.constant 1 : i32
    scf.for %scan3A_319 = %scan3A_171 to %scan3A_173 step %scan3A_174  : i32 {
      %add3A_320 = arith.addi %add3A_168, %scan3A_319 : i32
      %broadcast_in_dim3A_321 = vector.broadcast %add3A_320 : i32 to vector<16xi32>
      %gather3A = tpu.vector_load_idx %arg11[%broadcast_in_dim3A_321] : memref<10240xf32, #tpu.memory_space<vmem>>[vector<16xi32>], vector<16xf32>,
      %mul3A_322 = arith.mulf %gather3A, %gather3A : vector<16xf32>
      %mul3A_323 = vector.broadcast %scan3A_170 : f32 to vector<16xf32>
      %mul3A_324 = arith.mulf %mul3A_322, %mul3A_323 : vector<16xf32>
      %get3A = arith.index_cast %scan3A_319 : i32 to index
      %get3A_325 = arith.constant 0 : index
      %get3A_326 = tpu.vector_load %arg13[%get3A, %get3A_325] {strides = array<i32>} : memref<128x64xf32, #tpu.memory_space<vmem>>, vector<16xf32>,
      %mul3A_327 = arith.mulf %get3A_326, %mul3A_324 : vector<16xf32>
      %swap3A = arith.index_cast %scan3A_319 : i32 to index
      %swap3A_328 = arith.constant 0 : index
      %swap3A_329 = tpu.vector_load %arg13[%swap3A, %swap3A_328] {strides = array<i32>} : memref<128x64xf32, #tpu.memory_space<vmem>>, vector<16xf32>,
      tpu.vector_store %arg13[%swap3A, %swap3A_328], %mul3A_327 {strides = array<i32>} : memref<128x64xf32, #tpu.memory_space<vmem>>, vector<16xf32>,
      %get3A_330 = arith.index_cast %scan3A_319 : i32 to index
      %get3A_331 = arith.constant 16 : index
      %get3A_332 = tpu.vector_load %arg13[%get3A_330, %get3A_331] {strides = array<i32>} : memref<128x64xf32, #tpu.memory_space<vmem>>, vector<16xf32>,
      %mul3A_333 = arith.mulf %get3A_332, %mul3A_324 : vector<16xf32>
      %swap3A_334 = arith.index_cast %scan3A_319 : i32 to index
      %swap3A_335 = arith.constant 16 : index
      %swap3A_336 = tpu.vector_load %arg13[%swap3A_334, %swap3A_335] {strides = array<i32>} : memref<128x64xf32, #tpu.memory_space<vmem>>, vector<16xf32>,
      tpu.vector_store %arg13[%swap3A_334, %swap3A_335], %mul3A_333 {strides = array<i32>} : memref<128x64xf32, #tpu.memory_space<vmem>>, vector<16xf32>,
      %get3A_337 = arith.index_cast %scan3A_319 : i32 to index
      %get3A_338 = arith.constant 32 : index
      %get3A_339 = tpu.vector_load %arg13[%get3A_337, %get3A_338] {strides = array<i32>} : memref<128x64xf32, #tpu.memory_space<vmem>>, vector<16xf32>,
      %mul3A_340 = arith.mulf %get3A_339, %mul3A_324 : vector<16xf32>
      %swap3A_341 = arith.index_cast %scan3A_319 : i32 to index
      %swap3A_342 = arith.constant 32 : index
      %swap3A_343 = tpu.vector_load %arg13[%swap3A_341, %swap3A_342] {strides = array<i32>} : memref<128x64xf32, #tpu.memory_space<vmem>>, vector<16xf32>,
      tpu.vector_store %arg13[%swap3A_341, %swap3A_342], %mul3A_340 {strides = array<i32>} : memref<128x64xf32, #tpu.memory_space<vmem>>, vector<16xf32>,
      %get3A_344 = arith.index_cast %scan3A_319 : i32 to index
      %get3A_345 = arith.constant 48 : index
      %get3A_346 = tpu.vector_load %arg13[%get3A_344, %get3A_345] {strides = array<i32>} : memref<128x64xf32, #tpu.memory_space<vmem>>, vector<16xf32>,
      %mul3A_347 = arith.mulf %get3A_346, %mul3A_324 : vector<16xf32>
      %swap3A_348 = arith.index_cast %scan3A_319 : i32 to index
      %swap3A_349 = arith.constant 48 : index
      %swap3A_350 = tpu.vector_load %arg13[%swap3A_348, %swap3A_349] {strides = array<i32>} : memref<128x64xf32, #tpu.memory_space<vmem>>, vector<16xf32>,
      tpu.vector_store %arg13[%swap3A_348, %swap3A_349], %mul3A_347 {strides = array<i32>} : memref<128x64xf32, #tpu.memory_space<vmem>>, vector<16xf32>,
    }
    %scan3A_175 = arith.constant 128 : i32
    "tpu.region"() ({
      %run_scoped3A_319 = tpu.sem_alloc : memref<!tpu.dma_semaphore, #tpu.memory_space<semaphore_mem>>
      %dma_start3A = arith.constant 0 : i32
      %dma_start3A_320 = tpu.memref_slice %arg18[%add3A_168, %dma_start3A] : memref<10240x64xf32, #tpu.memory_space<vmem_shared>> -> memref<128x64xf32, #tpu.memory_space<vmem_shared>>
      %dma_start3A_321 = arith.constant 0 : i32
      %dma_start3A_322 = tpu.memref_slice %arg18[%add3A_168, %dma_start3A_321] : memref<10240x64xf32, #tpu.memory_space<vmem_shared>> -> memref<128x64xf32, #tpu.memory_space<vmem_shared>>
      tpu.enqueue_dma source(%arg13 : memref<128x64xf32, #tpu.memory_space<vmem>>) target(%dma_start3A_322 : memref<128x64xf32, #tpu.memory_space<vmem_shared>>) target_semaphore(%run_scoped3A_319 : memref<!tpu.dma_semaphore, #tpu.memory_space<semaphore_mem>>)
      %dma_wait3A = arith.constant 0 : i32
      %dma_wait3A_323 = tpu.memref_slice %arg18[%add3A_168, %dma_wait3A] : memref<10240x64xf32, #tpu.memory_space<vmem_shared>> -> memref<128x64xf32, #tpu.memory_space<vmem_shared>>
      %dma_wait3A_324 = arith.constant 0 : i32
      %dma_wait3A_325 = tpu.memref_slice %arg18[%add3A_168, %dma_wait3A_324] : memref<10240x64xf32, #tpu.memory_space<vmem_shared>> -> memref<128x64xf32, #tpu.memory_space<vmem_shared>>
      tpu.wait_dma2 semaphore(%run_scoped3A_319 : memref<!tpu.dma_semaphore, #tpu.memory_space<semaphore_mem>>) src(%arg13 : memref<128x64xf32, #tpu.memory_space<vmem>>) dst(%dma_wait3A_325 : memref<128x64xf32, #tpu.memory_space<vmem_shared>>)
      tpu.yield
    }) : () -> ()
    %add3A_176 = arith.constant 256 : i32
    %add3A_177 = arith.addi %mul3A_0, %add3A_176 : i32
    %run_scoped3A_178 = arith.constant 0 : i32
    "tpu.region"() ({
      %run_scoped3A_319 = tpu.sem_alloc : memref<!tpu.dma_semaphore, #tpu.memory_space<semaphore_mem>>
      %dma_start3A = arith.constant 0 : i32
      %dma_start3A_320 = tpu.memref_slice %arg5[%run_scoped3A_178, %add3A_177, %dma_start3A] : memref<2x10240x64xf32, #tpu.memory_space<hbm>> -> memref<1x128x64xf32, #tpu.memory_space<hbm>>
      %dma_start3A_321 = tpu.memref_squeeze %dma_start3A_320 : memref<1x128x64xf32, #tpu.memory_space<hbm>> -> memref<128x64xf32, #tpu.memory_space<hbm>>
      %dma_start3A_322 = arith.constant 0 : i32
      %dma_start3A_323 = tpu.memref_slice %arg5[%run_scoped3A_178, %add3A_177, %dma_start3A_322] : memref<2x10240x64xf32, #tpu.memory_space<hbm>> -> memref<1x128x64xf32, #tpu.memory_space<hbm>>
      %dma_start3A_324 = tpu.memref_squeeze %dma_start3A_323 : memref<1x128x64xf32, #tpu.memory_space<hbm>> -> memref<128x64xf32, #tpu.memory_space<hbm>>
      tpu.enqueue_dma source(%dma_start3A_324 : memref<128x64xf32, #tpu.memory_space<hbm>>) target(%arg13 : memref<128x64xf32, #tpu.memory_space<vmem>>) target_semaphore(%run_scoped3A_319 : memref<!tpu.dma_semaphore, #tpu.memory_space<semaphore_mem>>)
      %dma_wait3A = arith.constant 0 : i32
      %dma_wait3A_325 = tpu.memref_slice %arg5[%run_scoped3A_178, %add3A_177, %dma_wait3A] : memref<2x10240x64xf32, #tpu.memory_space<hbm>> -> memref<1x128x64xf32, #tpu.memory_space<hbm>>
      %dma_wait3A_326 = tpu.memref_squeeze %dma_wait3A_325 : memref<1x128x64xf32, #tpu.memory_space<hbm>> -> memref<128x64xf32, #tpu.memory_space<hbm>>
      %dma_wait3A_327 = arith.constant 0 : i32
      %dma_wait3A_328 = tpu.memref_slice %arg5[%run_scoped3A_178, %add3A_177, %dma_wait3A_327] : memref<2x10240x64xf32, #tpu.memory_space<hbm>> -> memref<1x128x64xf32, #tpu.memory_space<hbm>>
      %dma_wait3A_329 = tpu.memref_squeeze %dma_wait3A_328 : memref<1x128x64xf32, #tpu.memory_space<hbm>> -> memref<128x64xf32, #tpu.memory_space<hbm>>
      tpu.wait_dma2 semaphore(%run_scoped3A_319 : memref<!tpu.dma_semaphore, #tpu.memory_space<semaphore_mem>>) src(%dma_wait3A_329 : memref<128x64xf32, #tpu.memory_space<hbm>>) dst(%arg13 : memref<128x64xf32, #tpu.memory_space<vmem>>)
      tpu.yield
    }) : () -> ()
    %scan3A_179 = arith.constant 5.000000e-01 : f32
    %scan3A_180 = arith.constant 0 : i32
    %scan3A_181 = arith.constant 128 : i32
    %scan3A_182 = arith.addi %scan3A_180, %scan3A_181 : i32
    %scan3A_183 = arith.constant 1 : i32
    scf.for %scan3A_319 = %scan3A_180 to %scan3A_182 step %scan3A_183  : i32 {
      %add3A_320 = arith.addi %add3A_177, %scan3A_319 : i32
      %broadcast_in_dim3A_321 = vector.broadcast %add3A_320 : i32 to vector<16xi32>
      %gather3A = tpu.vector_load_idx %arg11[%broadcast_in_dim3A_321] : memref<10240xf32, #tpu.memory_space<vmem>>[vector<16xi32>], vector<16xf32>,
      %mul3A_322 = arith.mulf %gather3A, %gather3A : vector<16xf32>
      %mul3A_323 = vector.broadcast %scan3A_179 : f32 to vector<16xf32>
      %mul3A_324 = arith.mulf %mul3A_322, %mul3A_323 : vector<16xf32>
      %get3A = arith.index_cast %scan3A_319 : i32 to index
      %get3A_325 = arith.constant 0 : index
      %get3A_326 = tpu.vector_load %arg13[%get3A, %get3A_325] {strides = array<i32>} : memref<128x64xf32, #tpu.memory_space<vmem>>, vector<16xf32>,
      %mul3A_327 = arith.mulf %get3A_326, %mul3A_324 : vector<16xf32>
      %swap3A = arith.index_cast %scan3A_319 : i32 to index
      %swap3A_328 = arith.constant 0 : index
      %swap3A_329 = tpu.vector_load %arg13[%swap3A, %swap3A_328] {strides = array<i32>} : memref<128x64xf32, #tpu.memory_space<vmem>>, vector<16xf32>,
      tpu.vector_store %arg13[%swap3A, %swap3A_328], %mul3A_327 {strides = array<i32>} : memref<128x64xf32, #tpu.memory_space<vmem>>, vector<16xf32>,
      %get3A_330 = arith.index_cast %scan3A_319 : i32 to index
      %get3A_331 = arith.constant 16 : index
      %get3A_332 = tpu.vector_load %arg13[%get3A_330, %get3A_331] {strides = array<i32>} : memref<128x64xf32, #tpu.memory_space<vmem>>, vector<16xf32>,
      %mul3A_333 = arith.mulf %get3A_332, %mul3A_324 : vector<16xf32>
      %swap3A_334 = arith.index_cast %scan3A_319 : i32 to index
      %swap3A_335 = arith.constant 16 : index
      %swap3A_336 = tpu.vector_load %arg13[%swap3A_334, %swap3A_335] {strides = array<i32>} : memref<128x64xf32, #tpu.memory_space<vmem>>, vector<16xf32>,
      tpu.vector_store %arg13[%swap3A_334, %swap3A_335], %mul3A_333 {strides = array<i32>} : memref<128x64xf32, #tpu.memory_space<vmem>>, vector<16xf32>,
      %get3A_337 = arith.index_cast %scan3A_319 : i32 to index
      %get3A_338 = arith.constant 32 : index
      %get3A_339 = tpu.vector_load %arg13[%get3A_337, %get3A_338] {strides = array<i32>} : memref<128x64xf32, #tpu.memory_space<vmem>>, vector<16xf32>,
      %mul3A_340 = arith.mulf %get3A_339, %mul3A_324 : vector<16xf32>
      %swap3A_341 = arith.index_cast %scan3A_319 : i32 to index
      %swap3A_342 = arith.constant 32 : index
      %swap3A_343 = tpu.vector_load %arg13[%swap3A_341, %swap3A_342] {strides = array<i32>} : memref<128x64xf32, #tpu.memory_space<vmem>>, vector<16xf32>,
      tpu.vector_store %arg13[%swap3A_341, %swap3A_342], %mul3A_340 {strides = array<i32>} : memref<128x64xf32, #tpu.memory_space<vmem>>, vector<16xf32>,
      %get3A_344 = arith.index_cast %scan3A_319 : i32 to index
      %get3A_345 = arith.constant 48 : index
      %get3A_346 = tpu.vector_load %arg13[%get3A_344, %get3A_345] {strides = array<i32>} : memref<128x64xf32, #tpu.memory_space<vmem>>, vector<16xf32>,
      %mul3A_347 = arith.mulf %get3A_346, %mul3A_324 : vector<16xf32>
      %swap3A_348 = arith.index_cast %scan3A_319 : i32 to index
      %swap3A_349 = arith.constant 48 : index
      %swap3A_350 = tpu.vector_load %arg13[%swap3A_348, %swap3A_349] {strides = array<i32>} : memref<128x64xf32, #tpu.memory_space<vmem>>, vector<16xf32>,
      tpu.vector_store %arg13[%swap3A_348, %swap3A_349], %mul3A_347 {strides = array<i32>} : memref<128x64xf32, #tpu.memory_space<vmem>>, vector<16xf32>,
    }
    %scan3A_184 = arith.constant 128 : i32
    "tpu.region"() ({
      %run_scoped3A_319 = tpu.sem_alloc : memref<!tpu.dma_semaphore, #tpu.memory_space<semaphore_mem>>
      %dma_start3A = arith.constant 0 : i32
      %dma_start3A_320 = tpu.memref_slice %arg18[%add3A_177, %dma_start3A] : memref<10240x64xf32, #tpu.memory_space<vmem_shared>> -> memref<128x64xf32, #tpu.memory_space<vmem_shared>>
      %dma_start3A_321 = arith.constant 0 : i32
      %dma_start3A_322 = tpu.memref_slice %arg18[%add3A_177, %dma_start3A_321] : memref<10240x64xf32, #tpu.memory_space<vmem_shared>> -> memref<128x64xf32, #tpu.memory_space<vmem_shared>>
      tpu.enqueue_dma source(%arg13 : memref<128x64xf32, #tpu.memory_space<vmem>>) target(%dma_start3A_322 : memref<128x64xf32, #tpu.memory_space<vmem_shared>>) target_semaphore(%run_scoped3A_319 : memref<!tpu.dma_semaphore, #tpu.memory_space<semaphore_mem>>)
      %dma_wait3A = arith.constant 0 : i32
      %dma_wait3A_323 = tpu.memref_slice %arg18[%add3A_177, %dma_wait3A] : memref<10240x64xf32, #tpu.memory_space<vmem_shared>> -> memref<128x64xf32, #tpu.memory_space<vmem_shared>>
      %dma_wait3A_324 = arith.constant 0 : i32
      %dma_wait3A_325 = tpu.memref_slice %arg18[%add3A_177, %dma_wait3A_324] : memref<10240x64xf32, #tpu.memory_space<vmem_shared>> -> memref<128x64xf32, #tpu.memory_space<vmem_shared>>
      tpu.wait_dma2 semaphore(%run_scoped3A_319 : memref<!tpu.dma_semaphore, #tpu.memory_space<semaphore_mem>>) src(%arg13 : memref<128x64xf32, #tpu.memory_space<vmem>>) dst(%dma_wait3A_325 : memref<128x64xf32, #tpu.memory_space<vmem_shared>>)
      tpu.yield
    }) : () -> ()
    %add3A_185 = arith.constant 384 : i32
    %add3A_186 = arith.addi %mul3A_0, %add3A_185 : i32
    %run_scoped3A_187 = arith.constant 0 : i32
    "tpu.region"() ({
      %run_scoped3A_319 = tpu.sem_alloc : memref<!tpu.dma_semaphore, #tpu.memory_space<semaphore_mem>>
      %dma_start3A = arith.constant 0 : i32
      %dma_start3A_320 = tpu.memref_slice %arg5[%run_scoped3A_187, %add3A_186, %dma_start3A] : memref<2x10240x64xf32, #tpu.memory_space<hbm>> -> memref<1x128x64xf32, #tpu.memory_space<hbm>>
      %dma_start3A_321 = tpu.memref_squeeze %dma_start3A_320 : memref<1x128x64xf32, #tpu.memory_space<hbm>> -> memref<128x64xf32, #tpu.memory_space<hbm>>
      %dma_start3A_322 = arith.constant 0 : i32
      %dma_start3A_323 = tpu.memref_slice %arg5[%run_scoped3A_187, %add3A_186, %dma_start3A_322] : memref<2x10240x64xf32, #tpu.memory_space<hbm>> -> memref<1x128x64xf32, #tpu.memory_space<hbm>>
      %dma_start3A_324 = tpu.memref_squeeze %dma_start3A_323 : memref<1x128x64xf32, #tpu.memory_space<hbm>> -> memref<128x64xf32, #tpu.memory_space<hbm>>
      tpu.enqueue_dma source(%dma_start3A_324 : memref<128x64xf32, #tpu.memory_space<hbm>>) target(%arg13 : memref<128x64xf32, #tpu.memory_space<vmem>>) target_semaphore(%run_scoped3A_319 : memref<!tpu.dma_semaphore, #tpu.memory_space<semaphore_mem>>)
      %dma_wait3A = arith.constant 0 : i32
      %dma_wait3A_325 = tpu.memref_slice %arg5[%run_scoped3A_187, %add3A_186, %dma_wait3A] : memref<2x10240x64xf32, #tpu.memory_space<hbm>> -> memref<1x128x64xf32, #tpu.memory_space<hbm>>
      %dma_wait3A_326 = tpu.memref_squeeze %dma_wait3A_325 : memref<1x128x64xf32, #tpu.memory_space<hbm>> -> memref<128x64xf32, #tpu.memory_space<hbm>>
      %dma_wait3A_327 = arith.constant 0 : i32
      %dma_wait3A_328 = tpu.memref_slice %arg5[%run_scoped3A_187, %add3A_186, %dma_wait3A_327] : memref<2x10240x64xf32, #tpu.memory_space<hbm>> -> memref<1x128x64xf32, #tpu.memory_space<hbm>>
      %dma_wait3A_329 = tpu.memref_squeeze %dma_wait3A_328 : memref<1x128x64xf32, #tpu.memory_space<hbm>> -> memref<128x64xf32, #tpu.memory_space<hbm>>
      tpu.wait_dma2 semaphore(%run_scoped3A_319 : memref<!tpu.dma_semaphore, #tpu.memory_space<semaphore_mem>>) src(%dma_wait3A_329 : memref<128x64xf32, #tpu.memory_space<hbm>>) dst(%arg13 : memref<128x64xf32, #tpu.memory_space<vmem>>)
      tpu.yield
    }) : () -> ()
    %scan3A_188 = arith.constant 5.000000e-01 : f32
    %scan3A_189 = arith.constant 0 : i32
    %scan3A_190 = arith.constant 128 : i32
    %scan3A_191 = arith.addi %scan3A_189, %scan3A_190 : i32
    %scan3A_192 = arith.constant 1 : i32
    scf.for %scan3A_319 = %scan3A_189 to %scan3A_191 step %scan3A_192  : i32 {
      %add3A_320 = arith.addi %add3A_186, %scan3A_319 : i32
      %broadcast_in_dim3A_321 = vector.broadcast %add3A_320 : i32 to vector<16xi32>
      %gather3A = tpu.vector_load_idx %arg11[%broadcast_in_dim3A_321] : memref<10240xf32, #tpu.memory_space<vmem>>[vector<16xi32>], vector<16xf32>,
      %mul3A_322 = arith.mulf %gather3A, %gather3A : vector<16xf32>
      %mul3A_323 = vector.broadcast %scan3A_188 : f32 to vector<16xf32>
      %mul3A_324 = arith.mulf %mul3A_322, %mul3A_323 : vector<16xf32>
      %get3A = arith.index_cast %scan3A_319 : i32 to index
      %get3A_325 = arith.constant 0 : index
      %get3A_326 = tpu.vector_load %arg13[%get3A, %get3A_325] {strides = array<i32>} : memref<128x64xf32, #tpu.memory_space<vmem>>, vector<16xf32>,
      %mul3A_327 = arith.mulf %get3A_326, %mul3A_324 : vector<16xf32>
      %swap3A = arith.index_cast %scan3A_319 : i32 to index
      %swap3A_328 = arith.constant 0 : index
      %swap3A_329 = tpu.vector_load %arg13[%swap3A, %swap3A_328] {strides = array<i32>} : memref<128x64xf32, #tpu.memory_space<vmem>>, vector<16xf32>,
      tpu.vector_store %arg13[%swap3A, %swap3A_328], %mul3A_327 {strides = array<i32>} : memref<128x64xf32, #tpu.memory_space<vmem>>, vector<16xf32>,
      %get3A_330 = arith.index_cast %scan3A_319 : i32 to index
      %get3A_331 = arith.constant 16 : index
      %get3A_332 = tpu.vector_load %arg13[%get3A_330, %get3A_331] {strides = array<i32>} : memref<128x64xf32, #tpu.memory_space<vmem>>, vector<16xf32>,
      %mul3A_333 = arith.mulf %get3A_332, %mul3A_324 : vector<16xf32>
      %swap3A_334 = arith.index_cast %scan3A_319 : i32 to index
      %swap3A_335 = arith.constant 16 : index
      %swap3A_336 = tpu.vector_load %arg13[%swap3A_334, %swap3A_335] {strides = array<i32>} : memref<128x64xf32, #tpu.memory_space<vmem>>, vector<16xf32>,
      tpu.vector_store %arg13[%swap3A_334, %swap3A_335], %mul3A_333 {strides = array<i32>} : memref<128x64xf32, #tpu.memory_space<vmem>>, vector<16xf32>,
      %get3A_337 = arith.index_cast %scan3A_319 : i32 to index
      %get3A_338 = arith.constant 32 : index
      %get3A_339 = tpu.vector_load %arg13[%get3A_337, %get3A_338] {strides = array<i32>} : memref<128x64xf32, #tpu.memory_space<vmem>>, vector<16xf32>,
      %mul3A_340 = arith.mulf %get3A_339, %mul3A_324 : vector<16xf32>
      %swap3A_341 = arith.index_cast %scan3A_319 : i32 to index
      %swap3A_342 = arith.constant 32 : index
      %swap3A_343 = tpu.vector_load %arg13[%swap3A_341, %swap3A_342] {strides = array<i32>} : memref<128x64xf32, #tpu.memory_space<vmem>>, vector<16xf32>,
      tpu.vector_store %arg13[%swap3A_341, %swap3A_342], %mul3A_340 {strides = array<i32>} : memref<128x64xf32, #tpu.memory_space<vmem>>, vector<16xf32>,
      %get3A_344 = arith.index_cast %scan3A_319 : i32 to index
      %get3A_345 = arith.constant 48 : index
      %get3A_346 = tpu.vector_load %arg13[%get3A_344, %get3A_345] {strides = array<i32>} : memref<128x64xf32, #tpu.memory_space<vmem>>, vector<16xf32>,
      %mul3A_347 = arith.mulf %get3A_346, %mul3A_324 : vector<16xf32>
      %swap3A_348 = arith.index_cast %scan3A_319 : i32 to index
      %swap3A_349 = arith.constant 48 : index
      %swap3A_350 = tpu.vector_load %arg13[%swap3A_348, %swap3A_349] {strides = array<i32>} : memref<128x64xf32, #tpu.memory_space<vmem>>, vector<16xf32>,
      tpu.vector_store %arg13[%swap3A_348, %swap3A_349], %mul3A_347 {strides = array<i32>} : memref<128x64xf32, #tpu.memory_space<vmem>>, vector<16xf32>,
    }
    %scan3A_193 = arith.constant 128 : i32
    "tpu.region"() ({
      %run_scoped3A_319 = tpu.sem_alloc : memref<!tpu.dma_semaphore, #tpu.memory_space<semaphore_mem>>
      %dma_start3A = arith.constant 0 : i32
      %dma_start3A_320 = tpu.memref_slice %arg18[%add3A_186, %dma_start3A] : memref<10240x64xf32, #tpu.memory_space<vmem_shared>> -> memref<128x64xf32, #tpu.memory_space<vmem_shared>>
      %dma_start3A_321 = arith.constant 0 : i32
      %dma_start3A_322 = tpu.memref_slice %arg18[%add3A_186, %dma_start3A_321] : memref<10240x64xf32, #tpu.memory_space<vmem_shared>> -> memref<128x64xf32, #tpu.memory_space<vmem_shared>>
      tpu.enqueue_dma source(%arg13 : memref<128x64xf32, #tpu.memory_space<vmem>>) target(%dma_start3A_322 : memref<128x64xf32, #tpu.memory_space<vmem_shared>>) target_semaphore(%run_scoped3A_319 : memref<!tpu.dma_semaphore, #tpu.memory_space<semaphore_mem>>)
      %dma_wait3A = arith.constant 0 : i32
      %dma_wait3A_323 = tpu.memref_slice %arg18[%add3A_186, %dma_wait3A] : memref<10240x64xf32, #tpu.memory_space<vmem_shared>> -> memref<128x64xf32, #tpu.memory_space<vmem_shared>>
      %dma_wait3A_324 = arith.constant 0 : i32
      %dma_wait3A_325 = tpu.memref_slice %arg18[%add3A_186, %dma_wait3A_324] : memref<10240x64xf32, #tpu.memory_space<vmem_shared>> -> memref<128x64xf32, #tpu.memory_space<vmem_shared>>
      tpu.wait_dma2 semaphore(%run_scoped3A_319 : memref<!tpu.dma_semaphore, #tpu.memory_space<semaphore_mem>>) src(%arg13 : memref<128x64xf32, #tpu.memory_space<vmem>>) dst(%dma_wait3A_325 : memref<128x64xf32, #tpu.memory_space<vmem_shared>>)
      tpu.yield
    }) : () -> ()
    %add3A_194 = arith.constant 512 : i32
    %add3A_195 = arith.addi %mul3A_0, %add3A_194 : i32
    %run_scoped3A_196 = arith.constant 0 : i32
    "tpu.region"() ({
      %run_scoped3A_319 = tpu.sem_alloc : memref<!tpu.dma_semaphore, #tpu.memory_space<semaphore_mem>>
      %dma_start3A = arith.constant 0 : i32
      %dma_start3A_320 = tpu.memref_slice %arg5[%run_scoped3A_196, %add3A_195, %dma_start3A] : memref<2x10240x64xf32, #tpu.memory_space<hbm>> -> memref<1x128x64xf32, #tpu.memory_space<hbm>>
      %dma_start3A_321 = tpu.memref_squeeze %dma_start3A_320 : memref<1x128x64xf32, #tpu.memory_space<hbm>> -> memref<128x64xf32, #tpu.memory_space<hbm>>
      %dma_start3A_322 = arith.constant 0 : i32
      %dma_start3A_323 = tpu.memref_slice %arg5[%run_scoped3A_196, %add3A_195, %dma_start3A_322] : memref<2x10240x64xf32, #tpu.memory_space<hbm>> -> memref<1x128x64xf32, #tpu.memory_space<hbm>>
      %dma_start3A_324 = tpu.memref_squeeze %dma_start3A_323 : memref<1x128x64xf32, #tpu.memory_space<hbm>> -> memref<128x64xf32, #tpu.memory_space<hbm>>
      tpu.enqueue_dma source(%dma_start3A_324 : memref<128x64xf32, #tpu.memory_space<hbm>>) target(%arg13 : memref<128x64xf32, #tpu.memory_space<vmem>>) target_semaphore(%run_scoped3A_319 : memref<!tpu.dma_semaphore, #tpu.memory_space<semaphore_mem>>)
      %dma_wait3A = arith.constant 0 : i32
      %dma_wait3A_325 = tpu.memref_slice %arg5[%run_scoped3A_196, %add3A_195, %dma_wait3A] : memref<2x10240x64xf32, #tpu.memory_space<hbm>> -> memref<1x128x64xf32, #tpu.memory_space<hbm>>
      %dma_wait3A_326 = tpu.memref_squeeze %dma_wait3A_325 : memref<1x128x64xf32, #tpu.memory_space<hbm>> -> memref<128x64xf32, #tpu.memory_space<hbm>>
      %dma_wait3A_327 = arith.constant 0 : i32
      %dma_wait3A_328 = tpu.memref_slice %arg5[%run_scoped3A_196, %add3A_195, %dma_wait3A_327] : memref<2x10240x64xf32, #tpu.memory_space<hbm>> -> memref<1x128x64xf32, #tpu.memory_space<hbm>>
      %dma_wait3A_329 = tpu.memref_squeeze %dma_wait3A_328 : memref<1x128x64xf32, #tpu.memory_space<hbm>> -> memref<128x64xf32, #tpu.memory_space<hbm>>
      tpu.wait_dma2 semaphore(%run_scoped3A_319 : memref<!tpu.dma_semaphore, #tpu.memory_space<semaphore_mem>>) src(%dma_wait3A_329 : memref<128x64xf32, #tpu.memory_space<hbm>>) dst(%arg13 : memref<128x64xf32, #tpu.memory_space<vmem>>)
      tpu.yield
    }) : () -> ()
    %scan3A_197 = arith.constant 5.000000e-01 : f32
    %scan3A_198 = arith.constant 0 : i32
    %scan3A_199 = arith.constant 128 : i32
    %scan3A_200 = arith.addi %scan3A_198, %scan3A_199 : i32
    %scan3A_201 = arith.constant 1 : i32
    scf.for %scan3A_319 = %scan3A_198 to %scan3A_200 step %scan3A_201  : i32 {
      %add3A_320 = arith.addi %add3A_195, %scan3A_319 : i32
      %broadcast_in_dim3A_321 = vector.broadcast %add3A_320 : i32 to vector<16xi32>
      %gather3A = tpu.vector_load_idx %arg11[%broadcast_in_dim3A_321] : memref<10240xf32, #tpu.memory_space<vmem>>[vector<16xi32>], vector<16xf32>,
      %mul3A_322 = arith.mulf %gather3A, %gather3A : vector<16xf32>
      %mul3A_323 = vector.broadcast %scan3A_197 : f32 to vector<16xf32>
      %mul3A_324 = arith.mulf %mul3A_322, %mul3A_323 : vector<16xf32>
      %get3A = arith.index_cast %scan3A_319 : i32 to index
      %get3A_325 = arith.constant 0 : index
      %get3A_326 = tpu.vector_load %arg13[%get3A, %get3A_325] {strides = array<i32>} : memref<128x64xf32, #tpu.memory_space<vmem>>, vector<16xf32>,
      %mul3A_327 = arith.mulf %get3A_326, %mul3A_324 : vector<16xf32>
      %swap3A = arith.index_cast %scan3A_319 : i32 to index
      %swap3A_328 = arith.constant 0 : index
      %swap3A_329 = tpu.vector_load %arg13[%swap3A, %swap3A_328] {strides = array<i32>} : memref<128x64xf32, #tpu.memory_space<vmem>>, vector<16xf32>,
      tpu.vector_store %arg13[%swap3A, %swap3A_328], %mul3A_327 {strides = array<i32>} : memref<128x64xf32, #tpu.memory_space<vmem>>, vector<16xf32>,
      %get3A_330 = arith.index_cast %scan3A_319 : i32 to index
      %get3A_331 = arith.constant 16 : index
      %get3A_332 = tpu.vector_load %arg13[%get3A_330, %get3A_331] {strides = array<i32>} : memref<128x64xf32, #tpu.memory_space<vmem>>, vector<16xf32>,
      %mul3A_333 = arith.mulf %get3A_332, %mul3A_324 : vector<16xf32>
      %swap3A_334 = arith.index_cast %scan3A_319 : i32 to index
      %swap3A_335 = arith.constant 16 : index
      %swap3A_336 = tpu.vector_load %arg13[%swap3A_334, %swap3A_335] {strides = array<i32>} : memref<128x64xf32, #tpu.memory_space<vmem>>, vector<16xf32>,
      tpu.vector_store %arg13[%swap3A_334, %swap3A_335], %mul3A_333 {strides = array<i32>} : memref<128x64xf32, #tpu.memory_space<vmem>>, vector<16xf32>,
      %get3A_337 = arith.index_cast %scan3A_319 : i32 to index
      %get3A_338 = arith.constant 32 : index
      %get3A_339 = tpu.vector_load %arg13[%get3A_337, %get3A_338] {strides = array<i32>} : memref<128x64xf32, #tpu.memory_space<vmem>>, vector<16xf32>,
      %mul3A_340 = arith.mulf %get3A_339, %mul3A_324 : vector<16xf32>
      %swap3A_341 = arith.index_cast %scan3A_319 : i32 to index
      %swap3A_342 = arith.constant 32 : index
      %swap3A_343 = tpu.vector_load %arg13[%swap3A_341, %swap3A_342] {strides = array<i32>} : memref<128x64xf32, #tpu.memory_space<vmem>>, vector<16xf32>,
      tpu.vector_store %arg13[%swap3A_341, %swap3A_342], %mul3A_340 {strides = array<i32>} : memref<128x64xf32, #tpu.memory_space<vmem>>, vector<16xf32>,
      %get3A_344 = arith.index_cast %scan3A_319 : i32 to index
      %get3A_345 = arith.constant 48 : index
      %get3A_346 = tpu.vector_load %arg13[%get3A_344, %get3A_345] {strides = array<i32>} : memref<128x64xf32, #tpu.memory_space<vmem>>, vector<16xf32>,
      %mul3A_347 = arith.mulf %get3A_346, %mul3A_324 : vector<16xf32>
      %swap3A_348 = arith.index_cast %scan3A_319 : i32 to index
      %swap3A_349 = arith.constant 48 : index
      %swap3A_350 = tpu.vector_load %arg13[%swap3A_348, %swap3A_349] {strides = array<i32>} : memref<128x64xf32, #tpu.memory_space<vmem>>, vector<16xf32>,
      tpu.vector_store %arg13[%swap3A_348, %swap3A_349], %mul3A_347 {strides = array<i32>} : memref<128x64xf32, #tpu.memory_space<vmem>>, vector<16xf32>,
    }
    %scan3A_202 = arith.constant 128 : i32
    "tpu.region"() ({
      %run_scoped3A_319 = tpu.sem_alloc : memref<!tpu.dma_semaphore, #tpu.memory_space<semaphore_mem>>
      %dma_start3A = arith.constant 0 : i32
      %dma_start3A_320 = tpu.memref_slice %arg18[%add3A_195, %dma_start3A] : memref<10240x64xf32, #tpu.memory_space<vmem_shared>> -> memref<128x64xf32, #tpu.memory_space<vmem_shared>>
      %dma_start3A_321 = arith.constant 0 : i32
      %dma_start3A_322 = tpu.memref_slice %arg18[%add3A_195, %dma_start3A_321] : memref<10240x64xf32, #tpu.memory_space<vmem_shared>> -> memref<128x64xf32, #tpu.memory_space<vmem_shared>>
      tpu.enqueue_dma source(%arg13 : memref<128x64xf32, #tpu.memory_space<vmem>>) target(%dma_start3A_322 : memref<128x64xf32, #tpu.memory_space<vmem_shared>>) target_semaphore(%run_scoped3A_319 : memref<!tpu.dma_semaphore, #tpu.memory_space<semaphore_mem>>)
      %dma_wait3A = arith.constant 0 : i32
      %dma_wait3A_323 = tpu.memref_slice %arg18[%add3A_195, %dma_wait3A] : memref<10240x64xf32, #tpu.memory_space<vmem_shared>> -> memref<128x64xf32, #tpu.memory_space<vmem_shared>>
      %dma_wait3A_324 = arith.constant 0 : i32
      %dma_wait3A_325 = tpu.memref_slice %arg18[%add3A_195, %dma_wait3A_324] : memref<10240x64xf32, #tpu.memory_space<vmem_shared>> -> memref<128x64xf32, #tpu.memory_space<vmem_shared>>
      tpu.wait_dma2 semaphore(%run_scoped3A_319 : memref<!tpu.dma_semaphore, #tpu.memory_space<semaphore_mem>>) src(%arg13 : memref<128x64xf32, #tpu.memory_space<vmem>>) dst(%dma_wait3A_325 : memref<128x64xf32, #tpu.memory_space<vmem_shared>>)
      tpu.yield
    }) : () -> ()
    %barrier3A_203 = arith.constant 0 : index
    tpu.barrier barrier_id(%barrier3A_203)
    %add3A_204 = arith.constant 0 : i32
    %add3A_205 = arith.addi %select_n3A, %add3A_204 : i32
    %sub3A = arith.constant 0 : i32
    %sub3A_206 = arith.subi %select_n3A_157, %sub3A : i32
    %jit3A_207 = arith.constant 0 : i32
    %jit3A_208 = arith.constant 56 : i32
    %max3A = arith.maxsi %jit3A_207, %sub3A_206 : i32
    %min3A = arith.minsi %jit3A_208, %max3A : i32
    "tpu.region"() ({
      %run_scoped3A_319 = tpu.sem_alloc : memref<!tpu.dma_semaphore, #tpu.memory_space<semaphore_mem>>
      %dma_start3A = arith.constant 0 : i32
      %dma_start3A_320 = tpu.memref_slice %arg2[%add3A_205, %dma_start3A] : memref<2616x128xi32, #tpu.memory_space<hbm>> -> memref<56x128xi32, #tpu.memory_space<hbm>>
      %dma_start3A_321 = arith.constant 0 : i32
      %dma_start3A_322 = tpu.memref_slice %arg2[%add3A_205, %dma_start3A_321] : memref<2616x128xi32, #tpu.memory_space<hbm>> -> memref<56x128xi32, #tpu.memory_space<hbm>>
      tpu.enqueue_dma source(%dma_start3A_322 : memref<56x128xi32, #tpu.memory_space<hbm>>) target(%arg7 : memref<56x128xi32, #tpu.memory_space<vmem>>) target_semaphore(%run_scoped3A_319 : memref<!tpu.dma_semaphore, #tpu.memory_space<semaphore_mem>>)
      %dma_wait3A = arith.constant 0 : i32
      %dma_wait3A_323 = tpu.memref_slice %arg2[%add3A_205, %dma_wait3A] : memref<2616x128xi32, #tpu.memory_space<hbm>> -> memref<56x128xi32, #tpu.memory_space<hbm>>
      %dma_wait3A_324 = arith.constant 0 : i32
      %dma_wait3A_325 = tpu.memref_slice %arg2[%add3A_205, %dma_wait3A_324] : memref<2616x128xi32, #tpu.memory_space<hbm>> -> memref<56x128xi32, #tpu.memory_space<hbm>>
      tpu.wait_dma2 semaphore(%run_scoped3A_319 : memref<!tpu.dma_semaphore, #tpu.memory_space<semaphore_mem>>) src(%dma_wait3A_325 : memref<56x128xi32, #tpu.memory_space<hbm>>) dst(%arg7 : memref<56x128xi32, #tpu.memory_space<vmem>>)
      tpu.yield
    }) : () -> ()
    "tpu.region"() ({
      %run_scoped3A_319 = tpu.sem_alloc : memref<!tpu.dma_semaphore, #tpu.memory_space<semaphore_mem>>
      %dma_start3A = arith.constant 0 : i32
      %dma_start3A_320 = tpu.memref_slice %arg3[%add3A_205, %dma_start3A] : memref<2616x128xi32, #tpu.memory_space<hbm>> -> memref<56x128xi32, #tpu.memory_space<hbm>>
      %dma_start3A_321 = arith.constant 0 : i32
      %dma_start3A_322 = tpu.memref_slice %arg3[%add3A_205, %dma_start3A_321] : memref<2616x128xi32, #tpu.memory_space<hbm>> -> memref<56x128xi32, #tpu.memory_space<hbm>>
      tpu.enqueue_dma source(%dma_start3A_322 : memref<56x128xi32, #tpu.memory_space<hbm>>) target(%arg8 : memref<56x128xi32, #tpu.memory_space<vmem>>) target_semaphore(%run_scoped3A_319 : memref<!tpu.dma_semaphore, #tpu.memory_space<semaphore_mem>>)
      %dma_wait3A = arith.constant 0 : i32
      %dma_wait3A_323 = tpu.memref_slice %arg3[%add3A_205, %dma_wait3A] : memref<2616x128xi32, #tpu.memory_space<hbm>> -> memref<56x128xi32, #tpu.memory_space<hbm>>
      %dma_wait3A_324 = arith.constant 0 : i32
      %dma_wait3A_325 = tpu.memref_slice %arg3[%add3A_205, %dma_wait3A_324] : memref<2616x128xi32, #tpu.memory_space<hbm>> -> memref<56x128xi32, #tpu.memory_space<hbm>>
      tpu.wait_dma2 semaphore(%run_scoped3A_319 : memref<!tpu.dma_semaphore, #tpu.memory_space<semaphore_mem>>) src(%dma_wait3A_325 : memref<56x128xi32, #tpu.memory_space<hbm>>) dst(%arg8 : memref<56x128xi32, #tpu.memory_space<vmem>>)
      tpu.yield
    }) : () -> ()
    "tpu.region"() ({
      %run_scoped3A_319 = tpu.sem_alloc : memref<!tpu.dma_semaphore, #tpu.memory_space<semaphore_mem>>
      %dma_start3A = arith.constant 0 : i32
      %dma_start3A_320 = tpu.memref_slice %arg4[%add3A_205, %dma_start3A] : memref<2616x128xf32, #tpu.memory_space<hbm>> -> memref<56x128xf32, #tpu.memory_space<hbm>>
      %dma_start3A_321 = arith.constant 0 : i32
      %dma_start3A_322 = tpu.memref_slice %arg4[%add3A_205, %dma_start3A_321] : memref<2616x128xf32, #tpu.memory_space<hbm>> -> memref<56x128xf32, #tpu.memory_space<hbm>>
      tpu.enqueue_dma source(%dma_start3A_322 : memref<56x128xf32, #tpu.memory_space<hbm>>) target(%arg9 : memref<56x128xf32, #tpu.memory_space<vmem>>) target_semaphore(%run_scoped3A_319 : memref<!tpu.dma_semaphore, #tpu.memory_space<semaphore_mem>>)
      %dma_wait3A = arith.constant 0 : i32
      %dma_wait3A_323 = tpu.memref_slice %arg4[%add3A_205, %dma_wait3A] : memref<2616x128xf32, #tpu.memory_space<hbm>> -> memref<56x128xf32, #tpu.memory_space<hbm>>
      %dma_wait3A_324 = arith.constant 0 : i32
      %dma_wait3A_325 = tpu.memref_slice %arg4[%add3A_205, %dma_wait3A_324] : memref<2616x128xf32, #tpu.memory_space<hbm>> -> memref<56x128xf32, #tpu.memory_space<hbm>>
      tpu.wait_dma2 semaphore(%run_scoped3A_319 : memref<!tpu.dma_semaphore, #tpu.memory_space<semaphore_mem>>) src(%dma_wait3A_325 : memref<56x128xf32, #tpu.memory_space<hbm>>) dst(%arg9 : memref<56x128xf32, #tpu.memory_space<vmem>>)
      tpu.yield
    }) : () -> ()
    %while3A = arith.constant 0 : i32
    %while3A_209 = arith.subi %min3A, %while3A : i32
    %while3A_210 = arith.addi %while3A, %while3A_209 : i32
    %while3A_211 = arith.constant 1 : i32
    %while3A_212 = arith.divsi %while3A_209, %while3A_211 : i32
    %while3A_213 = arith.muli %while3A_212, %while3A_211 : i32
    %while3A_214 = arith.addi %while3A, %while3A_213 : i32
    %while3A_215 = arith.constant 1 : i32
    scf.for %while3A_319 = %while3A to %while3A_214 step %while3A_215  : i32 {
      %dma_start3A = arith.constant 0 : i32
      %dma_start3A_320 = arith.constant 0 : i32
      %dma_start3A_321 = tpu.memref_slice %arg7[%while3A_319, %dma_start3A_320] : memref<56x128xi32, #tpu.memory_space<vmem>> -> memref<1x128xi32, #tpu.memory_space<vmem>>
      %dma_start3A_322 = tpu.memref_squeeze %dma_start3A_321 : memref<1x128xi32, #tpu.memory_space<vmem>> -> memref<128xi32, #tpu.memory_space<vmem>>
      %dma_start3A_323 = arith.constant 0 : i32
      %dma_start3A_324 = arith.constant 0 : i32
      %dma_start3A_325 = tpu.memref_slice %arg5[%dma_start3A, %dma_start3A_323, %dma_start3A_324] : memref<2x10240x64xf32, #tpu.memory_space<hbm>> -> memref<1x10240x64xf32, #tpu.memory_space<hbm>>
      %dma_start3A_326 = tpu.memref_squeeze %dma_start3A_325 : memref<1x10240x64xf32, #tpu.memory_space<hbm>> -> memref<10240x64xf32, #tpu.memory_space<hbm>>
      %dma_start3A_327 = arith.constant 0 : i32
      %dma_start3A_328 = arith.constant 0 : i32
      %dma_start3A_329 = tpu.memref_slice %dma_start3A_326[%dma_start3A_327, %dma_start3A_328] : memref<10240x64xf32, #tpu.memory_space<hbm>> -> memref<10240x64xf32, #tpu.memory_space<hbm>>
      tpu.enqueue_indirect_dma source(%dma_start3A_329 : memref<10240x64xf32, #tpu.memory_space<hbm>>) target(%arg13 : memref<128x64xf32, #tpu.memory_space<vmem>>) offsets(%dma_start3A_322 : memref<128xi32, #tpu.memory_space<vmem>>) semaphore(%arg19 : memref<!tpu.dma_semaphore, #tpu.memory_space<semaphore_mem>>)
      %add3A_330 = arith.constant 0 : i32
      %add3A_331 = arith.addi %add3A_330, %while3A_319 : i32
      %mul3A_332 = arith.constant 128 : i32
      %mul3A_333 = arith.muli %add3A_331, %mul3A_332 : i32
      %get3A = arith.index_cast %while3A_319 : i32 to index
      %get3A_334 = arith.constant 0 : index
      %get3A_335 = tpu.vector_load %arg7[%get3A, %get3A_334] {strides = array<i32>} : memref<56x128xi32, #tpu.memory_space<vmem>>, vector<16xi32>,
      %get3A_336 = arith.index_cast %while3A_319 : i32 to index
      %get3A_337 = arith.constant 0 : index
      %get3A_338 = tpu.vector_load %arg8[%get3A_336, %get3A_337] {strides = array<i32>} : memref<56x128xi32, #tpu.memory_space<vmem>>, vector<16xi32>,
      %get3A_339 = arith.index_cast %while3A_319 : i32 to index
      %get3A_340 = arith.constant 0 : index
      %get3A_341 = tpu.vector_load %arg9[%get3A_339, %get3A_340] {strides = array<i32>} : memref<56x128xf32, #tpu.memory_space<vmem>>, vector<16xf32>,
      %ne3A = arith.cmpi ne, %get3A_335, %get3A_338 : vector<16xi32>
      %jit3A_342 = arith.constant 0.000000e+00 : f32
      %broadcast_in_dim3A_343 = vector.broadcast %jit3A_342 : f32 to vector<16xf32>
      %select_n3A_344 = arith.select %ne3A, %get3A_341, %broadcast_in_dim3A_343 : vector<16xi1>, vector<16xf32>
      %gather3A = tpu.vector_load_idx %arg11[%get3A_335] : memref<10240xf32, #tpu.memory_space<vmem>>[vector<16xi32>], vector<16xf32>,
      %mul3A_345 = arith.mulf %gather3A, %select_n3A_344 : vector<16xf32>
      %gather3A_346 = tpu.vector_load_idx %arg11[%get3A_338] : memref<10240xf32, #tpu.memory_space<vmem>>[vector<16xi32>], vector<16xf32>,
      %mul3A_347 = arith.mulf %mul3A_345, %gather3A_346 : vector<16xf32>
      %add3A_348 = arith.constant 0 : i32
      %add3A_349 = arith.addi %mul3A_333, %add3A_348 : i32
      %swap3A = arith.index_cast %add3A_349 : i32 to index
      %swap3A_350 = tpu.vector_load %arg12[%swap3A] {strides = array<i32>} : memref<14336xf32, #tpu.memory_space<vmem>>, vector<16xf32>,
      tpu.vector_store %arg12[%swap3A], %mul3A_347 {strides = array<i32>} : memref<14336xf32, #tpu.memory_space<vmem>>, vector<16xf32>,
      %get3A_351 = arith.index_cast %while3A_319 : i32 to index
      %get3A_352 = arith.constant 16 : index
      %get3A_353 = tpu.vector_load %arg7[%get3A_351, %get3A_352] {strides = array<i32>} : memref<56x128xi32, #tpu.memory_space<vmem>>, vector<16xi32>,
      %get3A_354 = arith.index_cast %while3A_319 : i32 to index
      %get3A_355 = arith.constant 16 : index
      %get3A_356 = tpu.vector_load %arg8[%get3A_354, %get3A_355] {strides = array<i32>} : memref<56x128xi32, #tpu.memory_space<vmem>>, vector<16xi32>,
      %get3A_357 = arith.index_cast %while3A_319 : i32 to index
      %get3A_358 = arith.constant 16 : index
      %get3A_359 = tpu.vector_load %arg9[%get3A_357, %get3A_358] {strides = array<i32>} : memref<56x128xf32, #tpu.memory_space<vmem>>, vector<16xf32>,
      %ne3A_360 = arith.cmpi ne, %get3A_353, %get3A_356 : vector<16xi32>
      %jit3A_361 = arith.constant 0.000000e+00 : f32
      %broadcast_in_dim3A_362 = vector.broadcast %jit3A_361 : f32 to vector<16xf32>
      %select_n3A_363 = arith.select %ne3A_360, %get3A_359, %broadcast_in_dim3A_362 : vector<16xi1>, vector<16xf32>
      %gather3A_364 = tpu.vector_load_idx %arg11[%get3A_353] : memref<10240xf32, #tpu.memory_space<vmem>>[vector<16xi32>], vector<16xf32>,
      %mul3A_365 = arith.mulf %gather3A_364, %select_n3A_363 : vector<16xf32>
      %gather3A_366 = tpu.vector_load_idx %arg11[%get3A_356] : memref<10240xf32, #tpu.memory_space<vmem>>[vector<16xi32>], vector<16xf32>,
      %mul3A_367 = arith.mulf %mul3A_365, %gather3A_366 : vector<16xf32>
      %add3A_368 = arith.constant 16 : i32
      %add3A_369 = arith.addi %mul3A_333, %add3A_368 : i32
      %swap3A_370 = arith.index_cast %add3A_369 : i32 to index
      %swap3A_371 = tpu.vector_load %arg12[%swap3A_370] {strides = array<i32>} : memref<14336xf32, #tpu.memory_space<vmem>>, vector<16xf32>,
      tpu.vector_store %arg12[%swap3A_370], %mul3A_367 {strides = array<i32>} : memref<14336xf32, #tpu.memory_space<vmem>>, vector<16xf32>,
      %get3A_372 = arith.index_cast %while3A_319 : i32 to index
      %get3A_373 = arith.constant 32 : index
      %get3A_374 = tpu.vector_load %arg7[%get3A_372, %get3A_373] {strides = array<i32>} : memref<56x128xi32, #tpu.memory_space<vmem>>, vector<16xi32>,
      %get3A_375 = arith.index_cast %while3A_319 : i32 to index
      %get3A_376 = arith.constant 32 : index
      %get3A_377 = tpu.vector_load %arg8[%get3A_375, %get3A_376] {strides = array<i32>} : memref<56x128xi32, #tpu.memory_space<vmem>>, vector<16xi32>,
      %get3A_378 = arith.index_cast %while3A_319 : i32 to index
      %get3A_379 = arith.constant 32 : index
      %get3A_380 = tpu.vector_load %arg9[%get3A_378, %get3A_379] {strides = array<i32>} : memref<56x128xf32, #tpu.memory_space<vmem>>, vector<16xf32>,
      %ne3A_381 = arith.cmpi ne, %get3A_374, %get3A_377 : vector<16xi32>
      %jit3A_382 = arith.constant 0.000000e+00 : f32
      %broadcast_in_dim3A_383 = vector.broadcast %jit3A_382 : f32 to vector<16xf32>
      %select_n3A_384 = arith.select %ne3A_381, %get3A_380, %broadcast_in_dim3A_383 : vector<16xi1>, vector<16xf32>
      %gather3A_385 = tpu.vector_load_idx %arg11[%get3A_374] : memref<10240xf32, #tpu.memory_space<vmem>>[vector<16xi32>], vector<16xf32>,
      %mul3A_386 = arith.mulf %gather3A_385, %select_n3A_384 : vector<16xf32>
      %gather3A_387 = tpu.vector_load_idx %arg11[%get3A_377] : memref<10240xf32, #tpu.memory_space<vmem>>[vector<16xi32>], vector<16xf32>,
      %mul3A_388 = arith.mulf %mul3A_386, %gather3A_387 : vector<16xf32>
      %add3A_389 = arith.constant 32 : i32
      %add3A_390 = arith.addi %mul3A_333, %add3A_389 : i32
      %swap3A_391 = arith.index_cast %add3A_390 : i32 to index
      %swap3A_392 = tpu.vector_load %arg12[%swap3A_391] {strides = array<i32>} : memref<14336xf32, #tpu.memory_space<vmem>>, vector<16xf32>,
      tpu.vector_store %arg12[%swap3A_391], %mul3A_388 {strides = array<i32>} : memref<14336xf32, #tpu.memory_space<vmem>>, vector<16xf32>,
      %get3A_393 = arith.index_cast %while3A_319 : i32 to index
      %get3A_394 = arith.constant 48 : index
      %get3A_395 = tpu.vector_load %arg7[%get3A_393, %get3A_394] {strides = array<i32>} : memref<56x128xi32, #tpu.memory_space<vmem>>, vector<16xi32>,
      %get3A_396 = arith.index_cast %while3A_319 : i32 to index
      %get3A_397 = arith.constant 48 : index
      %get3A_398 = tpu.vector_load %arg8[%get3A_396, %get3A_397] {strides = array<i32>} : memref<56x128xi32, #tpu.memory_space<vmem>>, vector<16xi32>,
      %get3A_399 = arith.index_cast %while3A_319 : i32 to index
      %get3A_400 = arith.constant 48 : index
      %get3A_401 = tpu.vector_load %arg9[%get3A_399, %get3A_400] {strides = array<i32>} : memref<56x128xf32, #tpu.memory_space<vmem>>, vector<16xf32>,
      %ne3A_402 = arith.cmpi ne, %get3A_395, %get3A_398 : vector<16xi32>
      %jit3A_403 = arith.constant 0.000000e+00 : f32
      %broadcast_in_dim3A_404 = vector.broadcast %jit3A_403 : f32 to vector<16xf32>
      %select_n3A_405 = arith.select %ne3A_402, %get3A_401, %broadcast_in_dim3A_404 : vector<16xi1>, vector<16xf32>
      %gather3A_406 = tpu.vector_load_idx %arg11[%get3A_395] : memref<10240xf32, #tpu.memory_space<vmem>>[vector<16xi32>], vector<16xf32>,
      %mul3A_407 = arith.mulf %gather3A_406, %select_n3A_405 : vector<16xf32>
      %gather3A_408 = tpu.vector_load_idx %arg11[%get3A_398] : memref<10240xf32, #tpu.memory_space<vmem>>[vector<16xi32>], vector<16xf32>,
      %mul3A_409 = arith.mulf %mul3A_407, %gather3A_408 : vector<16xf32>
      %add3A_410 = arith.constant 48 : i32
      %add3A_411 = arith.addi %mul3A_333, %add3A_410 : i32
      %swap3A_412 = arith.index_cast %add3A_411 : i32 to index
      %swap3A_413 = tpu.vector_load %arg12[%swap3A_412] {strides = array<i32>} : memref<14336xf32, #tpu.memory_space<vmem>>, vector<16xf32>,
      tpu.vector_store %arg12[%swap3A_412], %mul3A_409 {strides = array<i32>} : memref<14336xf32, #tpu.memory_space<vmem>>, vector<16xf32>,
      %get3A_414 = arith.index_cast %while3A_319 : i32 to index
      %get3A_415 = arith.constant 64 : index
      %get3A_416 = tpu.vector_load %arg7[%get3A_414, %get3A_415] {strides = array<i32>} : memref<56x128xi32, #tpu.memory_space<vmem>>, vector<16xi32>,
      %get3A_417 = arith.index_cast %while3A_319 : i32 to index
      %get3A_418 = arith.constant 64 : index
      %get3A_419 = tpu.vector_load %arg8[%get3A_417, %get3A_418] {strides = array<i32>} : memref<56x128xi32, #tpu.memory_space<vmem>>, vector<16xi32>,
      %get3A_420 = arith.index_cast %while3A_319 : i32 to index
      %get3A_421 = arith.constant 64 : index
      %get3A_422 = tpu.vector_load %arg9[%get3A_420, %get3A_421] {strides = array<i32>} : memref<56x128xf32, #tpu.memory_space<vmem>>, vector<16xf32>,
      %ne3A_423 = arith.cmpi ne, %get3A_416, %get3A_419 : vector<16xi32>
      %jit3A_424 = arith.constant 0.000000e+00 : f32
      %broadcast_in_dim3A_425 = vector.broadcast %jit3A_424 : f32 to vector<16xf32>
      %select_n3A_426 = arith.select %ne3A_423, %get3A_422, %broadcast_in_dim3A_425 : vector<16xi1>, vector<16xf32>
      %gather3A_427 = tpu.vector_load_idx %arg11[%get3A_416] : memref<10240xf32, #tpu.memory_space<vmem>>[vector<16xi32>], vector<16xf32>,
      %mul3A_428 = arith.mulf %gather3A_427, %select_n3A_426 : vector<16xf32>
      %gather3A_429 = tpu.vector_load_idx %arg11[%get3A_419] : memref<10240xf32, #tpu.memory_space<vmem>>[vector<16xi32>], vector<16xf32>,
      %mul3A_430 = arith.mulf %mul3A_428, %gather3A_429 : vector<16xf32>
      %add3A_431 = arith.constant 64 : i32
      %add3A_432 = arith.addi %mul3A_333, %add3A_431 : i32
      %swap3A_433 = arith.index_cast %add3A_432 : i32 to index
      %swap3A_434 = tpu.vector_load %arg12[%swap3A_433] {strides = array<i32>} : memref<14336xf32, #tpu.memory_space<vmem>>, vector<16xf32>,
      tpu.vector_store %arg12[%swap3A_433], %mul3A_430 {strides = array<i32>} : memref<14336xf32, #tpu.memory_space<vmem>>, vector<16xf32>,
      %get3A_435 = arith.index_cast %while3A_319 : i32 to index
      %get3A_436 = arith.constant 80 : index
      %get3A_437 = tpu.vector_load %arg7[%get3A_435, %get3A_436] {strides = array<i32>} : memref<56x128xi32, #tpu.memory_space<vmem>>, vector<16xi32>,
      %get3A_438 = arith.index_cast %while3A_319 : i32 to index
      %get3A_439 = arith.constant 80 : index
      %get3A_440 = tpu.vector_load %arg8[%get3A_438, %get3A_439] {strides = array<i32>} : memref<56x128xi32, #tpu.memory_space<vmem>>, vector<16xi32>,
      %get3A_441 = arith.index_cast %while3A_319 : i32 to index
      %get3A_442 = arith.constant 80 : index
      %get3A_443 = tpu.vector_load %arg9[%get3A_441, %get3A_442] {strides = array<i32>} : memref<56x128xf32, #tpu.memory_space<vmem>>, vector<16xf32>,
      %ne3A_444 = arith.cmpi ne, %get3A_437, %get3A_440 : vector<16xi32>
      %jit3A_445 = arith.constant 0.000000e+00 : f32
      %broadcast_in_dim3A_446 = vector.broadcast %jit3A_445 : f32 to vector<16xf32>
      %select_n3A_447 = arith.select %ne3A_444, %get3A_443, %broadcast_in_dim3A_446 : vector<16xi1>, vector<16xf32>
      %gather3A_448 = tpu.vector_load_idx %arg11[%get3A_437] : memref<10240xf32, #tpu.memory_space<vmem>>[vector<16xi32>], vector<16xf32>,
      %mul3A_449 = arith.mulf %gather3A_448, %select_n3A_447 : vector<16xf32>
      %gather3A_450 = tpu.vector_load_idx %arg11[%get3A_440] : memref<10240xf32, #tpu.memory_space<vmem>>[vector<16xi32>], vector<16xf32>,
      %mul3A_451 = arith.mulf %mul3A_449, %gather3A_450 : vector<16xf32>
      %add3A_452 = arith.constant 80 : i32
      %add3A_453 = arith.addi %mul3A_333, %add3A_452 : i32
      %swap3A_454 = arith.index_cast %add3A_453 : i32 to index
      %swap3A_455 = tpu.vector_load %arg12[%swap3A_454] {strides = array<i32>} : memref<14336xf32, #tpu.memory_space<vmem>>, vector<16xf32>,
      tpu.vector_store %arg12[%swap3A_454], %mul3A_451 {strides = array<i32>} : memref<14336xf32, #tpu.memory_space<vmem>>, vector<16xf32>,
      %get3A_456 = arith.index_cast %while3A_319 : i32 to index
      %get3A_457 = arith.constant 96 : index
      %get3A_458 = tpu.vector_load %arg7[%get3A_456, %get3A_457] {strides = array<i32>} : memref<56x128xi32, #tpu.memory_space<vmem>>, vector<16xi32>,
      %get3A_459 = arith.index_cast %while3A_319 : i32 to index
      %get3A_460 = arith.constant 96 : index
      %get3A_461 = tpu.vector_load %arg8[%get3A_459, %get3A_460] {strides = array<i32>} : memref<56x128xi32, #tpu.memory_space<vmem>>, vector<16xi32>,
      %get3A_462 = arith.index_cast %while3A_319 : i32 to index
      %get3A_463 = arith.constant 96 : index
      %get3A_464 = tpu.vector_load %arg9[%get3A_462, %get3A_463] {strides = array<i32>} : memref<56x128xf32, #tpu.memory_space<vmem>>, vector<16xf32>,
      %ne3A_465 = arith.cmpi ne, %get3A_458, %get3A_461 : vector<16xi32>
      %jit3A_466 = arith.constant 0.000000e+00 : f32
      %broadcast_in_dim3A_467 = vector.broadcast %jit3A_466 : f32 to vector<16xf32>
      %select_n3A_468 = arith.select %ne3A_465, %get3A_464, %broadcast_in_dim3A_467 : vector<16xi1>, vector<16xf32>
      %gather3A_469 = tpu.vector_load_idx %arg11[%get3A_458] : memref<10240xf32, #tpu.memory_space<vmem>>[vector<16xi32>], vector<16xf32>,
      %mul3A_470 = arith.mulf %gather3A_469, %select_n3A_468 : vector<16xf32>
      %gather3A_471 = tpu.vector_load_idx %arg11[%get3A_461] : memref<10240xf32, #tpu.memory_space<vmem>>[vector<16xi32>], vector<16xf32>,
      %mul3A_472 = arith.mulf %mul3A_470, %gather3A_471 : vector<16xf32>
      %add3A_473 = arith.constant 96 : i32
      %add3A_474 = arith.addi %mul3A_333, %add3A_473 : i32
      %swap3A_475 = arith.index_cast %add3A_474 : i32 to index
      %swap3A_476 = tpu.vector_load %arg12[%swap3A_475] {strides = array<i32>} : memref<14336xf32, #tpu.memory_space<vmem>>, vector<16xf32>,
      tpu.vector_store %arg12[%swap3A_475], %mul3A_472 {strides = array<i32>} : memref<14336xf32, #tpu.memory_space<vmem>>, vector<16xf32>,
      %get3A_477 = arith.index_cast %while3A_319 : i32 to index
      %get3A_478 = arith.constant 112 : index
      %get3A_479 = tpu.vector_load %arg7[%get3A_477, %get3A_478] {strides = array<i32>} : memref<56x128xi32, #tpu.memory_space<vmem>>, vector<16xi32>,
      %get3A_480 = arith.index_cast %while3A_319 : i32 to index
      %get3A_481 = arith.constant 112 : index
      %get3A_482 = tpu.vector_load %arg8[%get3A_480, %get3A_481] {strides = array<i32>} : memref<56x128xi32, #tpu.memory_space<vmem>>, vector<16xi32>,
      %get3A_483 = arith.index_cast %while3A_319 : i32 to index
      %get3A_484 = arith.constant 112 : index
      %get3A_485 = tpu.vector_load %arg9[%get3A_483, %get3A_484] {strides = array<i32>} : memref<56x128xf32, #tpu.memory_space<vmem>>, vector<16xf32>,
      %ne3A_486 = arith.cmpi ne, %get3A_479, %get3A_482 : vector<16xi32>
      %jit3A_487 = arith.constant 0.000000e+00 : f32
      %broadcast_in_dim3A_488 = vector.broadcast %jit3A_487 : f32 to vector<16xf32>
      %select_n3A_489 = arith.select %ne3A_486, %get3A_485, %broadcast_in_dim3A_488 : vector<16xi1>, vector<16xf32>
      %gather3A_490 = tpu.vector_load_idx %arg11[%get3A_479] : memref<10240xf32, #tpu.memory_space<vmem>>[vector<16xi32>], vector<16xf32>,
      %mul3A_491 = arith.mulf %gather3A_490, %select_n3A_489 : vector<16xf32>
      %gather3A_492 = tpu.vector_load_idx %arg11[%get3A_482] : memref<10240xf32, #tpu.memory_space<vmem>>[vector<16xi32>], vector<16xf32>,
      %mul3A_493 = arith.mulf %mul3A_491, %gather3A_492 : vector<16xf32>
      %add3A_494 = arith.constant 112 : i32
      %add3A_495 = arith.addi %mul3A_333, %add3A_494 : i32
      %swap3A_496 = arith.index_cast %add3A_495 : i32 to index
      %swap3A_497 = tpu.vector_load %arg12[%swap3A_496] {strides = array<i32>} : memref<14336xf32, #tpu.memory_space<vmem>>, vector<16xf32>,
      tpu.vector_store %arg12[%swap3A_496], %mul3A_493 {strides = array<i32>} : memref<14336xf32, #tpu.memory_space<vmem>>, vector<16xf32>,
      %dma_wait3A = arith.constant 0 : i32
      %dma_wait3A_498 = arith.constant 0 : i32
      %dma_wait3A_499 = tpu.memref_slice %arg7[%while3A_319, %dma_wait3A_498] : memref<56x128xi32, #tpu.memory_space<vmem>> -> memref<1x128xi32, #tpu.memory_space<vmem>>
      %dma_wait3A_500 = tpu.memref_squeeze %dma_wait3A_499 : memref<1x128xi32, #tpu.memory_space<vmem>> -> memref<128xi32, #tpu.memory_space<vmem>>
      %dma_wait3A_501 = arith.constant 0 : i32
      %dma_wait3A_502 = arith.constant 0 : i32
      %dma_wait3A_503 = tpu.memref_slice %arg5[%dma_wait3A, %dma_wait3A_501, %dma_wait3A_502] : memref<2x10240x64xf32, #tpu.memory_space<hbm>> -> memref<1x10240x64xf32, #tpu.memory_space<hbm>>
      %dma_wait3A_504 = tpu.memref_squeeze %dma_wait3A_503 : memref<1x10240x64xf32, #tpu.memory_space<hbm>> -> memref<10240x64xf32, #tpu.memory_space<hbm>>
      %dma_wait3A_505 = arith.constant 0 : i32
      %dma_wait3A_506 = arith.constant 0 : i32
      %dma_wait3A_507 = tpu.memref_slice %dma_wait3A_504[%dma_wait3A_505, %dma_wait3A_506] : memref<10240x64xf32, #tpu.memory_space<hbm>> -> memref<10240x64xf32, #tpu.memory_space<hbm>>
      tpu.wait_indirect_dma semaphore(%arg19 : memref<!tpu.dma_semaphore, #tpu.memory_space<semaphore_mem>>) src(%dma_wait3A_507 : memref<10240x64xf32, #tpu.memory_space<hbm>>) dst(%arg13 : memref<128x64xf32, #tpu.memory_space<vmem>>)
      %scan3A_508 = arith.constant 0 : i32
      %scan3A_509 = arith.constant 128 : i32
      %scan3A_510 = arith.addi %scan3A_508, %scan3A_509 : i32
      %scan3A_511 = arith.constant 1 : i32
      scf.for %scan3A_513 = %scan3A_508 to %scan3A_510 step %scan3A_511  : i32 {
        %add3A_514 = arith.addi %mul3A_333, %scan3A_513 : i32
        %broadcast_in_dim3A_515 = vector.broadcast %add3A_514 : i32 to vector<16xi32>
        %gather3A_516 = tpu.vector_load_idx %arg12[%broadcast_in_dim3A_515] : memref<14336xf32, #tpu.memory_space<vmem>>[vector<16xi32>], vector<16xf32>,
        %get3A_517 = arith.index_cast %scan3A_513 : i32 to index
        %get3A_518 = arith.constant 0 : index
        %get3A_519 = tpu.vector_load %arg13[%get3A_517, %get3A_518] {strides = array<i32>} : memref<128x64xf32, #tpu.memory_space<vmem>>, vector<16xf32>,
        %mul3A_520 = arith.mulf %get3A_519, %gather3A_516 : vector<16xf32>
        %swap3A_521 = arith.index_cast %scan3A_513 : i32 to index
        %swap3A_522 = arith.constant 0 : index
        %swap3A_523 = tpu.vector_load %arg13[%swap3A_521, %swap3A_522] {strides = array<i32>} : memref<128x64xf32, #tpu.memory_space<vmem>>, vector<16xf32>,
        tpu.vector_store %arg13[%swap3A_521, %swap3A_522], %mul3A_520 {strides = array<i32>} : memref<128x64xf32, #tpu.memory_space<vmem>>, vector<16xf32>,
        %get3A_524 = arith.index_cast %scan3A_513 : i32 to index
        %get3A_525 = arith.constant 16 : index
        %get3A_526 = tpu.vector_load %arg13[%get3A_524, %get3A_525] {strides = array<i32>} : memref<128x64xf32, #tpu.memory_space<vmem>>, vector<16xf32>,
        %mul3A_527 = arith.mulf %get3A_526, %gather3A_516 : vector<16xf32>
        %swap3A_528 = arith.index_cast %scan3A_513 : i32 to index
        %swap3A_529 = arith.constant 16 : index
        %swap3A_530 = tpu.vector_load %arg13[%swap3A_528, %swap3A_529] {strides = array<i32>} : memref<128x64xf32, #tpu.memory_space<vmem>>, vector<16xf32>,
        tpu.vector_store %arg13[%swap3A_528, %swap3A_529], %mul3A_527 {strides = array<i32>} : memref<128x64xf32, #tpu.memory_space<vmem>>, vector<16xf32>,
        %get3A_531 = arith.index_cast %scan3A_513 : i32 to index
        %get3A_532 = arith.constant 32 : index
        %get3A_533 = tpu.vector_load %arg13[%get3A_531, %get3A_532] {strides = array<i32>} : memref<128x64xf32, #tpu.memory_space<vmem>>, vector<16xf32>,
        %mul3A_534 = arith.mulf %get3A_533, %gather3A_516 : vector<16xf32>
        %swap3A_535 = arith.index_cast %scan3A_513 : i32 to index
        %swap3A_536 = arith.constant 32 : index
        %swap3A_537 = tpu.vector_load %arg13[%swap3A_535, %swap3A_536] {strides = array<i32>} : memref<128x64xf32, #tpu.memory_space<vmem>>, vector<16xf32>,
        tpu.vector_store %arg13[%swap3A_535, %swap3A_536], %mul3A_534 {strides = array<i32>} : memref<128x64xf32, #tpu.memory_space<vmem>>, vector<16xf32>,
        %get3A_538 = arith.index_cast %scan3A_513 : i32 to index
        %get3A_539 = arith.constant 48 : index
        %get3A_540 = tpu.vector_load %arg13[%get3A_538, %get3A_539] {strides = array<i32>} : memref<128x64xf32, #tpu.memory_space<vmem>>, vector<16xf32>,
        %mul3A_541 = arith.mulf %get3A_540, %gather3A_516 : vector<16xf32>
        %swap3A_542 = arith.index_cast %scan3A_513 : i32 to index
        %swap3A_543 = arith.constant 48 : index
        %swap3A_544 = tpu.vector_load %arg13[%swap3A_542, %swap3A_543] {strides = array<i32>} : memref<128x64xf32, #tpu.memory_space<vmem>>, vector<16xf32>,
        tpu.vector_store %arg13[%swap3A_542, %swap3A_543], %mul3A_541 {strides = array<i32>} : memref<128x64xf32, #tpu.memory_space<vmem>>, vector<16xf32>,
      }
      %scan3A_512 = arith.constant 128 : i32
      "tpu.region"() ({
        %run_scoped3A_513 = tpu.sem_alloc : memref<!tpu.dma_semaphore, #tpu.memory_space<semaphore_mem>>
        %dma_start3A_514 = arith.constant 0 : i32
        %dma_start3A_515 = tpu.memref_slice %arg8[%while3A_319, %dma_start3A_514] : memref<56x128xi32, #tpu.memory_space<vmem>> -> memref<1x128xi32, #tpu.memory_space<vmem>>
        %dma_start3A_516 = tpu.memref_squeeze %dma_start3A_515 : memref<1x128xi32, #tpu.memory_space<vmem>> -> memref<128xi32, #tpu.memory_space<vmem>>
        %dma_start3A_517 = arith.constant 0 : i32
        %dma_start3A_518 = arith.constant 0 : i32
        %dma_start3A_519 = tpu.memref_slice %arg18[%dma_start3A_517, %dma_start3A_518] : memref<10240x64xf32, #tpu.memory_space<vmem_shared>> -> memref<10240x64xf32, #tpu.memory_space<vmem_shared>>
        tpu.enqueue_indirect_dma source(%arg13 : memref<128x64xf32, #tpu.memory_space<vmem>>) target(%dma_start3A_519 : memref<10240x64xf32, #tpu.memory_space<vmem_shared>>) offsets(%dma_start3A_516 : memref<128xi32, #tpu.memory_space<vmem>>) semaphore(%run_scoped3A_513 : memref<!tpu.dma_semaphore, #tpu.memory_space<semaphore_mem>>) {add = true}
        %dma_wait3A_520 = arith.constant 0 : i32
        %dma_wait3A_521 = tpu.memref_slice %arg8[%while3A_319, %dma_wait3A_520] : memref<56x128xi32, #tpu.memory_space<vmem>> -> memref<1x128xi32, #tpu.memory_space<vmem>>
        %dma_wait3A_522 = tpu.memref_squeeze %dma_wait3A_521 : memref<1x128xi32, #tpu.memory_space<vmem>> -> memref<128xi32, #tpu.memory_space<vmem>>
        %dma_wait3A_523 = arith.constant 0 : i32
        %dma_wait3A_524 = arith.constant 0 : i32
        %dma_wait3A_525 = tpu.memref_slice %arg18[%dma_wait3A_523, %dma_wait3A_524] : memref<10240x64xf32, #tpu.memory_space<vmem_shared>> -> memref<10240x64xf32, #tpu.memory_space<vmem_shared>>
        tpu.wait_indirect_dma semaphore(%run_scoped3A_513 : memref<!tpu.dma_semaphore, #tpu.memory_space<semaphore_mem>>) src(%arg13 : memref<128x64xf32, #tpu.memory_space<vmem>>) dst(%dma_wait3A_525 : memref<10240x64xf32, #tpu.memory_space<vmem_shared>>)
        tpu.yield
      }) : () -> ()
    }
    %while3A_216 = arith.constant 1 : i32
    scf.for %while3A_319 = %while3A_214 to %while3A_210 step %while3A_216  : i32 {
      %dma_start3A = arith.constant 0 : i32
      %dma_start3A_320 = arith.constant 0 : i32
      %dma_start3A_321 = tpu.memref_slice %arg7[%while3A_319, %dma_start3A_320] : memref<56x128xi32, #tpu.memory_space<vmem>> -> memref<1x128xi32, #tpu.memory_space<vmem>>
      %dma_start3A_322 = tpu.memref_squeeze %dma_start3A_321 : memref<1x128xi32, #tpu.memory_space<vmem>> -> memref<128xi32, #tpu.memory_space<vmem>>
      %dma_start3A_323 = arith.constant 0 : i32
      %dma_start3A_324 = arith.constant 0 : i32
      %dma_start3A_325 = tpu.memref_slice %arg5[%dma_start3A, %dma_start3A_323, %dma_start3A_324] : memref<2x10240x64xf32, #tpu.memory_space<hbm>> -> memref<1x10240x64xf32, #tpu.memory_space<hbm>>
      %dma_start3A_326 = tpu.memref_squeeze %dma_start3A_325 : memref<1x10240x64xf32, #tpu.memory_space<hbm>> -> memref<10240x64xf32, #tpu.memory_space<hbm>>
      %dma_start3A_327 = arith.constant 0 : i32
      %dma_start3A_328 = arith.constant 0 : i32
      %dma_start3A_329 = tpu.memref_slice %dma_start3A_326[%dma_start3A_327, %dma_start3A_328] : memref<10240x64xf32, #tpu.memory_space<hbm>> -> memref<10240x64xf32, #tpu.memory_space<hbm>>
      tpu.enqueue_indirect_dma source(%dma_start3A_329 : memref<10240x64xf32, #tpu.memory_space<hbm>>) target(%arg13 : memref<128x64xf32, #tpu.memory_space<vmem>>) offsets(%dma_start3A_322 : memref<128xi32, #tpu.memory_space<vmem>>) semaphore(%arg19 : memref<!tpu.dma_semaphore, #tpu.memory_space<semaphore_mem>>)
      %add3A_330 = arith.constant 0 : i32
      %add3A_331 = arith.addi %add3A_330, %while3A_319 : i32
      %mul3A_332 = arith.constant 128 : i32
      %mul3A_333 = arith.muli %add3A_331, %mul3A_332 : i32
      %get3A = arith.index_cast %while3A_319 : i32 to index
      %get3A_334 = arith.constant 0 : index
      %get3A_335 = tpu.vector_load %arg7[%get3A, %get3A_334] {strides = array<i32>} : memref<56x128xi32, #tpu.memory_space<vmem>>, vector<16xi32>,
      %get3A_336 = arith.index_cast %while3A_319 : i32 to index
      %get3A_337 = arith.constant 0 : index
      %get3A_338 = tpu.vector_load %arg8[%get3A_336, %get3A_337] {strides = array<i32>} : memref<56x128xi32, #tpu.memory_space<vmem>>, vector<16xi32>,
      %get3A_339 = arith.index_cast %while3A_319 : i32 to index
      %get3A_340 = arith.constant 0 : index
      %get3A_341 = tpu.vector_load %arg9[%get3A_339, %get3A_340] {strides = array<i32>} : memref<56x128xf32, #tpu.memory_space<vmem>>, vector<16xf32>,
      %ne3A = arith.cmpi ne, %get3A_335, %get3A_338 : vector<16xi32>
      %jit3A_342 = arith.constant 0.000000e+00 : f32
      %broadcast_in_dim3A_343 = vector.broadcast %jit3A_342 : f32 to vector<16xf32>
      %select_n3A_344 = arith.select %ne3A, %get3A_341, %broadcast_in_dim3A_343 : vector<16xi1>, vector<16xf32>
      %gather3A = tpu.vector_load_idx %arg11[%get3A_335] : memref<10240xf32, #tpu.memory_space<vmem>>[vector<16xi32>], vector<16xf32>,
      %mul3A_345 = arith.mulf %gather3A, %select_n3A_344 : vector<16xf32>
      %gather3A_346 = tpu.vector_load_idx %arg11[%get3A_338] : memref<10240xf32, #tpu.memory_space<vmem>>[vector<16xi32>], vector<16xf32>,
      %mul3A_347 = arith.mulf %mul3A_345, %gather3A_346 : vector<16xf32>
      %add3A_348 = arith.constant 0 : i32
      %add3A_349 = arith.addi %mul3A_333, %add3A_348 : i32
      %swap3A = arith.index_cast %add3A_349 : i32 to index
      %swap3A_350 = tpu.vector_load %arg12[%swap3A] {strides = array<i32>} : memref<14336xf32, #tpu.memory_space<vmem>>, vector<16xf32>,
      tpu.vector_store %arg12[%swap3A], %mul3A_347 {strides = array<i32>} : memref<14336xf32, #tpu.memory_space<vmem>>, vector<16xf32>,
      %get3A_351 = arith.index_cast %while3A_319 : i32 to index
      %get3A_352 = arith.constant 16 : index
      %get3A_353 = tpu.vector_load %arg7[%get3A_351, %get3A_352] {strides = array<i32>} : memref<56x128xi32, #tpu.memory_space<vmem>>, vector<16xi32>,
      %get3A_354 = arith.index_cast %while3A_319 : i32 to index
      %get3A_355 = arith.constant 16 : index
      %get3A_356 = tpu.vector_load %arg8[%get3A_354, %get3A_355] {strides = array<i32>} : memref<56x128xi32, #tpu.memory_space<vmem>>, vector<16xi32>,
      %get3A_357 = arith.index_cast %while3A_319 : i32 to index
      %get3A_358 = arith.constant 16 : index
      %get3A_359 = tpu.vector_load %arg9[%get3A_357, %get3A_358] {strides = array<i32>} : memref<56x128xf32, #tpu.memory_space<vmem>>, vector<16xf32>,
      %ne3A_360 = arith.cmpi ne, %get3A_353, %get3A_356 : vector<16xi32>
      %jit3A_361 = arith.constant 0.000000e+00 : f32
      %broadcast_in_dim3A_362 = vector.broadcast %jit3A_361 : f32 to vector<16xf32>
      %select_n3A_363 = arith.select %ne3A_360, %get3A_359, %broadcast_in_dim3A_362 : vector<16xi1>, vector<16xf32>
      %gather3A_364 = tpu.vector_load_idx %arg11[%get3A_353] : memref<10240xf32, #tpu.memory_space<vmem>>[vector<16xi32>], vector<16xf32>,
      %mul3A_365 = arith.mulf %gather3A_364, %select_n3A_363 : vector<16xf32>
      %gather3A_366 = tpu.vector_load_idx %arg11[%get3A_356] : memref<10240xf32, #tpu.memory_space<vmem>>[vector<16xi32>], vector<16xf32>,
      %mul3A_367 = arith.mulf %mul3A_365, %gather3A_366 : vector<16xf32>
      %add3A_368 = arith.constant 16 : i32
      %add3A_369 = arith.addi %mul3A_333, %add3A_368 : i32
      %swap3A_370 = arith.index_cast %add3A_369 : i32 to index
      %swap3A_371 = tpu.vector_load %arg12[%swap3A_370] {strides = array<i32>} : memref<14336xf32, #tpu.memory_space<vmem>>, vector<16xf32>,
      tpu.vector_store %arg12[%swap3A_370], %mul3A_367 {strides = array<i32>} : memref<14336xf32, #tpu.memory_space<vmem>>, vector<16xf32>,
      %get3A_372 = arith.index_cast %while3A_319 : i32 to index
      %get3A_373 = arith.constant 32 : index
      %get3A_374 = tpu.vector_load %arg7[%get3A_372, %get3A_373] {strides = array<i32>} : memref<56x128xi32, #tpu.memory_space<vmem>>, vector<16xi32>,
      %get3A_375 = arith.index_cast %while3A_319 : i32 to index
      %get3A_376 = arith.constant 32 : index
      %get3A_377 = tpu.vector_load %arg8[%get3A_375, %get3A_376] {strides = array<i32>} : memref<56x128xi32, #tpu.memory_space<vmem>>, vector<16xi32>,
      %get3A_378 = arith.index_cast %while3A_319 : i32 to index
      %get3A_379 = arith.constant 32 : index
      %get3A_380 = tpu.vector_load %arg9[%get3A_378, %get3A_379] {strides = array<i32>} : memref<56x128xf32, #tpu.memory_space<vmem>>, vector<16xf32>,
      %ne3A_381 = arith.cmpi ne, %get3A_374, %get3A_377 : vector<16xi32>
      %jit3A_382 = arith.constant 0.000000e+00 : f32
      %broadcast_in_dim3A_383 = vector.broadcast %jit3A_382 : f32 to vector<16xf32>
      %select_n3A_384 = arith.select %ne3A_381, %get3A_380, %broadcast_in_dim3A_383 : vector<16xi1>, vector<16xf32>
      %gather3A_385 = tpu.vector_load_idx %arg11[%get3A_374] : memref<10240xf32, #tpu.memory_space<vmem>>[vector<16xi32>], vector<16xf32>,
      %mul3A_386 = arith.mulf %gather3A_385, %select_n3A_384 : vector<16xf32>
      %gather3A_387 = tpu.vector_load_idx %arg11[%get3A_377] : memref<10240xf32, #tpu.memory_space<vmem>>[vector<16xi32>], vector<16xf32>,
      %mul3A_388 = arith.mulf %mul3A_386, %gather3A_387 : vector<16xf32>
      %add3A_389 = arith.constant 32 : i32
      %add3A_390 = arith.addi %mul3A_333, %add3A_389 : i32
      %swap3A_391 = arith.index_cast %add3A_390 : i32 to index
      %swap3A_392 = tpu.vector_load %arg12[%swap3A_391] {strides = array<i32>} : memref<14336xf32, #tpu.memory_space<vmem>>, vector<16xf32>,
      tpu.vector_store %arg12[%swap3A_391], %mul3A_388 {strides = array<i32>} : memref<14336xf32, #tpu.memory_space<vmem>>, vector<16xf32>,
      %get3A_393 = arith.index_cast %while3A_319 : i32 to index
      %get3A_394 = arith.constant 48 : index
      %get3A_395 = tpu.vector_load %arg7[%get3A_393, %get3A_394] {strides = array<i32>} : memref<56x128xi32, #tpu.memory_space<vmem>>, vector<16xi32>,
      %get3A_396 = arith.index_cast %while3A_319 : i32 to index
      %get3A_397 = arith.constant 48 : index
      %get3A_398 = tpu.vector_load %arg8[%get3A_396, %get3A_397] {strides = array<i32>} : memref<56x128xi32, #tpu.memory_space<vmem>>, vector<16xi32>,
      %get3A_399 = arith.index_cast %while3A_319 : i32 to index
      %get3A_400 = arith.constant 48 : index
      %get3A_401 = tpu.vector_load %arg9[%get3A_399, %get3A_400] {strides = array<i32>} : memref<56x128xf32, #tpu.memory_space<vmem>>, vector<16xf32>,
      %ne3A_402 = arith.cmpi ne, %get3A_395, %get3A_398 : vector<16xi32>
      %jit3A_403 = arith.constant 0.000000e+00 : f32
      %broadcast_in_dim3A_404 = vector.broadcast %jit3A_403 : f32 to vector<16xf32>
      %select_n3A_405 = arith.select %ne3A_402, %get3A_401, %broadcast_in_dim3A_404 : vector<16xi1>, vector<16xf32>
      %gather3A_406 = tpu.vector_load_idx %arg11[%get3A_395] : memref<10240xf32, #tpu.memory_space<vmem>>[vector<16xi32>], vector<16xf32>,
      %mul3A_407 = arith.mulf %gather3A_406, %select_n3A_405 : vector<16xf32>
      %gather3A_408 = tpu.vector_load_idx %arg11[%get3A_398] : memref<10240xf32, #tpu.memory_space<vmem>>[vector<16xi32>], vector<16xf32>,
      %mul3A_409 = arith.mulf %mul3A_407, %gather3A_408 : vector<16xf32>
      %add3A_410 = arith.constant 48 : i32
      %add3A_411 = arith.addi %mul3A_333, %add3A_410 : i32
      %swap3A_412 = arith.index_cast %add3A_411 : i32 to index
      %swap3A_413 = tpu.vector_load %arg12[%swap3A_412] {strides = array<i32>} : memref<14336xf32, #tpu.memory_space<vmem>>, vector<16xf32>,
      tpu.vector_store %arg12[%swap3A_412], %mul3A_409 {strides = array<i32>} : memref<14336xf32, #tpu.memory_space<vmem>>, vector<16xf32>,
      %get3A_414 = arith.index_cast %while3A_319 : i32 to index
      %get3A_415 = arith.constant 64 : index
      %get3A_416 = tpu.vector_load %arg7[%get3A_414, %get3A_415] {strides = array<i32>} : memref<56x128xi32, #tpu.memory_space<vmem>>, vector<16xi32>,
      %get3A_417 = arith.index_cast %while3A_319 : i32 to index
      %get3A_418 = arith.constant 64 : index
      %get3A_419 = tpu.vector_load %arg8[%get3A_417, %get3A_418] {strides = array<i32>} : memref<56x128xi32, #tpu.memory_space<vmem>>, vector<16xi32>,
      %get3A_420 = arith.index_cast %while3A_319 : i32 to index
      %get3A_421 = arith.constant 64 : index
      %get3A_422 = tpu.vector_load %arg9[%get3A_420, %get3A_421] {strides = array<i32>} : memref<56x128xf32, #tpu.memory_space<vmem>>, vector<16xf32>,
      %ne3A_423 = arith.cmpi ne, %get3A_416, %get3A_419 : vector<16xi32>
      %jit3A_424 = arith.constant 0.000000e+00 : f32
      %broadcast_in_dim3A_425 = vector.broadcast %jit3A_424 : f32 to vector<16xf32>
      %select_n3A_426 = arith.select %ne3A_423, %get3A_422, %broadcast_in_dim3A_425 : vector<16xi1>, vector<16xf32>
      %gather3A_427 = tpu.vector_load_idx %arg11[%get3A_416] : memref<10240xf32, #tpu.memory_space<vmem>>[vector<16xi32>], vector<16xf32>,
      %mul3A_428 = arith.mulf %gather3A_427, %select_n3A_426 : vector<16xf32>
      %gather3A_429 = tpu.vector_load_idx %arg11[%get3A_419] : memref<10240xf32, #tpu.memory_space<vmem>>[vector<16xi32>], vector<16xf32>,
      %mul3A_430 = arith.mulf %mul3A_428, %gather3A_429 : vector<16xf32>
      %add3A_431 = arith.constant 64 : i32
      %add3A_432 = arith.addi %mul3A_333, %add3A_431 : i32
      %swap3A_433 = arith.index_cast %add3A_432 : i32 to index
      %swap3A_434 = tpu.vector_load %arg12[%swap3A_433] {strides = array<i32>} : memref<14336xf32, #tpu.memory_space<vmem>>, vector<16xf32>,
      tpu.vector_store %arg12[%swap3A_433], %mul3A_430 {strides = array<i32>} : memref<14336xf32, #tpu.memory_space<vmem>>, vector<16xf32>,
      %get3A_435 = arith.index_cast %while3A_319 : i32 to index
      %get3A_436 = arith.constant 80 : index
      %get3A_437 = tpu.vector_load %arg7[%get3A_435, %get3A_436] {strides = array<i32>} : memref<56x128xi32, #tpu.memory_space<vmem>>, vector<16xi32>,
      %get3A_438 = arith.index_cast %while3A_319 : i32 to index
      %get3A_439 = arith.constant 80 : index
      %get3A_440 = tpu.vector_load %arg8[%get3A_438, %get3A_439] {strides = array<i32>} : memref<56x128xi32, #tpu.memory_space<vmem>>, vector<16xi32>,
      %get3A_441 = arith.index_cast %while3A_319 : i32 to index
      %get3A_442 = arith.constant 80 : index
      %get3A_443 = tpu.vector_load %arg9[%get3A_441, %get3A_442] {strides = array<i32>} : memref<56x128xf32, #tpu.memory_space<vmem>>, vector<16xf32>,
      %ne3A_444 = arith.cmpi ne, %get3A_437, %get3A_440 : vector<16xi32>
      %jit3A_445 = arith.constant 0.000000e+00 : f32
      %broadcast_in_dim3A_446 = vector.broadcast %jit3A_445 : f32 to vector<16xf32>
      %select_n3A_447 = arith.select %ne3A_444, %get3A_443, %broadcast_in_dim3A_446 : vector<16xi1>, vector<16xf32>
      %gather3A_448 = tpu.vector_load_idx %arg11[%get3A_437] : memref<10240xf32, #tpu.memory_space<vmem>>[vector<16xi32>], vector<16xf32>,
      %mul3A_449 = arith.mulf %gather3A_448, %select_n3A_447 : vector<16xf32>
      %gather3A_450 = tpu.vector_load_idx %arg11[%get3A_440] : memref<10240xf32, #tpu.memory_space<vmem>>[vector<16xi32>], vector<16xf32>,
      %mul3A_451 = arith.mulf %mul3A_449, %gather3A_450 : vector<16xf32>
      %add3A_452 = arith.constant 80 : i32
      %add3A_453 = arith.addi %mul3A_333, %add3A_452 : i32
      %swap3A_454 = arith.index_cast %add3A_453 : i32 to index
      %swap3A_455 = tpu.vector_load %arg12[%swap3A_454] {strides = array<i32>} : memref<14336xf32, #tpu.memory_space<vmem>>, vector<16xf32>,
      tpu.vector_store %arg12[%swap3A_454], %mul3A_451 {strides = array<i32>} : memref<14336xf32, #tpu.memory_space<vmem>>, vector<16xf32>,
      %get3A_456 = arith.index_cast %while3A_319 : i32 to index
      %get3A_457 = arith.constant 96 : index
      %get3A_458 = tpu.vector_load %arg7[%get3A_456, %get3A_457] {strides = array<i32>} : memref<56x128xi32, #tpu.memory_space<vmem>>, vector<16xi32>,
      %get3A_459 = arith.index_cast %while3A_319 : i32 to index
      %get3A_460 = arith.constant 96 : index
      %get3A_461 = tpu.vector_load %arg8[%get3A_459, %get3A_460] {strides = array<i32>} : memref<56x128xi32, #tpu.memory_space<vmem>>, vector<16xi32>,
      %get3A_462 = arith.index_cast %while3A_319 : i32 to index
      %get3A_463 = arith.constant 96 : index
      %get3A_464 = tpu.vector_load %arg9[%get3A_462, %get3A_463] {strides = array<i32>} : memref<56x128xf32, #tpu.memory_space<vmem>>, vector<16xf32>,
      %ne3A_465 = arith.cmpi ne, %get3A_458, %get3A_461 : vector<16xi32>
      %jit3A_466 = arith.constant 0.000000e+00 : f32
      %broadcast_in_dim3A_467 = vector.broadcast %jit3A_466 : f32 to vector<16xf32>
      %select_n3A_468 = arith.select %ne3A_465, %get3A_464, %broadcast_in_dim3A_467 : vector<16xi1>, vector<16xf32>
      %gather3A_469 = tpu.vector_load_idx %arg11[%get3A_458] : memref<10240xf32, #tpu.memory_space<vmem>>[vector<16xi32>], vector<16xf32>,
      %mul3A_470 = arith.mulf %gather3A_469, %select_n3A_468 : vector<16xf32>
      %gather3A_471 = tpu.vector_load_idx %arg11[%get3A_461] : memref<10240xf32, #tpu.memory_space<vmem>>[vector<16xi32>], vector<16xf32>,
      %mul3A_472 = arith.mulf %mul3A_470, %gather3A_471 : vector<16xf32>
      %add3A_473 = arith.constant 96 : i32
      %add3A_474 = arith.addi %mul3A_333, %add3A_473 : i32
      %swap3A_475 = arith.index_cast %add3A_474 : i32 to index
      %swap3A_476 = tpu.vector_load %arg12[%swap3A_475] {strides = array<i32>} : memref<14336xf32, #tpu.memory_space<vmem>>, vector<16xf32>,
      tpu.vector_store %arg12[%swap3A_475], %mul3A_472 {strides = array<i32>} : memref<14336xf32, #tpu.memory_space<vmem>>, vector<16xf32>,
      %get3A_477 = arith.index_cast %while3A_319 : i32 to index
      %get3A_478 = arith.constant 112 : index
      %get3A_479 = tpu.vector_load %arg7[%get3A_477, %get3A_478] {strides = array<i32>} : memref<56x128xi32, #tpu.memory_space<vmem>>, vector<16xi32>,
      %get3A_480 = arith.index_cast %while3A_319 : i32 to index
      %get3A_481 = arith.constant 112 : index
      %get3A_482 = tpu.vector_load %arg8[%get3A_480, %get3A_481] {strides = array<i32>} : memref<56x128xi32, #tpu.memory_space<vmem>>, vector<16xi32>,
      %get3A_483 = arith.index_cast %while3A_319 : i32 to index
      %get3A_484 = arith.constant 112 : index
      %get3A_485 = tpu.vector_load %arg9[%get3A_483, %get3A_484] {strides = array<i32>} : memref<56x128xf32, #tpu.memory_space<vmem>>, vector<16xf32>,
      %ne3A_486 = arith.cmpi ne, %get3A_479, %get3A_482 : vector<16xi32>
      %jit3A_487 = arith.constant 0.000000e+00 : f32
      %broadcast_in_dim3A_488 = vector.broadcast %jit3A_487 : f32 to vector<16xf32>
      %select_n3A_489 = arith.select %ne3A_486, %get3A_485, %broadcast_in_dim3A_488 : vector<16xi1>, vector<16xf32>
      %gather3A_490 = tpu.vector_load_idx %arg11[%get3A_479] : memref<10240xf32, #tpu.memory_space<vmem>>[vector<16xi32>], vector<16xf32>,
      %mul3A_491 = arith.mulf %gather3A_490, %select_n3A_489 : vector<16xf32>
      %gather3A_492 = tpu.vector_load_idx %arg11[%get3A_482] : memref<10240xf32, #tpu.memory_space<vmem>>[vector<16xi32>], vector<16xf32>,
      %mul3A_493 = arith.mulf %mul3A_491, %gather3A_492 : vector<16xf32>
      %add3A_494 = arith.constant 112 : i32
      %add3A_495 = arith.addi %mul3A_333, %add3A_494 : i32
      %swap3A_496 = arith.index_cast %add3A_495 : i32 to index
      %swap3A_497 = tpu.vector_load %arg12[%swap3A_496] {strides = array<i32>} : memref<14336xf32, #tpu.memory_space<vmem>>, vector<16xf32>,
      tpu.vector_store %arg12[%swap3A_496], %mul3A_493 {strides = array<i32>} : memref<14336xf32, #tpu.memory_space<vmem>>, vector<16xf32>,
      %dma_wait3A = arith.constant 0 : i32
      %dma_wait3A_498 = arith.constant 0 : i32
      %dma_wait3A_499 = tpu.memref_slice %arg7[%while3A_319, %dma_wait3A_498] : memref<56x128xi32, #tpu.memory_space<vmem>> -> memref<1x128xi32, #tpu.memory_space<vmem>>
      %dma_wait3A_500 = tpu.memref_squeeze %dma_wait3A_499 : memref<1x128xi32, #tpu.memory_space<vmem>> -> memref<128xi32, #tpu.memory_space<vmem>>
      %dma_wait3A_501 = arith.constant 0 : i32
      %dma_wait3A_502 = arith.constant 0 : i32
      %dma_wait3A_503 = tpu.memref_slice %arg5[%dma_wait3A, %dma_wait3A_501, %dma_wait3A_502] : memref<2x10240x64xf32, #tpu.memory_space<hbm>> -> memref<1x10240x64xf32, #tpu.memory_space<hbm>>
      %dma_wait3A_504 = tpu.memref_squeeze %dma_wait3A_503 : memref<1x10240x64xf32, #tpu.memory_space<hbm>> -> memref<10240x64xf32, #tpu.memory_space<hbm>>
      %dma_wait3A_505 = arith.constant 0 : i32
      %dma_wait3A_506 = arith.constant 0 : i32
      %dma_wait3A_507 = tpu.memref_slice %dma_wait3A_504[%dma_wait3A_505, %dma_wait3A_506] : memref<10240x64xf32, #tpu.memory_space<hbm>> -> memref<10240x64xf32, #tpu.memory_space<hbm>>
      tpu.wait_indirect_dma semaphore(%arg19 : memref<!tpu.dma_semaphore, #tpu.memory_space<semaphore_mem>>) src(%dma_wait3A_507 : memref<10240x64xf32, #tpu.memory_space<hbm>>) dst(%arg13 : memref<128x64xf32, #tpu.memory_space<vmem>>)
      %scan3A_508 = arith.constant 0 : i32
      %scan3A_509 = arith.constant 128 : i32
      %scan3A_510 = arith.addi %scan3A_508, %scan3A_509 : i32
      %scan3A_511 = arith.constant 1 : i32
      scf.for %scan3A_513 = %scan3A_508 to %scan3A_510 step %scan3A_511  : i32 {
        %add3A_514 = arith.addi %mul3A_333, %scan3A_513 : i32
        %broadcast_in_dim3A_515 = vector.broadcast %add3A_514 : i32 to vector<16xi32>
        %gather3A_516 = tpu.vector_load_idx %arg12[%broadcast_in_dim3A_515] : memref<14336xf32, #tpu.memory_space<vmem>>[vector<16xi32>], vector<16xf32>,
        %get3A_517 = arith.index_cast %scan3A_513 : i32 to index
        %get3A_518 = arith.constant 0 : index
        %get3A_519 = tpu.vector_load %arg13[%get3A_517, %get3A_518] {strides = array<i32>} : memref<128x64xf32, #tpu.memory_space<vmem>>, vector<16xf32>,
        %mul3A_520 = arith.mulf %get3A_519, %gather3A_516 : vector<16xf32>
        %swap3A_521 = arith.index_cast %scan3A_513 : i32 to index
        %swap3A_522 = arith.constant 0 : index
        %swap3A_523 = tpu.vector_load %arg13[%swap3A_521, %swap3A_522] {strides = array<i32>} : memref<128x64xf32, #tpu.memory_space<vmem>>, vector<16xf32>,
        tpu.vector_store %arg13[%swap3A_521, %swap3A_522], %mul3A_520 {strides = array<i32>} : memref<128x64xf32, #tpu.memory_space<vmem>>, vector<16xf32>,
        %get3A_524 = arith.index_cast %scan3A_513 : i32 to index
        %get3A_525 = arith.constant 16 : index
        %get3A_526 = tpu.vector_load %arg13[%get3A_524, %get3A_525] {strides = array<i32>} : memref<128x64xf32, #tpu.memory_space<vmem>>, vector<16xf32>,
        %mul3A_527 = arith.mulf %get3A_526, %gather3A_516 : vector<16xf32>
        %swap3A_528 = arith.index_cast %scan3A_513 : i32 to index
        %swap3A_529 = arith.constant 16 : index
        %swap3A_530 = tpu.vector_load %arg13[%swap3A_528, %swap3A_529] {strides = array<i32>} : memref<128x64xf32, #tpu.memory_space<vmem>>, vector<16xf32>,
        tpu.vector_store %arg13[%swap3A_528, %swap3A_529], %mul3A_527 {strides = array<i32>} : memref<128x64xf32, #tpu.memory_space<vmem>>, vector<16xf32>,
        %get3A_531 = arith.index_cast %scan3A_513 : i32 to index
        %get3A_532 = arith.constant 32 : index
        %get3A_533 = tpu.vector_load %arg13[%get3A_531, %get3A_532] {strides = array<i32>} : memref<128x64xf32, #tpu.memory_space<vmem>>, vector<16xf32>,
        %mul3A_534 = arith.mulf %get3A_533, %gather3A_516 : vector<16xf32>
        %swap3A_535 = arith.index_cast %scan3A_513 : i32 to index
        %swap3A_536 = arith.constant 32 : index
        %swap3A_537 = tpu.vector_load %arg13[%swap3A_535, %swap3A_536] {strides = array<i32>} : memref<128x64xf32, #tpu.memory_space<vmem>>, vector<16xf32>,
        tpu.vector_store %arg13[%swap3A_535, %swap3A_536], %mul3A_534 {strides = array<i32>} : memref<128x64xf32, #tpu.memory_space<vmem>>, vector<16xf32>,
        %get3A_538 = arith.index_cast %scan3A_513 : i32 to index
        %get3A_539 = arith.constant 48 : index
        %get3A_540 = tpu.vector_load %arg13[%get3A_538, %get3A_539] {strides = array<i32>} : memref<128x64xf32, #tpu.memory_space<vmem>>, vector<16xf32>,
        %mul3A_541 = arith.mulf %get3A_540, %gather3A_516 : vector<16xf32>
        %swap3A_542 = arith.index_cast %scan3A_513 : i32 to index
        %swap3A_543 = arith.constant 48 : index
        %swap3A_544 = tpu.vector_load %arg13[%swap3A_542, %swap3A_543] {strides = array<i32>} : memref<128x64xf32, #tpu.memory_space<vmem>>, vector<16xf32>,
        tpu.vector_store %arg13[%swap3A_542, %swap3A_543], %mul3A_541 {strides = array<i32>} : memref<128x64xf32, #tpu.memory_space<vmem>>, vector<16xf32>,
      }
      %scan3A_512 = arith.constant 128 : i32
      "tpu.region"() ({
        %run_scoped3A_513 = tpu.sem_alloc : memref<!tpu.dma_semaphore, #tpu.memory_space<semaphore_mem>>
        %dma_start3A_514 = arith.constant 0 : i32
        %dma_start3A_515 = tpu.memref_slice %arg8[%while3A_319, %dma_start3A_514] : memref<56x128xi32, #tpu.memory_space<vmem>> -> memref<1x128xi32, #tpu.memory_space<vmem>>
        %dma_start3A_516 = tpu.memref_squeeze %dma_start3A_515 : memref<1x128xi32, #tpu.memory_space<vmem>> -> memref<128xi32, #tpu.memory_space<vmem>>
        %dma_start3A_517 = arith.constant 0 : i32
        %dma_start3A_518 = arith.constant 0 : i32
        %dma_start3A_519 = tpu.memref_slice %arg18[%dma_start3A_517, %dma_start3A_518] : memref<10240x64xf32, #tpu.memory_space<vmem_shared>> -> memref<10240x64xf32, #tpu.memory_space<vmem_shared>>
        tpu.enqueue_indirect_dma source(%arg13 : memref<128x64xf32, #tpu.memory_space<vmem>>) target(%dma_start3A_519 : memref<10240x64xf32, #tpu.memory_space<vmem_shared>>) offsets(%dma_start3A_516 : memref<128xi32, #tpu.memory_space<vmem>>) semaphore(%run_scoped3A_513 : memref<!tpu.dma_semaphore, #tpu.memory_space<semaphore_mem>>) {add = true}
        %dma_wait3A_520 = arith.constant 0 : i32
        %dma_wait3A_521 = tpu.memref_slice %arg8[%while3A_319, %dma_wait3A_520] : memref<56x128xi32, #tpu.memory_space<vmem>> -> memref<1x128xi32, #tpu.memory_space<vmem>>
        %dma_wait3A_522 = tpu.memref_squeeze %dma_wait3A_521 : memref<1x128xi32, #tpu.memory_space<vmem>> -> memref<128xi32, #tpu.memory_space<vmem>>
        %dma_wait3A_523 = arith.constant 0 : i32
        %dma_wait3A_524 = arith.constant 0 : i32
        %dma_wait3A_525 = tpu.memref_slice %arg18[%dma_wait3A_523, %dma_wait3A_524] : memref<10240x64xf32, #tpu.memory_space<vmem_shared>> -> memref<10240x64xf32, #tpu.memory_space<vmem_shared>>
        tpu.wait_indirect_dma semaphore(%run_scoped3A_513 : memref<!tpu.dma_semaphore, #tpu.memory_space<semaphore_mem>>) src(%arg13 : memref<128x64xf32, #tpu.memory_space<vmem>>) dst(%dma_wait3A_525 : memref<10240x64xf32, #tpu.memory_space<vmem_shared>>)
        tpu.yield
      }) : () -> ()
    }
    %add3A_217 = arith.constant 56 : i32
    %add3A_218 = arith.addi %select_n3A, %add3A_217 : i32
    %sub3A_219 = arith.constant 56 : i32
    %sub3A_220 = arith.subi %select_n3A_157, %sub3A_219 : i32
    %jit3A_221 = arith.constant 0 : i32
    %jit3A_222 = arith.constant 56 : i32
    %max3A_223 = arith.maxsi %jit3A_221, %sub3A_220 : i32
    %min3A_224 = arith.minsi %jit3A_222, %max3A_223 : i32
    "tpu.region"() ({
      %run_scoped3A_319 = tpu.sem_alloc : memref<!tpu.dma_semaphore, #tpu.memory_space<semaphore_mem>>
      %dma_start3A = arith.constant 0 : i32
      %dma_start3A_320 = tpu.memref_slice %arg2[%add3A_218, %dma_start3A] : memref<2616x128xi32, #tpu.memory_space<hbm>> -> memref<56x128xi32, #tpu.memory_space<hbm>>
      %dma_start3A_321 = arith.constant 0 : i32
      %dma_start3A_322 = tpu.memref_slice %arg2[%add3A_218, %dma_start3A_321] : memref<2616x128xi32, #tpu.memory_space<hbm>> -> memref<56x128xi32, #tpu.memory_space<hbm>>
      tpu.enqueue_dma source(%dma_start3A_322 : memref<56x128xi32, #tpu.memory_space<hbm>>) target(%arg7 : memref<56x128xi32, #tpu.memory_space<vmem>>) target_semaphore(%run_scoped3A_319 : memref<!tpu.dma_semaphore, #tpu.memory_space<semaphore_mem>>)
      %dma_wait3A = arith.constant 0 : i32
      %dma_wait3A_323 = tpu.memref_slice %arg2[%add3A_218, %dma_wait3A] : memref<2616x128xi32, #tpu.memory_space<hbm>> -> memref<56x128xi32, #tpu.memory_space<hbm>>
      %dma_wait3A_324 = arith.constant 0 : i32
      %dma_wait3A_325 = tpu.memref_slice %arg2[%add3A_218, %dma_wait3A_324] : memref<2616x128xi32, #tpu.memory_space<hbm>> -> memref<56x128xi32, #tpu.memory_space<hbm>>
      tpu.wait_dma2 semaphore(%run_scoped3A_319 : memref<!tpu.dma_semaphore, #tpu.memory_space<semaphore_mem>>) src(%dma_wait3A_325 : memref<56x128xi32, #tpu.memory_space<hbm>>) dst(%arg7 : memref<56x128xi32, #tpu.memory_space<vmem>>)
      tpu.yield
    }) : () -> ()
    "tpu.region"() ({
      %run_scoped3A_319 = tpu.sem_alloc : memref<!tpu.dma_semaphore, #tpu.memory_space<semaphore_mem>>
      %dma_start3A = arith.constant 0 : i32
      %dma_start3A_320 = tpu.memref_slice %arg3[%add3A_218, %dma_start3A] : memref<2616x128xi32, #tpu.memory_space<hbm>> -> memref<56x128xi32, #tpu.memory_space<hbm>>
      %dma_start3A_321 = arith.constant 0 : i32
      %dma_start3A_322 = tpu.memref_slice %arg3[%add3A_218, %dma_start3A_321] : memref<2616x128xi32, #tpu.memory_space<hbm>> -> memref<56x128xi32, #tpu.memory_space<hbm>>
      tpu.enqueue_dma source(%dma_start3A_322 : memref<56x128xi32, #tpu.memory_space<hbm>>) target(%arg8 : memref<56x128xi32, #tpu.memory_space<vmem>>) target_semaphore(%run_scoped3A_319 : memref<!tpu.dma_semaphore, #tpu.memory_space<semaphore_mem>>)
      %dma_wait3A = arith.constant 0 : i32
      %dma_wait3A_323 = tpu.memref_slice %arg3[%add3A_218, %dma_wait3A] : memref<2616x128xi32, #tpu.memory_space<hbm>> -> memref<56x128xi32, #tpu.memory_space<hbm>>
      %dma_wait3A_324 = arith.constant 0 : i32
      %dma_wait3A_325 = tpu.memref_slice %arg3[%add3A_218, %dma_wait3A_324] : memref<2616x128xi32, #tpu.memory_space<hbm>> -> memref<56x128xi32, #tpu.memory_space<hbm>>
      tpu.wait_dma2 semaphore(%run_scoped3A_319 : memref<!tpu.dma_semaphore, #tpu.memory_space<semaphore_mem>>) src(%dma_wait3A_325 : memref<56x128xi32, #tpu.memory_space<hbm>>) dst(%arg8 : memref<56x128xi32, #tpu.memory_space<vmem>>)
      tpu.yield
    }) : () -> ()
    "tpu.region"() ({
      %run_scoped3A_319 = tpu.sem_alloc : memref<!tpu.dma_semaphore, #tpu.memory_space<semaphore_mem>>
      %dma_start3A = arith.constant 0 : i32
      %dma_start3A_320 = tpu.memref_slice %arg4[%add3A_218, %dma_start3A] : memref<2616x128xf32, #tpu.memory_space<hbm>> -> memref<56x128xf32, #tpu.memory_space<hbm>>
      %dma_start3A_321 = arith.constant 0 : i32
      %dma_start3A_322 = tpu.memref_slice %arg4[%add3A_218, %dma_start3A_321] : memref<2616x128xf32, #tpu.memory_space<hbm>> -> memref<56x128xf32, #tpu.memory_space<hbm>>
      tpu.enqueue_dma source(%dma_start3A_322 : memref<56x128xf32, #tpu.memory_space<hbm>>) target(%arg9 : memref<56x128xf32, #tpu.memory_space<vmem>>) target_semaphore(%run_scoped3A_319 : memref<!tpu.dma_semaphore, #tpu.memory_space<semaphore_mem>>)
      %dma_wait3A = arith.constant 0 : i32
      %dma_wait3A_323 = tpu.memref_slice %arg4[%add3A_218, %dma_wait3A] : memref<2616x128xf32, #tpu.memory_space<hbm>> -> memref<56x128xf32, #tpu.memory_space<hbm>>
      %dma_wait3A_324 = arith.constant 0 : i32
      %dma_wait3A_325 = tpu.memref_slice %arg4[%add3A_218, %dma_wait3A_324] : memref<2616x128xf32, #tpu.memory_space<hbm>> -> memref<56x128xf32, #tpu.memory_space<hbm>>
      tpu.wait_dma2 semaphore(%run_scoped3A_319 : memref<!tpu.dma_semaphore, #tpu.memory_space<semaphore_mem>>) src(%dma_wait3A_325 : memref<56x128xf32, #tpu.memory_space<hbm>>) dst(%arg9 : memref<56x128xf32, #tpu.memory_space<vmem>>)
      tpu.yield
    }) : () -> ()
    %while3A_225 = arith.constant 0 : i32
    %while3A_226 = arith.subi %min3A_224, %while3A_225 : i32
    %while3A_227 = arith.addi %while3A_225, %while3A_226 : i32
    %while3A_228 = arith.constant 1 : i32
    %while3A_229 = arith.divsi %while3A_226, %while3A_228 : i32
    %while3A_230 = arith.muli %while3A_229, %while3A_228 : i32
    %while3A_231 = arith.addi %while3A_225, %while3A_230 : i32
    %while3A_232 = arith.constant 1 : i32
    scf.for %while3A_319 = %while3A_225 to %while3A_231 step %while3A_232  : i32 {
      %dma_start3A = arith.constant 0 : i32
      %dma_start3A_320 = arith.constant 0 : i32
      %dma_start3A_321 = tpu.memref_slice %arg7[%while3A_319, %dma_start3A_320] : memref<56x128xi32, #tpu.memory_space<vmem>> -> memref<1x128xi32, #tpu.memory_space<vmem>>
      %dma_start3A_322 = tpu.memref_squeeze %dma_start3A_321 : memref<1x128xi32, #tpu.memory_space<vmem>> -> memref<128xi32, #tpu.memory_space<vmem>>
      %dma_start3A_323 = arith.constant 0 : i32
      %dma_start3A_324 = arith.constant 0 : i32
      %dma_start3A_325 = tpu.memref_slice %arg5[%dma_start3A, %dma_start3A_323, %dma_start3A_324] : memref<2x10240x64xf32, #tpu.memory_space<hbm>> -> memref<1x10240x64xf32, #tpu.memory_space<hbm>>
      %dma_start3A_326 = tpu.memref_squeeze %dma_start3A_325 : memref<1x10240x64xf32, #tpu.memory_space<hbm>> -> memref<10240x64xf32, #tpu.memory_space<hbm>>
      %dma_start3A_327 = arith.constant 0 : i32
      %dma_start3A_328 = arith.constant 0 : i32
      %dma_start3A_329 = tpu.memref_slice %dma_start3A_326[%dma_start3A_327, %dma_start3A_328] : memref<10240x64xf32, #tpu.memory_space<hbm>> -> memref<10240x64xf32, #tpu.memory_space<hbm>>
      tpu.enqueue_indirect_dma source(%dma_start3A_329 : memref<10240x64xf32, #tpu.memory_space<hbm>>) target(%arg13 : memref<128x64xf32, #tpu.memory_space<vmem>>) offsets(%dma_start3A_322 : memref<128xi32, #tpu.memory_space<vmem>>) semaphore(%arg19 : memref<!tpu.dma_semaphore, #tpu.memory_space<semaphore_mem>>)
      %add3A_330 = arith.constant 56 : i32
      %add3A_331 = arith.addi %add3A_330, %while3A_319 : i32
      %mul3A_332 = arith.constant 128 : i32
      %mul3A_333 = arith.muli %add3A_331, %mul3A_332 : i32
      %get3A = arith.index_cast %while3A_319 : i32 to index
      %get3A_334 = arith.constant 0 : index
      %get3A_335 = tpu.vector_load %arg7[%get3A, %get3A_334] {strides = array<i32>} : memref<56x128xi32, #tpu.memory_space<vmem>>, vector<16xi32>,
      %get3A_336 = arith.index_cast %while3A_319 : i32 to index
      %get3A_337 = arith.constant 0 : index
      %get3A_338 = tpu.vector_load %arg8[%get3A_336, %get3A_337] {strides = array<i32>} : memref<56x128xi32, #tpu.memory_space<vmem>>, vector<16xi32>,
      %get3A_339 = arith.index_cast %while3A_319 : i32 to index
      %get3A_340 = arith.constant 0 : index
      %get3A_341 = tpu.vector_load %arg9[%get3A_339, %get3A_340] {strides = array<i32>} : memref<56x128xf32, #tpu.memory_space<vmem>>, vector<16xf32>,
      %ne3A = arith.cmpi ne, %get3A_335, %get3A_338 : vector<16xi32>
      %jit3A_342 = arith.constant 0.000000e+00 : f32
      %broadcast_in_dim3A_343 = vector.broadcast %jit3A_342 : f32 to vector<16xf32>
      %select_n3A_344 = arith.select %ne3A, %get3A_341, %broadcast_in_dim3A_343 : vector<16xi1>, vector<16xf32>
      %gather3A = tpu.vector_load_idx %arg11[%get3A_335] : memref<10240xf32, #tpu.memory_space<vmem>>[vector<16xi32>], vector<16xf32>,
      %mul3A_345 = arith.mulf %gather3A, %select_n3A_344 : vector<16xf32>
      %gather3A_346 = tpu.vector_load_idx %arg11[%get3A_338] : memref<10240xf32, #tpu.memory_space<vmem>>[vector<16xi32>], vector<16xf32>,
      %mul3A_347 = arith.mulf %mul3A_345, %gather3A_346 : vector<16xf32>
      %add3A_348 = arith.constant 0 : i32
      %add3A_349 = arith.addi %mul3A_333, %add3A_348 : i32
      %swap3A = arith.index_cast %add3A_349 : i32 to index
      %swap3A_350 = tpu.vector_load %arg12[%swap3A] {strides = array<i32>} : memref<14336xf32, #tpu.memory_space<vmem>>, vector<16xf32>,
      tpu.vector_store %arg12[%swap3A], %mul3A_347 {strides = array<i32>} : memref<14336xf32, #tpu.memory_space<vmem>>, vector<16xf32>,
      %get3A_351 = arith.index_cast %while3A_319 : i32 to index
      %get3A_352 = arith.constant 16 : index
      %get3A_353 = tpu.vector_load %arg7[%get3A_351, %get3A_352] {strides = array<i32>} : memref<56x128xi32, #tpu.memory_space<vmem>>, vector<16xi32>,
      %get3A_354 = arith.index_cast %while3A_319 : i32 to index
      %get3A_355 = arith.constant 16 : index
      %get3A_356 = tpu.vector_load %arg8[%get3A_354, %get3A_355] {strides = array<i32>} : memref<56x128xi32, #tpu.memory_space<vmem>>, vector<16xi32>,
      %get3A_357 = arith.index_cast %while3A_319 : i32 to index
      %get3A_358 = arith.constant 16 : index
      %get3A_359 = tpu.vector_load %arg9[%get3A_357, %get3A_358] {strides = array<i32>} : memref<56x128xf32, #tpu.memory_space<vmem>>, vector<16xf32>,
      %ne3A_360 = arith.cmpi ne, %get3A_353, %get3A_356 : vector<16xi32>
      %jit3A_361 = arith.constant 0.000000e+00 : f32
      %broadcast_in_dim3A_362 = vector.broadcast %jit3A_361 : f32 to vector<16xf32>
      %select_n3A_363 = arith.select %ne3A_360, %get3A_359, %broadcast_in_dim3A_362 : vector<16xi1>, vector<16xf32>
      %gather3A_364 = tpu.vector_load_idx %arg11[%get3A_353] : memref<10240xf32, #tpu.memory_space<vmem>>[vector<16xi32>], vector<16xf32>,
      %mul3A_365 = arith.mulf %gather3A_364, %select_n3A_363 : vector<16xf32>
      %gather3A_366 = tpu.vector_load_idx %arg11[%get3A_356] : memref<10240xf32, #tpu.memory_space<vmem>>[vector<16xi32>], vector<16xf32>,
      %mul3A_367 = arith.mulf %mul3A_365, %gather3A_366 : vector<16xf32>
      %add3A_368 = arith.constant 16 : i32
      %add3A_369 = arith.addi %mul3A_333, %add3A_368 : i32
      %swap3A_370 = arith.index_cast %add3A_369 : i32 to index
      %swap3A_371 = tpu.vector_load %arg12[%swap3A_370] {strides = array<i32>} : memref<14336xf32, #tpu.memory_space<vmem>>, vector<16xf32>,
      tpu.vector_store %arg12[%swap3A_370], %mul3A_367 {strides = array<i32>} : memref<14336xf32, #tpu.memory_space<vmem>>, vector<16xf32>,
      %get3A_372 = arith.index_cast %while3A_319 : i32 to index
      %get3A_373 = arith.constant 32 : index
      %get3A_374 = tpu.vector_load %arg7[%get3A_372, %get3A_373] {strides = array<i32>} : memref<56x128xi32, #tpu.memory_space<vmem>>, vector<16xi32>,
      %get3A_375 = arith.index_cast %while3A_319 : i32 to index
      %get3A_376 = arith.constant 32 : index
      %get3A_377 = tpu.vector_load %arg8[%get3A_375, %get3A_376] {strides = array<i32>} : memref<56x128xi32, #tpu.memory_space<vmem>>, vector<16xi32>,
      %get3A_378 = arith.index_cast %while3A_319 : i32 to index
      %get3A_379 = arith.constant 32 : index
      %get3A_380 = tpu.vector_load %arg9[%get3A_378, %get3A_379] {strides = array<i32>} : memref<56x128xf32, #tpu.memory_space<vmem>>, vector<16xf32>,
      %ne3A_381 = arith.cmpi ne, %get3A_374, %get3A_377 : vector<16xi32>
      %jit3A_382 = arith.constant 0.000000e+00 : f32
      %broadcast_in_dim3A_383 = vector.broadcast %jit3A_382 : f32 to vector<16xf32>
      %select_n3A_384 = arith.select %ne3A_381, %get3A_380, %broadcast_in_dim3A_383 : vector<16xi1>, vector<16xf32>
      %gather3A_385 = tpu.vector_load_idx %arg11[%get3A_374] : memref<10240xf32, #tpu.memory_space<vmem>>[vector<16xi32>], vector<16xf32>,
      %mul3A_386 = arith.mulf %gather3A_385, %select_n3A_384 : vector<16xf32>
      %gather3A_387 = tpu.vector_load_idx %arg11[%get3A_377] : memref<10240xf32, #tpu.memory_space<vmem>>[vector<16xi32>], vector<16xf32>,
      %mul3A_388 = arith.mulf %mul3A_386, %gather3A_387 : vector<16xf32>
      %add3A_389 = arith.constant 32 : i32
      %add3A_390 = arith.addi %mul3A_333, %add3A_389 : i32
      %swap3A_391 = arith.index_cast %add3A_390 : i32 to index
      %swap3A_392 = tpu.vector_load %arg12[%swap3A_391] {strides = array<i32>} : memref<14336xf32, #tpu.memory_space<vmem>>, vector<16xf32>,
      tpu.vector_store %arg12[%swap3A_391], %mul3A_388 {strides = array<i32>} : memref<14336xf32, #tpu.memory_space<vmem>>, vector<16xf32>,
      %get3A_393 = arith.index_cast %while3A_319 : i32 to index
      %get3A_394 = arith.constant 48 : index
      %get3A_395 = tpu.vector_load %arg7[%get3A_393, %get3A_394] {strides = array<i32>} : memref<56x128xi32, #tpu.memory_space<vmem>>, vector<16xi32>,
      %get3A_396 = arith.index_cast %while3A_319 : i32 to index
      %get3A_397 = arith.constant 48 : index
      %get3A_398 = tpu.vector_load %arg8[%get3A_396, %get3A_397] {strides = array<i32>} : memref<56x128xi32, #tpu.memory_space<vmem>>, vector<16xi32>,
      %get3A_399 = arith.index_cast %while3A_319 : i32 to index
      %get3A_400 = arith.constant 48 : index
      %get3A_401 = tpu.vector_load %arg9[%get3A_399, %get3A_400] {strides = array<i32>} : memref<56x128xf32, #tpu.memory_space<vmem>>, vector<16xf32>,
      %ne3A_402 = arith.cmpi ne, %get3A_395, %get3A_398 : vector<16xi32>
      %jit3A_403 = arith.constant 0.000000e+00 : f32
      %broadcast_in_dim3A_404 = vector.broadcast %jit3A_403 : f32 to vector<16xf32>
      %select_n3A_405 = arith.select %ne3A_402, %get3A_401, %broadcast_in_dim3A_404 : vector<16xi1>, vector<16xf32>
      %gather3A_406 = tpu.vector_load_idx %arg11[%get3A_395] : memref<10240xf32, #tpu.memory_space<vmem>>[vector<16xi32>], vector<16xf32>,
      %mul3A_407 = arith.mulf %gather3A_406, %select_n3A_405 : vector<16xf32>
      %gather3A_408 = tpu.vector_load_idx %arg11[%get3A_398] : memref<10240xf32, #tpu.memory_space<vmem>>[vector<16xi32>], vector<16xf32>,
      %mul3A_409 = arith.mulf %mul3A_407, %gather3A_408 : vector<16xf32>
      %add3A_410 = arith.constant 48 : i32
      %add3A_411 = arith.addi %mul3A_333, %add3A_410 : i32
      %swap3A_412 = arith.index_cast %add3A_411 : i32 to index
      %swap3A_413 = tpu.vector_load %arg12[%swap3A_412] {strides = array<i32>} : memref<14336xf32, #tpu.memory_space<vmem>>, vector<16xf32>,
      tpu.vector_store %arg12[%swap3A_412], %mul3A_409 {strides = array<i32>} : memref<14336xf32, #tpu.memory_space<vmem>>, vector<16xf32>,
      %get3A_414 = arith.index_cast %while3A_319 : i32 to index
      %get3A_415 = arith.constant 64 : index
      %get3A_416 = tpu.vector_load %arg7[%get3A_414, %get3A_415] {strides = array<i32>} : memref<56x128xi32, #tpu.memory_space<vmem>>, vector<16xi32>,
      %get3A_417 = arith.index_cast %while3A_319 : i32 to index
      %get3A_418 = arith.constant 64 : index
      %get3A_419 = tpu.vector_load %arg8[%get3A_417, %get3A_418] {strides = array<i32>} : memref<56x128xi32, #tpu.memory_space<vmem>>, vector<16xi32>,
      %get3A_420 = arith.index_cast %while3A_319 : i32 to index
      %get3A_421 = arith.constant 64 : index
      %get3A_422 = tpu.vector_load %arg9[%get3A_420, %get3A_421] {strides = array<i32>} : memref<56x128xf32, #tpu.memory_space<vmem>>, vector<16xf32>,
      %ne3A_423 = arith.cmpi ne, %get3A_416, %get3A_419 : vector<16xi32>
      %jit3A_424 = arith.constant 0.000000e+00 : f32
      %broadcast_in_dim3A_425 = vector.broadcast %jit3A_424 : f32 to vector<16xf32>
      %select_n3A_426 = arith.select %ne3A_423, %get3A_422, %broadcast_in_dim3A_425 : vector<16xi1>, vector<16xf32>
      %gather3A_427 = tpu.vector_load_idx %arg11[%get3A_416] : memref<10240xf32, #tpu.memory_space<vmem>>[vector<16xi32>], vector<16xf32>,
      %mul3A_428 = arith.mulf %gather3A_427, %select_n3A_426 : vector<16xf32>
      %gather3A_429 = tpu.vector_load_idx %arg11[%get3A_419] : memref<10240xf32, #tpu.memory_space<vmem>>[vector<16xi32>], vector<16xf32>,
      %mul3A_430 = arith.mulf %mul3A_428, %gather3A_429 : vector<16xf32>
      %add3A_431 = arith.constant 64 : i32
      %add3A_432 = arith.addi %mul3A_333, %add3A_431 : i32
      %swap3A_433 = arith.index_cast %add3A_432 : i32 to index
      %swap3A_434 = tpu.vector_load %arg12[%swap3A_433] {strides = array<i32>} : memref<14336xf32, #tpu.memory_space<vmem>>, vector<16xf32>,
      tpu.vector_store %arg12[%swap3A_433], %mul3A_430 {strides = array<i32>} : memref<14336xf32, #tpu.memory_space<vmem>>, vector<16xf32>,
      %get3A_435 = arith.index_cast %while3A_319 : i32 to index
      %get3A_436 = arith.constant 80 : index
      %get3A_437 = tpu.vector_load %arg7[%get3A_435, %get3A_436] {strides = array<i32>} : memref<56x128xi32, #tpu.memory_space<vmem>>, vector<16xi32>,
      %get3A_438 = arith.index_cast %while3A_319 : i32 to index
      %get3A_439 = arith.constant 80 : index
      %get3A_440 = tpu.vector_load %arg8[%get3A_438, %get3A_439] {strides = array<i32>} : memref<56x128xi32, #tpu.memory_space<vmem>>, vector<16xi32>,
      %get3A_441 = arith.index_cast %while3A_319 : i32 to index
      %get3A_442 = arith.constant 80 : index
      %get3A_443 = tpu.vector_load %arg9[%get3A_441, %get3A_442] {strides = array<i32>} : memref<56x128xf32, #tpu.memory_space<vmem>>, vector<16xf32>,
      %ne3A_444 = arith.cmpi ne, %get3A_437, %get3A_440 : vector<16xi32>
      %jit3A_445 = arith.constant 0.000000e+00 : f32
      %broadcast_in_dim3A_446 = vector.broadcast %jit3A_445 : f32 to vector<16xf32>
      %select_n3A_447 = arith.select %ne3A_444, %get3A_443, %broadcast_in_dim3A_446 : vector<16xi1>, vector<16xf32>
      %gather3A_448 = tpu.vector_load_idx %arg11[%get3A_437] : memref<10240xf32, #tpu.memory_space<vmem>>[vector<16xi32>], vector<16xf32>,
      %mul3A_449 = arith.mulf %gather3A_448, %select_n3A_447 : vector<16xf32>
      %gather3A_450 = tpu.vector_load_idx %arg11[%get3A_440] : memref<10240xf32, #tpu.memory_space<vmem>>[vector<16xi32>], vector<16xf32>,
      %mul3A_451 = arith.mulf %mul3A_449, %gather3A_450 : vector<16xf32>
      %add3A_452 = arith.constant 80 : i32
      %add3A_453 = arith.addi %mul3A_333, %add3A_452 : i32
      %swap3A_454 = arith.index_cast %add3A_453 : i32 to index
      %swap3A_455 = tpu.vector_load %arg12[%swap3A_454] {strides = array<i32>} : memref<14336xf32, #tpu.memory_space<vmem>>, vector<16xf32>,
      tpu.vector_store %arg12[%swap3A_454], %mul3A_451 {strides = array<i32>} : memref<14336xf32, #tpu.memory_space<vmem>>, vector<16xf32>,
      %get3A_456 = arith.index_cast %while3A_319 : i32 to index
      %get3A_457 = arith.constant 96 : index
      %get3A_458 = tpu.vector_load %arg7[%get3A_456, %get3A_457] {strides = array<i32>} : memref<56x128xi32, #tpu.memory_space<vmem>>, vector<16xi32>,
      %get3A_459 = arith.index_cast %while3A_319 : i32 to index
      %get3A_460 = arith.constant 96 : index
      %get3A_461 = tpu.vector_load %arg8[%get3A_459, %get3A_460] {strides = array<i32>} : memref<56x128xi32, #tpu.memory_space<vmem>>, vector<16xi32>,
      %get3A_462 = arith.index_cast %while3A_319 : i32 to index
      %get3A_463 = arith.constant 96 : index
      %get3A_464 = tpu.vector_load %arg9[%get3A_462, %get3A_463] {strides = array<i32>} : memref<56x128xf32, #tpu.memory_space<vmem>>, vector<16xf32>,
      %ne3A_465 = arith.cmpi ne, %get3A_458, %get3A_461 : vector<16xi32>
      %jit3A_466 = arith.constant 0.000000e+00 : f32
      %broadcast_in_dim3A_467 = vector.broadcast %jit3A_466 : f32 to vector<16xf32>
      %select_n3A_468 = arith.select %ne3A_465, %get3A_464, %broadcast_in_dim3A_467 : vector<16xi1>, vector<16xf32>
      %gather3A_469 = tpu.vector_load_idx %arg11[%get3A_458] : memref<10240xf32, #tpu.memory_space<vmem>>[vector<16xi32>], vector<16xf32>,
      %mul3A_470 = arith.mulf %gather3A_469, %select_n3A_468 : vector<16xf32>
      %gather3A_471 = tpu.vector_load_idx %arg11[%get3A_461] : memref<10240xf32, #tpu.memory_space<vmem>>[vector<16xi32>], vector<16xf32>,
      %mul3A_472 = arith.mulf %mul3A_470, %gather3A_471 : vector<16xf32>
      %add3A_473 = arith.constant 96 : i32
      %add3A_474 = arith.addi %mul3A_333, %add3A_473 : i32
      %swap3A_475 = arith.index_cast %add3A_474 : i32 to index
      %swap3A_476 = tpu.vector_load %arg12[%swap3A_475] {strides = array<i32>} : memref<14336xf32, #tpu.memory_space<vmem>>, vector<16xf32>,
      tpu.vector_store %arg12[%swap3A_475], %mul3A_472 {strides = array<i32>} : memref<14336xf32, #tpu.memory_space<vmem>>, vector<16xf32>,
      %get3A_477 = arith.index_cast %while3A_319 : i32 to index
      %get3A_478 = arith.constant 112 : index
      %get3A_479 = tpu.vector_load %arg7[%get3A_477, %get3A_478] {strides = array<i32>} : memref<56x128xi32, #tpu.memory_space<vmem>>, vector<16xi32>,
      %get3A_480 = arith.index_cast %while3A_319 : i32 to index
      %get3A_481 = arith.constant 112 : index
      %get3A_482 = tpu.vector_load %arg8[%get3A_480, %get3A_481] {strides = array<i32>} : memref<56x128xi32, #tpu.memory_space<vmem>>, vector<16xi32>,
      %get3A_483 = arith.index_cast %while3A_319 : i32 to index
      %get3A_484 = arith.constant 112 : index
      %get3A_485 = tpu.vector_load %arg9[%get3A_483, %get3A_484] {strides = array<i32>} : memref<56x128xf32, #tpu.memory_space<vmem>>, vector<16xf32>,
      %ne3A_486 = arith.cmpi ne, %get3A_479, %get3A_482 : vector<16xi32>
      %jit3A_487 = arith.constant 0.000000e+00 : f32
      %broadcast_in_dim3A_488 = vector.broadcast %jit3A_487 : f32 to vector<16xf32>
      %select_n3A_489 = arith.select %ne3A_486, %get3A_485, %broadcast_in_dim3A_488 : vector<16xi1>, vector<16xf32>
      %gather3A_490 = tpu.vector_load_idx %arg11[%get3A_479] : memref<10240xf32, #tpu.memory_space<vmem>>[vector<16xi32>], vector<16xf32>,
      %mul3A_491 = arith.mulf %gather3A_490, %select_n3A_489 : vector<16xf32>
      %gather3A_492 = tpu.vector_load_idx %arg11[%get3A_482] : memref<10240xf32, #tpu.memory_space<vmem>>[vector<16xi32>], vector<16xf32>,
      %mul3A_493 = arith.mulf %mul3A_491, %gather3A_492 : vector<16xf32>
      %add3A_494 = arith.constant 112 : i32
      %add3A_495 = arith.addi %mul3A_333, %add3A_494 : i32
      %swap3A_496 = arith.index_cast %add3A_495 : i32 to index
      %swap3A_497 = tpu.vector_load %arg12[%swap3A_496] {strides = array<i32>} : memref<14336xf32, #tpu.memory_space<vmem>>, vector<16xf32>,
      tpu.vector_store %arg12[%swap3A_496], %mul3A_493 {strides = array<i32>} : memref<14336xf32, #tpu.memory_space<vmem>>, vector<16xf32>,
      %dma_wait3A = arith.constant 0 : i32
      %dma_wait3A_498 = arith.constant 0 : i32
      %dma_wait3A_499 = tpu.memref_slice %arg7[%while3A_319, %dma_wait3A_498] : memref<56x128xi32, #tpu.memory_space<vmem>> -> memref<1x128xi32, #tpu.memory_space<vmem>>
      %dma_wait3A_500 = tpu.memref_squeeze %dma_wait3A_499 : memref<1x128xi32, #tpu.memory_space<vmem>> -> memref<128xi32, #tpu.memory_space<vmem>>
      %dma_wait3A_501 = arith.constant 0 : i32
      %dma_wait3A_502 = arith.constant 0 : i32
      %dma_wait3A_503 = tpu.memref_slice %arg5[%dma_wait3A, %dma_wait3A_501, %dma_wait3A_502] : memref<2x10240x64xf32, #tpu.memory_space<hbm>> -> memref<1x10240x64xf32, #tpu.memory_space<hbm>>
      %dma_wait3A_504 = tpu.memref_squeeze %dma_wait3A_503 : memref<1x10240x64xf32, #tpu.memory_space<hbm>> -> memref<10240x64xf32, #tpu.memory_space<hbm>>
      %dma_wait3A_505 = arith.constant 0 : i32
      %dma_wait3A_506 = arith.constant 0 : i32
      %dma_wait3A_507 = tpu.memref_slice %dma_wait3A_504[%dma_wait3A_505, %dma_wait3A_506] : memref<10240x64xf32, #tpu.memory_space<hbm>> -> memref<10240x64xf32, #tpu.memory_space<hbm>>
      tpu.wait_indirect_dma semaphore(%arg19 : memref<!tpu.dma_semaphore, #tpu.memory_space<semaphore_mem>>) src(%dma_wait3A_507 : memref<10240x64xf32, #tpu.memory_space<hbm>>) dst(%arg13 : memref<128x64xf32, #tpu.memory_space<vmem>>)
      %scan3A_508 = arith.constant 0 : i32
      %scan3A_509 = arith.constant 128 : i32
      %scan3A_510 = arith.addi %scan3A_508, %scan3A_509 : i32
      %scan3A_511 = arith.constant 1 : i32
      scf.for %scan3A_513 = %scan3A_508 to %scan3A_510 step %scan3A_511  : i32 {
        %add3A_514 = arith.addi %mul3A_333, %scan3A_513 : i32
        %broadcast_in_dim3A_515 = vector.broadcast %add3A_514 : i32 to vector<16xi32>
        %gather3A_516 = tpu.vector_load_idx %arg12[%broadcast_in_dim3A_515] : memref<14336xf32, #tpu.memory_space<vmem>>[vector<16xi32>], vector<16xf32>,
        %get3A_517 = arith.index_cast %scan3A_513 : i32 to index
        %get3A_518 = arith.constant 0 : index
        %get3A_519 = tpu.vector_load %arg13[%get3A_517, %get3A_518] {strides = array<i32>} : memref<128x64xf32, #tpu.memory_space<vmem>>, vector<16xf32>,
        %mul3A_520 = arith.mulf %get3A_519, %gather3A_516 : vector<16xf32>
        %swap3A_521 = arith.index_cast %scan3A_513 : i32 to index
        %swap3A_522 = arith.constant 0 : index
        %swap3A_523 = tpu.vector_load %arg13[%swap3A_521, %swap3A_522] {strides = array<i32>} : memref<128x64xf32, #tpu.memory_space<vmem>>, vector<16xf32>,
        tpu.vector_store %arg13[%swap3A_521, %swap3A_522], %mul3A_520 {strides = array<i32>} : memref<128x64xf32, #tpu.memory_space<vmem>>, vector<16xf32>,
        %get3A_524 = arith.index_cast %scan3A_513 : i32 to index
        %get3A_525 = arith.constant 16 : index
        %get3A_526 = tpu.vector_load %arg13[%get3A_524, %get3A_525] {strides = array<i32>} : memref<128x64xf32, #tpu.memory_space<vmem>>, vector<16xf32>,
        %mul3A_527 = arith.mulf %get3A_526, %gather3A_516 : vector<16xf32>
        %swap3A_528 = arith.index_cast %scan3A_513 : i32 to index
        %swap3A_529 = arith.constant 16 : index
        %swap3A_530 = tpu.vector_load %arg13[%swap3A_528, %swap3A_529] {strides = array<i32>} : memref<128x64xf32, #tpu.memory_space<vmem>>, vector<16xf32>,
        tpu.vector_store %arg13[%swap3A_528, %swap3A_529], %mul3A_527 {strides = array<i32>} : memref<128x64xf32, #tpu.memory_space<vmem>>, vector<16xf32>,
        %get3A_531 = arith.index_cast %scan3A_513 : i32 to index
        %get3A_532 = arith.constant 32 : index
        %get3A_533 = tpu.vector_load %arg13[%get3A_531, %get3A_532] {strides = array<i32>} : memref<128x64xf32, #tpu.memory_space<vmem>>, vector<16xf32>,
        %mul3A_534 = arith.mulf %get3A_533, %gather3A_516 : vector<16xf32>
        %swap3A_535 = arith.index_cast %scan3A_513 : i32 to index
        %swap3A_536 = arith.constant 32 : index
        %swap3A_537 = tpu.vector_load %arg13[%swap3A_535, %swap3A_536] {strides = array<i32>} : memref<128x64xf32, #tpu.memory_space<vmem>>, vector<16xf32>,
        tpu.vector_store %arg13[%swap3A_535, %swap3A_536], %mul3A_534 {strides = array<i32>} : memref<128x64xf32, #tpu.memory_space<vmem>>, vector<16xf32>,
        %get3A_538 = arith.index_cast %scan3A_513 : i32 to index
        %get3A_539 = arith.constant 48 : index
        %get3A_540 = tpu.vector_load %arg13[%get3A_538, %get3A_539] {strides = array<i32>} : memref<128x64xf32, #tpu.memory_space<vmem>>, vector<16xf32>,
        %mul3A_541 = arith.mulf %get3A_540, %gather3A_516 : vector<16xf32>
        %swap3A_542 = arith.index_cast %scan3A_513 : i32 to index
        %swap3A_543 = arith.constant 48 : index
        %swap3A_544 = tpu.vector_load %arg13[%swap3A_542, %swap3A_543] {strides = array<i32>} : memref<128x64xf32, #tpu.memory_space<vmem>>, vector<16xf32>,
        tpu.vector_store %arg13[%swap3A_542, %swap3A_543], %mul3A_541 {strides = array<i32>} : memref<128x64xf32, #tpu.memory_space<vmem>>, vector<16xf32>,
      }
      %scan3A_512 = arith.constant 128 : i32
      "tpu.region"() ({
        %run_scoped3A_513 = tpu.sem_alloc : memref<!tpu.dma_semaphore, #tpu.memory_space<semaphore_mem>>
        %dma_start3A_514 = arith.constant 0 : i32
        %dma_start3A_515 = tpu.memref_slice %arg8[%while3A_319, %dma_start3A_514] : memref<56x128xi32, #tpu.memory_space<vmem>> -> memref<1x128xi32, #tpu.memory_space<vmem>>
        %dma_start3A_516 = tpu.memref_squeeze %dma_start3A_515 : memref<1x128xi32, #tpu.memory_space<vmem>> -> memref<128xi32, #tpu.memory_space<vmem>>
        %dma_start3A_517 = arith.constant 0 : i32
        %dma_start3A_518 = arith.constant 0 : i32
        %dma_start3A_519 = tpu.memref_slice %arg18[%dma_start3A_517, %dma_start3A_518] : memref<10240x64xf32, #tpu.memory_space<vmem_shared>> -> memref<10240x64xf32, #tpu.memory_space<vmem_shared>>
        tpu.enqueue_indirect_dma source(%arg13 : memref<128x64xf32, #tpu.memory_space<vmem>>) target(%dma_start3A_519 : memref<10240x64xf32, #tpu.memory_space<vmem_shared>>) offsets(%dma_start3A_516 : memref<128xi32, #tpu.memory_space<vmem>>) semaphore(%run_scoped3A_513 : memref<!tpu.dma_semaphore, #tpu.memory_space<semaphore_mem>>) {add = true}
        %dma_wait3A_520 = arith.constant 0 : i32
        %dma_wait3A_521 = tpu.memref_slice %arg8[%while3A_319, %dma_wait3A_520] : memref<56x128xi32, #tpu.memory_space<vmem>> -> memref<1x128xi32, #tpu.memory_space<vmem>>
        %dma_wait3A_522 = tpu.memref_squeeze %dma_wait3A_521 : memref<1x128xi32, #tpu.memory_space<vmem>> -> memref<128xi32, #tpu.memory_space<vmem>>
        %dma_wait3A_523 = arith.constant 0 : i32
        %dma_wait3A_524 = arith.constant 0 : i32
        %dma_wait3A_525 = tpu.memref_slice %arg18[%dma_wait3A_523, %dma_wait3A_524] : memref<10240x64xf32, #tpu.memory_space<vmem_shared>> -> memref<10240x64xf32, #tpu.memory_space<vmem_shared>>
        tpu.wait_indirect_dma semaphore(%run_scoped3A_513 : memref<!tpu.dma_semaphore, #tpu.memory_space<semaphore_mem>>) src(%arg13 : memref<128x64xf32, #tpu.memory_space<vmem>>) dst(%dma_wait3A_525 : memref<10240x64xf32, #tpu.memory_space<vmem_shared>>)
        tpu.yield
      }) : () -> ()
    }
    %while3A_233 = arith.constant 1 : i32
    scf.for %while3A_319 = %while3A_231 to %while3A_227 step %while3A_233  : i32 {
      %dma_start3A = arith.constant 0 : i32
      %dma_start3A_320 = arith.constant 0 : i32
      %dma_start3A_321 = tpu.memref_slice %arg7[%while3A_319, %dma_start3A_320] : memref<56x128xi32, #tpu.memory_space<vmem>> -> memref<1x128xi32, #tpu.memory_space<vmem>>
      %dma_start3A_322 = tpu.memref_squeeze %dma_start3A_321 : memref<1x128xi32, #tpu.memory_space<vmem>> -> memref<128xi32, #tpu.memory_space<vmem>>
      %dma_start3A_323 = arith.constant 0 : i32
      %dma_start3A_324 = arith.constant 0 : i32
      %dma_start3A_325 = tpu.memref_slice %arg5[%dma_start3A, %dma_start3A_323, %dma_start3A_324] : memref<2x10240x64xf32, #tpu.memory_space<hbm>> -> memref<1x10240x64xf32, #tpu.memory_space<hbm>>
      %dma_start3A_326 = tpu.memref_squeeze %dma_start3A_325 : memref<1x10240x64xf32, #tpu.memory_space<hbm>> -> memref<10240x64xf32, #tpu.memory_space<hbm>>
      %dma_start3A_327 = arith.constant 0 : i32
      %dma_start3A_328 = arith.constant 0 : i32
      %dma_start3A_329 = tpu.memref_slice %dma_start3A_326[%dma_start3A_327, %dma_start3A_328] : memref<10240x64xf32, #tpu.memory_space<hbm>> -> memref<10240x64xf32, #tpu.memory_space<hbm>>
      tpu.enqueue_indirect_dma source(%dma_start3A_329 : memref<10240x64xf32, #tpu.memory_space<hbm>>) target(%arg13 : memref<128x64xf32, #tpu.memory_space<vmem>>) offsets(%dma_start3A_322 : memref<128xi32, #tpu.memory_space<vmem>>) semaphore(%arg19 : memref<!tpu.dma_semaphore, #tpu.memory_space<semaphore_mem>>)
      %add3A_330 = arith.constant 56 : i32
      %add3A_331 = arith.addi %add3A_330, %while3A_319 : i32
      %mul3A_332 = arith.constant 128 : i32
      %mul3A_333 = arith.muli %add3A_331, %mul3A_332 : i32
      %get3A = arith.index_cast %while3A_319 : i32 to index
      %get3A_334 = arith.constant 0 : index
      %get3A_335 = tpu.vector_load %arg7[%get3A, %get3A_334] {strides = array<i32>} : memref<56x128xi32, #tpu.memory_space<vmem>>, vector<16xi32>,
      %get3A_336 = arith.index_cast %while3A_319 : i32 to index
      %get3A_337 = arith.constant 0 : index
      %get3A_338 = tpu.vector_load %arg8[%get3A_336, %get3A_337] {strides = array<i32>} : memref<56x128xi32, #tpu.memory_space<vmem>>, vector<16xi32>,
      %get3A_339 = arith.index_cast %while3A_319 : i32 to index
      %get3A_340 = arith.constant 0 : index
      %get3A_341 = tpu.vector_load %arg9[%get3A_339, %get3A_340] {strides = array<i32>} : memref<56x128xf32, #tpu.memory_space<vmem>>, vector<16xf32>,
      %ne3A = arith.cmpi ne, %get3A_335, %get3A_338 : vector<16xi32>
      %jit3A_342 = arith.constant 0.000000e+00 : f32
      %broadcast_in_dim3A_343 = vector.broadcast %jit3A_342 : f32 to vector<16xf32>
      %select_n3A_344 = arith.select %ne3A, %get3A_341, %broadcast_in_dim3A_343 : vector<16xi1>, vector<16xf32>
      %gather3A = tpu.vector_load_idx %arg11[%get3A_335] : memref<10240xf32, #tpu.memory_space<vmem>>[vector<16xi32>], vector<16xf32>,
      %mul3A_345 = arith.mulf %gather3A, %select_n3A_344 : vector<16xf32>
      %gather3A_346 = tpu.vector_load_idx %arg11[%get3A_338] : memref<10240xf32, #tpu.memory_space<vmem>>[vector<16xi32>], vector<16xf32>,
      %mul3A_347 = arith.mulf %mul3A_345, %gather3A_346 : vector<16xf32>
      %add3A_348 = arith.constant 0 : i32
      %add3A_349 = arith.addi %mul3A_333, %add3A_348 : i32
      %swap3A = arith.index_cast %add3A_349 : i32 to index
      %swap3A_350 = tpu.vector_load %arg12[%swap3A] {strides = array<i32>} : memref<14336xf32, #tpu.memory_space<vmem>>, vector<16xf32>,
      tpu.vector_store %arg12[%swap3A], %mul3A_347 {strides = array<i32>} : memref<14336xf32, #tpu.memory_space<vmem>>, vector<16xf32>,
      %get3A_351 = arith.index_cast %while3A_319 : i32 to index
      %get3A_352 = arith.constant 16 : index
      %get3A_353 = tpu.vector_load %arg7[%get3A_351, %get3A_352] {strides = array<i32>} : memref<56x128xi32, #tpu.memory_space<vmem>>, vector<16xi32>,
      %get3A_354 = arith.index_cast %while3A_319 : i32 to index
      %get3A_355 = arith.constant 16 : index
      %get3A_356 = tpu.vector_load %arg8[%get3A_354, %get3A_355] {strides = array<i32>} : memref<56x128xi32, #tpu.memory_space<vmem>>, vector<16xi32>,
      %get3A_357 = arith.index_cast %while3A_319 : i32 to index
      %get3A_358 = arith.constant 16 : index
      %get3A_359 = tpu.vector_load %arg9[%get3A_357, %get3A_358] {strides = array<i32>} : memref<56x128xf32, #tpu.memory_space<vmem>>, vector<16xf32>,
      %ne3A_360 = arith.cmpi ne, %get3A_353, %get3A_356 : vector<16xi32>
      %jit3A_361 = arith.constant 0.000000e+00 : f32
      %broadcast_in_dim3A_362 = vector.broadcast %jit3A_361 : f32 to vector<16xf32>
      %select_n3A_363 = arith.select %ne3A_360, %get3A_359, %broadcast_in_dim3A_362 : vector<16xi1>, vector<16xf32>
      %gather3A_364 = tpu.vector_load_idx %arg11[%get3A_353] : memref<10240xf32, #tpu.memory_space<vmem>>[vector<16xi32>], vector<16xf32>,
      %mul3A_365 = arith.mulf %gather3A_364, %select_n3A_363 : vector<16xf32>
      %gather3A_366 = tpu.vector_load_idx %arg11[%get3A_356] : memref<10240xf32, #tpu.memory_space<vmem>>[vector<16xi32>], vector<16xf32>,
      %mul3A_367 = arith.mulf %mul3A_365, %gather3A_366 : vector<16xf32>
      %add3A_368 = arith.constant 16 : i32
      %add3A_369 = arith.addi %mul3A_333, %add3A_368 : i32
      %swap3A_370 = arith.index_cast %add3A_369 : i32 to index
      %swap3A_371 = tpu.vector_load %arg12[%swap3A_370] {strides = array<i32>} : memref<14336xf32, #tpu.memory_space<vmem>>, vector<16xf32>,
      tpu.vector_store %arg12[%swap3A_370], %mul3A_367 {strides = array<i32>} : memref<14336xf32, #tpu.memory_space<vmem>>, vector<16xf32>,
      %get3A_372 = arith.index_cast %while3A_319 : i32 to index
      %get3A_373 = arith.constant 32 : index
      %get3A_374 = tpu.vector_load %arg7[%get3A_372, %get3A_373] {strides = array<i32>} : memref<56x128xi32, #tpu.memory_space<vmem>>, vector<16xi32>,
      %get3A_375 = arith.index_cast %while3A_319 : i32 to index
      %get3A_376 = arith.constant 32 : index
      %get3A_377 = tpu.vector_load %arg8[%get3A_375, %get3A_376] {strides = array<i32>} : memref<56x128xi32, #tpu.memory_space<vmem>>, vector<16xi32>,
      %get3A_378 = arith.index_cast %while3A_319 : i32 to index
      %get3A_379 = arith.constant 32 : index
      %get3A_380 = tpu.vector_load %arg9[%get3A_378, %get3A_379] {strides = array<i32>} : memref<56x128xf32, #tpu.memory_space<vmem>>, vector<16xf32>,
      %ne3A_381 = arith.cmpi ne, %get3A_374, %get3A_377 : vector<16xi32>
      %jit3A_382 = arith.constant 0.000000e+00 : f32
      %broadcast_in_dim3A_383 = vector.broadcast %jit3A_382 : f32 to vector<16xf32>
      %select_n3A_384 = arith.select %ne3A_381, %get3A_380, %broadcast_in_dim3A_383 : vector<16xi1>, vector<16xf32>
      %gather3A_385 = tpu.vector_load_idx %arg11[%get3A_374] : memref<10240xf32, #tpu.memory_space<vmem>>[vector<16xi32>], vector<16xf32>,
      %mul3A_386 = arith.mulf %gather3A_385, %select_n3A_384 : vector<16xf32>
      %gather3A_387 = tpu.vector_load_idx %arg11[%get3A_377] : memref<10240xf32, #tpu.memory_space<vmem>>[vector<16xi32>], vector<16xf32>,
      %mul3A_388 = arith.mulf %mul3A_386, %gather3A_387 : vector<16xf32>
      %add3A_389 = arith.constant 32 : i32
      %add3A_390 = arith.addi %mul3A_333, %add3A_389 : i32
      %swap3A_391 = arith.index_cast %add3A_390 : i32 to index
      %swap3A_392 = tpu.vector_load %arg12[%swap3A_391] {strides = array<i32>} : memref<14336xf32, #tpu.memory_space<vmem>>, vector<16xf32>,
      tpu.vector_store %arg12[%swap3A_391], %mul3A_388 {strides = array<i32>} : memref<14336xf32, #tpu.memory_space<vmem>>, vector<16xf32>,
      %get3A_393 = arith.index_cast %while3A_319 : i32 to index
      %get3A_394 = arith.constant 48 : index
      %get3A_395 = tpu.vector_load %arg7[%get3A_393, %get3A_394] {strides = array<i32>} : memref<56x128xi32, #tpu.memory_space<vmem>>, vector<16xi32>,
      %get3A_396 = arith.index_cast %while3A_319 : i32 to index
      %get3A_397 = arith.constant 48 : index
      %get3A_398 = tpu.vector_load %arg8[%get3A_396, %get3A_397] {strides = array<i32>} : memref<56x128xi32, #tpu.memory_space<vmem>>, vector<16xi32>,
      %get3A_399 = arith.index_cast %while3A_319 : i32 to index
      %get3A_400 = arith.constant 48 : index
      %get3A_401 = tpu.vector_load %arg9[%get3A_399, %get3A_400] {strides = array<i32>} : memref<56x128xf32, #tpu.memory_space<vmem>>, vector<16xf32>,
      %ne3A_402 = arith.cmpi ne, %get3A_395, %get3A_398 : vector<16xi32>
      %jit3A_403 = arith.constant 0.000000e+00 : f32
      %broadcast_in_dim3A_404 = vector.broadcast %jit3A_403 : f32 to vector<16xf32>
      %select_n3A_405 = arith.select %ne3A_402, %get3A_401, %broadcast_in_dim3A_404 : vector<16xi1>, vector<16xf32>
      %gather3A_406 = tpu.vector_load_idx %arg11[%get3A_395] : memref<10240xf32, #tpu.memory_space<vmem>>[vector<16xi32>], vector<16xf32>,
      %mul3A_407 = arith.mulf %gather3A_406, %select_n3A_405 : vector<16xf32>
      %gather3A_408 = tpu.vector_load_idx %arg11[%get3A_398] : memref<10240xf32, #tpu.memory_space<vmem>>[vector<16xi32>], vector<16xf32>,
      %mul3A_409 = arith.mulf %mul3A_407, %gather3A_408 : vector<16xf32>
      %add3A_410 = arith.constant 48 : i32
      %add3A_411 = arith.addi %mul3A_333, %add3A_410 : i32
      %swap3A_412 = arith.index_cast %add3A_411 : i32 to index
      %swap3A_413 = tpu.vector_load %arg12[%swap3A_412] {strides = array<i32>} : memref<14336xf32, #tpu.memory_space<vmem>>, vector<16xf32>,
      tpu.vector_store %arg12[%swap3A_412], %mul3A_409 {strides = array<i32>} : memref<14336xf32, #tpu.memory_space<vmem>>, vector<16xf32>,
      %get3A_414 = arith.index_cast %while3A_319 : i32 to index
      %get3A_415 = arith.constant 64 : index
      %get3A_416 = tpu.vector_load %arg7[%get3A_414, %get3A_415] {strides = array<i32>} : memref<56x128xi32, #tpu.memory_space<vmem>>, vector<16xi32>,
      %get3A_417 = arith.index_cast %while3A_319 : i32 to index
      %get3A_418 = arith.constant 64 : index
      %get3A_419 = tpu.vector_load %arg8[%get3A_417, %get3A_418] {strides = array<i32>} : memref<56x128xi32, #tpu.memory_space<vmem>>, vector<16xi32>,
      %get3A_420 = arith.index_cast %while3A_319 : i32 to index
      %get3A_421 = arith.constant 64 : index
      %get3A_422 = tpu.vector_load %arg9[%get3A_420, %get3A_421] {strides = array<i32>} : memref<56x128xf32, #tpu.memory_space<vmem>>, vector<16xf32>,
      %ne3A_423 = arith.cmpi ne, %get3A_416, %get3A_419 : vector<16xi32>
      %jit3A_424 = arith.constant 0.000000e+00 : f32
      %broadcast_in_dim3A_425 = vector.broadcast %jit3A_424 : f32 to vector<16xf32>
      %select_n3A_426 = arith.select %ne3A_423, %get3A_422, %broadcast_in_dim3A_425 : vector<16xi1>, vector<16xf32>
      %gather3A_427 = tpu.vector_load_idx %arg11[%get3A_416] : memref<10240xf32, #tpu.memory_space<vmem>>[vector<16xi32>], vector<16xf32>,
      %mul3A_428 = arith.mulf %gather3A_427, %select_n3A_426 : vector<16xf32>
      %gather3A_429 = tpu.vector_load_idx %arg11[%get3A_419] : memref<10240xf32, #tpu.memory_space<vmem>>[vector<16xi32>], vector<16xf32>,
      %mul3A_430 = arith.mulf %mul3A_428, %gather3A_429 : vector<16xf32>
      %add3A_431 = arith.constant 64 : i32
      %add3A_432 = arith.addi %mul3A_333, %add3A_431 : i32
      %swap3A_433 = arith.index_cast %add3A_432 : i32 to index
      %swap3A_434 = tpu.vector_load %arg12[%swap3A_433] {strides = array<i32>} : memref<14336xf32, #tpu.memory_space<vmem>>, vector<16xf32>,
      tpu.vector_store %arg12[%swap3A_433], %mul3A_430 {strides = array<i32>} : memref<14336xf32, #tpu.memory_space<vmem>>, vector<16xf32>,
      %get3A_435 = arith.index_cast %while3A_319 : i32 to index
      %get3A_436 = arith.constant 80 : index
      %get3A_437 = tpu.vector_load %arg7[%get3A_435, %get3A_436] {strides = array<i32>} : memref<56x128xi32, #tpu.memory_space<vmem>>, vector<16xi32>,
      %get3A_438 = arith.index_cast %while3A_319 : i32 to index
      %get3A_439 = arith.constant 80 : index
      %get3A_440 = tpu.vector_load %arg8[%get3A_438, %get3A_439] {strides = array<i32>} : memref<56x128xi32, #tpu.memory_space<vmem>>, vector<16xi32>,
      %get3A_441 = arith.index_cast %while3A_319 : i32 to index
      %get3A_442 = arith.constant 80 : index
      %get3A_443 = tpu.vector_load %arg9[%get3A_441, %get3A_442] {strides = array<i32>} : memref<56x128xf32, #tpu.memory_space<vmem>>, vector<16xf32>,
      %ne3A_444 = arith.cmpi ne, %get3A_437, %get3A_440 : vector<16xi32>
      %jit3A_445 = arith.constant 0.000000e+00 : f32
      %broadcast_in_dim3A_446 = vector.broadcast %jit3A_445 : f32 to vector<16xf32>
      %select_n3A_447 = arith.select %ne3A_444, %get3A_443, %broadcast_in_dim3A_446 : vector<16xi1>, vector<16xf32>
      %gather3A_448 = tpu.vector_load_idx %arg11[%get3A_437] : memref<10240xf32, #tpu.memory_space<vmem>>[vector<16xi32>], vector<16xf32>,
      %mul3A_449 = arith.mulf %gather3A_448, %select_n3A_447 : vector<16xf32>
      %gather3A_450 = tpu.vector_load_idx %arg11[%get3A_440] : memref<10240xf32, #tpu.memory_space<vmem>>[vector<16xi32>], vector<16xf32>,
      %mul3A_451 = arith.mulf %mul3A_449, %gather3A_450 : vector<16xf32>
      %add3A_452 = arith.constant 80 : i32
      %add3A_453 = arith.addi %mul3A_333, %add3A_452 : i32
      %swap3A_454 = arith.index_cast %add3A_453 : i32 to index
      %swap3A_455 = tpu.vector_load %arg12[%swap3A_454] {strides = array<i32>} : memref<14336xf32, #tpu.memory_space<vmem>>, vector<16xf32>,
      tpu.vector_store %arg12[%swap3A_454], %mul3A_451 {strides = array<i32>} : memref<14336xf32, #tpu.memory_space<vmem>>, vector<16xf32>,
      %get3A_456 = arith.index_cast %while3A_319 : i32 to index
      %get3A_457 = arith.constant 96 : index
      %get3A_458 = tpu.vector_load %arg7[%get3A_456, %get3A_457] {strides = array<i32>} : memref<56x128xi32, #tpu.memory_space<vmem>>, vector<16xi32>,
      %get3A_459 = arith.index_cast %while3A_319 : i32 to index
      %get3A_460 = arith.constant 96 : index
      %get3A_461 = tpu.vector_load %arg8[%get3A_459, %get3A_460] {strides = array<i32>} : memref<56x128xi32, #tpu.memory_space<vmem>>, vector<16xi32>,
      %get3A_462 = arith.index_cast %while3A_319 : i32 to index
      %get3A_463 = arith.constant 96 : index
      %get3A_464 = tpu.vector_load %arg9[%get3A_462, %get3A_463] {strides = array<i32>} : memref<56x128xf32, #tpu.memory_space<vmem>>, vector<16xf32>,
      %ne3A_465 = arith.cmpi ne, %get3A_458, %get3A_461 : vector<16xi32>
      %jit3A_466 = arith.constant 0.000000e+00 : f32
      %broadcast_in_dim3A_467 = vector.broadcast %jit3A_466 : f32 to vector<16xf32>
      %select_n3A_468 = arith.select %ne3A_465, %get3A_464, %broadcast_in_dim3A_467 : vector<16xi1>, vector<16xf32>
      %gather3A_469 = tpu.vector_load_idx %arg11[%get3A_458] : memref<10240xf32, #tpu.memory_space<vmem>>[vector<16xi32>], vector<16xf32>,
      %mul3A_470 = arith.mulf %gather3A_469, %select_n3A_468 : vector<16xf32>
      %gather3A_471 = tpu.vector_load_idx %arg11[%get3A_461] : memref<10240xf32, #tpu.memory_space<vmem>>[vector<16xi32>], vector<16xf32>,
      %mul3A_472 = arith.mulf %mul3A_470, %gather3A_471 : vector<16xf32>
      %add3A_473 = arith.constant 96 : i32
      %add3A_474 = arith.addi %mul3A_333, %add3A_473 : i32
      %swap3A_475 = arith.index_cast %add3A_474 : i32 to index
      %swap3A_476 = tpu.vector_load %arg12[%swap3A_475] {strides = array<i32>} : memref<14336xf32, #tpu.memory_space<vmem>>, vector<16xf32>,
      tpu.vector_store %arg12[%swap3A_475], %mul3A_472 {strides = array<i32>} : memref<14336xf32, #tpu.memory_space<vmem>>, vector<16xf32>,
      %get3A_477 = arith.index_cast %while3A_319 : i32 to index
      %get3A_478 = arith.constant 112 : index
      %get3A_479 = tpu.vector_load %arg7[%get3A_477, %get3A_478] {strides = array<i32>} : memref<56x128xi32, #tpu.memory_space<vmem>>, vector<16xi32>,
      %get3A_480 = arith.index_cast %while3A_319 : i32 to index
      %get3A_481 = arith.constant 112 : index
      %get3A_482 = tpu.vector_load %arg8[%get3A_480, %get3A_481] {strides = array<i32>} : memref<56x128xi32, #tpu.memory_space<vmem>>, vector<16xi32>,
      %get3A_483 = arith.index_cast %while3A_319 : i32 to index
      %get3A_484 = arith.constant 112 : index
      %get3A_485 = tpu.vector_load %arg9[%get3A_483, %get3A_484] {strides = array<i32>} : memref<56x128xf32, #tpu.memory_space<vmem>>, vector<16xf32>,
      %ne3A_486 = arith.cmpi ne, %get3A_479, %get3A_482 : vector<16xi32>
      %jit3A_487 = arith.constant 0.000000e+00 : f32
      %broadcast_in_dim3A_488 = vector.broadcast %jit3A_487 : f32 to vector<16xf32>
      %select_n3A_489 = arith.select %ne3A_486, %get3A_485, %broadcast_in_dim3A_488 : vector<16xi1>, vector<16xf32>
      %gather3A_490 = tpu.vector_load_idx %arg11[%get3A_479] : memref<10240xf32, #tpu.memory_space<vmem>>[vector<16xi32>], vector<16xf32>,
      %mul3A_491 = arith.mulf %gather3A_490, %select_n3A_489 : vector<16xf32>
      %gather3A_492 = tpu.vector_load_idx %arg11[%get3A_482] : memref<10240xf32, #tpu.memory_space<vmem>>[vector<16xi32>], vector<16xf32>,
      %mul3A_493 = arith.mulf %mul3A_491, %gather3A_492 : vector<16xf32>
      %add3A_494 = arith.constant 112 : i32
      %add3A_495 = arith.addi %mul3A_333, %add3A_494 : i32
      %swap3A_496 = arith.index_cast %add3A_495 : i32 to index
      %swap3A_497 = tpu.vector_load %arg12[%swap3A_496] {strides = array<i32>} : memref<14336xf32, #tpu.memory_space<vmem>>, vector<16xf32>,
      tpu.vector_store %arg12[%swap3A_496], %mul3A_493 {strides = array<i32>} : memref<14336xf32, #tpu.memory_space<vmem>>, vector<16xf32>,
      %dma_wait3A = arith.constant 0 : i32
      %dma_wait3A_498 = arith.constant 0 : i32
      %dma_wait3A_499 = tpu.memref_slice %arg7[%while3A_319, %dma_wait3A_498] : memref<56x128xi32, #tpu.memory_space<vmem>> -> memref<1x128xi32, #tpu.memory_space<vmem>>
      %dma_wait3A_500 = tpu.memref_squeeze %dma_wait3A_499 : memref<1x128xi32, #tpu.memory_space<vmem>> -> memref<128xi32, #tpu.memory_space<vmem>>
      %dma_wait3A_501 = arith.constant 0 : i32
      %dma_wait3A_502 = arith.constant 0 : i32
      %dma_wait3A_503 = tpu.memref_slice %arg5[%dma_wait3A, %dma_wait3A_501, %dma_wait3A_502] : memref<2x10240x64xf32, #tpu.memory_space<hbm>> -> memref<1x10240x64xf32, #tpu.memory_space<hbm>>
      %dma_wait3A_504 = tpu.memref_squeeze %dma_wait3A_503 : memref<1x10240x64xf32, #tpu.memory_space<hbm>> -> memref<10240x64xf32, #tpu.memory_space<hbm>>
      %dma_wait3A_505 = arith.constant 0 : i32
      %dma_wait3A_506 = arith.constant 0 : i32
      %dma_wait3A_507 = tpu.memref_slice %dma_wait3A_504[%dma_wait3A_505, %dma_wait3A_506] : memref<10240x64xf32, #tpu.memory_space<hbm>> -> memref<10240x64xf32, #tpu.memory_space<hbm>>
      tpu.wait_indirect_dma semaphore(%arg19 : memref<!tpu.dma_semaphore, #tpu.memory_space<semaphore_mem>>) src(%dma_wait3A_507 : memref<10240x64xf32, #tpu.memory_space<hbm>>) dst(%arg13 : memref<128x64xf32, #tpu.memory_space<vmem>>)
      %scan3A_508 = arith.constant 0 : i32
      %scan3A_509 = arith.constant 128 : i32
      %scan3A_510 = arith.addi %scan3A_508, %scan3A_509 : i32
      %scan3A_511 = arith.constant 1 : i32
      scf.for %scan3A_513 = %scan3A_508 to %scan3A_510 step %scan3A_511  : i32 {
        %add3A_514 = arith.addi %mul3A_333, %scan3A_513 : i32
        %broadcast_in_dim3A_515 = vector.broadcast %add3A_514 : i32 to vector<16xi32>
        %gather3A_516 = tpu.vector_load_idx %arg12[%broadcast_in_dim3A_515] : memref<14336xf32, #tpu.memory_space<vmem>>[vector<16xi32>], vector<16xf32>,
        %get3A_517 = arith.index_cast %scan3A_513 : i32 to index
        %get3A_518 = arith.constant 0 : index
        %get3A_519 = tpu.vector_load %arg13[%get3A_517, %get3A_518] {strides = array<i32>} : memref<128x64xf32, #tpu.memory_space<vmem>>, vector<16xf32>,
        %mul3A_520 = arith.mulf %get3A_519, %gather3A_516 : vector<16xf32>
        %swap3A_521 = arith.index_cast %scan3A_513 : i32 to index
        %swap3A_522 = arith.constant 0 : index
        %swap3A_523 = tpu.vector_load %arg13[%swap3A_521, %swap3A_522] {strides = array<i32>} : memref<128x64xf32, #tpu.memory_space<vmem>>, vector<16xf32>,
        tpu.vector_store %arg13[%swap3A_521, %swap3A_522], %mul3A_520 {strides = array<i32>} : memref<128x64xf32, #tpu.memory_space<vmem>>, vector<16xf32>,
        %get3A_524 = arith.index_cast %scan3A_513 : i32 to index
        %get3A_525 = arith.constant 16 : index
        %get3A_526 = tpu.vector_load %arg13[%get3A_524, %get3A_525] {strides = array<i32>} : memref<128x64xf32, #tpu.memory_space<vmem>>, vector<16xf32>,
        %mul3A_527 = arith.mulf %get3A_526, %gather3A_516 : vector<16xf32>
        %swap3A_528 = arith.index_cast %scan3A_513 : i32 to index
        %swap3A_529 = arith.constant 16 : index
        %swap3A_530 = tpu.vector_load %arg13[%swap3A_528, %swap3A_529] {strides = array<i32>} : memref<128x64xf32, #tpu.memory_space<vmem>>, vector<16xf32>,
        tpu.vector_store %arg13[%swap3A_528, %swap3A_529], %mul3A_527 {strides = array<i32>} : memref<128x64xf32, #tpu.memory_space<vmem>>, vector<16xf32>,
        %get3A_531 = arith.index_cast %scan3A_513 : i32 to index
        %get3A_532 = arith.constant 32 : index
        %get3A_533 = tpu.vector_load %arg13[%get3A_531, %get3A_532] {strides = array<i32>} : memref<128x64xf32, #tpu.memory_space<vmem>>, vector<16xf32>,
        %mul3A_534 = arith.mulf %get3A_533, %gather3A_516 : vector<16xf32>
        %swap3A_535 = arith.index_cast %scan3A_513 : i32 to index
        %swap3A_536 = arith.constant 32 : index
        %swap3A_537 = tpu.vector_load %arg13[%swap3A_535, %swap3A_536] {strides = array<i32>} : memref<128x64xf32, #tpu.memory_space<vmem>>, vector<16xf32>,
        tpu.vector_store %arg13[%swap3A_535, %swap3A_536], %mul3A_534 {strides = array<i32>} : memref<128x64xf32, #tpu.memory_space<vmem>>, vector<16xf32>,
        %get3A_538 = arith.index_cast %scan3A_513 : i32 to index
        %get3A_539 = arith.constant 48 : index
        %get3A_540 = tpu.vector_load %arg13[%get3A_538, %get3A_539] {strides = array<i32>} : memref<128x64xf32, #tpu.memory_space<vmem>>, vector<16xf32>,
        %mul3A_541 = arith.mulf %get3A_540, %gather3A_516 : vector<16xf32>
        %swap3A_542 = arith.index_cast %scan3A_513 : i32 to index
        %swap3A_543 = arith.constant 48 : index
        %swap3A_544 = tpu.vector_load %arg13[%swap3A_542, %swap3A_543] {strides = array<i32>} : memref<128x64xf32, #tpu.memory_space<vmem>>, vector<16xf32>,
        tpu.vector_store %arg13[%swap3A_542, %swap3A_543], %mul3A_541 {strides = array<i32>} : memref<128x64xf32, #tpu.memory_space<vmem>>, vector<16xf32>,
      }
      %scan3A_512 = arith.constant 128 : i32
      "tpu.region"() ({
        %run_scoped3A_513 = tpu.sem_alloc : memref<!tpu.dma_semaphore, #tpu.memory_space<semaphore_mem>>
        %dma_start3A_514 = arith.constant 0 : i32
        %dma_start3A_515 = tpu.memref_slice %arg8[%while3A_319, %dma_start3A_514] : memref<56x128xi32, #tpu.memory_space<vmem>> -> memref<1x128xi32, #tpu.memory_space<vmem>>
        %dma_start3A_516 = tpu.memref_squeeze %dma_start3A_515 : memref<1x128xi32, #tpu.memory_space<vmem>> -> memref<128xi32, #tpu.memory_space<vmem>>
        %dma_start3A_517 = arith.constant 0 : i32
        %dma_start3A_518 = arith.constant 0 : i32
        %dma_start3A_519 = tpu.memref_slice %arg18[%dma_start3A_517, %dma_start3A_518] : memref<10240x64xf32, #tpu.memory_space<vmem_shared>> -> memref<10240x64xf32, #tpu.memory_space<vmem_shared>>
        tpu.enqueue_indirect_dma source(%arg13 : memref<128x64xf32, #tpu.memory_space<vmem>>) target(%dma_start3A_519 : memref<10240x64xf32, #tpu.memory_space<vmem_shared>>) offsets(%dma_start3A_516 : memref<128xi32, #tpu.memory_space<vmem>>) semaphore(%run_scoped3A_513 : memref<!tpu.dma_semaphore, #tpu.memory_space<semaphore_mem>>) {add = true}
        %dma_wait3A_520 = arith.constant 0 : i32
        %dma_wait3A_521 = tpu.memref_slice %arg8[%while3A_319, %dma_wait3A_520] : memref<56x128xi32, #tpu.memory_space<vmem>> -> memref<1x128xi32, #tpu.memory_space<vmem>>
        %dma_wait3A_522 = tpu.memref_squeeze %dma_wait3A_521 : memref<1x128xi32, #tpu.memory_space<vmem>> -> memref<128xi32, #tpu.memory_space<vmem>>
        %dma_wait3A_523 = arith.constant 0 : i32
        %dma_wait3A_524 = arith.constant 0 : i32
        %dma_wait3A_525 = tpu.memref_slice %arg18[%dma_wait3A_523, %dma_wait3A_524] : memref<10240x64xf32, #tpu.memory_space<vmem_shared>> -> memref<10240x64xf32, #tpu.memory_space<vmem_shared>>
        tpu.wait_indirect_dma semaphore(%run_scoped3A_513 : memref<!tpu.dma_semaphore, #tpu.memory_space<semaphore_mem>>) src(%arg13 : memref<128x64xf32, #tpu.memory_space<vmem>>) dst(%dma_wait3A_525 : memref<10240x64xf32, #tpu.memory_space<vmem_shared>>)
        tpu.yield
      }) : () -> ()
    }
    %barrier3A_234 = arith.constant 0 : index
    tpu.barrier barrier_id(%barrier3A_234)
    %run_scoped3A_235 = arith.constant 0 : i32
    "tpu.region"() ({
      %run_scoped3A_319 = tpu.sem_alloc : memref<!tpu.dma_semaphore, #tpu.memory_space<semaphore_mem>>
      %dma_start3A = arith.constant 0 : i32
      %dma_start3A_320 = tpu.memref_slice %arg6[%arg0, %run_scoped3A_235, %mul3A_0, %dma_start3A] : memref<2x2x10240x64xf32, #tpu.memory_space<hbm>> -> memref<1x1x640x64xf32, #tpu.memory_space<hbm>>
      %dma_start3A_321 = tpu.memref_squeeze %dma_start3A_320 : memref<1x1x640x64xf32, #tpu.memory_space<hbm>> -> memref<640x64xf32, #tpu.memory_space<hbm>>
      %dma_start3A_322 = arith.constant 0 : i32
      %dma_start3A_323 = tpu.memref_slice %arg18[%mul3A_0, %dma_start3A_322] : memref<10240x64xf32, #tpu.memory_space<vmem_shared>> -> memref<640x64xf32, #tpu.memory_space<vmem_shared>>
      tpu.enqueue_dma source(%dma_start3A_323 : memref<640x64xf32, #tpu.memory_space<vmem_shared>>) target(%dma_start3A_321 : memref<640x64xf32, #tpu.memory_space<hbm>>) target_semaphore(%run_scoped3A_319 : memref<!tpu.dma_semaphore, #tpu.memory_space<semaphore_mem>>)
      %dma_wait3A = arith.constant 0 : i32
      %dma_wait3A_324 = tpu.memref_slice %arg6[%arg0, %run_scoped3A_235, %mul3A_0, %dma_wait3A] : memref<2x2x10240x64xf32, #tpu.memory_space<hbm>> -> memref<1x1x640x64xf32, #tpu.memory_space<hbm>>
      %dma_wait3A_325 = tpu.memref_squeeze %dma_wait3A_324 : memref<1x1x640x64xf32, #tpu.memory_space<hbm>> -> memref<640x64xf32, #tpu.memory_space<hbm>>
      %dma_wait3A_326 = arith.constant 0 : i32
      %dma_wait3A_327 = tpu.memref_slice %arg18[%mul3A_0, %dma_wait3A_326] : memref<10240x64xf32, #tpu.memory_space<vmem_shared>> -> memref<640x64xf32, #tpu.memory_space<vmem_shared>>
      tpu.wait_dma2 semaphore(%run_scoped3A_319 : memref<!tpu.dma_semaphore, #tpu.memory_space<semaphore_mem>>) src(%dma_wait3A_327 : memref<640x64xf32, #tpu.memory_space<vmem_shared>>) dst(%dma_wait3A_325 : memref<640x64xf32, #tpu.memory_space<hbm>>)
      tpu.yield
    }) : () -> ()
    %barrier3A_236 = arith.constant 0 : index
    tpu.barrier barrier_id(%barrier3A_236)
    %add3A_237 = arith.constant 0 : i32
    %add3A_238 = arith.addi %mul3A_0, %add3A_237 : i32
    %run_scoped3A_239 = arith.constant 1 : i32
    "tpu.region"() ({
      %run_scoped3A_319 = tpu.sem_alloc : memref<!tpu.dma_semaphore, #tpu.memory_space<semaphore_mem>>
      %dma_start3A = arith.constant 0 : i32
      %dma_start3A_320 = tpu.memref_slice %arg5[%run_scoped3A_239, %add3A_238, %dma_start3A] : memref<2x10240x64xf32, #tpu.memory_space<hbm>> -> memref<1x128x64xf32, #tpu.memory_space<hbm>>
      %dma_start3A_321 = tpu.memref_squeeze %dma_start3A_320 : memref<1x128x64xf32, #tpu.memory_space<hbm>> -> memref<128x64xf32, #tpu.memory_space<hbm>>
      %dma_start3A_322 = arith.constant 0 : i32
      %dma_start3A_323 = tpu.memref_slice %arg5[%run_scoped3A_239, %add3A_238, %dma_start3A_322] : memref<2x10240x64xf32, #tpu.memory_space<hbm>> -> memref<1x128x64xf32, #tpu.memory_space<hbm>>
      %dma_start3A_324 = tpu.memref_squeeze %dma_start3A_323 : memref<1x128x64xf32, #tpu.memory_space<hbm>> -> memref<128x64xf32, #tpu.memory_space<hbm>>
      tpu.enqueue_dma source(%dma_start3A_324 : memref<128x64xf32, #tpu.memory_space<hbm>>) target(%arg13 : memref<128x64xf32, #tpu.memory_space<vmem>>) target_semaphore(%run_scoped3A_319 : memref<!tpu.dma_semaphore, #tpu.memory_space<semaphore_mem>>)
      %dma_wait3A = arith.constant 0 : i32
      %dma_wait3A_325 = tpu.memref_slice %arg5[%run_scoped3A_239, %add3A_238, %dma_wait3A] : memref<2x10240x64xf32, #tpu.memory_space<hbm>> -> memref<1x128x64xf32, #tpu.memory_space<hbm>>
      %dma_wait3A_326 = tpu.memref_squeeze %dma_wait3A_325 : memref<1x128x64xf32, #tpu.memory_space<hbm>> -> memref<128x64xf32, #tpu.memory_space<hbm>>
      %dma_wait3A_327 = arith.constant 0 : i32
      %dma_wait3A_328 = tpu.memref_slice %arg5[%run_scoped3A_239, %add3A_238, %dma_wait3A_327] : memref<2x10240x64xf32, #tpu.memory_space<hbm>> -> memref<1x128x64xf32, #tpu.memory_space<hbm>>
      %dma_wait3A_329 = tpu.memref_squeeze %dma_wait3A_328 : memref<1x128x64xf32, #tpu.memory_space<hbm>> -> memref<128x64xf32, #tpu.memory_space<hbm>>
      tpu.wait_dma2 semaphore(%run_scoped3A_319 : memref<!tpu.dma_semaphore, #tpu.memory_space<semaphore_mem>>) src(%dma_wait3A_329 : memref<128x64xf32, #tpu.memory_space<hbm>>) dst(%arg13 : memref<128x64xf32, #tpu.memory_space<vmem>>)
      tpu.yield
    }) : () -> ()
    %scan3A_240 = arith.constant 5.000000e-01 : f32
    %scan3A_241 = arith.constant 0 : i32
    %scan3A_242 = arith.constant 128 : i32
    %scan3A_243 = arith.addi %scan3A_241, %scan3A_242 : i32
    %scan3A_244 = arith.constant 1 : i32
    scf.for %scan3A_319 = %scan3A_241 to %scan3A_243 step %scan3A_244  : i32 {
      %add3A_320 = arith.addi %add3A_238, %scan3A_319 : i32
      %broadcast_in_dim3A_321 = vector.broadcast %add3A_320 : i32 to vector<16xi32>
      %gather3A = tpu.vector_load_idx %arg11[%broadcast_in_dim3A_321] : memref<10240xf32, #tpu.memory_space<vmem>>[vector<16xi32>], vector<16xf32>,
      %mul3A_322 = arith.mulf %gather3A, %gather3A : vector<16xf32>
      %mul3A_323 = vector.broadcast %scan3A_240 : f32 to vector<16xf32>
      %mul3A_324 = arith.mulf %mul3A_322, %mul3A_323 : vector<16xf32>
      %get3A = arith.index_cast %scan3A_319 : i32 to index
      %get3A_325 = arith.constant 0 : index
      %get3A_326 = tpu.vector_load %arg13[%get3A, %get3A_325] {strides = array<i32>} : memref<128x64xf32, #tpu.memory_space<vmem>>, vector<16xf32>,
      %mul3A_327 = arith.mulf %get3A_326, %mul3A_324 : vector<16xf32>
      %swap3A = arith.index_cast %scan3A_319 : i32 to index
      %swap3A_328 = arith.constant 0 : index
      %swap3A_329 = tpu.vector_load %arg13[%swap3A, %swap3A_328] {strides = array<i32>} : memref<128x64xf32, #tpu.memory_space<vmem>>, vector<16xf32>,
      tpu.vector_store %arg13[%swap3A, %swap3A_328], %mul3A_327 {strides = array<i32>} : memref<128x64xf32, #tpu.memory_space<vmem>>, vector<16xf32>,
      %get3A_330 = arith.index_cast %scan3A_319 : i32 to index
      %get3A_331 = arith.constant 16 : index
      %get3A_332 = tpu.vector_load %arg13[%get3A_330, %get3A_331] {strides = array<i32>} : memref<128x64xf32, #tpu.memory_space<vmem>>, vector<16xf32>,
      %mul3A_333 = arith.mulf %get3A_332, %mul3A_324 : vector<16xf32>
      %swap3A_334 = arith.index_cast %scan3A_319 : i32 to index
      %swap3A_335 = arith.constant 16 : index
      %swap3A_336 = tpu.vector_load %arg13[%swap3A_334, %swap3A_335] {strides = array<i32>} : memref<128x64xf32, #tpu.memory_space<vmem>>, vector<16xf32>,
      tpu.vector_store %arg13[%swap3A_334, %swap3A_335], %mul3A_333 {strides = array<i32>} : memref<128x64xf32, #tpu.memory_space<vmem>>, vector<16xf32>,
      %get3A_337 = arith.index_cast %scan3A_319 : i32 to index
      %get3A_338 = arith.constant 32 : index
      %get3A_339 = tpu.vector_load %arg13[%get3A_337, %get3A_338] {strides = array<i32>} : memref<128x64xf32, #tpu.memory_space<vmem>>, vector<16xf32>,
      %mul3A_340 = arith.mulf %get3A_339, %mul3A_324 : vector<16xf32>
      %swap3A_341 = arith.index_cast %scan3A_319 : i32 to index
      %swap3A_342 = arith.constant 32 : index
      %swap3A_343 = tpu.vector_load %arg13[%swap3A_341, %swap3A_342] {strides = array<i32>} : memref<128x64xf32, #tpu.memory_space<vmem>>, vector<16xf32>,
      tpu.vector_store %arg13[%swap3A_341, %swap3A_342], %mul3A_340 {strides = array<i32>} : memref<128x64xf32, #tpu.memory_space<vmem>>, vector<16xf32>,
      %get3A_344 = arith.index_cast %scan3A_319 : i32 to index
      %get3A_345 = arith.constant 48 : index
      %get3A_346 = tpu.vector_load %arg13[%get3A_344, %get3A_345] {strides = array<i32>} : memref<128x64xf32, #tpu.memory_space<vmem>>, vector<16xf32>,
      %mul3A_347 = arith.mulf %get3A_346, %mul3A_324 : vector<16xf32>
      %swap3A_348 = arith.index_cast %scan3A_319 : i32 to index
      %swap3A_349 = arith.constant 48 : index
      %swap3A_350 = tpu.vector_load %arg13[%swap3A_348, %swap3A_349] {strides = array<i32>} : memref<128x64xf32, #tpu.memory_space<vmem>>, vector<16xf32>,
      tpu.vector_store %arg13[%swap3A_348, %swap3A_349], %mul3A_347 {strides = array<i32>} : memref<128x64xf32, #tpu.memory_space<vmem>>, vector<16xf32>,
    }
    %scan3A_245 = arith.constant 128 : i32
    "tpu.region"() ({
      %run_scoped3A_319 = tpu.sem_alloc : memref<!tpu.dma_semaphore, #tpu.memory_space<semaphore_mem>>
      %dma_start3A = arith.constant 0 : i32
      %dma_start3A_320 = tpu.memref_slice %arg18[%add3A_238, %dma_start3A] : memref<10240x64xf32, #tpu.memory_space<vmem_shared>> -> memref<128x64xf32, #tpu.memory_space<vmem_shared>>
      %dma_start3A_321 = arith.constant 0 : i32
      %dma_start3A_322 = tpu.memref_slice %arg18[%add3A_238, %dma_start3A_321] : memref<10240x64xf32, #tpu.memory_space<vmem_shared>> -> memref<128x64xf32, #tpu.memory_space<vmem_shared>>
      tpu.enqueue_dma source(%arg13 : memref<128x64xf32, #tpu.memory_space<vmem>>) target(%dma_start3A_322 : memref<128x64xf32, #tpu.memory_space<vmem_shared>>) target_semaphore(%run_scoped3A_319 : memref<!tpu.dma_semaphore, #tpu.memory_space<semaphore_mem>>)
      %dma_wait3A = arith.constant 0 : i32
      %dma_wait3A_323 = tpu.memref_slice %arg18[%add3A_238, %dma_wait3A] : memref<10240x64xf32, #tpu.memory_space<vmem_shared>> -> memref<128x64xf32, #tpu.memory_space<vmem_shared>>
      %dma_wait3A_324 = arith.constant 0 : i32
      %dma_wait3A_325 = tpu.memref_slice %arg18[%add3A_238, %dma_wait3A_324] : memref<10240x64xf32, #tpu.memory_space<vmem_shared>> -> memref<128x64xf32, #tpu.memory_space<vmem_shared>>
      tpu.wait_dma2 semaphore(%run_scoped3A_319 : memref<!tpu.dma_semaphore, #tpu.memory_space<semaphore_mem>>) src(%arg13 : memref<128x64xf32, #tpu.memory_space<vmem>>) dst(%dma_wait3A_325 : memref<128x64xf32, #tpu.memory_space<vmem_shared>>)
      tpu.yield
    }) : () -> ()
    %add3A_246 = arith.constant 128 : i32
    %add3A_247 = arith.addi %mul3A_0, %add3A_246 : i32
    %run_scoped3A_248 = arith.constant 1 : i32
    "tpu.region"() ({
      %run_scoped3A_319 = tpu.sem_alloc : memref<!tpu.dma_semaphore, #tpu.memory_space<semaphore_mem>>
      %dma_start3A = arith.constant 0 : i32
      %dma_start3A_320 = tpu.memref_slice %arg5[%run_scoped3A_248, %add3A_247, %dma_start3A] : memref<2x10240x64xf32, #tpu.memory_space<hbm>> -> memref<1x128x64xf32, #tpu.memory_space<hbm>>
      %dma_start3A_321 = tpu.memref_squeeze %dma_start3A_320 : memref<1x128x64xf32, #tpu.memory_space<hbm>> -> memref<128x64xf32, #tpu.memory_space<hbm>>
      %dma_start3A_322 = arith.constant 0 : i32
      %dma_start3A_323 = tpu.memref_slice %arg5[%run_scoped3A_248, %add3A_247, %dma_start3A_322] : memref<2x10240x64xf32, #tpu.memory_space<hbm>> -> memref<1x128x64xf32, #tpu.memory_space<hbm>>
      %dma_start3A_324 = tpu.memref_squeeze %dma_start3A_323 : memref<1x128x64xf32, #tpu.memory_space<hbm>> -> memref<128x64xf32, #tpu.memory_space<hbm>>
      tpu.enqueue_dma source(%dma_start3A_324 : memref<128x64xf32, #tpu.memory_space<hbm>>) target(%arg13 : memref<128x64xf32, #tpu.memory_space<vmem>>) target_semaphore(%run_scoped3A_319 : memref<!tpu.dma_semaphore, #tpu.memory_space<semaphore_mem>>)
      %dma_wait3A = arith.constant 0 : i32
      %dma_wait3A_325 = tpu.memref_slice %arg5[%run_scoped3A_248, %add3A_247, %dma_wait3A] : memref<2x10240x64xf32, #tpu.memory_space<hbm>> -> memref<1x128x64xf32, #tpu.memory_space<hbm>>
      %dma_wait3A_326 = tpu.memref_squeeze %dma_wait3A_325 : memref<1x128x64xf32, #tpu.memory_space<hbm>> -> memref<128x64xf32, #tpu.memory_space<hbm>>
      %dma_wait3A_327 = arith.constant 0 : i32
      %dma_wait3A_328 = tpu.memref_slice %arg5[%run_scoped3A_248, %add3A_247, %dma_wait3A_327] : memref<2x10240x64xf32, #tpu.memory_space<hbm>> -> memref<1x128x64xf32, #tpu.memory_space<hbm>>
      %dma_wait3A_329 = tpu.memref_squeeze %dma_wait3A_328 : memref<1x128x64xf32, #tpu.memory_space<hbm>> -> memref<128x64xf32, #tpu.memory_space<hbm>>
      tpu.wait_dma2 semaphore(%run_scoped3A_319 : memref<!tpu.dma_semaphore, #tpu.memory_space<semaphore_mem>>) src(%dma_wait3A_329 : memref<128x64xf32, #tpu.memory_space<hbm>>) dst(%arg13 : memref<128x64xf32, #tpu.memory_space<vmem>>)
      tpu.yield
    }) : () -> ()
    %scan3A_249 = arith.constant 5.000000e-01 : f32
    %scan3A_250 = arith.constant 0 : i32
    %scan3A_251 = arith.constant 128 : i32
    %scan3A_252 = arith.addi %scan3A_250, %scan3A_251 : i32
    %scan3A_253 = arith.constant 1 : i32
    scf.for %scan3A_319 = %scan3A_250 to %scan3A_252 step %scan3A_253  : i32 {
      %add3A_320 = arith.addi %add3A_247, %scan3A_319 : i32
      %broadcast_in_dim3A_321 = vector.broadcast %add3A_320 : i32 to vector<16xi32>
      %gather3A = tpu.vector_load_idx %arg11[%broadcast_in_dim3A_321] : memref<10240xf32, #tpu.memory_space<vmem>>[vector<16xi32>], vector<16xf32>,
      %mul3A_322 = arith.mulf %gather3A, %gather3A : vector<16xf32>
      %mul3A_323 = vector.broadcast %scan3A_249 : f32 to vector<16xf32>
      %mul3A_324 = arith.mulf %mul3A_322, %mul3A_323 : vector<16xf32>
      %get3A = arith.index_cast %scan3A_319 : i32 to index
      %get3A_325 = arith.constant 0 : index
      %get3A_326 = tpu.vector_load %arg13[%get3A, %get3A_325] {strides = array<i32>} : memref<128x64xf32, #tpu.memory_space<vmem>>, vector<16xf32>,
      %mul3A_327 = arith.mulf %get3A_326, %mul3A_324 : vector<16xf32>
      %swap3A = arith.index_cast %scan3A_319 : i32 to index
      %swap3A_328 = arith.constant 0 : index
      %swap3A_329 = tpu.vector_load %arg13[%swap3A, %swap3A_328] {strides = array<i32>} : memref<128x64xf32, #tpu.memory_space<vmem>>, vector<16xf32>,
      tpu.vector_store %arg13[%swap3A, %swap3A_328], %mul3A_327 {strides = array<i32>} : memref<128x64xf32, #tpu.memory_space<vmem>>, vector<16xf32>,
      %get3A_330 = arith.index_cast %scan3A_319 : i32 to index
      %get3A_331 = arith.constant 16 : index
      %get3A_332 = tpu.vector_load %arg13[%get3A_330, %get3A_331] {strides = array<i32>} : memref<128x64xf32, #tpu.memory_space<vmem>>, vector<16xf32>,
      %mul3A_333 = arith.mulf %get3A_332, %mul3A_324 : vector<16xf32>
      %swap3A_334 = arith.index_cast %scan3A_319 : i32 to index
      %swap3A_335 = arith.constant 16 : index
      %swap3A_336 = tpu.vector_load %arg13[%swap3A_334, %swap3A_335] {strides = array<i32>} : memref<128x64xf32, #tpu.memory_space<vmem>>, vector<16xf32>,
      tpu.vector_store %arg13[%swap3A_334, %swap3A_335], %mul3A_333 {strides = array<i32>} : memref<128x64xf32, #tpu.memory_space<vmem>>, vector<16xf32>,
      %get3A_337 = arith.index_cast %scan3A_319 : i32 to index
      %get3A_338 = arith.constant 32 : index
      %get3A_339 = tpu.vector_load %arg13[%get3A_337, %get3A_338] {strides = array<i32>} : memref<128x64xf32, #tpu.memory_space<vmem>>, vector<16xf32>,
      %mul3A_340 = arith.mulf %get3A_339, %mul3A_324 : vector<16xf32>
      %swap3A_341 = arith.index_cast %scan3A_319 : i32 to index
      %swap3A_342 = arith.constant 32 : index
      %swap3A_343 = tpu.vector_load %arg13[%swap3A_341, %swap3A_342] {strides = array<i32>} : memref<128x64xf32, #tpu.memory_space<vmem>>, vector<16xf32>,
      tpu.vector_store %arg13[%swap3A_341, %swap3A_342], %mul3A_340 {strides = array<i32>} : memref<128x64xf32, #tpu.memory_space<vmem>>, vector<16xf32>,
      %get3A_344 = arith.index_cast %scan3A_319 : i32 to index
      %get3A_345 = arith.constant 48 : index
      %get3A_346 = tpu.vector_load %arg13[%get3A_344, %get3A_345] {strides = array<i32>} : memref<128x64xf32, #tpu.memory_space<vmem>>, vector<16xf32>,
      %mul3A_347 = arith.mulf %get3A_346, %mul3A_324 : vector<16xf32>
      %swap3A_348 = arith.index_cast %scan3A_319 : i32 to index
      %swap3A_349 = arith.constant 48 : index
      %swap3A_350 = tpu.vector_load %arg13[%swap3A_348, %swap3A_349] {strides = array<i32>} : memref<128x64xf32, #tpu.memory_space<vmem>>, vector<16xf32>,
      tpu.vector_store %arg13[%swap3A_348, %swap3A_349], %mul3A_347 {strides = array<i32>} : memref<128x64xf32, #tpu.memory_space<vmem>>, vector<16xf32>,
    }
    %scan3A_254 = arith.constant 128 : i32
    "tpu.region"() ({
      %run_scoped3A_319 = tpu.sem_alloc : memref<!tpu.dma_semaphore, #tpu.memory_space<semaphore_mem>>
      %dma_start3A = arith.constant 0 : i32
      %dma_start3A_320 = tpu.memref_slice %arg18[%add3A_247, %dma_start3A] : memref<10240x64xf32, #tpu.memory_space<vmem_shared>> -> memref<128x64xf32, #tpu.memory_space<vmem_shared>>
      %dma_start3A_321 = arith.constant 0 : i32
      %dma_start3A_322 = tpu.memref_slice %arg18[%add3A_247, %dma_start3A_321] : memref<10240x64xf32, #tpu.memory_space<vmem_shared>> -> memref<128x64xf32, #tpu.memory_space<vmem_shared>>
      tpu.enqueue_dma source(%arg13 : memref<128x64xf32, #tpu.memory_space<vmem>>) target(%dma_start3A_322 : memref<128x64xf32, #tpu.memory_space<vmem_shared>>) target_semaphore(%run_scoped3A_319 : memref<!tpu.dma_semaphore, #tpu.memory_space<semaphore_mem>>)
      %dma_wait3A = arith.constant 0 : i32
      %dma_wait3A_323 = tpu.memref_slice %arg18[%add3A_247, %dma_wait3A] : memref<10240x64xf32, #tpu.memory_space<vmem_shared>> -> memref<128x64xf32, #tpu.memory_space<vmem_shared>>
      %dma_wait3A_324 = arith.constant 0 : i32
      %dma_wait3A_325 = tpu.memref_slice %arg18[%add3A_247, %dma_wait3A_324] : memref<10240x64xf32, #tpu.memory_space<vmem_shared>> -> memref<128x64xf32, #tpu.memory_space<vmem_shared>>
      tpu.wait_dma2 semaphore(%run_scoped3A_319 : memref<!tpu.dma_semaphore, #tpu.memory_space<semaphore_mem>>) src(%arg13 : memref<128x64xf32, #tpu.memory_space<vmem>>) dst(%dma_wait3A_325 : memref<128x64xf32, #tpu.memory_space<vmem_shared>>)
      tpu.yield
    }) : () -> ()
    %add3A_255 = arith.constant 256 : i32
    %add3A_256 = arith.addi %mul3A_0, %add3A_255 : i32
    %run_scoped3A_257 = arith.constant 1 : i32
    "tpu.region"() ({
      %run_scoped3A_319 = tpu.sem_alloc : memref<!tpu.dma_semaphore, #tpu.memory_space<semaphore_mem>>
      %dma_start3A = arith.constant 0 : i32
      %dma_start3A_320 = tpu.memref_slice %arg5[%run_scoped3A_257, %add3A_256, %dma_start3A] : memref<2x10240x64xf32, #tpu.memory_space<hbm>> -> memref<1x128x64xf32, #tpu.memory_space<hbm>>
      %dma_start3A_321 = tpu.memref_squeeze %dma_start3A_320 : memref<1x128x64xf32, #tpu.memory_space<hbm>> -> memref<128x64xf32, #tpu.memory_space<hbm>>
      %dma_start3A_322 = arith.constant 0 : i32
      %dma_start3A_323 = tpu.memref_slice %arg5[%run_scoped3A_257, %add3A_256, %dma_start3A_322] : memref<2x10240x64xf32, #tpu.memory_space<hbm>> -> memref<1x128x64xf32, #tpu.memory_space<hbm>>
      %dma_start3A_324 = tpu.memref_squeeze %dma_start3A_323 : memref<1x128x64xf32, #tpu.memory_space<hbm>> -> memref<128x64xf32, #tpu.memory_space<hbm>>
      tpu.enqueue_dma source(%dma_start3A_324 : memref<128x64xf32, #tpu.memory_space<hbm>>) target(%arg13 : memref<128x64xf32, #tpu.memory_space<vmem>>) target_semaphore(%run_scoped3A_319 : memref<!tpu.dma_semaphore, #tpu.memory_space<semaphore_mem>>)
      %dma_wait3A = arith.constant 0 : i32
      %dma_wait3A_325 = tpu.memref_slice %arg5[%run_scoped3A_257, %add3A_256, %dma_wait3A] : memref<2x10240x64xf32, #tpu.memory_space<hbm>> -> memref<1x128x64xf32, #tpu.memory_space<hbm>>
      %dma_wait3A_326 = tpu.memref_squeeze %dma_wait3A_325 : memref<1x128x64xf32, #tpu.memory_space<hbm>> -> memref<128x64xf32, #tpu.memory_space<hbm>>
      %dma_wait3A_327 = arith.constant 0 : i32
      %dma_wait3A_328 = tpu.memref_slice %arg5[%run_scoped3A_257, %add3A_256, %dma_wait3A_327] : memref<2x10240x64xf32, #tpu.memory_space<hbm>> -> memref<1x128x64xf32, #tpu.memory_space<hbm>>
      %dma_wait3A_329 = tpu.memref_squeeze %dma_wait3A_328 : memref<1x128x64xf32, #tpu.memory_space<hbm>> -> memref<128x64xf32, #tpu.memory_space<hbm>>
      tpu.wait_dma2 semaphore(%run_scoped3A_319 : memref<!tpu.dma_semaphore, #tpu.memory_space<semaphore_mem>>) src(%dma_wait3A_329 : memref<128x64xf32, #tpu.memory_space<hbm>>) dst(%arg13 : memref<128x64xf32, #tpu.memory_space<vmem>>)
      tpu.yield
    }) : () -> ()
    %scan3A_258 = arith.constant 5.000000e-01 : f32
    %scan3A_259 = arith.constant 0 : i32
    %scan3A_260 = arith.constant 128 : i32
    %scan3A_261 = arith.addi %scan3A_259, %scan3A_260 : i32
    %scan3A_262 = arith.constant 1 : i32
    scf.for %scan3A_319 = %scan3A_259 to %scan3A_261 step %scan3A_262  : i32 {
      %add3A_320 = arith.addi %add3A_256, %scan3A_319 : i32
      %broadcast_in_dim3A_321 = vector.broadcast %add3A_320 : i32 to vector<16xi32>
      %gather3A = tpu.vector_load_idx %arg11[%broadcast_in_dim3A_321] : memref<10240xf32, #tpu.memory_space<vmem>>[vector<16xi32>], vector<16xf32>,
      %mul3A_322 = arith.mulf %gather3A, %gather3A : vector<16xf32>
      %mul3A_323 = vector.broadcast %scan3A_258 : f32 to vector<16xf32>
      %mul3A_324 = arith.mulf %mul3A_322, %mul3A_323 : vector<16xf32>
      %get3A = arith.index_cast %scan3A_319 : i32 to index
      %get3A_325 = arith.constant 0 : index
      %get3A_326 = tpu.vector_load %arg13[%get3A, %get3A_325] {strides = array<i32>} : memref<128x64xf32, #tpu.memory_space<vmem>>, vector<16xf32>,
      %mul3A_327 = arith.mulf %get3A_326, %mul3A_324 : vector<16xf32>
      %swap3A = arith.index_cast %scan3A_319 : i32 to index
      %swap3A_328 = arith.constant 0 : index
      %swap3A_329 = tpu.vector_load %arg13[%swap3A, %swap3A_328] {strides = array<i32>} : memref<128x64xf32, #tpu.memory_space<vmem>>, vector<16xf32>,
      tpu.vector_store %arg13[%swap3A, %swap3A_328], %mul3A_327 {strides = array<i32>} : memref<128x64xf32, #tpu.memory_space<vmem>>, vector<16xf32>,
      %get3A_330 = arith.index_cast %scan3A_319 : i32 to index
      %get3A_331 = arith.constant 16 : index
      %get3A_332 = tpu.vector_load %arg13[%get3A_330, %get3A_331] {strides = array<i32>} : memref<128x64xf32, #tpu.memory_space<vmem>>, vector<16xf32>,
      %mul3A_333 = arith.mulf %get3A_332, %mul3A_324 : vector<16xf32>
      %swap3A_334 = arith.index_cast %scan3A_319 : i32 to index
      %swap3A_335 = arith.constant 16 : index
      %swap3A_336 = tpu.vector_load %arg13[%swap3A_334, %swap3A_335] {strides = array<i32>} : memref<128x64xf32, #tpu.memory_space<vmem>>, vector<16xf32>,
      tpu.vector_store %arg13[%swap3A_334, %swap3A_335], %mul3A_333 {strides = array<i32>} : memref<128x64xf32, #tpu.memory_space<vmem>>, vector<16xf32>,
      %get3A_337 = arith.index_cast %scan3A_319 : i32 to index
      %get3A_338 = arith.constant 32 : index
      %get3A_339 = tpu.vector_load %arg13[%get3A_337, %get3A_338] {strides = array<i32>} : memref<128x64xf32, #tpu.memory_space<vmem>>, vector<16xf32>,
      %mul3A_340 = arith.mulf %get3A_339, %mul3A_324 : vector<16xf32>
      %swap3A_341 = arith.index_cast %scan3A_319 : i32 to index
      %swap3A_342 = arith.constant 32 : index
      %swap3A_343 = tpu.vector_load %arg13[%swap3A_341, %swap3A_342] {strides = array<i32>} : memref<128x64xf32, #tpu.memory_space<vmem>>, vector<16xf32>,
      tpu.vector_store %arg13[%swap3A_341, %swap3A_342], %mul3A_340 {strides = array<i32>} : memref<128x64xf32, #tpu.memory_space<vmem>>, vector<16xf32>,
      %get3A_344 = arith.index_cast %scan3A_319 : i32 to index
      %get3A_345 = arith.constant 48 : index
      %get3A_346 = tpu.vector_load %arg13[%get3A_344, %get3A_345] {strides = array<i32>} : memref<128x64xf32, #tpu.memory_space<vmem>>, vector<16xf32>,
      %mul3A_347 = arith.mulf %get3A_346, %mul3A_324 : vector<16xf32>
      %swap3A_348 = arith.index_cast %scan3A_319 : i32 to index
      %swap3A_349 = arith.constant 48 : index
      %swap3A_350 = tpu.vector_load %arg13[%swap3A_348, %swap3A_349] {strides = array<i32>} : memref<128x64xf32, #tpu.memory_space<vmem>>, vector<16xf32>,
      tpu.vector_store %arg13[%swap3A_348, %swap3A_349], %mul3A_347 {strides = array<i32>} : memref<128x64xf32, #tpu.memory_space<vmem>>, vector<16xf32>,
    }
    %scan3A_263 = arith.constant 128 : i32
    "tpu.region"() ({
      %run_scoped3A_319 = tpu.sem_alloc : memref<!tpu.dma_semaphore, #tpu.memory_space<semaphore_mem>>
      %dma_start3A = arith.constant 0 : i32
      %dma_start3A_320 = tpu.memref_slice %arg18[%add3A_256, %dma_start3A] : memref<10240x64xf32, #tpu.memory_space<vmem_shared>> -> memref<128x64xf32, #tpu.memory_space<vmem_shared>>
      %dma_start3A_321 = arith.constant 0 : i32
      %dma_start3A_322 = tpu.memref_slice %arg18[%add3A_256, %dma_start3A_321] : memref<10240x64xf32, #tpu.memory_space<vmem_shared>> -> memref<128x64xf32, #tpu.memory_space<vmem_shared>>
      tpu.enqueue_dma source(%arg13 : memref<128x64xf32, #tpu.memory_space<vmem>>) target(%dma_start3A_322 : memref<128x64xf32, #tpu.memory_space<vmem_shared>>) target_semaphore(%run_scoped3A_319 : memref<!tpu.dma_semaphore, #tpu.memory_space<semaphore_mem>>)
      %dma_wait3A = arith.constant 0 : i32
      %dma_wait3A_323 = tpu.memref_slice %arg18[%add3A_256, %dma_wait3A] : memref<10240x64xf32, #tpu.memory_space<vmem_shared>> -> memref<128x64xf32, #tpu.memory_space<vmem_shared>>
      %dma_wait3A_324 = arith.constant 0 : i32
      %dma_wait3A_325 = tpu.memref_slice %arg18[%add3A_256, %dma_wait3A_324] : memref<10240x64xf32, #tpu.memory_space<vmem_shared>> -> memref<128x64xf32, #tpu.memory_space<vmem_shared>>
      tpu.wait_dma2 semaphore(%run_scoped3A_319 : memref<!tpu.dma_semaphore, #tpu.memory_space<semaphore_mem>>) src(%arg13 : memref<128x64xf32, #tpu.memory_space<vmem>>) dst(%dma_wait3A_325 : memref<128x64xf32, #tpu.memory_space<vmem_shared>>)
      tpu.yield
    }) : () -> ()
    %add3A_264 = arith.constant 384 : i32
    %add3A_265 = arith.addi %mul3A_0, %add3A_264 : i32
    %run_scoped3A_266 = arith.constant 1 : i32
    "tpu.region"() ({
      %run_scoped3A_319 = tpu.sem_alloc : memref<!tpu.dma_semaphore, #tpu.memory_space<semaphore_mem>>
      %dma_start3A = arith.constant 0 : i32
      %dma_start3A_320 = tpu.memref_slice %arg5[%run_scoped3A_266, %add3A_265, %dma_start3A] : memref<2x10240x64xf32, #tpu.memory_space<hbm>> -> memref<1x128x64xf32, #tpu.memory_space<hbm>>
      %dma_start3A_321 = tpu.memref_squeeze %dma_start3A_320 : memref<1x128x64xf32, #tpu.memory_space<hbm>> -> memref<128x64xf32, #tpu.memory_space<hbm>>
      %dma_start3A_322 = arith.constant 0 : i32
      %dma_start3A_323 = tpu.memref_slice %arg5[%run_scoped3A_266, %add3A_265, %dma_start3A_322] : memref<2x10240x64xf32, #tpu.memory_space<hbm>> -> memref<1x128x64xf32, #tpu.memory_space<hbm>>
      %dma_start3A_324 = tpu.memref_squeeze %dma_start3A_323 : memref<1x128x64xf32, #tpu.memory_space<hbm>> -> memref<128x64xf32, #tpu.memory_space<hbm>>
      tpu.enqueue_dma source(%dma_start3A_324 : memref<128x64xf32, #tpu.memory_space<hbm>>) target(%arg13 : memref<128x64xf32, #tpu.memory_space<vmem>>) target_semaphore(%run_scoped3A_319 : memref<!tpu.dma_semaphore, #tpu.memory_space<semaphore_mem>>)
      %dma_wait3A = arith.constant 0 : i32
      %dma_wait3A_325 = tpu.memref_slice %arg5[%run_scoped3A_266, %add3A_265, %dma_wait3A] : memref<2x10240x64xf32, #tpu.memory_space<hbm>> -> memref<1x128x64xf32, #tpu.memory_space<hbm>>
      %dma_wait3A_326 = tpu.memref_squeeze %dma_wait3A_325 : memref<1x128x64xf32, #tpu.memory_space<hbm>> -> memref<128x64xf32, #tpu.memory_space<hbm>>
      %dma_wait3A_327 = arith.constant 0 : i32
      %dma_wait3A_328 = tpu.memref_slice %arg5[%run_scoped3A_266, %add3A_265, %dma_wait3A_327] : memref<2x10240x64xf32, #tpu.memory_space<hbm>> -> memref<1x128x64xf32, #tpu.memory_space<hbm>>
      %dma_wait3A_329 = tpu.memref_squeeze %dma_wait3A_328 : memref<1x128x64xf32, #tpu.memory_space<hbm>> -> memref<128x64xf32, #tpu.memory_space<hbm>>
      tpu.wait_dma2 semaphore(%run_scoped3A_319 : memref<!tpu.dma_semaphore, #tpu.memory_space<semaphore_mem>>) src(%dma_wait3A_329 : memref<128x64xf32, #tpu.memory_space<hbm>>) dst(%arg13 : memref<128x64xf32, #tpu.memory_space<vmem>>)
      tpu.yield
    }) : () -> ()
    %scan3A_267 = arith.constant 5.000000e-01 : f32
    %scan3A_268 = arith.constant 0 : i32
    %scan3A_269 = arith.constant 128 : i32
    %scan3A_270 = arith.addi %scan3A_268, %scan3A_269 : i32
    %scan3A_271 = arith.constant 1 : i32
    scf.for %scan3A_319 = %scan3A_268 to %scan3A_270 step %scan3A_271  : i32 {
      %add3A_320 = arith.addi %add3A_265, %scan3A_319 : i32
      %broadcast_in_dim3A_321 = vector.broadcast %add3A_320 : i32 to vector<16xi32>
      %gather3A = tpu.vector_load_idx %arg11[%broadcast_in_dim3A_321] : memref<10240xf32, #tpu.memory_space<vmem>>[vector<16xi32>], vector<16xf32>,
      %mul3A_322 = arith.mulf %gather3A, %gather3A : vector<16xf32>
      %mul3A_323 = vector.broadcast %scan3A_267 : f32 to vector<16xf32>
      %mul3A_324 = arith.mulf %mul3A_322, %mul3A_323 : vector<16xf32>
      %get3A = arith.index_cast %scan3A_319 : i32 to index
      %get3A_325 = arith.constant 0 : index
      %get3A_326 = tpu.vector_load %arg13[%get3A, %get3A_325] {strides = array<i32>} : memref<128x64xf32, #tpu.memory_space<vmem>>, vector<16xf32>,
      %mul3A_327 = arith.mulf %get3A_326, %mul3A_324 : vector<16xf32>
      %swap3A = arith.index_cast %scan3A_319 : i32 to index
      %swap3A_328 = arith.constant 0 : index
      %swap3A_329 = tpu.vector_load %arg13[%swap3A, %swap3A_328] {strides = array<i32>} : memref<128x64xf32, #tpu.memory_space<vmem>>, vector<16xf32>,
      tpu.vector_store %arg13[%swap3A, %swap3A_328], %mul3A_327 {strides = array<i32>} : memref<128x64xf32, #tpu.memory_space<vmem>>, vector<16xf32>,
      %get3A_330 = arith.index_cast %scan3A_319 : i32 to index
      %get3A_331 = arith.constant 16 : index
      %get3A_332 = tpu.vector_load %arg13[%get3A_330, %get3A_331] {strides = array<i32>} : memref<128x64xf32, #tpu.memory_space<vmem>>, vector<16xf32>,
      %mul3A_333 = arith.mulf %get3A_332, %mul3A_324 : vector<16xf32>
      %swap3A_334 = arith.index_cast %scan3A_319 : i32 to index
      %swap3A_335 = arith.constant 16 : index
      %swap3A_336 = tpu.vector_load %arg13[%swap3A_334, %swap3A_335] {strides = array<i32>} : memref<128x64xf32, #tpu.memory_space<vmem>>, vector<16xf32>,
      tpu.vector_store %arg13[%swap3A_334, %swap3A_335], %mul3A_333 {strides = array<i32>} : memref<128x64xf32, #tpu.memory_space<vmem>>, vector<16xf32>,
      %get3A_337 = arith.index_cast %scan3A_319 : i32 to index
      %get3A_338 = arith.constant 32 : index
      %get3A_339 = tpu.vector_load %arg13[%get3A_337, %get3A_338] {strides = array<i32>} : memref<128x64xf32, #tpu.memory_space<vmem>>, vector<16xf32>,
      %mul3A_340 = arith.mulf %get3A_339, %mul3A_324 : vector<16xf32>
      %swap3A_341 = arith.index_cast %scan3A_319 : i32 to index
      %swap3A_342 = arith.constant 32 : index
      %swap3A_343 = tpu.vector_load %arg13[%swap3A_341, %swap3A_342] {strides = array<i32>} : memref<128x64xf32, #tpu.memory_space<vmem>>, vector<16xf32>,
      tpu.vector_store %arg13[%swap3A_341, %swap3A_342], %mul3A_340 {strides = array<i32>} : memref<128x64xf32, #tpu.memory_space<vmem>>, vector<16xf32>,
      %get3A_344 = arith.index_cast %scan3A_319 : i32 to index
      %get3A_345 = arith.constant 48 : index
      %get3A_346 = tpu.vector_load %arg13[%get3A_344, %get3A_345] {strides = array<i32>} : memref<128x64xf32, #tpu.memory_space<vmem>>, vector<16xf32>,
      %mul3A_347 = arith.mulf %get3A_346, %mul3A_324 : vector<16xf32>
      %swap3A_348 = arith.index_cast %scan3A_319 : i32 to index
      %swap3A_349 = arith.constant 48 : index
      %swap3A_350 = tpu.vector_load %arg13[%swap3A_348, %swap3A_349] {strides = array<i32>} : memref<128x64xf32, #tpu.memory_space<vmem>>, vector<16xf32>,
      tpu.vector_store %arg13[%swap3A_348, %swap3A_349], %mul3A_347 {strides = array<i32>} : memref<128x64xf32, #tpu.memory_space<vmem>>, vector<16xf32>,
    }
    %scan3A_272 = arith.constant 128 : i32
    "tpu.region"() ({
      %run_scoped3A_319 = tpu.sem_alloc : memref<!tpu.dma_semaphore, #tpu.memory_space<semaphore_mem>>
      %dma_start3A = arith.constant 0 : i32
      %dma_start3A_320 = tpu.memref_slice %arg18[%add3A_265, %dma_start3A] : memref<10240x64xf32, #tpu.memory_space<vmem_shared>> -> memref<128x64xf32, #tpu.memory_space<vmem_shared>>
      %dma_start3A_321 = arith.constant 0 : i32
      %dma_start3A_322 = tpu.memref_slice %arg18[%add3A_265, %dma_start3A_321] : memref<10240x64xf32, #tpu.memory_space<vmem_shared>> -> memref<128x64xf32, #tpu.memory_space<vmem_shared>>
      tpu.enqueue_dma source(%arg13 : memref<128x64xf32, #tpu.memory_space<vmem>>) target(%dma_start3A_322 : memref<128x64xf32, #tpu.memory_space<vmem_shared>>) target_semaphore(%run_scoped3A_319 : memref<!tpu.dma_semaphore, #tpu.memory_space<semaphore_mem>>)
      %dma_wait3A = arith.constant 0 : i32
      %dma_wait3A_323 = tpu.memref_slice %arg18[%add3A_265, %dma_wait3A] : memref<10240x64xf32, #tpu.memory_space<vmem_shared>> -> memref<128x64xf32, #tpu.memory_space<vmem_shared>>
      %dma_wait3A_324 = arith.constant 0 : i32
      %dma_wait3A_325 = tpu.memref_slice %arg18[%add3A_265, %dma_wait3A_324] : memref<10240x64xf32, #tpu.memory_space<vmem_shared>> -> memref<128x64xf32, #tpu.memory_space<vmem_shared>>
      tpu.wait_dma2 semaphore(%run_scoped3A_319 : memref<!tpu.dma_semaphore, #tpu.memory_space<semaphore_mem>>) src(%arg13 : memref<128x64xf32, #tpu.memory_space<vmem>>) dst(%dma_wait3A_325 : memref<128x64xf32, #tpu.memory_space<vmem_shared>>)
      tpu.yield
    }) : () -> ()
    %add3A_273 = arith.constant 512 : i32
    %add3A_274 = arith.addi %mul3A_0, %add3A_273 : i32
    %run_scoped3A_275 = arith.constant 1 : i32
    "tpu.region"() ({
      %run_scoped3A_319 = tpu.sem_alloc : memref<!tpu.dma_semaphore, #tpu.memory_space<semaphore_mem>>
      %dma_start3A = arith.constant 0 : i32
      %dma_start3A_320 = tpu.memref_slice %arg5[%run_scoped3A_275, %add3A_274, %dma_start3A] : memref<2x10240x64xf32, #tpu.memory_space<hbm>> -> memref<1x128x64xf32, #tpu.memory_space<hbm>>
      %dma_start3A_321 = tpu.memref_squeeze %dma_start3A_320 : memref<1x128x64xf32, #tpu.memory_space<hbm>> -> memref<128x64xf32, #tpu.memory_space<hbm>>
      %dma_start3A_322 = arith.constant 0 : i32
      %dma_start3A_323 = tpu.memref_slice %arg5[%run_scoped3A_275, %add3A_274, %dma_start3A_322] : memref<2x10240x64xf32, #tpu.memory_space<hbm>> -> memref<1x128x64xf32, #tpu.memory_space<hbm>>
      %dma_start3A_324 = tpu.memref_squeeze %dma_start3A_323 : memref<1x128x64xf32, #tpu.memory_space<hbm>> -> memref<128x64xf32, #tpu.memory_space<hbm>>
      tpu.enqueue_dma source(%dma_start3A_324 : memref<128x64xf32, #tpu.memory_space<hbm>>) target(%arg13 : memref<128x64xf32, #tpu.memory_space<vmem>>) target_semaphore(%run_scoped3A_319 : memref<!tpu.dma_semaphore, #tpu.memory_space<semaphore_mem>>)
      %dma_wait3A = arith.constant 0 : i32
      %dma_wait3A_325 = tpu.memref_slice %arg5[%run_scoped3A_275, %add3A_274, %dma_wait3A] : memref<2x10240x64xf32, #tpu.memory_space<hbm>> -> memref<1x128x64xf32, #tpu.memory_space<hbm>>
      %dma_wait3A_326 = tpu.memref_squeeze %dma_wait3A_325 : memref<1x128x64xf32, #tpu.memory_space<hbm>> -> memref<128x64xf32, #tpu.memory_space<hbm>>
      %dma_wait3A_327 = arith.constant 0 : i32
      %dma_wait3A_328 = tpu.memref_slice %arg5[%run_scoped3A_275, %add3A_274, %dma_wait3A_327] : memref<2x10240x64xf32, #tpu.memory_space<hbm>> -> memref<1x128x64xf32, #tpu.memory_space<hbm>>
      %dma_wait3A_329 = tpu.memref_squeeze %dma_wait3A_328 : memref<1x128x64xf32, #tpu.memory_space<hbm>> -> memref<128x64xf32, #tpu.memory_space<hbm>>
      tpu.wait_dma2 semaphore(%run_scoped3A_319 : memref<!tpu.dma_semaphore, #tpu.memory_space<semaphore_mem>>) src(%dma_wait3A_329 : memref<128x64xf32, #tpu.memory_space<hbm>>) dst(%arg13 : memref<128x64xf32, #tpu.memory_space<vmem>>)
      tpu.yield
    }) : () -> ()
    %scan3A_276 = arith.constant 5.000000e-01 : f32
    %scan3A_277 = arith.constant 0 : i32
    %scan3A_278 = arith.constant 128 : i32
    %scan3A_279 = arith.addi %scan3A_277, %scan3A_278 : i32
    %scan3A_280 = arith.constant 1 : i32
    scf.for %scan3A_319 = %scan3A_277 to %scan3A_279 step %scan3A_280  : i32 {
      %add3A_320 = arith.addi %add3A_274, %scan3A_319 : i32
      %broadcast_in_dim3A_321 = vector.broadcast %add3A_320 : i32 to vector<16xi32>
      %gather3A = tpu.vector_load_idx %arg11[%broadcast_in_dim3A_321] : memref<10240xf32, #tpu.memory_space<vmem>>[vector<16xi32>], vector<16xf32>,
      %mul3A_322 = arith.mulf %gather3A, %gather3A : vector<16xf32>
      %mul3A_323 = vector.broadcast %scan3A_276 : f32 to vector<16xf32>
      %mul3A_324 = arith.mulf %mul3A_322, %mul3A_323 : vector<16xf32>
      %get3A = arith.index_cast %scan3A_319 : i32 to index
      %get3A_325 = arith.constant 0 : index
      %get3A_326 = tpu.vector_load %arg13[%get3A, %get3A_325] {strides = array<i32>} : memref<128x64xf32, #tpu.memory_space<vmem>>, vector<16xf32>,
      %mul3A_327 = arith.mulf %get3A_326, %mul3A_324 : vector<16xf32>
      %swap3A = arith.index_cast %scan3A_319 : i32 to index
      %swap3A_328 = arith.constant 0 : index
      %swap3A_329 = tpu.vector_load %arg13[%swap3A, %swap3A_328] {strides = array<i32>} : memref<128x64xf32, #tpu.memory_space<vmem>>, vector<16xf32>,
      tpu.vector_store %arg13[%swap3A, %swap3A_328], %mul3A_327 {strides = array<i32>} : memref<128x64xf32, #tpu.memory_space<vmem>>, vector<16xf32>,
      %get3A_330 = arith.index_cast %scan3A_319 : i32 to index
      %get3A_331 = arith.constant 16 : index
      %get3A_332 = tpu.vector_load %arg13[%get3A_330, %get3A_331] {strides = array<i32>} : memref<128x64xf32, #tpu.memory_space<vmem>>, vector<16xf32>,
      %mul3A_333 = arith.mulf %get3A_332, %mul3A_324 : vector<16xf32>
      %swap3A_334 = arith.index_cast %scan3A_319 : i32 to index
      %swap3A_335 = arith.constant 16 : index
      %swap3A_336 = tpu.vector_load %arg13[%swap3A_334, %swap3A_335] {strides = array<i32>} : memref<128x64xf32, #tpu.memory_space<vmem>>, vector<16xf32>,
      tpu.vector_store %arg13[%swap3A_334, %swap3A_335], %mul3A_333 {strides = array<i32>} : memref<128x64xf32, #tpu.memory_space<vmem>>, vector<16xf32>,
      %get3A_337 = arith.index_cast %scan3A_319 : i32 to index
      %get3A_338 = arith.constant 32 : index
      %get3A_339 = tpu.vector_load %arg13[%get3A_337, %get3A_338] {strides = array<i32>} : memref<128x64xf32, #tpu.memory_space<vmem>>, vector<16xf32>,
      %mul3A_340 = arith.mulf %get3A_339, %mul3A_324 : vector<16xf32>
      %swap3A_341 = arith.index_cast %scan3A_319 : i32 to index
      %swap3A_342 = arith.constant 32 : index
      %swap3A_343 = tpu.vector_load %arg13[%swap3A_341, %swap3A_342] {strides = array<i32>} : memref<128x64xf32, #tpu.memory_space<vmem>>, vector<16xf32>,
      tpu.vector_store %arg13[%swap3A_341, %swap3A_342], %mul3A_340 {strides = array<i32>} : memref<128x64xf32, #tpu.memory_space<vmem>>, vector<16xf32>,
      %get3A_344 = arith.index_cast %scan3A_319 : i32 to index
      %get3A_345 = arith.constant 48 : index
      %get3A_346 = tpu.vector_load %arg13[%get3A_344, %get3A_345] {strides = array<i32>} : memref<128x64xf32, #tpu.memory_space<vmem>>, vector<16xf32>,
      %mul3A_347 = arith.mulf %get3A_346, %mul3A_324 : vector<16xf32>
      %swap3A_348 = arith.index_cast %scan3A_319 : i32 to index
      %swap3A_349 = arith.constant 48 : index
      %swap3A_350 = tpu.vector_load %arg13[%swap3A_348, %swap3A_349] {strides = array<i32>} : memref<128x64xf32, #tpu.memory_space<vmem>>, vector<16xf32>,
      tpu.vector_store %arg13[%swap3A_348, %swap3A_349], %mul3A_347 {strides = array<i32>} : memref<128x64xf32, #tpu.memory_space<vmem>>, vector<16xf32>,
    }
    %scan3A_281 = arith.constant 128 : i32
    "tpu.region"() ({
      %run_scoped3A_319 = tpu.sem_alloc : memref<!tpu.dma_semaphore, #tpu.memory_space<semaphore_mem>>
      %dma_start3A = arith.constant 0 : i32
      %dma_start3A_320 = tpu.memref_slice %arg18[%add3A_274, %dma_start3A] : memref<10240x64xf32, #tpu.memory_space<vmem_shared>> -> memref<128x64xf32, #tpu.memory_space<vmem_shared>>
      %dma_start3A_321 = arith.constant 0 : i32
      %dma_start3A_322 = tpu.memref_slice %arg18[%add3A_274, %dma_start3A_321] : memref<10240x64xf32, #tpu.memory_space<vmem_shared>> -> memref<128x64xf32, #tpu.memory_space<vmem_shared>>
      tpu.enqueue_dma source(%arg13 : memref<128x64xf32, #tpu.memory_space<vmem>>) target(%dma_start3A_322 : memref<128x64xf32, #tpu.memory_space<vmem_shared>>) target_semaphore(%run_scoped3A_319 : memref<!tpu.dma_semaphore, #tpu.memory_space<semaphore_mem>>)
      %dma_wait3A = arith.constant 0 : i32
      %dma_wait3A_323 = tpu.memref_slice %arg18[%add3A_274, %dma_wait3A] : memref<10240x64xf32, #tpu.memory_space<vmem_shared>> -> memref<128x64xf32, #tpu.memory_space<vmem_shared>>
      %dma_wait3A_324 = arith.constant 0 : i32
      %dma_wait3A_325 = tpu.memref_slice %arg18[%add3A_274, %dma_wait3A_324] : memref<10240x64xf32, #tpu.memory_space<vmem_shared>> -> memref<128x64xf32, #tpu.memory_space<vmem_shared>>
      tpu.wait_dma2 semaphore(%run_scoped3A_319 : memref<!tpu.dma_semaphore, #tpu.memory_space<semaphore_mem>>) src(%arg13 : memref<128x64xf32, #tpu.memory_space<vmem>>) dst(%dma_wait3A_325 : memref<128x64xf32, #tpu.memory_space<vmem_shared>>)
      tpu.yield
    }) : () -> ()
    %barrier3A_282 = arith.constant 0 : index
    tpu.barrier barrier_id(%barrier3A_282)
    %add3A_283 = arith.constant 0 : i32
    %add3A_284 = arith.addi %select_n3A, %add3A_283 : i32
    %sub3A_285 = arith.constant 0 : i32
    %sub3A_286 = arith.subi %select_n3A_157, %sub3A_285 : i32
    %jit3A_287 = arith.constant 0 : i32
    %jit3A_288 = arith.constant 56 : i32
    %max3A_289 = arith.maxsi %jit3A_287, %sub3A_286 : i32
    %min3A_290 = arith.minsi %jit3A_288, %max3A_289 : i32
    "tpu.region"() ({
      %run_scoped3A_319 = tpu.sem_alloc : memref<!tpu.dma_semaphore, #tpu.memory_space<semaphore_mem>>
      %dma_start3A = arith.constant 0 : i32
      %dma_start3A_320 = tpu.memref_slice %arg2[%add3A_284, %dma_start3A] : memref<2616x128xi32, #tpu.memory_space<hbm>> -> memref<56x128xi32, #tpu.memory_space<hbm>>
      %dma_start3A_321 = arith.constant 0 : i32
      %dma_start3A_322 = tpu.memref_slice %arg2[%add3A_284, %dma_start3A_321] : memref<2616x128xi32, #tpu.memory_space<hbm>> -> memref<56x128xi32, #tpu.memory_space<hbm>>
      tpu.enqueue_dma source(%dma_start3A_322 : memref<56x128xi32, #tpu.memory_space<hbm>>) target(%arg7 : memref<56x128xi32, #tpu.memory_space<vmem>>) target_semaphore(%run_scoped3A_319 : memref<!tpu.dma_semaphore, #tpu.memory_space<semaphore_mem>>)
      %dma_wait3A = arith.constant 0 : i32
      %dma_wait3A_323 = tpu.memref_slice %arg2[%add3A_284, %dma_wait3A] : memref<2616x128xi32, #tpu.memory_space<hbm>> -> memref<56x128xi32, #tpu.memory_space<hbm>>
      %dma_wait3A_324 = arith.constant 0 : i32
      %dma_wait3A_325 = tpu.memref_slice %arg2[%add3A_284, %dma_wait3A_324] : memref<2616x128xi32, #tpu.memory_space<hbm>> -> memref<56x128xi32, #tpu.memory_space<hbm>>
      tpu.wait_dma2 semaphore(%run_scoped3A_319 : memref<!tpu.dma_semaphore, #tpu.memory_space<semaphore_mem>>) src(%dma_wait3A_325 : memref<56x128xi32, #tpu.memory_space<hbm>>) dst(%arg7 : memref<56x128xi32, #tpu.memory_space<vmem>>)
      tpu.yield
    }) : () -> ()
    "tpu.region"() ({
      %run_scoped3A_319 = tpu.sem_alloc : memref<!tpu.dma_semaphore, #tpu.memory_space<semaphore_mem>>
      %dma_start3A = arith.constant 0 : i32
      %dma_start3A_320 = tpu.memref_slice %arg3[%add3A_284, %dma_start3A] : memref<2616x128xi32, #tpu.memory_space<hbm>> -> memref<56x128xi32, #tpu.memory_space<hbm>>
      %dma_start3A_321 = arith.constant 0 : i32
      %dma_start3A_322 = tpu.memref_slice %arg3[%add3A_284, %dma_start3A_321] : memref<2616x128xi32, #tpu.memory_space<hbm>> -> memref<56x128xi32, #tpu.memory_space<hbm>>
      tpu.enqueue_dma source(%dma_start3A_322 : memref<56x128xi32, #tpu.memory_space<hbm>>) target(%arg8 : memref<56x128xi32, #tpu.memory_space<vmem>>) target_semaphore(%run_scoped3A_319 : memref<!tpu.dma_semaphore, #tpu.memory_space<semaphore_mem>>)
      %dma_wait3A = arith.constant 0 : i32
      %dma_wait3A_323 = tpu.memref_slice %arg3[%add3A_284, %dma_wait3A] : memref<2616x128xi32, #tpu.memory_space<hbm>> -> memref<56x128xi32, #tpu.memory_space<hbm>>
      %dma_wait3A_324 = arith.constant 0 : i32
      %dma_wait3A_325 = tpu.memref_slice %arg3[%add3A_284, %dma_wait3A_324] : memref<2616x128xi32, #tpu.memory_space<hbm>> -> memref<56x128xi32, #tpu.memory_space<hbm>>
      tpu.wait_dma2 semaphore(%run_scoped3A_319 : memref<!tpu.dma_semaphore, #tpu.memory_space<semaphore_mem>>) src(%dma_wait3A_325 : memref<56x128xi32, #tpu.memory_space<hbm>>) dst(%arg8 : memref<56x128xi32, #tpu.memory_space<vmem>>)
      tpu.yield
    }) : () -> ()
    "tpu.region"() ({
      %run_scoped3A_319 = tpu.sem_alloc : memref<!tpu.dma_semaphore, #tpu.memory_space<semaphore_mem>>
      %dma_start3A = arith.constant 0 : i32
      %dma_start3A_320 = tpu.memref_slice %arg4[%add3A_284, %dma_start3A] : memref<2616x128xf32, #tpu.memory_space<hbm>> -> memref<56x128xf32, #tpu.memory_space<hbm>>
      %dma_start3A_321 = arith.constant 0 : i32
      %dma_start3A_322 = tpu.memref_slice %arg4[%add3A_284, %dma_start3A_321] : memref<2616x128xf32, #tpu.memory_space<hbm>> -> memref<56x128xf32, #tpu.memory_space<hbm>>
      tpu.enqueue_dma source(%dma_start3A_322 : memref<56x128xf32, #tpu.memory_space<hbm>>) target(%arg9 : memref<56x128xf32, #tpu.memory_space<vmem>>) target_semaphore(%run_scoped3A_319 : memref<!tpu.dma_semaphore, #tpu.memory_space<semaphore_mem>>)
      %dma_wait3A = arith.constant 0 : i32
      %dma_wait3A_323 = tpu.memref_slice %arg4[%add3A_284, %dma_wait3A] : memref<2616x128xf32, #tpu.memory_space<hbm>> -> memref<56x128xf32, #tpu.memory_space<hbm>>
      %dma_wait3A_324 = arith.constant 0 : i32
      %dma_wait3A_325 = tpu.memref_slice %arg4[%add3A_284, %dma_wait3A_324] : memref<2616x128xf32, #tpu.memory_space<hbm>> -> memref<56x128xf32, #tpu.memory_space<hbm>>
      tpu.wait_dma2 semaphore(%run_scoped3A_319 : memref<!tpu.dma_semaphore, #tpu.memory_space<semaphore_mem>>) src(%dma_wait3A_325 : memref<56x128xf32, #tpu.memory_space<hbm>>) dst(%arg9 : memref<56x128xf32, #tpu.memory_space<vmem>>)
      tpu.yield
    }) : () -> ()
    %while3A_291 = arith.constant 0 : i32
    %while3A_292 = arith.subi %min3A_290, %while3A_291 : i32
    %while3A_293 = arith.addi %while3A_291, %while3A_292 : i32
    %while3A_294 = arith.constant 1 : i32
    %while3A_295 = arith.divsi %while3A_292, %while3A_294 : i32
    %while3A_296 = arith.muli %while3A_295, %while3A_294 : i32
    %while3A_297 = arith.addi %while3A_291, %while3A_296 : i32
    %while3A_298 = arith.constant 1 : i32
    scf.for %while3A_319 = %while3A_291 to %while3A_297 step %while3A_298  : i32 {
      %dma_start3A = arith.constant 1 : i32
      %dma_start3A_320 = arith.constant 0 : i32
      %dma_start3A_321 = tpu.memref_slice %arg7[%while3A_319, %dma_start3A_320] : memref<56x128xi32, #tpu.memory_space<vmem>> -> memref<1x128xi32, #tpu.memory_space<vmem>>
      %dma_start3A_322 = tpu.memref_squeeze %dma_start3A_321 : memref<1x128xi32, #tpu.memory_space<vmem>> -> memref<128xi32, #tpu.memory_space<vmem>>
      %dma_start3A_323 = arith.constant 0 : i32
      %dma_start3A_324 = arith.constant 0 : i32
      %dma_start3A_325 = tpu.memref_slice %arg5[%dma_start3A, %dma_start3A_323, %dma_start3A_324] : memref<2x10240x64xf32, #tpu.memory_space<hbm>> -> memref<1x10240x64xf32, #tpu.memory_space<hbm>>
      %dma_start3A_326 = tpu.memref_squeeze %dma_start3A_325 : memref<1x10240x64xf32, #tpu.memory_space<hbm>> -> memref<10240x64xf32, #tpu.memory_space<hbm>>
      %dma_start3A_327 = arith.constant 0 : i32
      %dma_start3A_328 = arith.constant 0 : i32
      %dma_start3A_329 = tpu.memref_slice %dma_start3A_326[%dma_start3A_327, %dma_start3A_328] : memref<10240x64xf32, #tpu.memory_space<hbm>> -> memref<10240x64xf32, #tpu.memory_space<hbm>>
      tpu.enqueue_indirect_dma source(%dma_start3A_329 : memref<10240x64xf32, #tpu.memory_space<hbm>>) target(%arg13 : memref<128x64xf32, #tpu.memory_space<vmem>>) offsets(%dma_start3A_322 : memref<128xi32, #tpu.memory_space<vmem>>) semaphore(%arg19 : memref<!tpu.dma_semaphore, #tpu.memory_space<semaphore_mem>>)
      %add3A_330 = arith.constant 0 : i32
      %add3A_331 = arith.addi %add3A_330, %while3A_319 : i32
      %mul3A_332 = arith.constant 128 : i32
      %mul3A_333 = arith.muli %add3A_331, %mul3A_332 : i32
      %dma_wait3A = arith.constant 1 : i32
      %dma_wait3A_334 = arith.constant 0 : i32
      %dma_wait3A_335 = tpu.memref_slice %arg7[%while3A_319, %dma_wait3A_334] : memref<56x128xi32, #tpu.memory_space<vmem>> -> memref<1x128xi32, #tpu.memory_space<vmem>>
      %dma_wait3A_336 = tpu.memref_squeeze %dma_wait3A_335 : memref<1x128xi32, #tpu.memory_space<vmem>> -> memref<128xi32, #tpu.memory_space<vmem>>
      %dma_wait3A_337 = arith.constant 0 : i32
      %dma_wait3A_338 = arith.constant 0 : i32
      %dma_wait3A_339 = tpu.memref_slice %arg5[%dma_wait3A, %dma_wait3A_337, %dma_wait3A_338] : memref<2x10240x64xf32, #tpu.memory_space<hbm>> -> memref<1x10240x64xf32, #tpu.memory_space<hbm>>
      %dma_wait3A_340 = tpu.memref_squeeze %dma_wait3A_339 : memref<1x10240x64xf32, #tpu.memory_space<hbm>> -> memref<10240x64xf32, #tpu.memory_space<hbm>>
      %dma_wait3A_341 = arith.constant 0 : i32
      %dma_wait3A_342 = arith.constant 0 : i32
      %dma_wait3A_343 = tpu.memref_slice %dma_wait3A_340[%dma_wait3A_341, %dma_wait3A_342] : memref<10240x64xf32, #tpu.memory_space<hbm>> -> memref<10240x64xf32, #tpu.memory_space<hbm>>
      tpu.wait_indirect_dma semaphore(%arg19 : memref<!tpu.dma_semaphore, #tpu.memory_space<semaphore_mem>>) src(%dma_wait3A_343 : memref<10240x64xf32, #tpu.memory_space<hbm>>) dst(%arg13 : memref<128x64xf32, #tpu.memory_space<vmem>>)
      %scan3A_344 = arith.constant 0 : i32
      %scan3A_345 = arith.constant 128 : i32
      %scan3A_346 = arith.addi %scan3A_344, %scan3A_345 : i32
      %scan3A_347 = arith.constant 1 : i32
      scf.for %scan3A_349 = %scan3A_344 to %scan3A_346 step %scan3A_347  : i32 {
        %add3A_350 = arith.addi %mul3A_333, %scan3A_349 : i32
        %broadcast_in_dim3A_351 = vector.broadcast %add3A_350 : i32 to vector<16xi32>
        %gather3A = tpu.vector_load_idx %arg12[%broadcast_in_dim3A_351] : memref<14336xf32, #tpu.memory_space<vmem>>[vector<16xi32>], vector<16xf32>,
        %get3A = arith.index_cast %scan3A_349 : i32 to index
        %get3A_352 = arith.constant 0 : index
        %get3A_353 = tpu.vector_load %arg13[%get3A, %get3A_352] {strides = array<i32>} : memref<128x64xf32, #tpu.memory_space<vmem>>, vector<16xf32>,
        %mul3A_354 = arith.mulf %get3A_353, %gather3A : vector<16xf32>
        %swap3A = arith.index_cast %scan3A_349 : i32 to index
        %swap3A_355 = arith.constant 0 : index
        %swap3A_356 = tpu.vector_load %arg13[%swap3A, %swap3A_355] {strides = array<i32>} : memref<128x64xf32, #tpu.memory_space<vmem>>, vector<16xf32>,
        tpu.vector_store %arg13[%swap3A, %swap3A_355], %mul3A_354 {strides = array<i32>} : memref<128x64xf32, #tpu.memory_space<vmem>>, vector<16xf32>,
        %get3A_357 = arith.index_cast %scan3A_349 : i32 to index
        %get3A_358 = arith.constant 16 : index
        %get3A_359 = tpu.vector_load %arg13[%get3A_357, %get3A_358] {strides = array<i32>} : memref<128x64xf32, #tpu.memory_space<vmem>>, vector<16xf32>,
        %mul3A_360 = arith.mulf %get3A_359, %gather3A : vector<16xf32>
        %swap3A_361 = arith.index_cast %scan3A_349 : i32 to index
        %swap3A_362 = arith.constant 16 : index
        %swap3A_363 = tpu.vector_load %arg13[%swap3A_361, %swap3A_362] {strides = array<i32>} : memref<128x64xf32, #tpu.memory_space<vmem>>, vector<16xf32>,
        tpu.vector_store %arg13[%swap3A_361, %swap3A_362], %mul3A_360 {strides = array<i32>} : memref<128x64xf32, #tpu.memory_space<vmem>>, vector<16xf32>,
        %get3A_364 = arith.index_cast %scan3A_349 : i32 to index
        %get3A_365 = arith.constant 32 : index
        %get3A_366 = tpu.vector_load %arg13[%get3A_364, %get3A_365] {strides = array<i32>} : memref<128x64xf32, #tpu.memory_space<vmem>>, vector<16xf32>,
        %mul3A_367 = arith.mulf %get3A_366, %gather3A : vector<16xf32>
        %swap3A_368 = arith.index_cast %scan3A_349 : i32 to index
        %swap3A_369 = arith.constant 32 : index
        %swap3A_370 = tpu.vector_load %arg13[%swap3A_368, %swap3A_369] {strides = array<i32>} : memref<128x64xf32, #tpu.memory_space<vmem>>, vector<16xf32>,
        tpu.vector_store %arg13[%swap3A_368, %swap3A_369], %mul3A_367 {strides = array<i32>} : memref<128x64xf32, #tpu.memory_space<vmem>>, vector<16xf32>,
        %get3A_371 = arith.index_cast %scan3A_349 : i32 to index
        %get3A_372 = arith.constant 48 : index
        %get3A_373 = tpu.vector_load %arg13[%get3A_371, %get3A_372] {strides = array<i32>} : memref<128x64xf32, #tpu.memory_space<vmem>>, vector<16xf32>,
        %mul3A_374 = arith.mulf %get3A_373, %gather3A : vector<16xf32>
        %swap3A_375 = arith.index_cast %scan3A_349 : i32 to index
        %swap3A_376 = arith.constant 48 : index
        %swap3A_377 = tpu.vector_load %arg13[%swap3A_375, %swap3A_376] {strides = array<i32>} : memref<128x64xf32, #tpu.memory_space<vmem>>, vector<16xf32>,
        tpu.vector_store %arg13[%swap3A_375, %swap3A_376], %mul3A_374 {strides = array<i32>} : memref<128x64xf32, #tpu.memory_space<vmem>>, vector<16xf32>,
      }
      %scan3A_348 = arith.constant 128 : i32
      "tpu.region"() ({
        %run_scoped3A_349 = tpu.sem_alloc : memref<!tpu.dma_semaphore, #tpu.memory_space<semaphore_mem>>
        %dma_start3A_350 = arith.constant 0 : i32
        %dma_start3A_351 = tpu.memref_slice %arg8[%while3A_319, %dma_start3A_350] : memref<56x128xi32, #tpu.memory_space<vmem>> -> memref<1x128xi32, #tpu.memory_space<vmem>>
        %dma_start3A_352 = tpu.memref_squeeze %dma_start3A_351 : memref<1x128xi32, #tpu.memory_space<vmem>> -> memref<128xi32, #tpu.memory_space<vmem>>
        %dma_start3A_353 = arith.constant 0 : i32
        %dma_start3A_354 = arith.constant 0 : i32
        %dma_start3A_355 = tpu.memref_slice %arg18[%dma_start3A_353, %dma_start3A_354] : memref<10240x64xf32, #tpu.memory_space<vmem_shared>> -> memref<10240x64xf32, #tpu.memory_space<vmem_shared>>
        tpu.enqueue_indirect_dma source(%arg13 : memref<128x64xf32, #tpu.memory_space<vmem>>) target(%dma_start3A_355 : memref<10240x64xf32, #tpu.memory_space<vmem_shared>>) offsets(%dma_start3A_352 : memref<128xi32, #tpu.memory_space<vmem>>) semaphore(%run_scoped3A_349 : memref<!tpu.dma_semaphore, #tpu.memory_space<semaphore_mem>>) {add = true}
        %dma_wait3A_356 = arith.constant 0 : i32
        %dma_wait3A_357 = tpu.memref_slice %arg8[%while3A_319, %dma_wait3A_356] : memref<56x128xi32, #tpu.memory_space<vmem>> -> memref<1x128xi32, #tpu.memory_space<vmem>>
        %dma_wait3A_358 = tpu.memref_squeeze %dma_wait3A_357 : memref<1x128xi32, #tpu.memory_space<vmem>> -> memref<128xi32, #tpu.memory_space<vmem>>
        %dma_wait3A_359 = arith.constant 0 : i32
        %dma_wait3A_360 = arith.constant 0 : i32
        %dma_wait3A_361 = tpu.memref_slice %arg18[%dma_wait3A_359, %dma_wait3A_360] : memref<10240x64xf32, #tpu.memory_space<vmem_shared>> -> memref<10240x64xf32, #tpu.memory_space<vmem_shared>>
        tpu.wait_indirect_dma semaphore(%run_scoped3A_349 : memref<!tpu.dma_semaphore, #tpu.memory_space<semaphore_mem>>) src(%arg13 : memref<128x64xf32, #tpu.memory_space<vmem>>) dst(%dma_wait3A_361 : memref<10240x64xf32, #tpu.memory_space<vmem_shared>>)
        tpu.yield
      }) : () -> ()
    }
    %while3A_299 = arith.constant 1 : i32
    scf.for %while3A_319 = %while3A_297 to %while3A_293 step %while3A_299  : i32 {
      %dma_start3A = arith.constant 1 : i32
      %dma_start3A_320 = arith.constant 0 : i32
      %dma_start3A_321 = tpu.memref_slice %arg7[%while3A_319, %dma_start3A_320] : memref<56x128xi32, #tpu.memory_space<vmem>> -> memref<1x128xi32, #tpu.memory_space<vmem>>
      %dma_start3A_322 = tpu.memref_squeeze %dma_start3A_321 : memref<1x128xi32, #tpu.memory_space<vmem>> -> memref<128xi32, #tpu.memory_space<vmem>>
      %dma_start3A_323 = arith.constant 0 : i32
      %dma_start3A_324 = arith.constant 0 : i32
      %dma_start3A_325 = tpu.memref_slice %arg5[%dma_start3A, %dma_start3A_323, %dma_start3A_324] : memref<2x10240x64xf32, #tpu.memory_space<hbm>> -> memref<1x10240x64xf32, #tpu.memory_space<hbm>>
      %dma_start3A_326 = tpu.memref_squeeze %dma_start3A_325 : memref<1x10240x64xf32, #tpu.memory_space<hbm>> -> memref<10240x64xf32, #tpu.memory_space<hbm>>
      %dma_start3A_327 = arith.constant 0 : i32
      %dma_start3A_328 = arith.constant 0 : i32
      %dma_start3A_329 = tpu.memref_slice %dma_start3A_326[%dma_start3A_327, %dma_start3A_328] : memref<10240x64xf32, #tpu.memory_space<hbm>> -> memref<10240x64xf32, #tpu.memory_space<hbm>>
      tpu.enqueue_indirect_dma source(%dma_start3A_329 : memref<10240x64xf32, #tpu.memory_space<hbm>>) target(%arg13 : memref<128x64xf32, #tpu.memory_space<vmem>>) offsets(%dma_start3A_322 : memref<128xi32, #tpu.memory_space<vmem>>) semaphore(%arg19 : memref<!tpu.dma_semaphore, #tpu.memory_space<semaphore_mem>>)
      %add3A_330 = arith.constant 0 : i32
      %add3A_331 = arith.addi %add3A_330, %while3A_319 : i32
      %mul3A_332 = arith.constant 128 : i32
      %mul3A_333 = arith.muli %add3A_331, %mul3A_332 : i32
      %dma_wait3A = arith.constant 1 : i32
      %dma_wait3A_334 = arith.constant 0 : i32
      %dma_wait3A_335 = tpu.memref_slice %arg7[%while3A_319, %dma_wait3A_334] : memref<56x128xi32, #tpu.memory_space<vmem>> -> memref<1x128xi32, #tpu.memory_space<vmem>>
      %dma_wait3A_336 = tpu.memref_squeeze %dma_wait3A_335 : memref<1x128xi32, #tpu.memory_space<vmem>> -> memref<128xi32, #tpu.memory_space<vmem>>
      %dma_wait3A_337 = arith.constant 0 : i32
      %dma_wait3A_338 = arith.constant 0 : i32
      %dma_wait3A_339 = tpu.memref_slice %arg5[%dma_wait3A, %dma_wait3A_337, %dma_wait3A_338] : memref<2x10240x64xf32, #tpu.memory_space<hbm>> -> memref<1x10240x64xf32, #tpu.memory_space<hbm>>
      %dma_wait3A_340 = tpu.memref_squeeze %dma_wait3A_339 : memref<1x10240x64xf32, #tpu.memory_space<hbm>> -> memref<10240x64xf32, #tpu.memory_space<hbm>>
      %dma_wait3A_341 = arith.constant 0 : i32
      %dma_wait3A_342 = arith.constant 0 : i32
      %dma_wait3A_343 = tpu.memref_slice %dma_wait3A_340[%dma_wait3A_341, %dma_wait3A_342] : memref<10240x64xf32, #tpu.memory_space<hbm>> -> memref<10240x64xf32, #tpu.memory_space<hbm>>
      tpu.wait_indirect_dma semaphore(%arg19 : memref<!tpu.dma_semaphore, #tpu.memory_space<semaphore_mem>>) src(%dma_wait3A_343 : memref<10240x64xf32, #tpu.memory_space<hbm>>) dst(%arg13 : memref<128x64xf32, #tpu.memory_space<vmem>>)
      %scan3A_344 = arith.constant 0 : i32
      %scan3A_345 = arith.constant 128 : i32
      %scan3A_346 = arith.addi %scan3A_344, %scan3A_345 : i32
      %scan3A_347 = arith.constant 1 : i32
      scf.for %scan3A_349 = %scan3A_344 to %scan3A_346 step %scan3A_347  : i32 {
        %add3A_350 = arith.addi %mul3A_333, %scan3A_349 : i32
        %broadcast_in_dim3A_351 = vector.broadcast %add3A_350 : i32 to vector<16xi32>
        %gather3A = tpu.vector_load_idx %arg12[%broadcast_in_dim3A_351] : memref<14336xf32, #tpu.memory_space<vmem>>[vector<16xi32>], vector<16xf32>,
        %get3A = arith.index_cast %scan3A_349 : i32 to index
        %get3A_352 = arith.constant 0 : index
        %get3A_353 = tpu.vector_load %arg13[%get3A, %get3A_352] {strides = array<i32>} : memref<128x64xf32, #tpu.memory_space<vmem>>, vector<16xf32>,
        %mul3A_354 = arith.mulf %get3A_353, %gather3A : vector<16xf32>
        %swap3A = arith.index_cast %scan3A_349 : i32 to index
        %swap3A_355 = arith.constant 0 : index
        %swap3A_356 = tpu.vector_load %arg13[%swap3A, %swap3A_355] {strides = array<i32>} : memref<128x64xf32, #tpu.memory_space<vmem>>, vector<16xf32>,
        tpu.vector_store %arg13[%swap3A, %swap3A_355], %mul3A_354 {strides = array<i32>} : memref<128x64xf32, #tpu.memory_space<vmem>>, vector<16xf32>,
        %get3A_357 = arith.index_cast %scan3A_349 : i32 to index
        %get3A_358 = arith.constant 16 : index
        %get3A_359 = tpu.vector_load %arg13[%get3A_357, %get3A_358] {strides = array<i32>} : memref<128x64xf32, #tpu.memory_space<vmem>>, vector<16xf32>,
        %mul3A_360 = arith.mulf %get3A_359, %gather3A : vector<16xf32>
        %swap3A_361 = arith.index_cast %scan3A_349 : i32 to index
        %swap3A_362 = arith.constant 16 : index
        %swap3A_363 = tpu.vector_load %arg13[%swap3A_361, %swap3A_362] {strides = array<i32>} : memref<128x64xf32, #tpu.memory_space<vmem>>, vector<16xf32>,
        tpu.vector_store %arg13[%swap3A_361, %swap3A_362], %mul3A_360 {strides = array<i32>} : memref<128x64xf32, #tpu.memory_space<vmem>>, vector<16xf32>,
        %get3A_364 = arith.index_cast %scan3A_349 : i32 to index
        %get3A_365 = arith.constant 32 : index
        %get3A_366 = tpu.vector_load %arg13[%get3A_364, %get3A_365] {strides = array<i32>} : memref<128x64xf32, #tpu.memory_space<vmem>>, vector<16xf32>,
        %mul3A_367 = arith.mulf %get3A_366, %gather3A : vector<16xf32>
        %swap3A_368 = arith.index_cast %scan3A_349 : i32 to index
        %swap3A_369 = arith.constant 32 : index
        %swap3A_370 = tpu.vector_load %arg13[%swap3A_368, %swap3A_369] {strides = array<i32>} : memref<128x64xf32, #tpu.memory_space<vmem>>, vector<16xf32>,
        tpu.vector_store %arg13[%swap3A_368, %swap3A_369], %mul3A_367 {strides = array<i32>} : memref<128x64xf32, #tpu.memory_space<vmem>>, vector<16xf32>,
        %get3A_371 = arith.index_cast %scan3A_349 : i32 to index
        %get3A_372 = arith.constant 48 : index
        %get3A_373 = tpu.vector_load %arg13[%get3A_371, %get3A_372] {strides = array<i32>} : memref<128x64xf32, #tpu.memory_space<vmem>>, vector<16xf32>,
        %mul3A_374 = arith.mulf %get3A_373, %gather3A : vector<16xf32>
        %swap3A_375 = arith.index_cast %scan3A_349 : i32 to index
        %swap3A_376 = arith.constant 48 : index
        %swap3A_377 = tpu.vector_load %arg13[%swap3A_375, %swap3A_376] {strides = array<i32>} : memref<128x64xf32, #tpu.memory_space<vmem>>, vector<16xf32>,
        tpu.vector_store %arg13[%swap3A_375, %swap3A_376], %mul3A_374 {strides = array<i32>} : memref<128x64xf32, #tpu.memory_space<vmem>>, vector<16xf32>,
      }
      %scan3A_348 = arith.constant 128 : i32
      "tpu.region"() ({
        %run_scoped3A_349 = tpu.sem_alloc : memref<!tpu.dma_semaphore, #tpu.memory_space<semaphore_mem>>
        %dma_start3A_350 = arith.constant 0 : i32
        %dma_start3A_351 = tpu.memref_slice %arg8[%while3A_319, %dma_start3A_350] : memref<56x128xi32, #tpu.memory_space<vmem>> -> memref<1x128xi32, #tpu.memory_space<vmem>>
        %dma_start3A_352 = tpu.memref_squeeze %dma_start3A_351 : memref<1x128xi32, #tpu.memory_space<vmem>> -> memref<128xi32, #tpu.memory_space<vmem>>
        %dma_start3A_353 = arith.constant 0 : i32
        %dma_start3A_354 = arith.constant 0 : i32
        %dma_start3A_355 = tpu.memref_slice %arg18[%dma_start3A_353, %dma_start3A_354] : memref<10240x64xf32, #tpu.memory_space<vmem_shared>> -> memref<10240x64xf32, #tpu.memory_space<vmem_shared>>
        tpu.enqueue_indirect_dma source(%arg13 : memref<128x64xf32, #tpu.memory_space<vmem>>) target(%dma_start3A_355 : memref<10240x64xf32, #tpu.memory_space<vmem_shared>>) offsets(%dma_start3A_352 : memref<128xi32, #tpu.memory_space<vmem>>) semaphore(%run_scoped3A_349 : memref<!tpu.dma_semaphore, #tpu.memory_space<semaphore_mem>>) {add = true}
        %dma_wait3A_356 = arith.constant 0 : i32
        %dma_wait3A_357 = tpu.memref_slice %arg8[%while3A_319, %dma_wait3A_356] : memref<56x128xi32, #tpu.memory_space<vmem>> -> memref<1x128xi32, #tpu.memory_space<vmem>>
        %dma_wait3A_358 = tpu.memref_squeeze %dma_wait3A_357 : memref<1x128xi32, #tpu.memory_space<vmem>> -> memref<128xi32, #tpu.memory_space<vmem>>
        %dma_wait3A_359 = arith.constant 0 : i32
        %dma_wait3A_360 = arith.constant 0 : i32
        %dma_wait3A_361 = tpu.memref_slice %arg18[%dma_wait3A_359, %dma_wait3A_360] : memref<10240x64xf32, #tpu.memory_space<vmem_shared>> -> memref<10240x64xf32, #tpu.memory_space<vmem_shared>>
        tpu.wait_indirect_dma semaphore(%run_scoped3A_349 : memref<!tpu.dma_semaphore, #tpu.memory_space<semaphore_mem>>) src(%arg13 : memref<128x64xf32, #tpu.memory_space<vmem>>) dst(%dma_wait3A_361 : memref<10240x64xf32, #tpu.memory_space<vmem_shared>>)
        tpu.yield
      }) : () -> ()
    }
    %add3A_300 = arith.constant 56 : i32
    %add3A_301 = arith.addi %select_n3A, %add3A_300 : i32
    %sub3A_302 = arith.constant 56 : i32
    %sub3A_303 = arith.subi %select_n3A_157, %sub3A_302 : i32
    %jit3A_304 = arith.constant 0 : i32
    %jit3A_305 = arith.constant 56 : i32
    %max3A_306 = arith.maxsi %jit3A_304, %sub3A_303 : i32
    %min3A_307 = arith.minsi %jit3A_305, %max3A_306 : i32
    "tpu.region"() ({
      %run_scoped3A_319 = tpu.sem_alloc : memref<!tpu.dma_semaphore, #tpu.memory_space<semaphore_mem>>
      %dma_start3A = arith.constant 0 : i32
      %dma_start3A_320 = tpu.memref_slice %arg2[%add3A_301, %dma_start3A] : memref<2616x128xi32, #tpu.memory_space<hbm>> -> memref<56x128xi32, #tpu.memory_space<hbm>>
      %dma_start3A_321 = arith.constant 0 : i32
      %dma_start3A_322 = tpu.memref_slice %arg2[%add3A_301, %dma_start3A_321] : memref<2616x128xi32, #tpu.memory_space<hbm>> -> memref<56x128xi32, #tpu.memory_space<hbm>>
      tpu.enqueue_dma source(%dma_start3A_322 : memref<56x128xi32, #tpu.memory_space<hbm>>) target(%arg7 : memref<56x128xi32, #tpu.memory_space<vmem>>) target_semaphore(%run_scoped3A_319 : memref<!tpu.dma_semaphore, #tpu.memory_space<semaphore_mem>>)
      %dma_wait3A = arith.constant 0 : i32
      %dma_wait3A_323 = tpu.memref_slice %arg2[%add3A_301, %dma_wait3A] : memref<2616x128xi32, #tpu.memory_space<hbm>> -> memref<56x128xi32, #tpu.memory_space<hbm>>
      %dma_wait3A_324 = arith.constant 0 : i32
      %dma_wait3A_325 = tpu.memref_slice %arg2[%add3A_301, %dma_wait3A_324] : memref<2616x128xi32, #tpu.memory_space<hbm>> -> memref<56x128xi32, #tpu.memory_space<hbm>>
      tpu.wait_dma2 semaphore(%run_scoped3A_319 : memref<!tpu.dma_semaphore, #tpu.memory_space<semaphore_mem>>) src(%dma_wait3A_325 : memref<56x128xi32, #tpu.memory_space<hbm>>) dst(%arg7 : memref<56x128xi32, #tpu.memory_space<vmem>>)
      tpu.yield
    }) : () -> ()
    "tpu.region"() ({
      %run_scoped3A_319 = tpu.sem_alloc : memref<!tpu.dma_semaphore, #tpu.memory_space<semaphore_mem>>
      %dma_start3A = arith.constant 0 : i32
      %dma_start3A_320 = tpu.memref_slice %arg3[%add3A_301, %dma_start3A] : memref<2616x128xi32, #tpu.memory_space<hbm>> -> memref<56x128xi32, #tpu.memory_space<hbm>>
      %dma_start3A_321 = arith.constant 0 : i32
      %dma_start3A_322 = tpu.memref_slice %arg3[%add3A_301, %dma_start3A_321] : memref<2616x128xi32, #tpu.memory_space<hbm>> -> memref<56x128xi32, #tpu.memory_space<hbm>>
      tpu.enqueue_dma source(%dma_start3A_322 : memref<56x128xi32, #tpu.memory_space<hbm>>) target(%arg8 : memref<56x128xi32, #tpu.memory_space<vmem>>) target_semaphore(%run_scoped3A_319 : memref<!tpu.dma_semaphore, #tpu.memory_space<semaphore_mem>>)
      %dma_wait3A = arith.constant 0 : i32
      %dma_wait3A_323 = tpu.memref_slice %arg3[%add3A_301, %dma_wait3A] : memref<2616x128xi32, #tpu.memory_space<hbm>> -> memref<56x128xi32, #tpu.memory_space<hbm>>
      %dma_wait3A_324 = arith.constant 0 : i32
      %dma_wait3A_325 = tpu.memref_slice %arg3[%add3A_301, %dma_wait3A_324] : memref<2616x128xi32, #tpu.memory_space<hbm>> -> memref<56x128xi32, #tpu.memory_space<hbm>>
      tpu.wait_dma2 semaphore(%run_scoped3A_319 : memref<!tpu.dma_semaphore, #tpu.memory_space<semaphore_mem>>) src(%dma_wait3A_325 : memref<56x128xi32, #tpu.memory_space<hbm>>) dst(%arg8 : memref<56x128xi32, #tpu.memory_space<vmem>>)
      tpu.yield
    }) : () -> ()
    "tpu.region"() ({
      %run_scoped3A_319 = tpu.sem_alloc : memref<!tpu.dma_semaphore, #tpu.memory_space<semaphore_mem>>
      %dma_start3A = arith.constant 0 : i32
      %dma_start3A_320 = tpu.memref_slice %arg4[%add3A_301, %dma_start3A] : memref<2616x128xf32, #tpu.memory_space<hbm>> -> memref<56x128xf32, #tpu.memory_space<hbm>>
      %dma_start3A_321 = arith.constant 0 : i32
      %dma_start3A_322 = tpu.memref_slice %arg4[%add3A_301, %dma_start3A_321] : memref<2616x128xf32, #tpu.memory_space<hbm>> -> memref<56x128xf32, #tpu.memory_space<hbm>>
      tpu.enqueue_dma source(%dma_start3A_322 : memref<56x128xf32, #tpu.memory_space<hbm>>) target(%arg9 : memref<56x128xf32, #tpu.memory_space<vmem>>) target_semaphore(%run_scoped3A_319 : memref<!tpu.dma_semaphore, #tpu.memory_space<semaphore_mem>>)
      %dma_wait3A = arith.constant 0 : i32
      %dma_wait3A_323 = tpu.memref_slice %arg4[%add3A_301, %dma_wait3A] : memref<2616x128xf32, #tpu.memory_space<hbm>> -> memref<56x128xf32, #tpu.memory_space<hbm>>
      %dma_wait3A_324 = arith.constant 0 : i32
      %dma_wait3A_325 = tpu.memref_slice %arg4[%add3A_301, %dma_wait3A_324] : memref<2616x128xf32, #tpu.memory_space<hbm>> -> memref<56x128xf32, #tpu.memory_space<hbm>>
      tpu.wait_dma2 semaphore(%run_scoped3A_319 : memref<!tpu.dma_semaphore, #tpu.memory_space<semaphore_mem>>) src(%dma_wait3A_325 : memref<56x128xf32, #tpu.memory_space<hbm>>) dst(%arg9 : memref<56x128xf32, #tpu.memory_space<vmem>>)
      tpu.yield
    }) : () -> ()
    %while3A_308 = arith.constant 0 : i32
    %while3A_309 = arith.subi %min3A_307, %while3A_308 : i32
    %while3A_310 = arith.addi %while3A_308, %while3A_309 : i32
    %while3A_311 = arith.constant 1 : i32
    %while3A_312 = arith.divsi %while3A_309, %while3A_311 : i32
    %while3A_313 = arith.muli %while3A_312, %while3A_311 : i32
    %while3A_314 = arith.addi %while3A_308, %while3A_313 : i32
    %while3A_315 = arith.constant 1 : i32
    scf.for %while3A_319 = %while3A_308 to %while3A_314 step %while3A_315  : i32 {
      %dma_start3A = arith.constant 1 : i32
      %dma_start3A_320 = arith.constant 0 : i32
      %dma_start3A_321 = tpu.memref_slice %arg7[%while3A_319, %dma_start3A_320] : memref<56x128xi32, #tpu.memory_space<vmem>> -> memref<1x128xi32, #tpu.memory_space<vmem>>
      %dma_start3A_322 = tpu.memref_squeeze %dma_start3A_321 : memref<1x128xi32, #tpu.memory_space<vmem>> -> memref<128xi32, #tpu.memory_space<vmem>>
      %dma_start3A_323 = arith.constant 0 : i32
      %dma_start3A_324 = arith.constant 0 : i32
      %dma_start3A_325 = tpu.memref_slice %arg5[%dma_start3A, %dma_start3A_323, %dma_start3A_324] : memref<2x10240x64xf32, #tpu.memory_space<hbm>> -> memref<1x10240x64xf32, #tpu.memory_space<hbm>>
      %dma_start3A_326 = tpu.memref_squeeze %dma_start3A_325 : memref<1x10240x64xf32, #tpu.memory_space<hbm>> -> memref<10240x64xf32, #tpu.memory_space<hbm>>
      %dma_start3A_327 = arith.constant 0 : i32
      %dma_start3A_328 = arith.constant 0 : i32
      %dma_start3A_329 = tpu.memref_slice %dma_start3A_326[%dma_start3A_327, %dma_start3A_328] : memref<10240x64xf32, #tpu.memory_space<hbm>> -> memref<10240x64xf32, #tpu.memory_space<hbm>>
      tpu.enqueue_indirect_dma source(%dma_start3A_329 : memref<10240x64xf32, #tpu.memory_space<hbm>>) target(%arg13 : memref<128x64xf32, #tpu.memory_space<vmem>>) offsets(%dma_start3A_322 : memref<128xi32, #tpu.memory_space<vmem>>) semaphore(%arg19 : memref<!tpu.dma_semaphore, #tpu.memory_space<semaphore_mem>>)
      %add3A_330 = arith.constant 56 : i32
      %add3A_331 = arith.addi %add3A_330, %while3A_319 : i32
      %mul3A_332 = arith.constant 128 : i32
      %mul3A_333 = arith.muli %add3A_331, %mul3A_332 : i32
      %dma_wait3A = arith.constant 1 : i32
      %dma_wait3A_334 = arith.constant 0 : i32
      %dma_wait3A_335 = tpu.memref_slice %arg7[%while3A_319, %dma_wait3A_334] : memref<56x128xi32, #tpu.memory_space<vmem>> -> memref<1x128xi32, #tpu.memory_space<vmem>>
      %dma_wait3A_336 = tpu.memref_squeeze %dma_wait3A_335 : memref<1x128xi32, #tpu.memory_space<vmem>> -> memref<128xi32, #tpu.memory_space<vmem>>
      %dma_wait3A_337 = arith.constant 0 : i32
      %dma_wait3A_338 = arith.constant 0 : i32
      %dma_wait3A_339 = tpu.memref_slice %arg5[%dma_wait3A, %dma_wait3A_337, %dma_wait3A_338] : memref<2x10240x64xf32, #tpu.memory_space<hbm>> -> memref<1x10240x64xf32, #tpu.memory_space<hbm>>
      %dma_wait3A_340 = tpu.memref_squeeze %dma_wait3A_339 : memref<1x10240x64xf32, #tpu.memory_space<hbm>> -> memref<10240x64xf32, #tpu.memory_space<hbm>>
      %dma_wait3A_341 = arith.constant 0 : i32
      %dma_wait3A_342 = arith.constant 0 : i32
      %dma_wait3A_343 = tpu.memref_slice %dma_wait3A_340[%dma_wait3A_341, %dma_wait3A_342] : memref<10240x64xf32, #tpu.memory_space<hbm>> -> memref<10240x64xf32, #tpu.memory_space<hbm>>
      tpu.wait_indirect_dma semaphore(%arg19 : memref<!tpu.dma_semaphore, #tpu.memory_space<semaphore_mem>>) src(%dma_wait3A_343 : memref<10240x64xf32, #tpu.memory_space<hbm>>) dst(%arg13 : memref<128x64xf32, #tpu.memory_space<vmem>>)
      %scan3A_344 = arith.constant 0 : i32
      %scan3A_345 = arith.constant 128 : i32
      %scan3A_346 = arith.addi %scan3A_344, %scan3A_345 : i32
      %scan3A_347 = arith.constant 1 : i32
      scf.for %scan3A_349 = %scan3A_344 to %scan3A_346 step %scan3A_347  : i32 {
        %add3A_350 = arith.addi %mul3A_333, %scan3A_349 : i32
        %broadcast_in_dim3A_351 = vector.broadcast %add3A_350 : i32 to vector<16xi32>
        %gather3A = tpu.vector_load_idx %arg12[%broadcast_in_dim3A_351] : memref<14336xf32, #tpu.memory_space<vmem>>[vector<16xi32>], vector<16xf32>,
        %get3A = arith.index_cast %scan3A_349 : i32 to index
        %get3A_352 = arith.constant 0 : index
        %get3A_353 = tpu.vector_load %arg13[%get3A, %get3A_352] {strides = array<i32>} : memref<128x64xf32, #tpu.memory_space<vmem>>, vector<16xf32>,
        %mul3A_354 = arith.mulf %get3A_353, %gather3A : vector<16xf32>
        %swap3A = arith.index_cast %scan3A_349 : i32 to index
        %swap3A_355 = arith.constant 0 : index
        %swap3A_356 = tpu.vector_load %arg13[%swap3A, %swap3A_355] {strides = array<i32>} : memref<128x64xf32, #tpu.memory_space<vmem>>, vector<16xf32>,
        tpu.vector_store %arg13[%swap3A, %swap3A_355], %mul3A_354 {strides = array<i32>} : memref<128x64xf32, #tpu.memory_space<vmem>>, vector<16xf32>,
        %get3A_357 = arith.index_cast %scan3A_349 : i32 to index
        %get3A_358 = arith.constant 16 : index
        %get3A_359 = tpu.vector_load %arg13[%get3A_357, %get3A_358] {strides = array<i32>} : memref<128x64xf32, #tpu.memory_space<vmem>>, vector<16xf32>,
        %mul3A_360 = arith.mulf %get3A_359, %gather3A : vector<16xf32>
        %swap3A_361 = arith.index_cast %scan3A_349 : i32 to index
        %swap3A_362 = arith.constant 16 : index
        %swap3A_363 = tpu.vector_load %arg13[%swap3A_361, %swap3A_362] {strides = array<i32>} : memref<128x64xf32, #tpu.memory_space<vmem>>, vector<16xf32>,
        tpu.vector_store %arg13[%swap3A_361, %swap3A_362], %mul3A_360 {strides = array<i32>} : memref<128x64xf32, #tpu.memory_space<vmem>>, vector<16xf32>,
        %get3A_364 = arith.index_cast %scan3A_349 : i32 to index
        %get3A_365 = arith.constant 32 : index
        %get3A_366 = tpu.vector_load %arg13[%get3A_364, %get3A_365] {strides = array<i32>} : memref<128x64xf32, #tpu.memory_space<vmem>>, vector<16xf32>,
        %mul3A_367 = arith.mulf %get3A_366, %gather3A : vector<16xf32>
        %swap3A_368 = arith.index_cast %scan3A_349 : i32 to index
        %swap3A_369 = arith.constant 32 : index
        %swap3A_370 = tpu.vector_load %arg13[%swap3A_368, %swap3A_369] {strides = array<i32>} : memref<128x64xf32, #tpu.memory_space<vmem>>, vector<16xf32>,
        tpu.vector_store %arg13[%swap3A_368, %swap3A_369], %mul3A_367 {strides = array<i32>} : memref<128x64xf32, #tpu.memory_space<vmem>>, vector<16xf32>,
        %get3A_371 = arith.index_cast %scan3A_349 : i32 to index
        %get3A_372 = arith.constant 48 : index
        %get3A_373 = tpu.vector_load %arg13[%get3A_371, %get3A_372] {strides = array<i32>} : memref<128x64xf32, #tpu.memory_space<vmem>>, vector<16xf32>,
        %mul3A_374 = arith.mulf %get3A_373, %gather3A : vector<16xf32>
        %swap3A_375 = arith.index_cast %scan3A_349 : i32 to index
        %swap3A_376 = arith.constant 48 : index
        %swap3A_377 = tpu.vector_load %arg13[%swap3A_375, %swap3A_376] {strides = array<i32>} : memref<128x64xf32, #tpu.memory_space<vmem>>, vector<16xf32>,
        tpu.vector_store %arg13[%swap3A_375, %swap3A_376], %mul3A_374 {strides = array<i32>} : memref<128x64xf32, #tpu.memory_space<vmem>>, vector<16xf32>,
      }
      %scan3A_348 = arith.constant 128 : i32
      "tpu.region"() ({
        %run_scoped3A_349 = tpu.sem_alloc : memref<!tpu.dma_semaphore, #tpu.memory_space<semaphore_mem>>
        %dma_start3A_350 = arith.constant 0 : i32
        %dma_start3A_351 = tpu.memref_slice %arg8[%while3A_319, %dma_start3A_350] : memref<56x128xi32, #tpu.memory_space<vmem>> -> memref<1x128xi32, #tpu.memory_space<vmem>>
        %dma_start3A_352 = tpu.memref_squeeze %dma_start3A_351 : memref<1x128xi32, #tpu.memory_space<vmem>> -> memref<128xi32, #tpu.memory_space<vmem>>
        %dma_start3A_353 = arith.constant 0 : i32
        %dma_start3A_354 = arith.constant 0 : i32
        %dma_start3A_355 = tpu.memref_slice %arg18[%dma_start3A_353, %dma_start3A_354] : memref<10240x64xf32, #tpu.memory_space<vmem_shared>> -> memref<10240x64xf32, #tpu.memory_space<vmem_shared>>
        tpu.enqueue_indirect_dma source(%arg13 : memref<128x64xf32, #tpu.memory_space<vmem>>) target(%dma_start3A_355 : memref<10240x64xf32, #tpu.memory_space<vmem_shared>>) offsets(%dma_start3A_352 : memref<128xi32, #tpu.memory_space<vmem>>) semaphore(%run_scoped3A_349 : memref<!tpu.dma_semaphore, #tpu.memory_space<semaphore_mem>>) {add = true}
        %dma_wait3A_356 = arith.constant 0 : i32
        %dma_wait3A_357 = tpu.memref_slice %arg8[%while3A_319, %dma_wait3A_356] : memref<56x128xi32, #tpu.memory_space<vmem>> -> memref<1x128xi32, #tpu.memory_space<vmem>>
        %dma_wait3A_358 = tpu.memref_squeeze %dma_wait3A_357 : memref<1x128xi32, #tpu.memory_space<vmem>> -> memref<128xi32, #tpu.memory_space<vmem>>
        %dma_wait3A_359 = arith.constant 0 : i32
        %dma_wait3A_360 = arith.constant 0 : i32
        %dma_wait3A_361 = tpu.memref_slice %arg18[%dma_wait3A_359, %dma_wait3A_360] : memref<10240x64xf32, #tpu.memory_space<vmem_shared>> -> memref<10240x64xf32, #tpu.memory_space<vmem_shared>>
        tpu.wait_indirect_dma semaphore(%run_scoped3A_349 : memref<!tpu.dma_semaphore, #tpu.memory_space<semaphore_mem>>) src(%arg13 : memref<128x64xf32, #tpu.memory_space<vmem>>) dst(%dma_wait3A_361 : memref<10240x64xf32, #tpu.memory_space<vmem_shared>>)
        tpu.yield
      }) : () -> ()
    }
    %while3A_316 = arith.constant 1 : i32
    scf.for %while3A_319 = %while3A_314 to %while3A_310 step %while3A_316  : i32 {
      %dma_start3A = arith.constant 1 : i32
      %dma_start3A_320 = arith.constant 0 : i32
      %dma_start3A_321 = tpu.memref_slice %arg7[%while3A_319, %dma_start3A_320] : memref<56x128xi32, #tpu.memory_space<vmem>> -> memref<1x128xi32, #tpu.memory_space<vmem>>
      %dma_start3A_322 = tpu.memref_squeeze %dma_start3A_321 : memref<1x128xi32, #tpu.memory_space<vmem>> -> memref<128xi32, #tpu.memory_space<vmem>>
      %dma_start3A_323 = arith.constant 0 : i32
      %dma_start3A_324 = arith.constant 0 : i32
      %dma_start3A_325 = tpu.memref_slice %arg5[%dma_start3A, %dma_start3A_323, %dma_start3A_324] : memref<2x10240x64xf32, #tpu.memory_space<hbm>> -> memref<1x10240x64xf32, #tpu.memory_space<hbm>>
      %dma_start3A_326 = tpu.memref_squeeze %dma_start3A_325 : memref<1x10240x64xf32, #tpu.memory_space<hbm>> -> memref<10240x64xf32, #tpu.memory_space<hbm>>
      %dma_start3A_327 = arith.constant 0 : i32
      %dma_start3A_328 = arith.constant 0 : i32
      %dma_start3A_329 = tpu.memref_slice %dma_start3A_326[%dma_start3A_327, %dma_start3A_328] : memref<10240x64xf32, #tpu.memory_space<hbm>> -> memref<10240x64xf32, #tpu.memory_space<hbm>>
      tpu.enqueue_indirect_dma source(%dma_start3A_329 : memref<10240x64xf32, #tpu.memory_space<hbm>>) target(%arg13 : memref<128x64xf32, #tpu.memory_space<vmem>>) offsets(%dma_start3A_322 : memref<128xi32, #tpu.memory_space<vmem>>) semaphore(%arg19 : memref<!tpu.dma_semaphore, #tpu.memory_space<semaphore_mem>>)
      %add3A_330 = arith.constant 56 : i32
      %add3A_331 = arith.addi %add3A_330, %while3A_319 : i32
      %mul3A_332 = arith.constant 128 : i32
      %mul3A_333 = arith.muli %add3A_331, %mul3A_332 : i32
      %dma_wait3A = arith.constant 1 : i32
      %dma_wait3A_334 = arith.constant 0 : i32
      %dma_wait3A_335 = tpu.memref_slice %arg7[%while3A_319, %dma_wait3A_334] : memref<56x128xi32, #tpu.memory_space<vmem>> -> memref<1x128xi32, #tpu.memory_space<vmem>>
      %dma_wait3A_336 = tpu.memref_squeeze %dma_wait3A_335 : memref<1x128xi32, #tpu.memory_space<vmem>> -> memref<128xi32, #tpu.memory_space<vmem>>
      %dma_wait3A_337 = arith.constant 0 : i32
      %dma_wait3A_338 = arith.constant 0 : i32
      %dma_wait3A_339 = tpu.memref_slice %arg5[%dma_wait3A, %dma_wait3A_337, %dma_wait3A_338] : memref<2x10240x64xf32, #tpu.memory_space<hbm>> -> memref<1x10240x64xf32, #tpu.memory_space<hbm>>
      %dma_wait3A_340 = tpu.memref_squeeze %dma_wait3A_339 : memref<1x10240x64xf32, #tpu.memory_space<hbm>> -> memref<10240x64xf32, #tpu.memory_space<hbm>>
      %dma_wait3A_341 = arith.constant 0 : i32
      %dma_wait3A_342 = arith.constant 0 : i32
      %dma_wait3A_343 = tpu.memref_slice %dma_wait3A_340[%dma_wait3A_341, %dma_wait3A_342] : memref<10240x64xf32, #tpu.memory_space<hbm>> -> memref<10240x64xf32, #tpu.memory_space<hbm>>
      tpu.wait_indirect_dma semaphore(%arg19 : memref<!tpu.dma_semaphore, #tpu.memory_space<semaphore_mem>>) src(%dma_wait3A_343 : memref<10240x64xf32, #tpu.memory_space<hbm>>) dst(%arg13 : memref<128x64xf32, #tpu.memory_space<vmem>>)
      %scan3A_344 = arith.constant 0 : i32
      %scan3A_345 = arith.constant 128 : i32
      %scan3A_346 = arith.addi %scan3A_344, %scan3A_345 : i32
      %scan3A_347 = arith.constant 1 : i32
      scf.for %scan3A_349 = %scan3A_344 to %scan3A_346 step %scan3A_347  : i32 {
        %add3A_350 = arith.addi %mul3A_333, %scan3A_349 : i32
        %broadcast_in_dim3A_351 = vector.broadcast %add3A_350 : i32 to vector<16xi32>
        %gather3A = tpu.vector_load_idx %arg12[%broadcast_in_dim3A_351] : memref<14336xf32, #tpu.memory_space<vmem>>[vector<16xi32>], vector<16xf32>,
        %get3A = arith.index_cast %scan3A_349 : i32 to index
        %get3A_352 = arith.constant 0 : index
        %get3A_353 = tpu.vector_load %arg13[%get3A, %get3A_352] {strides = array<i32>} : memref<128x64xf32, #tpu.memory_space<vmem>>, vector<16xf32>,
        %mul3A_354 = arith.mulf %get3A_353, %gather3A : vector<16xf32>
        %swap3A = arith.index_cast %scan3A_349 : i32 to index
        %swap3A_355 = arith.constant 0 : index
        %swap3A_356 = tpu.vector_load %arg13[%swap3A, %swap3A_355] {strides = array<i32>} : memref<128x64xf32, #tpu.memory_space<vmem>>, vector<16xf32>,
        tpu.vector_store %arg13[%swap3A, %swap3A_355], %mul3A_354 {strides = array<i32>} : memref<128x64xf32, #tpu.memory_space<vmem>>, vector<16xf32>,
        %get3A_357 = arith.index_cast %scan3A_349 : i32 to index
        %get3A_358 = arith.constant 16 : index
        %get3A_359 = tpu.vector_load %arg13[%get3A_357, %get3A_358] {strides = array<i32>} : memref<128x64xf32, #tpu.memory_space<vmem>>, vector<16xf32>,
        %mul3A_360 = arith.mulf %get3A_359, %gather3A : vector<16xf32>
        %swap3A_361 = arith.index_cast %scan3A_349 : i32 to index
        %swap3A_362 = arith.constant 16 : index
        %swap3A_363 = tpu.vector_load %arg13[%swap3A_361, %swap3A_362] {strides = array<i32>} : memref<128x64xf32, #tpu.memory_space<vmem>>, vector<16xf32>,
        tpu.vector_store %arg13[%swap3A_361, %swap3A_362], %mul3A_360 {strides = array<i32>} : memref<128x64xf32, #tpu.memory_space<vmem>>, vector<16xf32>,
        %get3A_364 = arith.index_cast %scan3A_349 : i32 to index
        %get3A_365 = arith.constant 32 : index
        %get3A_366 = tpu.vector_load %arg13[%get3A_364, %get3A_365] {strides = array<i32>} : memref<128x64xf32, #tpu.memory_space<vmem>>, vector<16xf32>,
        %mul3A_367 = arith.mulf %get3A_366, %gather3A : vector<16xf32>
        %swap3A_368 = arith.index_cast %scan3A_349 : i32 to index
        %swap3A_369 = arith.constant 32 : index
        %swap3A_370 = tpu.vector_load %arg13[%swap3A_368, %swap3A_369] {strides = array<i32>} : memref<128x64xf32, #tpu.memory_space<vmem>>, vector<16xf32>,
        tpu.vector_store %arg13[%swap3A_368, %swap3A_369], %mul3A_367 {strides = array<i32>} : memref<128x64xf32, #tpu.memory_space<vmem>>, vector<16xf32>,
        %get3A_371 = arith.index_cast %scan3A_349 : i32 to index
        %get3A_372 = arith.constant 48 : index
        %get3A_373 = tpu.vector_load %arg13[%get3A_371, %get3A_372] {strides = array<i32>} : memref<128x64xf32, #tpu.memory_space<vmem>>, vector<16xf32>,
        %mul3A_374 = arith.mulf %get3A_373, %gather3A : vector<16xf32>
        %swap3A_375 = arith.index_cast %scan3A_349 : i32 to index
        %swap3A_376 = arith.constant 48 : index
        %swap3A_377 = tpu.vector_load %arg13[%swap3A_375, %swap3A_376] {strides = array<i32>} : memref<128x64xf32, #tpu.memory_space<vmem>>, vector<16xf32>,
        tpu.vector_store %arg13[%swap3A_375, %swap3A_376], %mul3A_374 {strides = array<i32>} : memref<128x64xf32, #tpu.memory_space<vmem>>, vector<16xf32>,
      }
      %scan3A_348 = arith.constant 128 : i32
      "tpu.region"() ({
        %run_scoped3A_349 = tpu.sem_alloc : memref<!tpu.dma_semaphore, #tpu.memory_space<semaphore_mem>>
        %dma_start3A_350 = arith.constant 0 : i32
        %dma_start3A_351 = tpu.memref_slice %arg8[%while3A_319, %dma_start3A_350] : memref<56x128xi32, #tpu.memory_space<vmem>> -> memref<1x128xi32, #tpu.memory_space<vmem>>
        %dma_start3A_352 = tpu.memref_squeeze %dma_start3A_351 : memref<1x128xi32, #tpu.memory_space<vmem>> -> memref<128xi32, #tpu.memory_space<vmem>>
        %dma_start3A_353 = arith.constant 0 : i32
        %dma_start3A_354 = arith.constant 0 : i32
        %dma_start3A_355 = tpu.memref_slice %arg18[%dma_start3A_353, %dma_start3A_354] : memref<10240x64xf32, #tpu.memory_space<vmem_shared>> -> memref<10240x64xf32, #tpu.memory_space<vmem_shared>>
        tpu.enqueue_indirect_dma source(%arg13 : memref<128x64xf32, #tpu.memory_space<vmem>>) target(%dma_start3A_355 : memref<10240x64xf32, #tpu.memory_space<vmem_shared>>) offsets(%dma_start3A_352 : memref<128xi32, #tpu.memory_space<vmem>>) semaphore(%run_scoped3A_349 : memref<!tpu.dma_semaphore, #tpu.memory_space<semaphore_mem>>) {add = true}
        %dma_wait3A_356 = arith.constant 0 : i32
        %dma_wait3A_357 = tpu.memref_slice %arg8[%while3A_319, %dma_wait3A_356] : memref<56x128xi32, #tpu.memory_space<vmem>> -> memref<1x128xi32, #tpu.memory_space<vmem>>
        %dma_wait3A_358 = tpu.memref_squeeze %dma_wait3A_357 : memref<1x128xi32, #tpu.memory_space<vmem>> -> memref<128xi32, #tpu.memory_space<vmem>>
        %dma_wait3A_359 = arith.constant 0 : i32
        %dma_wait3A_360 = arith.constant 0 : i32
        %dma_wait3A_361 = tpu.memref_slice %arg18[%dma_wait3A_359, %dma_wait3A_360] : memref<10240x64xf32, #tpu.memory_space<vmem_shared>> -> memref<10240x64xf32, #tpu.memory_space<vmem_shared>>
        tpu.wait_indirect_dma semaphore(%run_scoped3A_349 : memref<!tpu.dma_semaphore, #tpu.memory_space<semaphore_mem>>) src(%arg13 : memref<128x64xf32, #tpu.memory_space<vmem>>) dst(%dma_wait3A_361 : memref<10240x64xf32, #tpu.memory_space<vmem_shared>>)
        tpu.yield
      }) : () -> ()
    }
    %barrier3A_317 = arith.constant 0 : index
    tpu.barrier barrier_id(%barrier3A_317)
    %run_scoped3A_318 = arith.constant 1 : i32
    "tpu.region"() ({
      %run_scoped3A_319 = tpu.sem_alloc : memref<!tpu.dma_semaphore, #tpu.memory_space<semaphore_mem>>
      %dma_start3A = arith.constant 0 : i32
      %dma_start3A_320 = tpu.memref_slice %arg6[%arg0, %run_scoped3A_318, %mul3A_0, %dma_start3A] : memref<2x2x10240x64xf32, #tpu.memory_space<hbm>> -> memref<1x1x640x64xf32, #tpu.memory_space<hbm>>
      %dma_start3A_321 = tpu.memref_squeeze %dma_start3A_320 : memref<1x1x640x64xf32, #tpu.memory_space<hbm>> -> memref<640x64xf32, #tpu.memory_space<hbm>>
      %dma_start3A_322 = arith.constant 0 : i32
      %dma_start3A_323 = tpu.memref_slice %arg18[%mul3A_0, %dma_start3A_322] : memref<10240x64xf32, #tpu.memory_space<vmem_shared>> -> memref<640x64xf32, #tpu.memory_space<vmem_shared>>
      tpu.enqueue_dma source(%dma_start3A_323 : memref<640x64xf32, #tpu.memory_space<vmem_shared>>) target(%dma_start3A_321 : memref<640x64xf32, #tpu.memory_space<hbm>>) target_semaphore(%run_scoped3A_319 : memref<!tpu.dma_semaphore, #tpu.memory_space<semaphore_mem>>)
      %dma_wait3A = arith.constant 0 : i32
      %dma_wait3A_324 = tpu.memref_slice %arg6[%arg0, %run_scoped3A_318, %mul3A_0, %dma_wait3A] : memref<2x2x10240x64xf32, #tpu.memory_space<hbm>> -> memref<1x1x640x64xf32, #tpu.memory_space<hbm>>
      %dma_wait3A_325 = tpu.memref_squeeze %dma_wait3A_324 : memref<1x1x640x64xf32, #tpu.memory_space<hbm>> -> memref<640x64xf32, #tpu.memory_space<hbm>>
      %dma_wait3A_326 = arith.constant 0 : i32
      %dma_wait3A_327 = tpu.memref_slice %arg18[%mul3A_0, %dma_wait3A_326] : memref<10240x64xf32, #tpu.memory_space<vmem_shared>> -> memref<640x64xf32, #tpu.memory_space<vmem_shared>>
      tpu.wait_dma2 semaphore(%run_scoped3A_319 : memref<!tpu.dma_semaphore, #tpu.memory_space<semaphore_mem>>) src(%dma_wait3A_327 : memref<640x64xf32, #tpu.memory_space<vmem_shared>>) dst(%dma_wait3A_325 : memref<640x64xf32, #tpu.memory_space<hbm>>)
      tpu.yield
    }) : () -> ()
    return
  }
}

module attributes {stable_mosaic.version = 14 : i64} {
  func.func @_matmul_body(%arg0: i32, %arg1: memref<1280x128xf32, #tpu.memory_space<vmem>>, %arg2: memref<128x128xf32, #tpu.memory_space<vmem>>, %arg3: memref<1280x128xf32, #tpu.memory_space<vmem>>) attributes {dimension_semantics = [#tpu.dimension_semantics<arbitrary>], iteration_bounds = array<i64: 8>, scalar_prefetch = 0 : i64, scratch_operands = 0 : i64, tpu.core_type = #tpu.core_type<tc>, window_params = [{transform_indices = @transform_0, window_bounds = array<i64: 1280, 128>}, {pipeline_mode = #tpu.pipeline_mode<synchronous>, transform_indices = @transform_1, window_bounds = array<i64: 128, 128>}, {transform_indices = @transform_2, window_bounds = array<i64: 1280, 128>}]} {
    %get3A = arith.constant 0 : index
    %get3A_0 = arith.constant 0 : index
    %get3A_1 = vector.load %arg1[%get3A, %get3A_0] : memref<1280x128xf32, #tpu.memory_space<vmem>>, vector<1280x128xf32>
    %get3A_2 = arith.constant 0 : index
    %get3A_3 = arith.constant 0 : index
    %get3A_4 = vector.load %arg2[%get3A_2, %get3A_3] : memref<128x128xf32, #tpu.memory_space<vmem>>, vector<128x128xf32>
    %dot_general3A = arith.constant dense<0.000000e+00> : vector<1280x128xf32>
    %dot_general3A_5 = tpu.matmul %get3A_1, %get3A_4, %dot_general3A {dimension_numbers = #tpu.dot_dimension_numbers<[1], [0], [0], [1], [0, 0, 1, 1], [], []>, transpose_lhs_hint = false} : vector<1280x128xf32>, vector<128x128xf32>, vector<1280x128xf32> -> vector<1280x128xf32>
    %swap3A = arith.constant 0 : index
    %swap3A_6 = arith.constant 0 : index
    %swap3A_7 = vector.load %arg3[%swap3A, %swap3A_6] : memref<1280x128xf32, #tpu.memory_space<vmem>>, vector<1280x128xf32>
    tpu.vector_store %arg3[%swap3A, %swap3A_6], %dot_general3A_5 {strides = array<i32>} : memref<1280x128xf32, #tpu.memory_space<vmem>>, vector<1280x128xf32>,
    return
  }
  func.func @transform_0(%arg0: i32) -> (i32, i32) {
    %c0_i32 = arith.constant 0 : i32
    %c0_i32_0 = arith.constant 0 : i32
    return %arg0, %c0_i32 : i32, i32
  }
  func.func @transform_1(%arg0: i32) -> (i32, i32) {
    %c0_i32 = arith.constant 0 : i32
    %c0_i32_0 = arith.constant 0 : i32
    %c0_i32_1 = arith.constant 0 : i32
    return %c0_i32, %c0_i32_0 : i32, i32
  }
  func.func @transform_2(%arg0: i32) -> (i32, i32) {
    %c0_i32 = arith.constant 0 : i32
    %c0_i32_0 = arith.constant 0 : i32
    return %arg0, %c0_i32 : i32, i32
  }
}

module attributes {stable_mosaic.version = 14 : i64} {
  func.func @_bn_relu_body(%arg0: memref<2x2x10240x64xf32, #tpu.memory_space<vmem>>, %arg1: memref<1x128xf32, #tpu.memory_space<vmem>>, %arg2: memref<1x128xf32, #tpu.memory_space<vmem>>, %arg3: memref<1x128xf32, #tpu.memory_space<vmem>>, %arg4: memref<10000x128xf32, #tpu.memory_space<vmem>>) attributes {dimension_semantics = [], scalar_prefetch = 0 : i64, scratch_operands = 0 : i64, tpu.core_type = #tpu.core_type<tc>} {
    %get3A = arith.constant 0 : index
    %get3A_0 = arith.constant 0 : index
    %get3A_1 = arith.constant 0 : index
    %get3A_2 = arith.constant 0 : index
    %get3A_3 = vector.load %arg0[%get3A, %get3A_0, %get3A_1, %get3A_2] : memref<2x2x10240x64xf32, #tpu.memory_space<vmem>>, vector<1x1x10240x64xf32>
    %get3A_4 = vector.shape_cast %get3A_3 : vector<1x1x10240x64xf32> to vector<10240x64xf32>
    %get3A_5 = arith.constant 1 : index
    %get3A_6 = arith.constant 0 : index
    %get3A_7 = arith.constant 0 : index
    %get3A_8 = arith.constant 0 : index
    %get3A_9 = vector.load %arg0[%get3A_5, %get3A_6, %get3A_7, %get3A_8] : memref<2x2x10240x64xf32, #tpu.memory_space<vmem>>, vector<1x1x10240x64xf32>
    %get3A_10 = vector.shape_cast %get3A_9 : vector<1x1x10240x64xf32> to vector<10240x64xf32>
    %add3A = arith.addf %get3A_4, %get3A_10 : vector<10240x64xf32>
    %get3A_11 = arith.constant 0 : index
    %get3A_12 = arith.constant 1 : index
    %get3A_13 = arith.constant 0 : index
    %get3A_14 = arith.constant 0 : index
    %get3A_15 = vector.load %arg0[%get3A_11, %get3A_12, %get3A_13, %get3A_14] : memref<2x2x10240x64xf32, #tpu.memory_space<vmem>>, vector<1x1x10240x64xf32>
    %get3A_16 = vector.shape_cast %get3A_15 : vector<1x1x10240x64xf32> to vector<10240x64xf32>
    %get3A_17 = arith.constant 1 : index
    %get3A_18 = arith.constant 1 : index
    %get3A_19 = arith.constant 0 : index
    %get3A_20 = arith.constant 0 : index
    %get3A_21 = vector.load %arg0[%get3A_17, %get3A_18, %get3A_19, %get3A_20] : memref<2x2x10240x64xf32, #tpu.memory_space<vmem>>, vector<1x1x10240x64xf32>
    %get3A_22 = vector.shape_cast %get3A_21 : vector<1x1x10240x64xf32> to vector<10240x64xf32>
    %add3A_23 = arith.addf %get3A_16, %get3A_22 : vector<10240x64xf32>
    %concatenate3A = tpu.concatenate %add3A, %add3A_23 in 1 : vector<10240x64xf32>, vector<10240x64xf32> -> vector<10240x128xf32>
    %slice3A = vector.extract_strided_slice %concatenate3A {offsets = [0, 0], sizes = [10000, 128], strides = [1, 1]} : vector<10240x128xf32> to vector<10000x128xf32>
    %get3A_24 = arith.constant 0 : index
    %get3A_25 = arith.constant 0 : index
    %get3A_26 = vector.load %arg1[%get3A_24, %get3A_25] : memref<1x128xf32, #tpu.memory_space<vmem>>, vector<1x128xf32>
    %add3A_27 = vector.broadcast %get3A_26 : vector<1x128xf32> to vector<10000x128xf32>
    %add3A_28 = arith.addf %slice3A, %add3A_27 : vector<10000x128xf32>
    %reduce_sum3A = arith.constant dense<0.000000e+00> : vector<128xf32>
    %reduce_sum3A_29 = vector.multi_reduction <add>, %add3A_28, %reduce_sum3A [0] : vector<10000x128xf32> to vector<128xf32>
    %broadcast_in_dim3A = vector.shape_cast %reduce_sum3A_29 : vector<128xf32> to vector<1x128xf32>
    %mul3A = arith.constant 9.99999974E-5 : f32
    %mul3A_30 = vector.broadcast %mul3A : f32 to vector<1x128xf32>
    %mul3A_31 = arith.mulf %broadcast_in_dim3A, %mul3A_30 : vector<1x128xf32>
    %sub3A = vector.broadcast %mul3A_31 : vector<1x128xf32> to vector<10000x128xf32>
    %sub3A_32 = arith.subf %add3A_28, %sub3A : vector<10000x128xf32>
    %mul3A_33 = arith.mulf %sub3A_32, %sub3A_32 : vector<10000x128xf32>
    %reduce_sum3A_34 = arith.constant dense<0.000000e+00> : vector<128xf32>
    %reduce_sum3A_35 = vector.multi_reduction <add>, %mul3A_33, %reduce_sum3A_34 [0] : vector<10000x128xf32> to vector<128xf32>
    %broadcast_in_dim3A_36 = vector.shape_cast %reduce_sum3A_35 : vector<128xf32> to vector<1x128xf32>
    %mul3A_37 = arith.constant 9.99999974E-5 : f32
    %mul3A_38 = vector.broadcast %mul3A_37 : f32 to vector<1x128xf32>
    %mul3A_39 = arith.mulf %broadcast_in_dim3A_36, %mul3A_38 : vector<1x128xf32>
    %add3A_40 = arith.constant 9.99999974E-6 : f32
    %add3A_41 = vector.broadcast %add3A_40 : f32 to vector<1x128xf32>
    %add3A_42 = arith.addf %mul3A_39, %add3A_41 : vector<1x128xf32>
    %rsqrt3A = math.rsqrt %add3A_42 : vector<1x128xf32>
    %mul3A_43 = vector.broadcast %rsqrt3A : vector<1x128xf32> to vector<10000x128xf32>
    %mul3A_44 = arith.mulf %sub3A_32, %mul3A_43 : vector<10000x128xf32>
    %get3A_45 = arith.constant 0 : index
    %get3A_46 = arith.constant 0 : index
    %get3A_47 = vector.load %arg2[%get3A_45, %get3A_46] : memref<1x128xf32, #tpu.memory_space<vmem>>, vector<1x128xf32>
    %mul3A_48 = vector.broadcast %get3A_47 : vector<1x128xf32> to vector<10000x128xf32>
    %mul3A_49 = arith.mulf %mul3A_44, %mul3A_48 : vector<10000x128xf32>
    %get3A_50 = arith.constant 0 : index
    %get3A_51 = arith.constant 0 : index
    %get3A_52 = vector.load %arg3[%get3A_50, %get3A_51] : memref<1x128xf32, #tpu.memory_space<vmem>>, vector<1x128xf32>
    %add3A_53 = vector.broadcast %get3A_52 : vector<1x128xf32> to vector<10000x128xf32>
    %add3A_54 = arith.addf %mul3A_49, %add3A_53 : vector<10000x128xf32>
    %max3A = arith.constant 0.000000e+00 : f32
    %max3A_55 = vector.broadcast %max3A : f32 to vector<10000x128xf32>
    %max3A_56 = arith.maximumf %add3A_54, %max3A_55 : vector<10000x128xf32>
    %swap3A = arith.constant 0 : index
    %swap3A_57 = arith.constant 0 : index
    %swap3A_58 = vector.load %arg4[%swap3A, %swap3A_57] : memref<10000x128xf32, #tpu.memory_space<vmem>>, vector<10000x128xf32>
    tpu.vector_store %arg4[%swap3A, %swap3A_57], %max3A_56 {strides = array<i32>} : memref<10000x128xf32, #tpu.memory_space<vmem>>, vector<10000x128xf32>,
    return
  }
}

</mosaic_0001>

<sc_bundles>
// kernel: kernel.5.cloned.1.call-start
scs
__scs_entry_jumppad:
0x0: {  	(pc) =	sbr.rel $0x88, $3  }
0x1: {  	(tag) =	ssettag $0x0;
	lr =	simm.s32 $0x1  }
0x2: {  	[smem:$0x3F9A] =	sst lr;
	_ =	strace $0xD0000000  }
0x3: {  	_ = 	snop  }
0x4: {  	_ = 	snop  }
0x5: {  	_ = 	snop  }
0x6: {  	_ = 	snop  }
0x7: {  	_ = 	snop  }
__scs_overlays_trampoline_lowered:
0x8: {  	[smem:$0x3FA9] =	sst s0  }
0x9: {  	[smem:$0x3FAA] =	sst s1  }
0xa: {  	[smem:$0x3FAB] =	sst s2  }
0xb: {  	[smem:$0x3FAC] =	sst s3  }
0xc: {  	[smem:$0x3FAD] =	sst s4  }
0xd: {  	[smem:$0x3FAE] =	sst s5  }
0xe: {  	[smem:$0x3FAF] =	sst s6  }
0xf: {  	[smem:$0x3FB0] =	sst s7  }
0x10: {  	[smem:$0x3FB1] =	sst s8  }
0x11: {  	[smem:$0x3FB2] =	sst s9;
	s0 =	simm.s32 @!p0 $0x0  }
0x12: {  	s1 =	sld [smem:$0x3F98];
	s0 =	simm.s32 @p0 $0x1  }
0x13: {  	[smem:$0x3FB3] =	sst s0;
	s0 =	simm.s32 @!p1 $0x0  }
0x14: {  	s2 =	sld [smem:$0x3F97];
	s0 =	simm.s32 @p1 $0x1  }
0x15: {  	[smem:$0x3FB4] =	sst s0;
	s0 =	simm.s32 @!p2 $0x0  }
0x16: {  	s3 =	sld [smem:$0x3FDB];
	s0 =	simm.s32 @p2 $0x1  }
0x17: {  	s4 =	simm.s32 $0x1BF5;
	[smem:$0x3FB6] =	sst s0  }
0x18: {  	s0 =	sld [smem:$0x3F99];
	_ =	swait.ge [sflag:s4], $0x0  }
0x19: {  	s7 =	sld [smem:$0x3F9A]  }
0x1a: {  	s8 =	sadd.s32 $0xFFFFE003, lr  }
0x1b: {  	s9 =	sadd.s32 $0xFFFFFEF7, lr;
	s5 =	simm.s32 $0xFFFFFFFF;
	p2 =	slt.u32 s8, $0xFFFFF086  }
0x1c: {  	p1 =	slt.u32 s9, $0xF7A;
	s5 =	simm.s32 @!p2 $0x0  }
0x1d: {  	s5 =	simm.s32 @p1 $0x1;
	p0 =	seq.s32 s7, s2  }
0x1e: {  	s7 =	smul.u32 @!p0 $0xF7A, s2;
	p2 =	seq.s32 @!p0 s5, $0x0  }
0x1f: {  	s9 =	smul.u32 $0xF7A, s1;
	s8 =	simm.s32 @!p0 $0x1BF5;
	p2 =	por !p2, p0  }
0x20: {  	[sflag:s8] =	ssyncset.s32 @!p0 $0xFFFFF086;
	s6 =	sadd.s32 @!p0 s3, s7;
	s7 =	simm.s32 @!p0 $0x108  }
0x21: {  	s3 =	sadd.s32 s3, s9;
	s6 =	sadd.s32 @!p0 $0x88, s6;
	s7 =	simm.s32 @p2 $0x1082  }
0x22: {  	[simem:s7], [sflag:s8] =	dma.local @!p0 [hbm:s6], $0xF7A  }
0x23: {  	s9 =	sor.u32 $0xD0000000, s2;
	s6 =	simm.s32 $0x108;
	_ =	swait.ge @!p0 [sflag:s8], $0x0  }
0x24: {  	s3 =	sadd.s32 $0x88, s3;
	s6 =	simm.s32 @!p1 $0x1082;
	[sflag:s4] =	ssyncset.s32 $0xFFFFF086  }
0x25: {  	[simem:s6], [sflag:s4] =	dma.local [hbm:s3], $0xF7A  }
0x26: {  	[smem:$0x3F9A] =	sst s1;
	(tag) =	ssettag s2;
	_ =	strace s9  }
0x27: {  	s1 =	sld [smem:$0x3FAA]  }
0x28: {  	s2 =	sld [smem:$0x3FAB]  }
0x29: {  	s4 =	sld [smem:$0x3FAD]  }
0x2a: {  	p0 =	seq.s32 s5, $0x0;
	s5 =	sld [smem:$0x3FAE]  }
0x2b: {  	s6 =	sld [smem:$0x3FAF]  }
0x2c: {  	s7 =	sld [smem:$0x3FB0]  }
0x2d: {  	s3 =	simm.s32 $0x108;
	s8 =	sld [smem:$0x3FB1]  }
0x2e: {  	s3 =	simm.s32 @!p0 $0x1082;
	s9 =	sld [smem:$0x3FB2]  }
0x2f: {  	lr =	sadd.s32 s0, s3;
	s0 =	sld [smem:$0x3FA9]  }
0x30: {  	s3 =	sld [smem:$0x3FAC]  }
0x31: {  	[smem:$0x3FB5] =	sst s10  }
0x32: {  	s10 =	sld [smem:$0x3FB3];
	_ =	sdelay $0x3  }
0x33: {  	p0 =	seq.s32 s10, $0x1;
	s10 =	sld [smem:$0x3FB5];
	_ =	sdelay $0x3  }
0x34: {  	[smem:$0x3FB5] =	sst s10  }
0x35: {  	s10 =	sld [smem:$0x3FB4];
	_ =	sdelay $0x3  }
0x36: {  	p1 =	seq.s32 s10, $0x1;
	s10 =	sld [smem:$0x3FB5];
	_ =	sdelay $0x3  }
0x37: {  	[smem:$0x3FB5] =	sst s10  }
0x38: {  	s10 =	sld [smem:$0x3FB6]  }
0x39: {  	_ = 	snop;
	(pc) =	sbr.ind lr, $3  }
0x3a: {  	_ = 	snop  }
0x3b: {  	_ = 	snop  }
0x3c: {  	p2 =	seq.s32 s10, $0x1;
	s10 =	sld [smem:$0x3FB5]  }
0x3d: {  	_ =	shalt  }
0x3e: {  	_ =	shalt  }
0x3f: {  	_ =	shalt  }
0x40: {  	_ =	shalt  }
0x41: {  	_ =	shalt  }
0x42: {  	_ =	shalt  }
0x43: {  	_ =	shalt  }
0x44: {  	_ =	shalt  }
0x45: {  	_ =	shalt  }
0x46: {  	_ =	shalt  }
0x47: {  	_ =	shalt  }
0x48: {  	_ =	shalt  }
0x49: {  	_ =	shalt  }
0x4a: {  	_ =	shalt  }
0x4b: {  	_ =	shalt  }
0x4c: {  	_ =	shalt  }
0x4d: {  	_ =	shalt  }
0x4e: {  	_ =	shalt  }
0x4f: {  	_ =	shalt  }
0x50: {  	_ =	shalt  }
0x51: {  	_ =	shalt  }
0x52: {  	_ =	shalt  }
0x53: {  	_ =	shalt  }
0x54: {  	_ =	shalt  }
0x55: {  	_ =	shalt  }
0x56: {  	_ =	shalt  }
0x57: {  	_ =	shalt  }
0x58: {  	_ =	shalt  }
0x59: {  	_ =	shalt  }
0x5a: {  	_ =	shalt  }
0x5b: {  	_ =	shalt  }
0x5c: {  	_ =	shalt  }
0x5d: {  	_ =	shalt  }
0x5e: {  	_ =	shalt  }
0x5f: {  	_ =	shalt  }
0x60: {  	_ =	shalt  }
0x61: {  	_ =	shalt  }
0x62: {  	_ =	shalt  }
0x63: {  	_ =	shalt  }
0x64: {  	_ =	shalt  }
0x65: {  	_ =	shalt  }
0x66: {  	_ =	shalt  }
0x67: {  	_ =	shalt  }
0x68: {  	_ =	shalt  }
0x69: {  	_ =	shalt  }
0x6a: {  	_ =	shalt  }
0x6b: {  	_ =	shalt  }
0x6c: {  	_ =	shalt  }
0x6d: {  	_ =	shalt  }
0x6e: {  	_ =	shalt  }
0x6f: {  	_ =	shalt  }
0x70: {  	_ =	shalt  }
0x71: {  	_ =	shalt  }
0x72: {  	_ =	shalt  }
0x73: {  	_ =	shalt  }
0x74: {  	_ =	shalt  }
0x75: {  	_ =	shalt  }
0x76: {  	_ =	shalt  }
0x77: {  	_ =	shalt  }
0x78: {  	_ =	shalt  }
0x79: {  	_ =	shalt  }
0x7a: {  	_ =	shalt  }
0x7b: {  	_ =	shalt  }
0x7c: {  	_ =	shalt  }
0x7d: {  	_ =	shalt  }
0x7e: {  	_ =	shalt  }
0x7f: {  	_ =	shalt  }
0x80: {  	_ =	shalt  }
0x81: {  	_ =	shalt  }
0x82: {  	_ =	shalt  }
0x83: {  	_ =	shalt  }
0x84: {  	_ =	shalt  }
0x85: {  	_ =	shalt  }
0x86: {  	_ =	shalt  }
0x87: {  	_ =	shalt  }
.Lfunc_end0:
.L_simem_size_0:
called_computation_lowered:
.L_overlay_start_0:
0x88: {  	s2 =	sld [smem:$0x3FD9]  }
0x89: {  	s3 =	sld [smem:$0x3FFE];
	_ =	sdelay $0x1  }
0x8a: {  	s1 =	srdreg.scid  }
0x8b: {  	s0 =	sand.u32 $0x1, s1  }
0x8c: {  	s17 =	sshll.u32 s0, $0xA;
	s2 =	sadd.s32 s3, s2  }
0x8d: {  	s2 =	sadd.s32 s2, s17  }
0x8e: {  	[smem:$0x3FC1] =	sst s2  }
0x8f: {  	_ = 	snop  }
0x90: {  	s2 =	sld [smem:$0x3FD0];
	(tm) =	ssettm $0x1  }
0x91: {  	s18 =	sld [smem:$0x3FFB];
	_ =	sdelay $0x3  }
0x92: {  	_ =	strace s18  }
0x93: {  	s3 =	sld [smem:$0x3FFC];
	_ =	sdelay $0x3  }
0x94: {  	_ =	strace s3  }
0x95: {  	s3 =	sld [smem:$0x3FFD];
	_ =	sdelay $0x3  }
0x96: {  	_ =	strace s3  }
0x97: {  	_ =	strace $0x8FFFFFFF  }
0x98: {  	s19 =	sld [smem:$0x3FDB];
	_ =	sdelay $0x1  }
0x99: {  	s4 =	simm.s32 $_scs_section_size  }
0x9a: {  	s5 =	simm.s32 $_size__tile_overlayer_lowered;
	s6 =	simm.s32 $_tile_overlayer_lowered  }
0x9b: {  	s22 =	simm.s32 $0x1BFF;
	s21 =	sshll.u32 s6, $0x1;
	s3 =	sadd.s32 s4, s19  }
0x9c: {  	s7 =	simm.s32 $0x0;
	s20 =	sshll.u32 s5, $0x1;
	s5 =	sadd.s32 s21, s3  }
0x9d: {  	[timem:s7], [sflag:s22] =	dma.local [hbm:s5], s20  }
0x9e: {  	_ =	swait.ge [sflag:s22], s20  }
0x9f: {  	s4 =	ssub.s32 $0x0, s20;
	[sflag:s22] =	ssyncset.done $0x0  }
0xa0: {  	[sflag:s22] =	ssyncadd.s32 s4;
	_ =	sdelay $0x1  }
0xa1: {  	s23 =	simm.s32 $0x1B8B  }
0xa2: {  	_ =	swait.ge [sflag:s23], $0x1  }
0xa3: {  	[sflag:s23] =	ssyncset.done $0x0  }
0xa4: {  	s25 =	simm.s32 $0x1B8E;
	s24 =	sld [smem:$0x3FFE];
	[sflag:s23] =	ssyncadd.s32 $0xFFFFFFFF  }
0xa5: {  	s26 =	simm.s32 $execute0_lowered;
	[smem:$0x3FD2] =	sst s25  }
0xa6: {  	s5 =	sshll.u32 s26, $0x1;
	_ =	strace $0x80000046;
	[dreg:$0x1] =	wrdreg $0xFFFFFFFF  }
0xa7: {  	s28 =	simm.s32 $_size_execute0_lowered;
	s3 =	sadd.s32 s3, s5;
	[dreg:$0x0] =	wrdreg $0x0  }
0xa8: {  	s5 =	sshll.u32 s28, $0x1;
	[dreg:$0x2] =	wrdreg s3  }
0xa9: {  	[dreg:$0x3] =	wrdreg s5  }
0xaa: {  	[dreg:$0x4] =	wrdreg $0xC0  }
0xab: {  	_ =	task [dreg:s7], $0x5FFFF  }
0xac: {  	[dreg:$0x1] =	wrdreg $0xFFFFFFFF  }
0xad: {  	[dreg:$0x0] =	wrdreg $0x60  }
0xae: {  	[dreg:$0x2] =	wrdreg s2  }
0xaf: {  	[dreg:$0x3] =	wrdreg s24  }
0xb0: {  	[dreg:$0x4] =	wrdreg $0x101000  }
0xb1: {  	[dreg:$0x5] =	wrdreg $0x129000  }
0xb2: {  	[dreg:$0x6] =	wrdreg $0x12B800  }
0xb3: {  	[dreg:$0x7] =	wrdreg $0x9  }
0xb4: {  	_ =	task.clear_ibuf [dreg:s7], $0x8FFFF;
	_ =	strace $0x90000046  }
0xb5: {  	s29 =	simm.s32 $0x9;
	_ =	strace $0x80000048  }
0xb6: {  	_ =	swait.ge [sflag:s29], $0x1  }
0xb7: {  	[sflag:s29] =	ssyncadd.s32 $0xFFFFFFFF  }
0xb8: {  	_ =	strace $0x90000048  }
0xb9: {  	_ =	sfence  }
0xba: {  	s30 =	sld [smem:$0x0];
	_ =	sdelay $0x2  }
0xbb: {  	s31 =	sshll.u32 s1, $0xD;
	s1 =	sshrl.u32 s1, $0x2  }
0xbc: {  	s3 =	sand.u32 $0x4000, s31;
	s1 =	sadd.s32 s1, s30  }
0xbd: {  	s0 =	sor.u32 s3, s0;
	s1 =	sshll.u32 s1, $0x11  }
0xbe: {  	s0 =	sor.u32 s1, s0  }
0xbf: {  	s0 =	sadd.s32 $0x8F2B, s0  }
0xc0: {  	[sflag:s0] =	ssyncadd.remote.s32 $0x1  }
0xc1: {  	_ =	sfence.sel $0xFFFF  }
0xc2: {  	[dreg:$0x0] =	wrdreg $0xFFFFFFFF;
	(pc) =	sbr.abs _section_cstart, $3  }
0xc3: {  	[dreg:$0x1] =	wrdreg $0xFFFFFFFF  }
0xc4: {  	_ =	task.clear_ibuf [dreg:s7], $0x2FFFF;
	_ =	strace $0x9FFFFFFF  }
0xc5: {  	(tm) =	ssettm $0x7FFFFFFF  }
tec
execute0_lowered:
.L_overlay_start_1:
0x0: {  	(tag) =	ssettag $0x1  }
0x1: {  	s0 =	rddreg [dreg:$0x0]  }
0x2: {  	s1 =	rddreg [dreg:$0x1];
	s13 =	stileid.u32  }
0x3: {  	s2 =	srdreg.scid;
	s4 =	smul.u32 $0xA000, s13  }
0x4: {  	s5 =	rddreg [dreg:$0x2];
	s31 =	simm.s32 $0x3800;
	s6 =	smul.u32 $0xA00, s13  }
0x5: {  	s29 =	simm.s32 $0x80;
	s28 =	simm.s32 $0x1;
	s8 =	smul.u32 $0x5000, s13  }
0x6: {  	s2 =	sand.u32 $0x1, s2;
	s7 =	sadd.s32 $0x1000, s1;
	s20 =	smul.u32 $0x30, s13  }
0x7: {  	s9 =	sadd.s32 $0xB400, s1;
	s12 =	smul.u32 $0x70, s13;
	s3 =	ssub.s32 $0x2, s2  }
0x8: {  	s10 =	smul.u32 $0x140000, s2;
	p1 =	seq.s32 s2, $0x0;
	s15 =	sadd.s32 s0, s6  }
0x9: {  	s8 =	sshrl.u32 s8, $0x3;
	s16 =	sadd.s32 s7, s6;
	[dreg:$0x6] =	wrdreg s15  }
0xa: {  	s6 =	sadd.s32 s9, s6;
	[dreg:$0x7] =	wrdreg s16;
	s17 =	sadd.s32 $0x280, s8  }
0xb: {  	p0 =	sne.s32 s2, $0x0;
	[dreg:$0x8] =	wrdreg s6;
	s18 =	sadd.s32 s0, s17  }
0xc: {  	s11 =	sshrl.u32 s3, $0x1;
	s19 =	sadd.s32 s7, s17;
	[dreg:$0x9] =	wrdreg s18  }
0xd: {  	s21 =	sadd.s32 $0x500, s8;
	s6 =	sadd.s32 s9, s17;
	[dreg:$0xa] =	wrdreg s19  }
0xe: {  	s3 =	ssub.s32 s3, s11;
	s14 =	sadd.s32 s0, s21;
	[dreg:$0xb] =	wrdreg s6  }
0xf: {  	s8 =	sadd.s32 $0x780, s8;
	s22 =	sadd.s32 s7, s21;
	[dreg:$0xc] =	wrdreg s14  }
0x10: {  	s11 =	sadd.s32 $0x700, s20;
	s23 =	sadd.s32 s0, s8;
	[dreg:$0xd] =	wrdreg s22  }
0x11: {  	s10 =	sadd.s32 s4, s10;
	s25 =	sadd.s32 s7, s8;
	[dreg:$0xf] =	wrdreg s23  }
0x12: {  	s11 =	smov.u32 @p1 s12;
	s8 =	sadd.s32 s9, s8;
	[dreg:$0x10] =	wrdreg s25  }
0x13: {  	s3 =	smax.u32 s3, $0x1;
	s6 =	sadd.s32 s9, s21;
	[dreg:$0x11] =	wrdreg s8  }
0x14: {  	s24 =	sshll.u32 s11, $0x4;
	s14 =	simm.s32 $0x0;
	s22 =	rddreg [dreg:$0x4]  }
0x15: {  	s23 =	smul.u32 $0x280, s13;
	s11 =	sshrl.u32 s4, $0x2;
	s25 =	sadd.s32 $0x15800, s1  }
0x16: {  	s13 =	sshrl.u32 s4, $0x3;
	[dreg:$0xe] =	wrdreg s6;
	s8 =	sadd.s32 s0, s24  }
0x17: {  	s26 =	sadd.s32 s9, s24;
	s6 =	sadd.s32 $0x380, s24;
	[smem:$0x7FF] =	sst s14  }
0x18: {  	s18 =	sadd.s32 s7, s24;
	[dreg:$0x12] =	wrdreg s26;
	s0 =	sadd.s32 s0, s6  }
0x19: {  	s12 =	sadd.s32 s11, s5;
	s7 =	sadd.s32 s7, s6;
	[dreg:$0x13] =	wrdreg s0  }
0x1a: {  	s11 =	sadd.s32 s25, s13;
	s9 =	sadd.s32 s9, s6;
	[dreg:$0x14] =	wrdreg s7  }
0x1b: {  	s24 =	sadd.s32 s4, s22;
	s26 =	sadd.s32 $0x80, s23;
	[dreg:$0x15] =	wrdreg s9  }
0x1c: {  	s21 =	sadd.s32 $0x100, s23;
	s19 =	sadd.s32 $0x180, s23;
	s9 =	rddreg [dreg:$0x3]  }
0x1d: {  	s0 =	sshrl.u32 s10, $0x3;
	_ =	strace $0x80000047;
	[dreg:$0x16] =	wrdreg s12  }
0x1e: {  	s10 =	sadd.s32 s23, s5;
	s15 =	sshll.u32 s26, $0x3;
	[smem:$0x7EC] =	sst s3  }
0x1f: {  	s16 =	sshll.u32 s21, $0x3;
	s17 =	sshll.u32 s19, $0x3;
	[dreg:$0x17] =	wrdreg s10  }
0x20: {  	s7 =	sadd.s32 s0, s1;
	s0 =	sadd.s32 s25, s15;
	[dreg:$0x18] =	wrdreg s11  }
0x21: {  	s13 =	sshll.u32 s19, $0x6;
	s4 =	sadd.s32 s25, s16;
	[dreg:$0x19] =	wrdreg s0  }
0x22: {  	s6 =	sshll.u32 s26, $0x6;
	s15 =	sadd.s32 s13, s22;
	[dreg:$0x1a] =	wrdreg s4  }
0x23: {  	s30 =	sadd.s32 s6, s22;
	s4 =	sadd.s32 s25, s17;
	[dreg:$0x1f] =	wrdreg s15  }
0x24: {  	s0 =	sadd.s32 $0x200, s23;
	s15 =	sadd.s32 $0x3D800, s7;
	[dreg:$0x1b] =	wrdreg s4  }
0x25: {  	s20 =	sshll.u32 s0, $0x3;
	[smem:$0x7EA] =	sst s15;
	s15 =	sadd.s32 $0x11800, s10  }
0x26: {  	s16 =	sshll.u32 s0, $0x6;
	s5 =	sadd.s32 s25, s20;
	[smem:$0x7F3] =	sst s15  }
0x27: {  	s4 =	sshrl.u32 s6, $0x3;
	s17 =	sadd.s32 s16, s22;
	[dreg:$0x1c] =	wrdreg s5  }
0x28: {  	s6 =	sshrl.u32 s16, $0x3;
	s16 =	sadd.s32 $0x51800, s7;
	[smem:$0x7E6] =	sst s17  }
0x29: {  	s2 =	simm.s32 $0x70;
	s7 =	sadd.s32 $0xC800, s10;
	[smem:$0x7EB] =	sst s16  }
0x2a: {  	s4 =	sadd.s32 s25, s4;
	s15 =	sadd.s32 $0x25800, s10;
	[smem:$0x7F1] =	sst s7  }
0x2b: {  	s12 =	sshll.u32 s21, $0x6;
	s4 =	sadd.s32 $0x14000, s4;
	[smem:$0x7FB] =	sst s15  }
0x2c: {  	s5 =	sshrl.u32 s12, $0x3;
	s17 =	sadd.s32 $0x2800, s10;
	[dreg:$0x1e] =	wrdreg s4  }
0x2d: {  	s16 =	sadd.s32 $0x14000, s10;
	s7 =	sadd.s32 $0x20800, s10;
	[smem:$0x7ED] =	sst s17  }
0x2e: {  	s4 =	sadd.s32 s25, s5;
	s5 =	sshrl.u32 s13, $0x3;
	[smem:$0x7F4] =	sst s16  }
0x2f: {  	s13 =	sadd.s32 s25, s6;
	s6 =	sadd.s32 $0xA000, s10;
	[smem:$0x7F9] =	sst s7  }
0x30: {  	s2 =	simm.s32 @!p1 $0x30;
	s17 =	sadd.s32 $0x16800, s10;
	[smem:$0x7F0] =	sst s6  }
0x31: {  	s3 =	simm.s32 $0x5400;
	s16 =	sadd.s32 s23, s9;
	[smem:$0x7F5] =	sst s17  }
0x32: {  	s20 =	sadd.s32 s12, s22;
	s4 =	sadd.s32 $0x14000, s4;
	[smem:$0x7FC] =	sst s16  }
0x33: {  	s9 =	simm.s32 $0x7C00;
	s6 =	sadd.s32 $0x1E000, s10;
	[smem:$0x7E7] =	sst s4  }
0x34: {  	s5 =	sadd.s32 s25, s5;
	s17 =	sadd.s32 $0x14000, s11;
	[smem:$0x7F8] =	sst s6  }
0x35: {  	s11 =	simm.s32 $0x2;
	s12 =	sadd.s32 $0x14000, s5;
	[smem:$0x7FD] =	sst s17  }
0x36: {  	s4 =	sadd.s32 $0x14000, s13;
	s5 =	sadd.s32 $0x7800, s10;
	[smem:$0x7E8] =	sst s12  }
0x37: {  	s13 =	sadd.s32 $0xF000, s10;
	s6 =	simm.s32 $0x1C00;
	[smem:$0x7E9] =	sst s4  }
0x38: {  	s17 =	simm.s32 $0xFC00;
	s12 =	sadd.s32 $0x29800, s1;
	[smem:$0x7EF] =	sst s5  }
.Ltmp0:
0x39: {  	s4 =	sadd.s32 $0x5000, s10;
	[smem:$0x7F2] =	sst s13;
	(pc) =	sbr.rel .LBB2_1-.Ltmp0, $4  }
0x3a: {  	s1 =	smin.u32 s2, $0x38;
	s5 =	sadd.s32 $0x1B800, s10;
	[smem:$0x7EE] =	sst s4  }
0x3b: {  	s2 =	smax.u32 s2, $0x39;
	s13 =	sadd.s32 $0x23000, s10;
	[smem:$0x7F7] =	sst s5  }
0x3c: {  	s2 =	sadd.s32 $0xFFFFFFC8, s2;
	s4 =	sadd.s32 $0x19000, s10;
	[smem:$0x7FA] =	sst s13  }
0x3d: {  	v0 =	vimm.f32 $0.0e+00;
	s10 =	simm.s32 $0xDC00;
	s13 =	simm.s32 $0xA400;
	[smem:$0x7F6] =	sst s4  }
.LBB2_81:
0x3e: {  	[bflag:$0x0] =	sbarrier.arrive $0xFFFF  }
0x3f: {  	s4 =	sld [smem:$0x7EB];
	_ =	sdelay $0x2  }
0x40: {  	[hbm:s4], [sflag:s14] =	dma.local [spmem:s15], $0x1400  }
0x41: {  	_ =	swait.ge [sflag:s11], $0x1400  }
0x42: {  	s18 =	sld [smem:$0x7EC]  }
0x43: {  	s17 =	rddreg [dreg:$0x1d]  }
0x44: {  	s14 =	sadd.s32 $0x1, s17  }
0x45: {  	p1 =	sne.s32 s14, s18  }
.Ltmp1:
0x46: {  	_ = 	snop;
	(pc) =	sbr.rel @!p1 .LBB2_82-.Ltmp1, $4  }
0x47: {  	s8 =	smov.u32 s30  }
0x48: {  	s30 =	smov.u32 s20;
	s20 =	smov.u32 s6;
	[sflag:s11] =	ssyncset.done $0x0  }
0x49: {  	s6 =	simm.s32 $0x1C00;
	[sflag:s11] =	ssyncadd.s32 $0xFFFFEC00;
	s17 =	simm.s32 $0xFC00  }
0x4a: {  	s18 =	smov.u32 s24;
	s24 =	smov.u32 s31;
	s31 =	simm.s32 $0x3800  }
.LBB2_1:
0x4b: {  	[dreg:$0x1d] =	wrdreg s14;
	s4 =	simm.s32 $0x40;
	s5 =	simm.s32 $0x0  }
.LBB2_2:
0x4c: {  	p1 =	sne.s32 s4, $0x9FC0;
	[tilespmem:s5+$0x5400] =	vst v0;
	s5 =	smov.u32 s4;
	s4 =	sadd.s32 $0x40, s4  }
.Ltmp2:
0x4d: {  	(pc) =	sbr.rel @p1 .LBB2_2-.Ltmp2, $2  }
0x4e: {  	_ =	sdelay $0x2  }
0x4f: {  	s5 =	sshra.s32 s5, $0x2  }
0x50: {  	[tilespmem:s5+$0x5400] =	vst v0;
	s4 =	simm.s32 $0x0;
	s7 =	rddreg [dreg:$0x6]  }
0x51: {  	[tilespmem:s4], [sflag:$0x2] =	stream.linear.gather [hbm4b:s7+s4], $0x1400, $0x38;
	[tilespmem:$0x1CB80] =	vst v63  }
0x52: {  	_ =	swait.ge [sflag:s11], $0x1400  }
0x53: {  	[sflag:s11] =	ssyncset.done $0x0  }
0x54: {  	s14 =	rddreg [dreg:$0x7];
	[sflag:s11] =	ssyncadd.s32 $0xFFFFEC00  }
0x55: {  	[tilespmem:s6], [sflag:$0x2] =	stream.linear.gather [hbm4b:s14+s4], $0x1400, $0x38;
	[tilespmem:$0x1CB80] =	vst v63  }
0x56: {  	_ =	swait.ge [sflag:s11], $0x1400  }
0x57: {  	[sflag:s11] =	ssyncset.done $0x0  }
0x58: {  	s15 =	rddreg [dreg:$0x8];
	[sflag:s11] =	ssyncadd.s32 $0xFFFFEC00  }
0x59: {  	[tilespmem:s31], [sflag:$0x2] =	stream.linear.gather [hbm4b:s15+s4], $0x1400, $0x38;
	[tilespmem:$0x1CB80] =	vst v63  }
0x5a: {  	_ =	swait.ge [sflag:s11], $0x1400  }
0x5b: {  	[sflag:s11] =	ssyncset.done $0x0  }
0x5c: {  	s16 =	simm.s32 $0x0;
	[sflag:s11] =	ssyncadd.s32 $0xFFFFEC00  }
0x5d: {  	v1 =	vld [tilespmem:s16+$0x1C00]  }
0x5e: {  	v2 =	vld [tilespmem:s16+$0x0]  }
0x5f: {  	v3 =	vld [tilespmem:s16+$0x3800];
	_ =	sdelay $0x3  }
0x60: {  	vm0 =	veq.s32 v2, v1  }
0x61: {  	v2 =	vsel vm0, $0x0, v3  }
0x62: {  	[tilespmem:v1+s3+$0x0] =	vst.idx.add.f32.msk $0xffff, v2  }
0x63: {  	v1 =	vld [tilespmem:s16+$0x1C10]  }
0x64: {  	v2 =	vld [tilespmem:s16+$0x10]  }
0x65: {  	v3 =	vld [tilespmem:s16+$0x3810];
	_ =	sdelay $0x3  }
0x66: {  	vm9 =	veq.s32 v2, v1  }
0x67: {  	v2 =	vsel vm9, $0x0, v3  }
0x68: {  	[tilespmem:v1+s3+$0x0] =	vst.idx.add.f32.msk $0xffff, v2  }
0x69: {  	v1 =	vld [tilespmem:s16+$0x1C20]  }
0x6a: {  	v2 =	vld [tilespmem:s16+$0x20]  }
0x6b: {  	v3 =	vld [tilespmem:s16+$0x3820];
	_ =	sdelay $0x3  }
0x6c: {  	vm10 =	veq.s32 v2, v1  }
0x6d: {  	v2 =	vsel vm10, $0x0, v3  }
0x6e: {  	[tilespmem:v1+s3+$0x0] =	vst.idx.add.f32.msk $0xffff, v2  }
0x6f: {  	v1 =	vld [tilespmem:s16+$0x1C30]  }
0x70: {  	v2 =	vld [tilespmem:s16+$0x30]  }
0x71: {  	v3 =	vld [tilespmem:s16+$0x3830];
	_ =	sdelay $0x3  }
0x72: {  	vm11 =	veq.s32 v2, v1  }
0x73: {  	v2 =	vsel vm11, $0x0, v3  }
0x74: {  	[tilespmem:v1+s3+$0x0] =	vst.idx.add.f32.msk $0xffff, v2  }
0x75: {  	v1 =	vld [tilespmem:s16+$0x1C40]  }
0x76: {  	v2 =	vld [tilespmem:s16+$0x40]  }
0x77: {  	v3 =	vld [tilespmem:s16+$0x3840];
	_ =	sdelay $0x3  }
0x78: {  	vm12 =	veq.s32 v2, v1  }
0x79: {  	v2 =	vsel vm12, $0x0, v3  }
0x7a: {  	[tilespmem:v1+s3+$0x0] =	vst.idx.add.f32.msk $0xffff, v2  }
0x7b: {  	v1 =	vld [tilespmem:s16+$0x1C50]  }
0x7c: {  	v2 =	vld [tilespmem:s16+$0x50]  }
0x7d: {  	v3 =	vld [tilespmem:s16+$0x3850];
	_ =	sdelay $0x3  }
0x7e: {  	vm13 =	veq.s32 v2, v1  }
0x7f: {  	v2 =	vsel vm13, $0x0, v3  }
0x80: {  	[tilespmem:v1+s3+$0x0] =	vst.idx.add.f32.msk $0xffff, v2  }
0x81: {  	v1 =	vld [tilespmem:s16+$0x1C60]  }
0x82: {  	v2 =	vld [tilespmem:s16+$0x60]  }
0x83: {  	v3 =	vld [tilespmem:s16+$0x3860];
	_ =	sdelay $0x3  }
0x84: {  	vm14 =	veq.s32 v2, v1  }
0x85: {  	v2 =	vsel vm14, $0x0, v3  }
0x86: {  	[tilespmem:v1+s3+$0x0] =	vst.idx.add.f32.msk $0xffff, v2  }
0x87: {  	v1 =	vld [tilespmem:s16+$0x1C70]  }
0x88: {  	v2 =	vld [tilespmem:s16+$0x70]  }
0x89: {  	v3 =	vld [tilespmem:s16+$0x3870];
	_ =	sdelay $0x3  }
0x8a: {  	vm15 =	veq.s32 v2, v1  }
0x8b: {  	s14 =	simm.s32 $0x200;
	s15 =	simm.s32 $0x400;
	v2 =	vsel vm15, $0x0, v3  }
.LBB2_4:
0x8c: {  	p1 =	sne.s32 s15, $0x4E00  }
0x8d: {  	s16 =	sshra.s32 s14, $0x2;
	[tilespmem:v1+s3+$0x0] =	vst.idx.add.f32.msk $0xffff, v2;
	s14 =	smov.u32 s15;
	s15 =	sadd.s32 $0x200, s15  }
0x8e: {  	v1 =	vld [tilespmem:s16+$0x1C00]  }
0x8f: {  	v2 =	vld [tilespmem:s16+$0x0]  }
0x90: {  	v3 =	vld [tilespmem:s16+$0x3800];
	_ =	sdelay $0x3  }
0x91: {  	vm0 =	veq.s32 v2, v1  }
0x92: {  	v2 =	vsel vm0, $0x0, v3  }
0x93: {  	[tilespmem:v1+s3+$0x0] =	vst.idx.add.f32.msk $0xffff, v2  }
0x94: {  	v1 =	vld [tilespmem:s16+$0x1C10]  }
0x95: {  	v2 =	vld [tilespmem:s16+$0x10]  }
0x96: {  	v3 =	vld [tilespmem:s16+$0x3810];
	_ =	sdelay $0x3  }
0x97: {  	vm0 =	veq.s32 v2, v1  }
0x98: {  	v2 =	vsel vm0, $0x0, v3  }
0x99: {  	[tilespmem:v1+s3+$0x0] =	vst.idx.add.f32.msk $0xffff, v2  }
0x9a: {  	v1 =	vld [tilespmem:s16+$0x1C20]  }
0x9b: {  	v2 =	vld [tilespmem:s16+$0x20]  }
0x9c: {  	v3 =	vld [tilespmem:s16+$0x3820];
	_ =	sdelay $0x3  }
0x9d: {  	vm0 =	veq.s32 v2, v1  }
0x9e: {  	v2 =	vsel vm0, $0x0, v3  }
0x9f: {  	[tilespmem:v1+s3+$0x0] =	vst.idx.add.f32.msk $0xffff, v2  }
0xa0: {  	v1 =	vld [tilespmem:s16+$0x1C30]  }
0xa1: {  	v2 =	vld [tilespmem:s16+$0x30]  }
0xa2: {  	v3 =	vld [tilespmem:s16+$0x3830];
	_ =	sdelay $0x3  }
0xa3: {  	vm0 =	veq.s32 v2, v1  }
0xa4: {  	v2 =	vsel vm0, $0x0, v3  }
0xa5: {  	[tilespmem:v1+s3+$0x0] =	vst.idx.add.f32.msk $0xffff, v2  }
0xa6: {  	v1 =	vld [tilespmem:s16+$0x1C40]  }
0xa7: {  	v2 =	vld [tilespmem:s16+$0x40]  }
0xa8: {  	v3 =	vld [tilespmem:s16+$0x3840];
	_ =	sdelay $0x3  }
0xa9: {  	vm0 =	veq.s32 v2, v1  }
0xaa: {  	v2 =	vsel vm0, $0x0, v3  }
0xab: {  	[tilespmem:v1+s3+$0x0] =	vst.idx.add.f32.msk $0xffff, v2  }
0xac: {  	v1 =	vld [tilespmem:s16+$0x1C50]  }
0xad: {  	v2 =	vld [tilespmem:s16+$0x50]  }
0xae: {  	v3 =	vld [tilespmem:s16+$0x3850];
	_ =	sdelay $0x3  }
0xaf: {  	vm0 =	veq.s32 v2, v1  }
0xb0: {  	v2 =	vsel vm0, $0x0, v3  }
0xb1: {  	[tilespmem:v1+s3+$0x0] =	vst.idx.add.f32.msk $0xffff, v2  }
0xb2: {  	v1 =	vld [tilespmem:s16+$0x1C60]  }
0xb3: {  	v2 =	vld [tilespmem:s16+$0x60]  }
0xb4: {  	v3 =	vld [tilespmem:s16+$0x3860];
	_ =	sdelay $0x3  }
0xb5: {  	vm0 =	veq.s32 v2, v1  }
0xb6: {  	v2 =	vsel vm0, $0x0, v3  }
0xb7: {  	[tilespmem:v1+s3+$0x0] =	vst.idx.add.f32.msk $0xffff, v2  }
0xb8: {  	v1 =	vld [tilespmem:s16+$0x1C70]  }
0xb9: {  	v2 =	vld [tilespmem:s16+$0x70]  }
0xba: {  	v3 =	vld [tilespmem:s16+$0x3870]  }
.Ltmp3:
0xbb: {  	(pc) =	sbr.rel @p1 .LBB2_4-.Ltmp3, $3  }
0xbc: {  	_ =	sdelay $0x1  }
0xbd: {  	vm0 =	veq.s32 v2, v1  }
0xbe: {  	v2 =	vsel vm0, $0x0, v3  }
0xbf: {  	_ =	sdelay $0x3  }
0xc0: {  	s4 =	sshra.s32 s14, $0x2;
	[tilespmem:v1+s3+$0x0] =	vst.idx.add.f32.msk $0xffff, v2  }
0xc1: {  	v1 =	vld [tilespmem:s4+$0x1C00]  }
0xc2: {  	v2 =	vld [tilespmem:s4+$0x0]  }
0xc3: {  	v3 =	vld [tilespmem:s4+$0x3800];
	_ =	sdelay $0x3  }
0xc4: {  	vm0 =	veq.s32 v2, v1  }
0xc5: {  	v2 =	vsel vm0, $0x0, v3  }
0xc6: {  	[tilespmem:v1+s3+$0x0] =	vst.idx.add.f32.msk $0xffff, v2  }
0xc7: {  	v1 =	vld [tilespmem:s4+$0x1C10]  }
0xc8: {  	v2 =	vld [tilespmem:s4+$0x10]  }
0xc9: {  	v3 =	vld [tilespmem:s4+$0x3810];
	_ =	sdelay $0x3  }
0xca: {  	vm13 =	veq.s32 v2, v1  }
0xcb: {  	v2 =	vsel vm13, $0x0, v3  }
0xcc: {  	[tilespmem:v1+s3+$0x0] =	vst.idx.add.f32.msk $0xffff, v2  }
0xcd: {  	v1 =	vld [tilespmem:s4+$0x1C20]  }
0xce: {  	v2 =	vld [tilespmem:s4+$0x20]  }
0xcf: {  	v3 =	vld [tilespmem:s4+$0x3820];
	_ =	sdelay $0x3  }
0xd0: {  	vm14 =	veq.s32 v2, v1  }
0xd1: {  	v2 =	vsel vm14, $0x0, v3  }
0xd2: {  	[tilespmem:v1+s3+$0x0] =	vst.idx.add.f32.msk $0xffff, v2  }
0xd3: {  	v1 =	vld [tilespmem:s4+$0x1C30]  }
0xd4: {  	v2 =	vld [tilespmem:s4+$0x30]  }
0xd5: {  	v3 =	vld [tilespmem:s4+$0x3830];
	_ =	sdelay $0x3  }
0xd6: {  	vm15 =	veq.s32 v2, v1  }
0xd7: {  	v2 =	vsel vm15, $0x0, v3  }
0xd8: {  	[tilespmem:v1+s3+$0x0] =	vst.idx.add.f32.msk $0xffff, v2  }
0xd9: {  	v1 =	vld [tilespmem:s4+$0x1C40]  }
0xda: {  	v2 =	vld [tilespmem:s4+$0x40]  }
0xdb: {  	v3 =	vld [tilespmem:s4+$0x3840];
	_ =	sdelay $0x3  }
0xdc: {  	vm4 =	veq.s32 v2, v1  }
0xdd: {  	v2 =	vsel vm4, $0x0, v3  }
0xde: {  	[tilespmem:v1+s3+$0x0] =	vst.idx.add.f32.msk $0xffff, v2  }
0xdf: {  	v1 =	vld [tilespmem:s4+$0x1C50]  }
0xe0: {  	v2 =	vld [tilespmem:s4+$0x50]  }
0xe1: {  	v3 =	vld [tilespmem:s4+$0x3850];
	_ =	sdelay $0x3  }
0xe2: {  	vm5 =	veq.s32 v2, v1  }
0xe3: {  	v2 =	vsel vm5, $0x0, v3  }
0xe4: {  	[tilespmem:v1+s3+$0x0] =	vst.idx.add.f32.msk $0xffff, v2  }
0xe5: {  	v1 =	vld [tilespmem:s4+$0x1C60]  }
0xe6: {  	v2 =	vld [tilespmem:s4+$0x60]  }
0xe7: {  	v3 =	vld [tilespmem:s4+$0x3860];
	_ =	sdelay $0x3  }
0xe8: {  	vm6 =	veq.s32 v2, v1  }
0xe9: {  	v2 =	vsel vm6, $0x0, v3  }
0xea: {  	[tilespmem:v1+s3+$0x0] =	vst.idx.add.f32.msk $0xffff, v2  }
0xeb: {  	v1 =	vld [tilespmem:s4+$0x1C70]  }
0xec: {  	v2 =	vld [tilespmem:s4+$0x70]  }
0xed: {  	v3 =	vld [tilespmem:s4+$0x3870];
	_ =	sdelay $0x3  }
0xee: {  	vm7 =	veq.s32 v2, v1  }
0xef: {  	v2 =	vsel vm7, $0x0, v3  }
0xf0: {  	s7 =	simm.s32 $0x0;
	s5 =	rddreg [dreg:$0x9];
	[tilespmem:v1+s3+$0x0] =	vst.idx.add.f32.msk $0xffff, v2  }
0xf1: {  	[tilespmem:s7], [sflag:$0x2] =	stream.linear.gather [hbm4b:s5+s7], $0x1400, $0x38;
	[tilespmem:$0x1CB80] =	vst v63  }
0xf2: {  	_ =	swait.ge [sflag:s11], $0x1400  }
0xf3: {  	[sflag:s11] =	ssyncset.done $0x0  }
0xf4: {  	s14 =	rddreg [dreg:$0xa];
	[sflag:s11] =	ssyncadd.s32 $0xFFFFEC00  }
0xf5: {  	[tilespmem:s6], [sflag:$0x2] =	stream.linear.gather [hbm4b:s14+s7], $0x1400, $0x38;
	[tilespmem:$0x1CB80] =	vst v63  }
0xf6: {  	_ =	swait.ge [sflag:s11], $0x1400  }
0xf7: {  	[sflag:s11] =	ssyncset.done $0x0  }
0xf8: {  	s15 =	rddreg [dreg:$0xb];
	[sflag:s11] =	ssyncadd.s32 $0xFFFFEC00  }
0xf9: {  	[tilespmem:s31], [sflag:$0x2] =	stream.linear.gather [hbm4b:s15+s7], $0x1400, $0x38;
	[tilespmem:$0x1CB80] =	vst v63  }
0xfa: {  	_ =	swait.ge [sflag:s11], $0x1400  }
0xfb: {  	[sflag:s11] =	ssyncset.done $0x0  }
0xfc: {  	s16 =	simm.s32 $0x0;
	[sflag:s11] =	ssyncadd.s32 $0xFFFFEC00  }
0xfd: {  	v1 =	vld [tilespmem:s16+$0x1C00]  }
0xfe: {  	v2 =	vld [tilespmem:s16+$0x0]  }
0xff: {  	v3 =	vld [tilespmem:s16+$0x3800];
	_ =	sdelay $0x3  }
0x100: {  	vm8 =	veq.s32 v2, v1  }
0x101: {  	v2 =	vsel vm8, $0x0, v3  }
0x102: {  	[tilespmem:v1+s3+$0x0] =	vst.idx.add.f32.msk $0xffff, v2  }
0x103: {  	v1 =	vld [tilespmem:s16+$0x1C10]  }
0x104: {  	v2 =	vld [tilespmem:s16+$0x10]  }
0x105: {  	v3 =	vld [tilespmem:s16+$0x3810];
	_ =	sdelay $0x3  }
0x106: {  	vm9 =	veq.s32 v2, v1  }
0x107: {  	v2 =	vsel vm9, $0x0, v3  }
0x108: {  	[tilespmem:v1+s3+$0x0] =	vst.idx.add.f32.msk $0xffff, v2  }
0x109: {  	v1 =	vld [tilespmem:s16+$0x1C20]  }
0x10a: {  	v2 =	vld [tilespmem:s16+$0x20]  }
0x10b: {  	v3 =	vld [tilespmem:s16+$0x3820];
	_ =	sdelay $0x3  }
0x10c: {  	vm10 =	veq.s32 v2, v1  }
0x10d: {  	v2 =	vsel vm10, $0x0, v3  }
0x10e: {  	[tilespmem:v1+s3+$0x0] =	vst.idx.add.f32.msk $0xffff, v2  }
0x10f: {  	v1 =	vld [tilespmem:s16+$0x1C30]  }
0x110: {  	v2 =	vld [tilespmem:s16+$0x30]  }
0x111: {  	v3 =	vld [tilespmem:s16+$0x3830];
	_ =	sdelay $0x3  }
0x112: {  	vm11 =	veq.s32 v2, v1  }
0x113: {  	v2 =	vsel vm11, $0x0, v3  }
0x114: {  	[tilespmem:v1+s3+$0x0] =	vst.idx.add.f32.msk $0xffff, v2  }
0x115: {  	v1 =	vld [tilespmem:s16+$0x1C40]  }
0x116: {  	v2 =	vld [tilespmem:s16+$0x40]  }
0x117: {  	v3 =	vld [tilespmem:s16+$0x3840];
	_ =	sdelay $0x3  }
0x118: {  	vm12 =	veq.s32 v2, v1  }
0x119: {  	v2 =	vsel vm12, $0x0, v3  }
0x11a: {  	[tilespmem:v1+s3+$0x0] =	vst.idx.add.f32.msk $0xffff, v2  }
0x11b: {  	v1 =	vld [tilespmem:s16+$0x1C50]  }
0x11c: {  	v2 =	vld [tilespmem:s16+$0x50]  }
0x11d: {  	v3 =	vld [tilespmem:s16+$0x3850];
	_ =	sdelay $0x3  }
0x11e: {  	vm13 =	veq.s32 v2, v1  }
0x11f: {  	v2 =	vsel vm13, $0x0, v3  }
0x120: {  	[tilespmem:v1+s3+$0x0] =	vst.idx.add.f32.msk $0xffff, v2  }
0x121: {  	v1 =	vld [tilespmem:s16+$0x1C60]  }
0x122: {  	v2 =	vld [tilespmem:s16+$0x60]  }
0x123: {  	v3 =	vld [tilespmem:s16+$0x3860];
	_ =	sdelay $0x3  }
0x124: {  	vm14 =	veq.s32 v2, v1  }
0x125: {  	v2 =	vsel vm14, $0x0, v3  }
0x126: {  	[tilespmem:v1+s3+$0x0] =	vst.idx.add.f32.msk $0xffff, v2  }
0x127: {  	v1 =	vld [tilespmem:s16+$0x1C70]  }
0x128: {  	v2 =	vld [tilespmem:s16+$0x70]  }
0x129: {  	v3 =	vld [tilespmem:s16+$0x3870];
	_ =	sdelay $0x3  }
0x12a: {  	vm15 =	veq.s32 v2, v1  }
0x12b: {  	s14 =	simm.s32 $0x200;
	s15 =	simm.s32 $0x400;
	v2 =	vsel vm15, $0x0, v3  }
.LBB2_6:
0x12c: {  	p1 =	sne.s32 s15, $0x4E00  }
0x12d: {  	s16 =	sshra.s32 s14, $0x2;
	[tilespmem:v1+s3+$0x0] =	vst.idx.add.f32.msk $0xffff, v2;
	s14 =	smov.u32 s15;
	s15 =	sadd.s32 $0x200, s15  }
0x12e: {  	v1 =	vld [tilespmem:s16+$0x1C00]  }
0x12f: {  	v2 =	vld [tilespmem:s16+$0x0]  }
0x130: {  	v3 =	vld [tilespmem:s16+$0x3800];
	_ =	sdelay $0x3  }
0x131: {  	vm0 =	veq.s32 v2, v1  }
0x132: {  	v2 =	vsel vm0, $0x0, v3  }
0x133: {  	[tilespmem:v1+s3+$0x0] =	vst.idx.add.f32.msk $0xffff, v2  }
0x134: {  	v1 =	vld [tilespmem:s16+$0x1C10]  }
0x135: {  	v2 =	vld [tilespmem:s16+$0x10]  }
0x136: {  	v3 =	vld [tilespmem:s16+$0x3810];
	_ =	sdelay $0x3  }
0x137: {  	vm0 =	veq.s32 v2, v1  }
0x138: {  	v2 =	vsel vm0, $0x0, v3  }
0x139: {  	[tilespmem:v1+s3+$0x0] =	vst.idx.add.f32.msk $0xffff, v2  }
0x13a: {  	v1 =	vld [tilespmem:s16+$0x1C20]  }
0x13b: {  	v2 =	vld [tilespmem:s16+$0x20]  }
0x13c: {  	v3 =	vld [tilespmem:s16+$0x3820];
	_ =	sdelay $0x3  }
0x13d: {  	vm0 =	veq.s32 v2, v1  }
0x13e: {  	v2 =	vsel vm0, $0x0, v3  }
0x13f: {  	[tilespmem:v1+s3+$0x0] =	vst.idx.add.f32.msk $0xffff, v2  }
0x140: {  	v1 =	vld [tilespmem:s16+$0x1C30]  }
0x141: {  	v2 =	vld [tilespmem:s16+$0x30]  }
0x142: {  	v3 =	vld [tilespmem:s16+$0x3830];
	_ =	sdelay $0x3  }
0x143: {  	vm0 =	veq.s32 v2, v1  }
0x144: {  	v2 =	vsel vm0, $0x0, v3  }
0x145: {  	[tilespmem:v1+s3+$0x0] =	vst.idx.add.f32.msk $0xffff, v2  }
0x146: {  	v1 =	vld [tilespmem:s16+$0x1C40]  }
0x147: {  	v2 =	vld [tilespmem:s16+$0x40]  }
0x148: {  	v3 =	vld [tilespmem:s16+$0x3840];
	_ =	sdelay $0x3  }
0x149: {  	vm0 =	veq.s32 v2, v1  }
0x14a: {  	v2 =	vsel vm0, $0x0, v3  }
0x14b: {  	[tilespmem:v1+s3+$0x0] =	vst.idx.add.f32.msk $0xffff, v2  }
0x14c: {  	v1 =	vld [tilespmem:s16+$0x1C50]  }
0x14d: {  	v2 =	vld [tilespmem:s16+$0x50]  }
0x14e: {  	v3 =	vld [tilespmem:s16+$0x3850];
	_ =	sdelay $0x3  }
0x14f: {  	vm0 =	veq.s32 v2, v1  }
0x150: {  	v2 =	vsel vm0, $0x0, v3  }
0x151: {  	[tilespmem:v1+s3+$0x0] =	vst.idx.add.f32.msk $0xffff, v2  }
0x152: {  	v1 =	vld [tilespmem:s16+$0x1C60]  }
0x153: {  	v2 =	vld [tilespmem:s16+$0x60]  }
0x154: {  	v3 =	vld [tilespmem:s16+$0x3860];
	_ =	sdelay $0x3  }
0x155: {  	vm0 =	veq.s32 v2, v1  }
0x156: {  	v2 =	vsel vm0, $0x0, v3  }
0x157: {  	[tilespmem:v1+s3+$0x0] =	vst.idx.add.f32.msk $0xffff, v2  }
0x158: {  	v1 =	vld [tilespmem:s16+$0x1C70]  }
0x159: {  	v2 =	vld [tilespmem:s16+$0x70]  }
0x15a: {  	v3 =	vld [tilespmem:s16+$0x3870]  }
.Ltmp4:
0x15b: {  	(pc) =	sbr.rel @p1 .LBB2_6-.Ltmp4, $3  }
0x15c: {  	_ =	sdelay $0x1  }
0x15d: {  	vm0 =	veq.s32 v2, v1  }
0x15e: {  	v2 =	vsel vm0, $0x0, v3  }
0x15f: {  	_ =	sdelay $0x3  }
0x160: {  	s4 =	sshra.s32 s14, $0x2;
	[tilespmem:v1+s3+$0x0] =	vst.idx.add.f32.msk $0xffff, v2  }
0x161: {  	v1 =	vld [tilespmem:s4+$0x1C00]  }
0x162: {  	v2 =	vld [tilespmem:s4+$0x0]  }
0x163: {  	v3 =	vld [tilespmem:s4+$0x3800];
	_ =	sdelay $0x3  }
0x164: {  	vm0 =	veq.s32 v2, v1  }
0x165: {  	v2 =	vsel vm0, $0x0, v3  }
0x166: {  	[tilespmem:v1+s3+$0x0] =	vst.idx.add.f32.msk $0xffff, v2  }
0x167: {  	v1 =	vld [tilespmem:s4+$0x1C10]  }
0x168: {  	v2 =	vld [tilespmem:s4+$0x10]  }
0x169: {  	v3 =	vld [tilespmem:s4+$0x3810];
	_ =	sdelay $0x3  }
0x16a: {  	vm13 =	veq.s32 v2, v1  }
0x16b: {  	v2 =	vsel vm13, $0x0, v3  }
0x16c: {  	[tilespmem:v1+s3+$0x0] =	vst.idx.add.f32.msk $0xffff, v2  }
0x16d: {  	v1 =	vld [tilespmem:s4+$0x1C20]  }
0x16e: {  	v2 =	vld [tilespmem:s4+$0x20]  }
0x16f: {  	v3 =	vld [tilespmem:s4+$0x3820];
	_ =	sdelay $0x3  }
0x170: {  	vm14 =	veq.s32 v2, v1  }
0x171: {  	v2 =	vsel vm14, $0x0, v3  }
0x172: {  	[tilespmem:v1+s3+$0x0] =	vst.idx.add.f32.msk $0xffff, v2  }
0x173: {  	v1 =	vld [tilespmem:s4+$0x1C30]  }
0x174: {  	v2 =	vld [tilespmem:s4+$0x30]  }
0x175: {  	v3 =	vld [tilespmem:s4+$0x3830];
	_ =	sdelay $0x3  }
0x176: {  	vm15 =	veq.s32 v2, v1  }
0x177: {  	v2 =	vsel vm15, $0x0, v3  }
0x178: {  	[tilespmem:v1+s3+$0x0] =	vst.idx.add.f32.msk $0xffff, v2  }
0x179: {  	v1 =	vld [tilespmem:s4+$0x1C40]  }
0x17a: {  	v2 =	vld [tilespmem:s4+$0x40]  }
0x17b: {  	v3 =	vld [tilespmem:s4+$0x3840];
	_ =	sdelay $0x3  }
0x17c: {  	vm4 =	veq.s32 v2, v1  }
0x17d: {  	v2 =	vsel vm4, $0x0, v3  }
0x17e: {  	[tilespmem:v1+s3+$0x0] =	vst.idx.add.f32.msk $0xffff, v2  }
0x17f: {  	v1 =	vld [tilespmem:s4+$0x1C50]  }
0x180: {  	v2 =	vld [tilespmem:s4+$0x50]  }
0x181: {  	v3 =	vld [tilespmem:s4+$0x3850];
	_ =	sdelay $0x3  }
0x182: {  	vm5 =	veq.s32 v2, v1  }
0x183: {  	v2 =	vsel vm5, $0x0, v3  }
0x184: {  	[tilespmem:v1+s3+$0x0] =	vst.idx.add.f32.msk $0xffff, v2  }
0x185: {  	v1 =	vld [tilespmem:s4+$0x1C60]  }
0x186: {  	v2 =	vld [tilespmem:s4+$0x60]  }
0x187: {  	v3 =	vld [tilespmem:s4+$0x3860];
	_ =	sdelay $0x3  }
0x188: {  	vm6 =	veq.s32 v2, v1  }
0x189: {  	v2 =	vsel vm6, $0x0, v3  }
0x18a: {  	[tilespmem:v1+s3+$0x0] =	vst.idx.add.f32.msk $0xffff, v2  }
0x18b: {  	v1 =	vld [tilespmem:s4+$0x1C70]  }
0x18c: {  	v2 =	vld [tilespmem:s4+$0x70]  }
0x18d: {  	v3 =	vld [tilespmem:s4+$0x3870];
	_ =	sdelay $0x3  }
0x18e: {  	vm7 =	veq.s32 v2, v1  }
0x18f: {  	v2 =	vsel vm7, $0x0, v3  }
0x190: {  	s7 =	simm.s32 $0x0;
	s5 =	rddreg [dreg:$0xc];
	[tilespmem:v1+s3+$0x0] =	vst.idx.add.f32.msk $0xffff, v2  }
0x191: {  	[tilespmem:s7], [sflag:$0x2] =	stream.linear.gather [hbm4b:s5+s7], $0x1400, $0x38;
	[tilespmem:$0x1CB80] =	vst v63  }
0x192: {  	_ =	swait.ge [sflag:s11], $0x1400  }
0x193: {  	[sflag:s11] =	ssyncset.done $0x0  }
0x194: {  	s14 =	rddreg [dreg:$0xd];
	[sflag:s11] =	ssyncadd.s32 $0xFFFFEC00  }
0x195: {  	[tilespmem:s6], [sflag:$0x2] =	stream.linear.gather [hbm4b:s14+s7], $0x1400, $0x38;
	[tilespmem:$0x1CB80] =	vst v63  }
0x196: {  	_ =	swait.ge [sflag:s11], $0x1400  }
0x197: {  	[sflag:s11] =	ssyncset.done $0x0  }
0x198: {  	s15 =	rddreg [dreg:$0xe];
	[sflag:s11] =	ssyncadd.s32 $0xFFFFEC00  }
0x199: {  	[tilespmem:s31], [sflag:$0x2] =	stream.linear.gather [hbm4b:s15+s7], $0x1400, $0x38;
	[tilespmem:$0x1CB80] =	vst v63  }
0x19a: {  	_ =	swait.ge [sflag:s11], $0x1400  }
0x19b: {  	[sflag:s11] =	ssyncset.done $0x0  }
0x19c: {  	s16 =	simm.s32 $0x0;
	[sflag:s11] =	ssyncadd.s32 $0xFFFFEC00  }
0x19d: {  	v1 =	vld [tilespmem:s16+$0x1C00]  }
0x19e: {  	v2 =	vld [tilespmem:s16+$0x0]  }
0x19f: {  	v3 =	vld [tilespmem:s16+$0x3800];
	_ =	sdelay $0x3  }
0x1a0: {  	vm8 =	veq.s32 v2, v1  }
0x1a1: {  	v2 =	vsel vm8, $0x0, v3  }
0x1a2: {  	[tilespmem:v1+s3+$0x0] =	vst.idx.add.f32.msk $0xffff, v2  }
0x1a3: {  	v1 =	vld [tilespmem:s16+$0x1C10]  }
0x1a4: {  	v2 =	vld [tilespmem:s16+$0x10]  }
0x1a5: {  	v3 =	vld [tilespmem:s16+$0x3810];
	_ =	sdelay $0x3  }
0x1a6: {  	vm9 =	veq.s32 v2, v1  }
0x1a7: {  	v2 =	vsel vm9, $0x0, v3  }
0x1a8: {  	[tilespmem:v1+s3+$0x0] =	vst.idx.add.f32.msk $0xffff, v2  }
0x1a9: {  	v1 =	vld [tilespmem:s16+$0x1C20]  }
0x1aa: {  	v2 =	vld [tilespmem:s16+$0x20]  }
0x1ab: {  	v3 =	vld [tilespmem:s16+$0x3820];
	_ =	sdelay $0x3  }
0x1ac: {  	vm10 =	veq.s32 v2, v1  }
0x1ad: {  	v2 =	vsel vm10, $0x0, v3  }
0x1ae: {  	[tilespmem:v1+s3+$0x0] =	vst.idx.add.f32.msk $0xffff, v2  }
0x1af: {  	v1 =	vld [tilespmem:s16+$0x1C30]  }
0x1b0: {  	v2 =	vld [tilespmem:s16+$0x30]  }
0x1b1: {  	v3 =	vld [tilespmem:s16+$0x3830];
	_ =	sdelay $0x3  }
0x1b2: {  	vm11 =	veq.s32 v2, v1  }
0x1b3: {  	v2 =	vsel vm11, $0x0, v3  }
0x1b4: {  	[tilespmem:v1+s3+$0x0] =	vst.idx.add.f32.msk $0xffff, v2  }
0x1b5: {  	v1 =	vld [tilespmem:s16+$0x1C40]  }
0x1b6: {  	v2 =	vld [tilespmem:s16+$0x40]  }
0x1b7: {  	v3 =	vld [tilespmem:s16+$0x3840];
	_ =	sdelay $0x3  }
0x1b8: {  	vm12 =	veq.s32 v2, v1  }
0x1b9: {  	v2 =	vsel vm12, $0x0, v3  }
0x1ba: {  	[tilespmem:v1+s3+$0x0] =	vst.idx.add.f32.msk $0xffff, v2  }
0x1bb: {  	v1 =	vld [tilespmem:s16+$0x1C50]  }
0x1bc: {  	v2 =	vld [tilespmem:s16+$0x50]  }
0x1bd: {  	v3 =	vld [tilespmem:s16+$0x3850];
	_ =	sdelay $0x3  }
0x1be: {  	vm13 =	veq.s32 v2, v1  }
0x1bf: {  	v2 =	vsel vm13, $0x0, v3  }
0x1c0: {  	[tilespmem:v1+s3+$0x0] =	vst.idx.add.f32.msk $0xffff, v2  }
0x1c1: {  	v1 =	vld [tilespmem:s16+$0x1C60]  }
0x1c2: {  	v2 =	vld [tilespmem:s16+$0x60]  }
0x1c3: {  	v3 =	vld [tilespmem:s16+$0x3860];
	_ =	sdelay $0x3  }
0x1c4: {  	vm14 =	veq.s32 v2, v1  }
0x1c5: {  	v2 =	vsel vm14, $0x0, v3  }
0x1c6: {  	[tilespmem:v1+s3+$0x0] =	vst.idx.add.f32.msk $0xffff, v2  }
0x1c7: {  	v1 =	vld [tilespmem:s16+$0x1C70]  }
0x1c8: {  	v2 =	vld [tilespmem:s16+$0x70]  }
0x1c9: {  	v3 =	vld [tilespmem:s16+$0x3870];
	_ =	sdelay $0x3  }
0x1ca: {  	vm15 =	veq.s32 v2, v1  }
0x1cb: {  	s14 =	simm.s32 $0x200;
	s15 =	simm.s32 $0x400;
	v2 =	vsel vm15, $0x0, v3  }
.LBB2_8:
0x1cc: {  	p1 =	sne.s32 s15, $0x4E00  }
0x1cd: {  	s16 =	sshra.s32 s14, $0x2;
	[tilespmem:v1+s3+$0x0] =	vst.idx.add.f32.msk $0xffff, v2;
	s14 =	smov.u32 s15;
	s15 =	sadd.s32 $0x200, s15  }
0x1ce: {  	v1 =	vld [tilespmem:s16+$0x1C00]  }
0x1cf: {  	v2 =	vld [tilespmem:s16+$0x0]  }
0x1d0: {  	v3 =	vld [tilespmem:s16+$0x3800];
	_ =	sdelay $0x3  }
0x1d1: {  	vm0 =	veq.s32 v2, v1  }
0x1d2: {  	v2 =	vsel vm0, $0x0, v3  }
0x1d3: {  	[tilespmem:v1+s3+$0x0] =	vst.idx.add.f32.msk $0xffff, v2  }
0x1d4: {  	v1 =	vld [tilespmem:s16+$0x1C10]  }
0x1d5: {  	v2 =	vld [tilespmem:s16+$0x10]  }
0x1d6: {  	v3 =	vld [tilespmem:s16+$0x3810];
	_ =	sdelay $0x3  }
0x1d7: {  	vm0 =	veq.s32 v2, v1  }
0x1d8: {  	v2 =	vsel vm0, $0x0, v3  }
0x1d9: {  	[tilespmem:v1+s3+$0x0] =	vst.idx.add.f32.msk $0xffff, v2  }
0x1da: {  	v1 =	vld [tilespmem:s16+$0x1C20]  }
0x1db: {  	v2 =	vld [tilespmem:s16+$0x20]  }
0x1dc: {  	v3 =	vld [tilespmem:s16+$0x3820];
	_ =	sdelay $0x3  }
0x1dd: {  	vm0 =	veq.s32 v2, v1  }
0x1de: {  	v2 =	vsel vm0, $0x0, v3  }
0x1df: {  	[tilespmem:v1+s3+$0x0] =	vst.idx.add.f32.msk $0xffff, v2  }
0x1e0: {  	v1 =	vld [tilespmem:s16+$0x1C30]  }
0x1e1: {  	v2 =	vld [tilespmem:s16+$0x30]  }
0x1e2: {  	v3 =	vld [tilespmem:s16+$0x3830];
	_ =	sdelay $0x3  }
0x1e3: {  	vm0 =	veq.s32 v2, v1  }
0x1e4: {  	v2 =	vsel vm0, $0x0, v3  }
0x1e5: {  	[tilespmem:v1+s3+$0x0] =	vst.idx.add.f32.msk $0xffff, v2  }
0x1e6: {  	v1 =	vld [tilespmem:s16+$0x1C40]  }
0x1e7: {  	v2 =	vld [tilespmem:s16+$0x40]  }
0x1e8: {  	v3 =	vld [tilespmem:s16+$0x3840];
	_ =	sdelay $0x3  }
0x1e9: {  	vm0 =	veq.s32 v2, v1  }
0x1ea: {  	v2 =	vsel vm0, $0x0, v3  }
0x1eb: {  	[tilespmem:v1+s3+$0x0] =	vst.idx.add.f32.msk $0xffff, v2  }
0x1ec: {  	v1 =	vld [tilespmem:s16+$0x1C50]  }
0x1ed: {  	v2 =	vld [tilespmem:s16+$0x50]  }
0x1ee: {  	v3 =	vld [tilespmem:s16+$0x3850];
	_ =	sdelay $0x3  }
0x1ef: {  	vm0 =	veq.s32 v2, v1  }
0x1f0: {  	v2 =	vsel vm0, $0x0, v3  }
0x1f1: {  	[tilespmem:v1+s3+$0x0] =	vst.idx.add.f32.msk $0xffff, v2  }
0x1f2: {  	v1 =	vld [tilespmem:s16+$0x1C60]  }
0x1f3: {  	v2 =	vld [tilespmem:s16+$0x60]  }
0x1f4: {  	v3 =	vld [tilespmem:s16+$0x3860];
	_ =	sdelay $0x3  }
0x1f5: {  	vm0 =	veq.s32 v2, v1  }
0x1f6: {  	v2 =	vsel vm0, $0x0, v3  }
0x1f7: {  	[tilespmem:v1+s3+$0x0] =	vst.idx.add.f32.msk $0xffff, v2  }
0x1f8: {  	v1 =	vld [tilespmem:s16+$0x1C70]  }
0x1f9: {  	v2 =	vld [tilespmem:s16+$0x70]  }
0x1fa: {  	v3 =	vld [tilespmem:s16+$0x3870]  }
.Ltmp5:
0x1fb: {  	(pc) =	sbr.rel @p1 .LBB2_8-.Ltmp5, $3  }
0x1fc: {  	_ =	sdelay $0x1  }
0x1fd: {  	vm0 =	veq.s32 v2, v1  }
0x1fe: {  	v2 =	vsel vm0, $0x0, v3  }
0x1ff: {  	_ =	sdelay $0x3  }
0x200: {  	s4 =	sshra.s32 s14, $0x2;
	[tilespmem:v1+s3+$0x0] =	vst.idx.add.f32.msk $0xffff, v2  }
0x201: {  	v1 =	vld [tilespmem:s4+$0x1C00]  }
0x202: {  	v2 =	vld [tilespmem:s4+$0x0]  }
0x203: {  	v3 =	vld [tilespmem:s4+$0x3800];
	_ =	sdelay $0x3  }
0x204: {  	vm0 =	veq.s32 v2, v1  }
0x205: {  	v2 =	vsel vm0, $0x0, v3  }
0x206: {  	[tilespmem:v1+s3+$0x0] =	vst.idx.add.f32.msk $0xffff, v2  }
0x207: {  	v1 =	vld [tilespmem:s4+$0x1C10]  }
0x208: {  	v2 =	vld [tilespmem:s4+$0x10]  }
0x209: {  	v3 =	vld [tilespmem:s4+$0x3810];
	_ =	sdelay $0x3  }
0x20a: {  	vm13 =	veq.s32 v2, v1  }
0x20b: {  	v2 =	vsel vm13, $0x0, v3  }
0x20c: {  	[tilespmem:v1+s3+$0x0] =	vst.idx.add.f32.msk $0xffff, v2  }
0x20d: {  	v1 =	vld [tilespmem:s4+$0x1C20]  }
0x20e: {  	v2 =	vld [tilespmem:s4+$0x20]  }
0x20f: {  	v3 =	vld [tilespmem:s4+$0x3820];
	_ =	sdelay $0x3  }
0x210: {  	vm14 =	veq.s32 v2, v1  }
0x211: {  	v2 =	vsel vm14, $0x0, v3  }
0x212: {  	[tilespmem:v1+s3+$0x0] =	vst.idx.add.f32.msk $0xffff, v2  }
0x213: {  	v1 =	vld [tilespmem:s4+$0x1C30]  }
0x214: {  	v2 =	vld [tilespmem:s4+$0x30]  }
0x215: {  	v3 =	vld [tilespmem:s4+$0x3830];
	_ =	sdelay $0x3  }
0x216: {  	vm15 =	veq.s32 v2, v1  }
0x217: {  	v2 =	vsel vm15, $0x0, v3  }
0x218: {  	[tilespmem:v1+s3+$0x0] =	vst.idx.add.f32.msk $0xffff, v2  }
0x219: {  	v1 =	vld [tilespmem:s4+$0x1C40]  }
0x21a: {  	v2 =	vld [tilespmem:s4+$0x40]  }
0x21b: {  	v3 =	vld [tilespmem:s4+$0x3840];
	_ =	sdelay $0x3  }
0x21c: {  	vm4 =	veq.s32 v2, v1  }
0x21d: {  	v2 =	vsel vm4, $0x0, v3  }
0x21e: {  	[tilespmem:v1+s3+$0x0] =	vst.idx.add.f32.msk $0xffff, v2  }
0x21f: {  	v1 =	vld [tilespmem:s4+$0x1C50]  }
0x220: {  	v2 =	vld [tilespmem:s4+$0x50]  }
0x221: {  	v3 =	vld [tilespmem:s4+$0x3850];
	_ =	sdelay $0x3  }
0x222: {  	vm5 =	veq.s32 v2, v1  }
0x223: {  	v2 =	vsel vm5, $0x0, v3  }
0x224: {  	[tilespmem:v1+s3+$0x0] =	vst.idx.add.f32.msk $0xffff, v2  }
0x225: {  	v1 =	vld [tilespmem:s4+$0x1C60]  }
0x226: {  	v2 =	vld [tilespmem:s4+$0x60]  }
0x227: {  	v3 =	vld [tilespmem:s4+$0x3860];
	_ =	sdelay $0x3  }
0x228: {  	vm6 =	veq.s32 v2, v1  }
0x229: {  	v2 =	vsel vm6, $0x0, v3  }
0x22a: {  	[tilespmem:v1+s3+$0x0] =	vst.idx.add.f32.msk $0xffff, v2  }
0x22b: {  	v1 =	vld [tilespmem:s4+$0x1C70]  }
0x22c: {  	v2 =	vld [tilespmem:s4+$0x70]  }
0x22d: {  	v3 =	vld [tilespmem:s4+$0x3870];
	_ =	sdelay $0x3  }
0x22e: {  	vm7 =	veq.s32 v2, v1  }
0x22f: {  	v2 =	vsel vm7, $0x0, v3  }
0x230: {  	s7 =	simm.s32 $0x0;
	s5 =	rddreg [dreg:$0xf];
	[tilespmem:v1+s3+$0x0] =	vst.idx.add.f32.msk $0xffff, v2  }
0x231: {  	[tilespmem:s7], [sflag:$0x2] =	stream.linear.gather [hbm4b:s5+s7], $0x1400, $0x38;
	[tilespmem:$0x1CB80] =	vst v63  }
0x232: {  	_ =	swait.ge [sflag:s11], $0x1400  }
0x233: {  	[sflag:s11] =	ssyncset.done $0x0  }
0x234: {  	s14 =	rddreg [dreg:$0x10];
	[sflag:s11] =	ssyncadd.s32 $0xFFFFEC00  }
0x235: {  	[tilespmem:s6], [sflag:$0x2] =	stream.linear.gather [hbm4b:s14+s7], $0x1400, $0x38;
	[tilespmem:$0x1CB80] =	vst v63  }
0x236: {  	_ =	swait.ge [sflag:s11], $0x1400  }
0x237: {  	[sflag:s11] =	ssyncset.done $0x0  }
0x238: {  	s15 =	rddreg [dreg:$0x11];
	[sflag:s11] =	ssyncadd.s32 $0xFFFFEC00  }
0x239: {  	[tilespmem:s31], [sflag:$0x2] =	stream.linear.gather [hbm4b:s15+s7], $0x1400, $0x38;
	[tilespmem:$0x1CB80] =	vst v63  }
0x23a: {  	_ =	swait.ge [sflag:s11], $0x1400  }
0x23b: {  	[sflag:s11] =	ssyncset.done $0x0  }
0x23c: {  	s16 =	simm.s32 $0x0;
	[sflag:s11] =	ssyncadd.s32 $0xFFFFEC00  }
0x23d: {  	v1 =	vld [tilespmem:s16+$0x1C00]  }
0x23e: {  	v2 =	vld [tilespmem:s16+$0x0]  }
0x23f: {  	v3 =	vld [tilespmem:s16+$0x3800];
	_ =	sdelay $0x3  }
0x240: {  	vm8 =	veq.s32 v2, v1  }
0x241: {  	v2 =	vsel vm8, $0x0, v3  }
0x242: {  	[tilespmem:v1+s3+$0x0] =	vst.idx.add.f32.msk $0xffff, v2  }
0x243: {  	v1 =	vld [tilespmem:s16+$0x1C10]  }
0x244: {  	v2 =	vld [tilespmem:s16+$0x10]  }
0x245: {  	v3 =	vld [tilespmem:s16+$0x3810];
	_ =	sdelay $0x3  }
0x246: {  	vm9 =	veq.s32 v2, v1  }
0x247: {  	v2 =	vsel vm9, $0x0, v3  }
0x248: {  	[tilespmem:v1+s3+$0x0] =	vst.idx.add.f32.msk $0xffff, v2  }
0x249: {  	v1 =	vld [tilespmem:s16+$0x1C20]  }
0x24a: {  	v2 =	vld [tilespmem:s16+$0x20]  }
0x24b: {  	v3 =	vld [tilespmem:s16+$0x3820];
	_ =	sdelay $0x3  }
0x24c: {  	vm10 =	veq.s32 v2, v1  }
0x24d: {  	v2 =	vsel vm10, $0x0, v3  }
0x24e: {  	[tilespmem:v1+s3+$0x0] =	vst.idx.add.f32.msk $0xffff, v2  }
0x24f: {  	v1 =	vld [tilespmem:s16+$0x1C30]  }
0x250: {  	v2 =	vld [tilespmem:s16+$0x30]  }
0x251: {  	v3 =	vld [tilespmem:s16+$0x3830];
	_ =	sdelay $0x3  }
0x252: {  	vm11 =	veq.s32 v2, v1  }
0x253: {  	v2 =	vsel vm11, $0x0, v3  }
0x254: {  	[tilespmem:v1+s3+$0x0] =	vst.idx.add.f32.msk $0xffff, v2  }
0x255: {  	v1 =	vld [tilespmem:s16+$0x1C40]  }
0x256: {  	v2 =	vld [tilespmem:s16+$0x40]  }
0x257: {  	v3 =	vld [tilespmem:s16+$0x3840];
	_ =	sdelay $0x3  }
0x258: {  	vm12 =	veq.s32 v2, v1  }
0x259: {  	v2 =	vsel vm12, $0x0, v3  }
0x25a: {  	[tilespmem:v1+s3+$0x0] =	vst.idx.add.f32.msk $0xffff, v2  }
0x25b: {  	v1 =	vld [tilespmem:s16+$0x1C50]  }
0x25c: {  	v2 =	vld [tilespmem:s16+$0x50]  }
0x25d: {  	v3 =	vld [tilespmem:s16+$0x3850];
	_ =	sdelay $0x3  }
0x25e: {  	vm13 =	veq.s32 v2, v1  }
0x25f: {  	v2 =	vsel vm13, $0x0, v3  }
0x260: {  	[tilespmem:v1+s3+$0x0] =	vst.idx.add.f32.msk $0xffff, v2  }
0x261: {  	v1 =	vld [tilespmem:s16+$0x1C60]  }
0x262: {  	v2 =	vld [tilespmem:s16+$0x60]  }
0x263: {  	v3 =	vld [tilespmem:s16+$0x3860];
	_ =	sdelay $0x3  }
0x264: {  	vm14 =	veq.s32 v2, v1  }
0x265: {  	v2 =	vsel vm14, $0x0, v3  }
0x266: {  	[tilespmem:v1+s3+$0x0] =	vst.idx.add.f32.msk $0xffff, v2  }
0x267: {  	v1 =	vld [tilespmem:s16+$0x1C70]  }
0x268: {  	v2 =	vld [tilespmem:s16+$0x70]  }
0x269: {  	v3 =	vld [tilespmem:s16+$0x3870];
	_ =	sdelay $0x3  }
0x26a: {  	vm15 =	veq.s32 v2, v1  }
0x26b: {  	s14 =	simm.s32 $0x200;
	s15 =	simm.s32 $0x400;
	v2 =	vsel vm15, $0x0, v3  }
.LBB2_10:
0x26c: {  	p1 =	sne.s32 s15, $0x4E00  }
0x26d: {  	s16 =	sshra.s32 s14, $0x2;
	[tilespmem:v1+s3+$0x0] =	vst.idx.add.f32.msk $0xffff, v2;
	s14 =	smov.u32 s15;
	s15 =	sadd.s32 $0x200, s15  }
0x26e: {  	v1 =	vld [tilespmem:s16+$0x1C00]  }
0x26f: {  	v2 =	vld [tilespmem:s16+$0x0]  }
0x270: {  	v3 =	vld [tilespmem:s16+$0x3800];
	_ =	sdelay $0x3  }
0x271: {  	vm0 =	veq.s32 v2, v1  }
0x272: {  	v2 =	vsel vm0, $0x0, v3  }
0x273: {  	[tilespmem:v1+s3+$0x0] =	vst.idx.add.f32.msk $0xffff, v2  }
0x274: {  	v1 =	vld [tilespmem:s16+$0x1C10]  }
0x275: {  	v2 =	vld [tilespmem:s16+$0x10]  }
0x276: {  	v3 =	vld [tilespmem:s16+$0x3810];
	_ =	sdelay $0x3  }
0x277: {  	vm0 =	veq.s32 v2, v1  }
0x278: {  	v2 =	vsel vm0, $0x0, v3  }
0x279: {  	[tilespmem:v1+s3+$0x0] =	vst.idx.add.f32.msk $0xffff, v2  }
0x27a: {  	v1 =	vld [tilespmem:s16+$0x1C20]  }
0x27b: {  	v2 =	vld [tilespmem:s16+$0x20]  }
0x27c: {  	v3 =	vld [tilespmem:s16+$0x3820];
	_ =	sdelay $0x3  }
0x27d: {  	vm0 =	veq.s32 v2, v1  }
0x27e: {  	v2 =	vsel vm0, $0x0, v3  }
0x27f: {  	[tilespmem:v1+s3+$0x0] =	vst.idx.add.f32.msk $0xffff, v2  }
0x280: {  	v1 =	vld [tilespmem:s16+$0x1C30]  }
0x281: {  	v2 =	vld [tilespmem:s16+$0x30]  }
0x282: {  	v3 =	vld [tilespmem:s16+$0x3830];
	_ =	sdelay $0x3  }
0x283: {  	vm0 =	veq.s32 v2, v1  }
0x284: {  	v2 =	vsel vm0, $0x0, v3  }
0x285: {  	[tilespmem:v1+s3+$0x0] =	vst.idx.add.f32.msk $0xffff, v2  }
0x286: {  	v1 =	vld [tilespmem:s16+$0x1C40]  }
0x287: {  	v2 =	vld [tilespmem:s16+$0x40]  }
0x288: {  	v3 =	vld [tilespmem:s16+$0x3840];
	_ =	sdelay $0x3  }
0x289: {  	vm0 =	veq.s32 v2, v1  }
0x28a: {  	v2 =	vsel vm0, $0x0, v3  }
0x28b: {  	[tilespmem:v1+s3+$0x0] =	vst.idx.add.f32.msk $0xffff, v2  }
0x28c: {  	v1 =	vld [tilespmem:s16+$0x1C50]  }
0x28d: {  	v2 =	vld [tilespmem:s16+$0x50]  }
0x28e: {  	v3 =	vld [tilespmem:s16+$0x3850];
	_ =	sdelay $0x3  }
0x28f: {  	vm0 =	veq.s32 v2, v1  }
0x290: {  	v2 =	vsel vm0, $0x0, v3  }
0x291: {  	[tilespmem:v1+s3+$0x0] =	vst.idx.add.f32.msk $0xffff, v2  }
0x292: {  	v1 =	vld [tilespmem:s16+$0x1C60]  }
0x293: {  	v2 =	vld [tilespmem:s16+$0x60]  }
0x294: {  	v3 =	vld [tilespmem:s16+$0x3860];
	_ =	sdelay $0x3  }
0x295: {  	vm0 =	veq.s32 v2, v1  }
0x296: {  	v2 =	vsel vm0, $0x0, v3  }
0x297: {  	[tilespmem:v1+s3+$0x0] =	vst.idx.add.f32.msk $0xffff, v2  }
0x298: {  	v1 =	vld [tilespmem:s16+$0x1C70]  }
0x299: {  	v2 =	vld [tilespmem:s16+$0x70]  }
0x29a: {  	v3 =	vld [tilespmem:s16+$0x3870]  }
.Ltmp6:
0x29b: {  	(pc) =	sbr.rel @p1 .LBB2_10-.Ltmp6, $3  }
0x29c: {  	_ =	sdelay $0x1  }
0x29d: {  	vm0 =	veq.s32 v2, v1  }
0x29e: {  	v2 =	vsel vm0, $0x0, v3  }
0x29f: {  	_ =	sdelay $0x3  }
0x2a0: {  	s4 =	sshra.s32 s14, $0x2;
	[tilespmem:v1+s3+$0x0] =	vst.idx.add.f32.msk $0xffff, v2  }
0x2a1: {  	v1 =	vld [tilespmem:s4+$0x1C00]  }
0x2a2: {  	v2 =	vld [tilespmem:s4+$0x0]  }
0x2a3: {  	v3 =	vld [tilespmem:s4+$0x3800];
	_ =	sdelay $0x3  }
0x2a4: {  	vm0 =	veq.s32 v2, v1  }
0x2a5: {  	v2 =	vsel vm0, $0x0, v3  }
0x2a6: {  	[tilespmem:v1+s3+$0x0] =	vst.idx.add.f32.msk $0xffff, v2  }
0x2a7: {  	v1 =	vld [tilespmem:s4+$0x1C10]  }
0x2a8: {  	v2 =	vld [tilespmem:s4+$0x10]  }
0x2a9: {  	v3 =	vld [tilespmem:s4+$0x3810];
	_ =	sdelay $0x3  }
0x2aa: {  	vm9 =	veq.s32 v2, v1  }
0x2ab: {  	v2 =	vsel vm9, $0x0, v3  }
0x2ac: {  	[tilespmem:v1+s3+$0x0] =	vst.idx.add.f32.msk $0xffff, v2  }
0x2ad: {  	v1 =	vld [tilespmem:s4+$0x1C20]  }
0x2ae: {  	v2 =	vld [tilespmem:s4+$0x20]  }
0x2af: {  	v3 =	vld [tilespmem:s4+$0x3820];
	_ =	sdelay $0x3  }
0x2b0: {  	vm10 =	veq.s32 v2, v1  }
0x2b1: {  	v2 =	vsel vm10, $0x0, v3  }
0x2b2: {  	[tilespmem:v1+s3+$0x0] =	vst.idx.add.f32.msk $0xffff, v2  }
0x2b3: {  	v1 =	vld [tilespmem:s4+$0x1C30]  }
0x2b4: {  	v2 =	vld [tilespmem:s4+$0x30]  }
0x2b5: {  	v3 =	vld [tilespmem:s4+$0x3830];
	_ =	sdelay $0x3  }
0x2b6: {  	vm11 =	veq.s32 v2, v1  }
0x2b7: {  	v2 =	vsel vm11, $0x0, v3  }
0x2b8: {  	[tilespmem:v1+s3+$0x0] =	vst.idx.add.f32.msk $0xffff, v2  }
0x2b9: {  	v1 =	vld [tilespmem:s4+$0x1C40]  }
0x2ba: {  	v2 =	vld [tilespmem:s4+$0x40]  }
0x2bb: {  	v3 =	vld [tilespmem:s4+$0x3840];
	_ =	sdelay $0x3  }
0x2bc: {  	vm12 =	veq.s32 v2, v1  }
0x2bd: {  	v2 =	vsel vm12, $0x0, v3  }
0x2be: {  	[tilespmem:v1+s3+$0x0] =	vst.idx.add.f32.msk $0xffff, v2  }
0x2bf: {  	v1 =	vld [tilespmem:s4+$0x1C50]  }
0x2c0: {  	v2 =	vld [tilespmem:s4+$0x50]  }
0x2c1: {  	v3 =	vld [tilespmem:s4+$0x3850];
	_ =	sdelay $0x3  }
0x2c2: {  	vm13 =	veq.s32 v2, v1  }
0x2c3: {  	v2 =	vsel vm13, $0x0, v3  }
0x2c4: {  	[tilespmem:v1+s3+$0x0] =	vst.idx.add.f32.msk $0xffff, v2  }
0x2c5: {  	v1 =	vld [tilespmem:s4+$0x1C60]  }
0x2c6: {  	v2 =	vld [tilespmem:s4+$0x60]  }
0x2c7: {  	v3 =	vld [tilespmem:s4+$0x3860];
	_ =	sdelay $0x3  }
0x2c8: {  	vm14 =	veq.s32 v2, v1  }
0x2c9: {  	v2 =	vsel vm14, $0x0, v3  }
0x2ca: {  	[tilespmem:v1+s3+$0x0] =	vst.idx.add.f32.msk $0xffff, v2  }
0x2cb: {  	v1 =	vld [tilespmem:s4+$0x1C70]  }
0x2cc: {  	v2 =	vld [tilespmem:s4+$0x70]  }
0x2cd: {  	v3 =	vld [tilespmem:s4+$0x3870];
	_ =	sdelay $0x3  }
0x2ce: {  	vm15 =	veq.s32 v2, v1  }
0x2cf: {  	v2 =	vsel vm15, $0x0, v3  }
0x2d0: {  	s15 =	rddreg [dreg:$0x16];
	[tilespmem:v1+s3+$0x0] =	vst.idx.add.f32.msk $0xffff, v2  }
0x2d1: {  	[spmem:s15] =	stream.linear.scatter [tilespmem:s3], [sflag:$0x2], $0x2800, $0x38;
	[tilespmem:$0x1CB80] =	vst v63  }
0x2d2: {  	_ =	swait.ge [sflag:s11], $0x2800  }
0x2d3: {  	[sflag:s11] =	ssyncset.done $0x0  }
0x2d4: {  	[sflag:s11] =	ssyncadd.s32 $0xFFFFD800  }
0x2d5: {  	[bflag:$0x0] =	sbarrier.arrive $0xFFFF  }
0x2d6: {  	[tilespmem:$0xFE80] =	vst v0  }
0x2d7: {  	[tilespmem:$0xFE90] =	vst v0  }
0x2d8: {  	[tilespmem:$0xFEA0] =	vst v0  }
0x2d9: {  	[tilespmem:$0xFEB0] =	vst v0  }
0x2da: {  	[tilespmem:$0xFEC0] =	vst v0  }
0x2db: {  	[tilespmem:$0xFED0] =	vst v0  }
0x2dc: {  	[tilespmem:$0xFEE0] =	vst v0  }
0x2dd: {  	[tilespmem:$0xFEF0] =	vst v0  }
0x2de: {  	[tilespmem:$0xFF00] =	vst v0  }
0x2df: {  	[tilespmem:$0xFF10] =	vst v0  }
0x2e0: {  	[tilespmem:$0xFF20] =	vst v0  }
0x2e1: {  	[tilespmem:$0xFF30] =	vst v0  }
0x2e2: {  	[tilespmem:$0xFF40] =	vst v0  }
0x2e3: {  	[tilespmem:$0xFF50] =	vst v0  }
0x2e4: {  	[tilespmem:$0xFF60] =	vst v0  }
0x2e5: {  	[tilespmem:$0xFF70] =	vst v0  }
0x2e6: {  	[tilespmem:$0xFF80] =	vst v0  }
0x2e7: {  	[tilespmem:$0xFF90] =	vst v0  }
0x2e8: {  	[tilespmem:$0xFFA0] =	vst v0  }
0x2e9: {  	[tilespmem:$0xFFB0] =	vst v0  }
0x2ea: {  	[tilespmem:$0xFFC0] =	vst v0  }
0x2eb: {  	[tilespmem:$0xFFD0] =	vst v0  }
0x2ec: {  	[tilespmem:$0xFFE0] =	vst v0  }
0x2ed: {  	[tilespmem:$0xFFF0] =	vst v0  }
0x2ee: {  	[tilespmem:$0x10000] =	vst v0  }
0x2ef: {  	[tilespmem:$0x10010] =	vst v0  }
0x2f0: {  	[tilespmem:$0x10020] =	vst v0  }
0x2f1: {  	[tilespmem:$0x10030] =	vst v0  }
0x2f2: {  	[tilespmem:$0x10040] =	vst v0  }
0x2f3: {  	[tilespmem:$0x10050] =	vst v0  }
0x2f4: {  	[tilespmem:$0x10060] =	vst v0  }
0x2f5: {  	[tilespmem:$0x10070] =	vst v0  }
0x2f6: {  	[tilespmem:$0x10080] =	vst v0  }
0x2f7: {  	[tilespmem:$0x10090] =	vst v0  }
0x2f8: {  	[tilespmem:$0x100A0] =	vst v0  }
0x2f9: {  	[tilespmem:$0x100B0] =	vst v0  }
0x2fa: {  	[tilespmem:$0x100C0] =	vst v0  }
0x2fb: {  	[tilespmem:$0x100D0] =	vst v0  }
0x2fc: {  	[tilespmem:$0x100E0] =	vst v0  }
0x2fd: {  	[tilespmem:$0x100F0] =	vst v0;
	s16 =	rddreg [dreg:$0x17]  }
0x2fe: {  	[tilespmem:s17], [sflag:$0x2] =	stream.linear.gather [spmem:s16], $0x280, $0x38;
	[tilespmem:$0x1CB80] =	vst v63  }
0x2ff: {  	_ =	swait.ge [sflag:s11], $0x280  }
0x300: {  	[sflag:s11] =	ssyncset.done $0x0  }
0x301: {  	s4 =	simm.s32 $0x0;
	[sflag:s11] =	ssyncadd.s32 $0xFFFFFD80  }
0x302: {  	s5 =	simm.s32 $0x40;
	v1 =	vld [tilespmem:s4+$0xFC00]  }
.LBB2_12:
0x303: {  	p1 =	sne.s32 s5, $0x9C0;
	v2 =	vld [tilespmem:s4+$0xFE80];
	_ =	sdelay $0x2  }
.Ltmp7:
0x304: {  	(pc) =	sbr.rel @p1 .LBB2_12-.Ltmp7, $4  }
0x305: {  	_ = 	snop  }
0x306: {  	v2 =	vadd.f32 v1, v2  }
0x307: {  	s7 =	sshra.s32 s5, $0x2  }
0x308: {  	s5 =	sadd.s32 $0x40, s5;
	v1 =	vld [tilespmem:s7+$0xFC00];
	[tilespmem:s4+$0xFE80] =	vst v2;
	s4 =	smov.u32 s7  }
0x309: {  	v2 =	vld [tilespmem:s4+$0xFE80];
	_ =	sdelay $0x4  }
0x30a: {  	s16 =	sld [smem:$0x7ED];
	v1 =	vadd.f32 v1, v2;
	_ =	sdelay $0x1  }
0x30b: {  	[tilespmem:s4+$0xFE80] =	vst v1  }
0x30c: {  	[tilespmem:s17], [sflag:$0x2] =	stream.linear.gather [spmem:s16], $0x280, $0x38;
	[tilespmem:$0x1CB80] =	vst v63  }
0x30d: {  	_ =	swait.ge [sflag:s11], $0x280  }
0x30e: {  	[sflag:s11] =	ssyncset.done $0x0  }
0x30f: {  	s4 =	simm.s32 $0x0;
	[sflag:s11] =	ssyncadd.s32 $0xFFFFFD80  }
0x310: {  	s5 =	simm.s32 $0x40;
	v1 =	vld [tilespmem:s4+$0xFC00]  }
.LBB2_14:
0x311: {  	p1 =	sne.s32 s5, $0x9C0;
	v2 =	vld [tilespmem:s4+$0xFE80];
	_ =	sdelay $0x2  }
.Ltmp8:
0x312: {  	(pc) =	sbr.rel @p1 .LBB2_14-.Ltmp8, $4  }
0x313: {  	_ = 	snop  }
0x314: {  	v2 =	vadd.f32 v1, v2  }
0x315: {  	s7 =	sshra.s32 s5, $0x2  }
0x316: {  	s5 =	sadd.s32 $0x40, s5;
	v1 =	vld [tilespmem:s7+$0xFC00];
	[tilespmem:s4+$0xFE80] =	vst v2;
	s4 =	smov.u32 s7  }
0x317: {  	v2 =	vld [tilespmem:s4+$0xFE80];
	_ =	sdelay $0x4  }
0x318: {  	s16 =	sld [smem:$0x7EE];
	v1 =	vadd.f32 v1, v2;
	_ =	sdelay $0x1  }
0x319: {  	[tilespmem:s4+$0xFE80] =	vst v1  }
0x31a: {  	[tilespmem:s17], [sflag:$0x2] =	stream.linear.gather [spmem:s16], $0x280, $0x38;
	[tilespmem:$0x1CB80] =	vst v63  }
0x31b: {  	_ =	swait.ge [sflag:s11], $0x280  }
0x31c: {  	[sflag:s11] =	ssyncset.done $0x0  }
0x31d: {  	s4 =	simm.s32 $0x0;
	[sflag:s11] =	ssyncadd.s32 $0xFFFFFD80  }
0x31e: {  	s5 =	simm.s32 $0x40;
	v1 =	vld [tilespmem:s4+$0xFC00]  }
.LBB2_16:
0x31f: {  	p1 =	sne.s32 s5, $0x9C0;
	v2 =	vld [tilespmem:s4+$0xFE80];
	_ =	sdelay $0x2  }
.Ltmp9:
0x320: {  	(pc) =	sbr.rel @p1 .LBB2_16-.Ltmp9, $4  }
0x321: {  	_ = 	snop  }
0x322: {  	v2 =	vadd.f32 v1, v2  }
0x323: {  	s7 =	sshra.s32 s5, $0x2  }
0x324: {  	s5 =	sadd.s32 $0x40, s5;
	v1 =	vld [tilespmem:s7+$0xFC00];
	[tilespmem:s4+$0xFE80] =	vst v2;
	s4 =	smov.u32 s7  }
0x325: {  	v2 =	vld [tilespmem:s4+$0xFE80];
	_ =	sdelay $0x4  }
0x326: {  	s16 =	sld [smem:$0x7EF];
	v1 =	vadd.f32 v1, v2;
	_ =	sdelay $0x1  }
0x327: {  	[tilespmem:s4+$0xFE80] =	vst v1  }
0x328: {  	[tilespmem:s17], [sflag:$0x2] =	stream.linear.gather [spmem:s16], $0x280, $0x38;
	[tilespmem:$0x1CB80] =	vst v63  }
0x329: {  	_ =	swait.ge [sflag:s11], $0x280  }
0x32a: {  	[sflag:s11] =	ssyncset.done $0x0  }
0x32b: {  	s4 =	simm.s32 $0x0;
	[sflag:s11] =	ssyncadd.s32 $0xFFFFFD80  }
0x32c: {  	s5 =	simm.s32 $0x40;
	v1 =	vld [tilespmem:s4+$0xFC00]  }
.LBB2_18:
0x32d: {  	p1 =	sne.s32 s5, $0x9C0;
	v2 =	vld [tilespmem:s4+$0xFE80];
	_ =	sdelay $0x2  }
.Ltmp10:
0x32e: {  	(pc) =	sbr.rel @p1 .LBB2_18-.Ltmp10, $4  }
0x32f: {  	_ = 	snop  }
0x330: {  	v2 =	vadd.f32 v1, v2  }
0x331: {  	s7 =	sshra.s32 s5, $0x2  }
0x332: {  	s5 =	sadd.s32 $0x40, s5;
	v1 =	vld [tilespmem:s7+$0xFC00];
	[tilespmem:s4+$0xFE80] =	vst v2;
	s4 =	smov.u32 s7  }
0x333: {  	v2 =	vld [tilespmem:s4+$0xFE80];
	_ =	sdelay $0x4  }
0x334: {  	s16 =	sld [smem:$0x7F0];
	v1 =	vadd.f32 v1, v2;
	_ =	sdelay $0x1  }
0x335: {  	[tilespmem:s4+$0xFE80] =	vst v1  }
0x336: {  	[tilespmem:s17], [sflag:$0x2] =	stream.linear.gather [spmem:s16], $0x280, $0x38;
	[tilespmem:$0x1CB80] =	vst v63  }
0x337: {  	_ =	swait.ge [sflag:s11], $0x280  }
0x338: {  	[sflag:s11] =	ssyncset.done $0x0  }
0x339: {  	s4 =	simm.s32 $0x0;
	[sflag:s11] =	ssyncadd.s32 $0xFFFFFD80  }
0x33a: {  	s5 =	simm.s32 $0x40;
	v1 =	vld [tilespmem:s4+$0xFC00]  }
.LBB2_20:
0x33b: {  	p1 =	sne.s32 s5, $0x9C0;
	v2 =	vld [tilespmem:s4+$0xFE80];
	_ =	sdelay $0x2  }
.Ltmp11:
0x33c: {  	(pc) =	sbr.rel @p1 .LBB2_20-.Ltmp11, $4  }
0x33d: {  	_ = 	snop  }
0x33e: {  	v2 =	vadd.f32 v1, v2  }
0x33f: {  	s7 =	sshra.s32 s5, $0x2  }
0x340: {  	s5 =	sadd.s32 $0x40, s5;
	v1 =	vld [tilespmem:s7+$0xFC00];
	[tilespmem:s4+$0xFE80] =	vst v2;
	s4 =	smov.u32 s7  }
0x341: {  	v2 =	vld [tilespmem:s4+$0xFE80];
	_ =	sdelay $0x4  }
0x342: {  	s16 =	sld [smem:$0x7F1];
	v1 =	vadd.f32 v1, v2;
	_ =	sdelay $0x1  }
0x343: {  	[tilespmem:s4+$0xFE80] =	vst v1  }
0x344: {  	[tilespmem:s17], [sflag:$0x2] =	stream.linear.gather [spmem:s16], $0x280, $0x38;
	[tilespmem:$0x1CB80] =	vst v63  }
0x345: {  	_ =	swait.ge [sflag:s11], $0x280  }
0x346: {  	[sflag:s11] =	ssyncset.done $0x0  }
0x347: {  	s4 =	simm.s32 $0x0;
	[sflag:s11] =	ssyncadd.s32 $0xFFFFFD80  }
0x348: {  	s5 =	simm.s32 $0x40;
	v1 =	vld [tilespmem:s4+$0xFC00]  }
.LBB2_22:
0x349: {  	p1 =	sne.s32 s5, $0x9C0;
	v2 =	vld [tilespmem:s4+$0xFE80];
	_ =	sdelay $0x2  }
.Ltmp12:
0x34a: {  	(pc) =	sbr.rel @p1 .LBB2_22-.Ltmp12, $4  }
0x34b: {  	_ = 	snop  }
0x34c: {  	v2 =	vadd.f32 v1, v2  }
0x34d: {  	s7 =	sshra.s32 s5, $0x2  }
0x34e: {  	s5 =	sadd.s32 $0x40, s5;
	v1 =	vld [tilespmem:s7+$0xFC00];
	[tilespmem:s4+$0xFE80] =	vst v2;
	s4 =	smov.u32 s7  }
0x34f: {  	v2 =	vld [tilespmem:s4+$0xFE80];
	_ =	sdelay $0x4  }
0x350: {  	s16 =	sld [smem:$0x7F2];
	v1 =	vadd.f32 v1, v2;
	_ =	sdelay $0x1  }
0x351: {  	[tilespmem:s4+$0xFE80] =	vst v1  }
0x352: {  	[tilespmem:s17], [sflag:$0x2] =	stream.linear.gather [spmem:s16], $0x280, $0x38;
	[tilespmem:$0x1CB80] =	vst v63  }
0x353: {  	_ =	swait.ge [sflag:s11], $0x280  }
0x354: {  	[sflag:s11] =	ssyncset.done $0x0  }
0x355: {  	s4 =	simm.s32 $0x0;
	[sflag:s11] =	ssyncadd.s32 $0xFFFFFD80  }
0x356: {  	s5 =	simm.s32 $0x40;
	v1 =	vld [tilespmem:s4+$0xFC00]  }
.LBB2_24:
0x357: {  	p1 =	sne.s32 s5, $0x9C0;
	v2 =	vld [tilespmem:s4+$0xFE80];
	_ =	sdelay $0x2  }
.Ltmp13:
0x358: {  	(pc) =	sbr.rel @p1 .LBB2_24-.Ltmp13, $4  }
0x359: {  	_ = 	snop  }
0x35a: {  	v2 =	vadd.f32 v1, v2  }
0x35b: {  	s7 =	sshra.s32 s5, $0x2  }
0x35c: {  	s5 =	sadd.s32 $0x40, s5;
	v1 =	vld [tilespmem:s7+$0xFC00];
	[tilespmem:s4+$0xFE80] =	vst v2;
	s4 =	smov.u32 s7  }
0x35d: {  	v2 =	vld [tilespmem:s4+$0xFE80];
	_ =	sdelay $0x4  }
0x35e: {  	s16 =	sld [smem:$0x7F3];
	v1 =	vadd.f32 v1, v2;
	_ =	sdelay $0x1  }
0x35f: {  	[tilespmem:s4+$0xFE80] =	vst v1  }
0x360: {  	[tilespmem:s17], [sflag:$0x2] =	stream.linear.gather [spmem:s16], $0x280, $0x38;
	[tilespmem:$0x1CB80] =	vst v63  }
0x361: {  	_ =	swait.ge [sflag:s11], $0x280  }
0x362: {  	[sflag:s11] =	ssyncset.done $0x0  }
0x363: {  	s4 =	simm.s32 $0x0;
	[sflag:s11] =	ssyncadd.s32 $0xFFFFFD80  }
0x364: {  	s5 =	simm.s32 $0x40;
	v1 =	vld [tilespmem:s4+$0xFC00]  }
.LBB2_26:
0x365: {  	p1 =	sne.s32 s5, $0x9C0;
	v2 =	vld [tilespmem:s4+$0xFE80];
	_ =	sdelay $0x2  }
.Ltmp14:
0x366: {  	(pc) =	sbr.rel @p1 .LBB2_26-.Ltmp14, $4  }
0x367: {  	_ = 	snop  }
0x368: {  	v2 =	vadd.f32 v1, v2  }
0x369: {  	s7 =	sshra.s32 s5, $0x2  }
0x36a: {  	s5 =	sadd.s32 $0x40, s5;
	v1 =	vld [tilespmem:s7+$0xFC00];
	[tilespmem:s4+$0xFE80] =	vst v2;
	s4 =	smov.u32 s7  }
0x36b: {  	v2 =	vld [tilespmem:s4+$0xFE80];
	_ =	sdelay $0x4  }
0x36c: {  	s16 =	sld [smem:$0x7F4];
	v1 =	vadd.f32 v1, v2;
	_ =	sdelay $0x1  }
0x36d: {  	[tilespmem:s4+$0xFE80] =	vst v1  }
0x36e: {  	[tilespmem:s17], [sflag:$0x2] =	stream.linear.gather [spmem:s16], $0x280, $0x38;
	[tilespmem:$0x1CB80] =	vst v63  }
0x36f: {  	_ =	swait.ge [sflag:s11], $0x280  }
0x370: {  	[sflag:s11] =	ssyncset.done $0x0  }
0x371: {  	s4 =	simm.s32 $0x0;
	[sflag:s11] =	ssyncadd.s32 $0xFFFFFD80  }
0x372: {  	s5 =	simm.s32 $0x40;
	v1 =	vld [tilespmem:s4+$0xFC00]  }
.LBB2_28:
0x373: {  	p1 =	sne.s32 s5, $0x9C0;
	v2 =	vld [tilespmem:s4+$0xFE80];
	_ =	sdelay $0x2  }
.Ltmp15:
0x374: {  	(pc) =	sbr.rel @p1 .LBB2_28-.Ltmp15, $4  }
0x375: {  	_ = 	snop  }
0x376: {  	v2 =	vadd.f32 v1, v2  }
0x377: {  	s7 =	sshra.s32 s5, $0x2  }
0x378: {  	s5 =	sadd.s32 $0x40, s5;
	v1 =	vld [tilespmem:s7+$0xFC00];
	[tilespmem:s4+$0xFE80] =	vst v2;
	s4 =	smov.u32 s7  }
0x379: {  	v2 =	vld [tilespmem:s4+$0xFE80];
	_ =	sdelay $0x4  }
0x37a: {  	s16 =	sld [smem:$0x7F5];
	v1 =	vadd.f32 v1, v2;
	_ =	sdelay $0x1  }
0x37b: {  	[tilespmem:s4+$0xFE80] =	vst v1  }
0x37c: {  	[tilespmem:s17], [sflag:$0x2] =	stream.linear.gather [spmem:s16], $0x280, $0x38;
	[tilespmem:$0x1CB80] =	vst v63  }
0x37d: {  	_ =	swait.ge [sflag:s11], $0x280  }
0x37e: {  	[sflag:s11] =	ssyncset.done $0x0  }
0x37f: {  	s4 =	simm.s32 $0x0;
	[sflag:s11] =	ssyncadd.s32 $0xFFFFFD80  }
0x380: {  	s5 =	simm.s32 $0x40;
	v1 =	vld [tilespmem:s4+$0xFC00]  }
.LBB2_30:
0x381: {  	p1 =	sne.s32 s5, $0x9C0;
	v2 =	vld [tilespmem:s4+$0xFE80];
	_ =	sdelay $0x2  }
.Ltmp16:
0x382: {  	(pc) =	sbr.rel @p1 .LBB2_30-.Ltmp16, $4  }
0x383: {  	_ = 	snop  }
0x384: {  	v2 =	vadd.f32 v1, v2  }
0x385: {  	s7 =	sshra.s32 s5, $0x2  }
0x386: {  	s5 =	sadd.s32 $0x40, s5;
	v1 =	vld [tilespmem:s7+$0xFC00];
	[tilespmem:s4+$0xFE80] =	vst v2;
	s4 =	smov.u32 s7  }
0x387: {  	v2 =	vld [tilespmem:s4+$0xFE80];
	_ =	sdelay $0x4  }
0x388: {  	s16 =	sld [smem:$0x7F6];
	v1 =	vadd.f32 v1, v2;
	_ =	sdelay $0x1  }
0x389: {  	[tilespmem:s4+$0xFE80] =	vst v1  }
0x38a: {  	[tilespmem:s17], [sflag:$0x2] =	stream.linear.gather [spmem:s16], $0x280, $0x38;
	[tilespmem:$0x1CB80] =	vst v63  }
0x38b: {  	_ =	swait.ge [sflag:s11], $0x280  }
0x38c: {  	[sflag:s11] =	ssyncset.done $0x0  }
0x38d: {  	s4 =	simm.s32 $0x0;
	[sflag:s11] =	ssyncadd.s32 $0xFFFFFD80  }
0x38e: {  	s5 =	simm.s32 $0x40;
	v1 =	vld [tilespmem:s4+$0xFC00]  }
.LBB2_32:
0x38f: {  	p1 =	sne.s32 s5, $0x9C0;
	v2 =	vld [tilespmem:s4+$0xFE80];
	_ =	sdelay $0x2  }
.Ltmp17:
0x390: {  	(pc) =	sbr.rel @p1 .LBB2_32-.Ltmp17, $4  }
0x391: {  	_ = 	snop  }
0x392: {  	v2 =	vadd.f32 v1, v2  }
0x393: {  	s7 =	sshra.s32 s5, $0x2  }
0x394: {  	s5 =	sadd.s32 $0x40, s5;
	v1 =	vld [tilespmem:s7+$0xFC00];
	[tilespmem:s4+$0xFE80] =	vst v2;
	s4 =	smov.u32 s7  }
0x395: {  	v2 =	vld [tilespmem:s4+$0xFE80];
	_ =	sdelay $0x4  }
0x396: {  	s16 =	sld [smem:$0x7F7];
	v1 =	vadd.f32 v1, v2;
	_ =	sdelay $0x1  }
0x397: {  	[tilespmem:s4+$0xFE80] =	vst v1  }
0x398: {  	[tilespmem:s17], [sflag:$0x2] =	stream.linear.gather [spmem:s16], $0x280, $0x38;
	[tilespmem:$0x1CB80] =	vst v63  }
0x399: {  	_ =	swait.ge [sflag:s11], $0x280  }
0x39a: {  	[sflag:s11] =	ssyncset.done $0x0  }
0x39b: {  	s4 =	simm.s32 $0x0;
	[sflag:s11] =	ssyncadd.s32 $0xFFFFFD80  }
0x39c: {  	s5 =	simm.s32 $0x40;
	v1 =	vld [tilespmem:s4+$0xFC00]  }
.LBB2_34:
0x39d: {  	p1 =	sne.s32 s5, $0x9C0;
	v2 =	vld [tilespmem:s4+$0xFE80];
	_ =	sdelay $0x2  }
.Ltmp18:
0x39e: {  	(pc) =	sbr.rel @p1 .LBB2_34-.Ltmp18, $4  }
0x39f: {  	_ = 	snop  }
0x3a0: {  	v2 =	vadd.f32 v1, v2  }
0x3a1: {  	s7 =	sshra.s32 s5, $0x2  }
0x3a2: {  	s5 =	sadd.s32 $0x40, s5;
	v1 =	vld [tilespmem:s7+$0xFC00];
	[tilespmem:s4+$0xFE80] =	vst v2;
	s4 =	smov.u32 s7  }
0x3a3: {  	v2 =	vld [tilespmem:s4+$0xFE80];
	_ =	sdelay $0x4  }
0x3a4: {  	s16 =	sld [smem:$0x7F8];
	v1 =	vadd.f32 v1, v2;
	_ =	sdelay $0x1  }
0x3a5: {  	[tilespmem:s4+$0xFE80] =	vst v1  }
0x3a6: {  	[tilespmem:s17], [sflag:$0x2] =	stream.linear.gather [spmem:s16], $0x280, $0x38;
	[tilespmem:$0x1CB80] =	vst v63  }
0x3a7: {  	_ =	swait.ge [sflag:s11], $0x280  }
0x3a8: {  	[sflag:s11] =	ssyncset.done $0x0  }
0x3a9: {  	s4 =	simm.s32 $0x0;
	[sflag:s11] =	ssyncadd.s32 $0xFFFFFD80  }
0x3aa: {  	s5 =	simm.s32 $0x40;
	v1 =	vld [tilespmem:s4+$0xFC00]  }
.LBB2_36:
0x3ab: {  	p1 =	sne.s32 s5, $0x9C0;
	v2 =	vld [tilespmem:s4+$0xFE80];
	_ =	sdelay $0x2  }
.Ltmp19:
0x3ac: {  	(pc) =	sbr.rel @p1 .LBB2_36-.Ltmp19, $4  }
0x3ad: {  	_ = 	snop  }
0x3ae: {  	v2 =	vadd.f32 v1, v2  }
0x3af: {  	s7 =	sshra.s32 s5, $0x2  }
0x3b0: {  	s5 =	sadd.s32 $0x40, s5;
	v1 =	vld [tilespmem:s7+$0xFC00];
	[tilespmem:s4+$0xFE80] =	vst v2;
	s4 =	smov.u32 s7  }
0x3b1: {  	v2 =	vld [tilespmem:s4+$0xFE80];
	_ =	sdelay $0x4  }
0x3b2: {  	s16 =	sld [smem:$0x7F9];
	v1 =	vadd.f32 v1, v2;
	_ =	sdelay $0x1  }
0x3b3: {  	[tilespmem:s4+$0xFE80] =	vst v1  }
0x3b4: {  	[tilespmem:s17], [sflag:$0x2] =	stream.linear.gather [spmem:s16], $0x280, $0x38;
	[tilespmem:$0x1CB80] =	vst v63  }
0x3b5: {  	_ =	swait.ge [sflag:s11], $0x280  }
0x3b6: {  	[sflag:s11] =	ssyncset.done $0x0  }
0x3b7: {  	s4 =	simm.s32 $0x0;
	[sflag:s11] =	ssyncadd.s32 $0xFFFFFD80  }
0x3b8: {  	s5 =	simm.s32 $0x40;
	v1 =	vld [tilespmem:s4+$0xFC00]  }
.LBB2_38:
0x3b9: {  	p1 =	sne.s32 s5, $0x9C0;
	v2 =	vld [tilespmem:s4+$0xFE80];
	_ =	sdelay $0x2  }
.Ltmp20:
0x3ba: {  	(pc) =	sbr.rel @p1 .LBB2_38-.Ltmp20, $4  }
0x3bb: {  	_ = 	snop  }
0x3bc: {  	v2 =	vadd.f32 v1, v2  }
0x3bd: {  	s7 =	sshra.s32 s5, $0x2  }
0x3be: {  	s5 =	sadd.s32 $0x40, s5;
	v1 =	vld [tilespmem:s7+$0xFC00];
	[tilespmem:s4+$0xFE80] =	vst v2;
	s4 =	smov.u32 s7  }
0x3bf: {  	v2 =	vld [tilespmem:s4+$0xFE80];
	_ =	sdelay $0x4  }
0x3c0: {  	s16 =	sld [smem:$0x7FA];
	v1 =	vadd.f32 v1, v2;
	_ =	sdelay $0x1  }
0x3c1: {  	[tilespmem:s4+$0xFE80] =	vst v1  }
0x3c2: {  	[tilespmem:s17], [sflag:$0x2] =	stream.linear.gather [spmem:s16], $0x280, $0x38;
	[tilespmem:$0x1CB80] =	vst v63  }
0x3c3: {  	_ =	swait.ge [sflag:s11], $0x280  }
0x3c4: {  	[sflag:s11] =	ssyncset.done $0x0  }
0x3c5: {  	s4 =	simm.s32 $0x0;
	[sflag:s11] =	ssyncadd.s32 $0xFFFFFD80  }
0x3c6: {  	s5 =	simm.s32 $0x40;
	v1 =	vld [tilespmem:s4+$0xFC00]  }
.LBB2_40:
0x3c7: {  	p1 =	sne.s32 s5, $0x9C0;
	v2 =	vld [tilespmem:s4+$0xFE80];
	_ =	sdelay $0x2  }
.Ltmp21:
0x3c8: {  	(pc) =	sbr.rel @p1 .LBB2_40-.Ltmp21, $4  }
0x3c9: {  	_ = 	snop  }
0x3ca: {  	v2 =	vadd.f32 v1, v2  }
0x3cb: {  	s7 =	sshra.s32 s5, $0x2  }
0x3cc: {  	s5 =	sadd.s32 $0x40, s5;
	v1 =	vld [tilespmem:s7+$0xFC00];
	[tilespmem:s4+$0xFE80] =	vst v2;
	s4 =	smov.u32 s7  }
0x3cd: {  	v2 =	vld [tilespmem:s4+$0xFE80];
	_ =	sdelay $0x4  }
0x3ce: {  	s16 =	sld [smem:$0x7FB];
	v1 =	vadd.f32 v1, v2;
	_ =	sdelay $0x1  }
0x3cf: {  	[tilespmem:s4+$0xFE80] =	vst v1  }
0x3d0: {  	[tilespmem:s17], [sflag:$0x2] =	stream.linear.gather [spmem:s16], $0x280, $0x38;
	[tilespmem:$0x1CB80] =	vst v63  }
0x3d1: {  	_ =	swait.ge [sflag:s11], $0x280  }
0x3d2: {  	[sflag:s11] =	ssyncset.done $0x0  }
0x3d3: {  	s14 =	simm.s32 $0x0;
	[sflag:s11] =	ssyncadd.s32 $0xFFFFFD80  }
0x3d4: {  	s5 =	simm.s32 $0x40;
	s4 =	simm.s32 $0x0;
	v1 =	vld [tilespmem:s14+$0xFC00]  }
.LBB2_42:
0x3d5: {  	p1 =	sne.s32 s5, $0x9C0;
	v2 =	vld [tilespmem:s4+$0xFE80];
	_ =	sdelay $0x2  }
.Ltmp22:
0x3d6: {  	(pc) =	sbr.rel @p1 .LBB2_42-.Ltmp22, $4  }
0x3d7: {  	_ = 	snop  }
0x3d8: {  	v2 =	vadd.f32 v1, v2  }
0x3d9: {  	s7 =	sshra.s32 s5, $0x2  }
0x3da: {  	s5 =	sadd.s32 $0x40, s5;
	v1 =	vld [tilespmem:s7+$0xFC00];
	[tilespmem:s4+$0xFE80] =	vst v2;
	s4 =	smov.u32 s7  }
0x3db: {  	v2 =	vld [tilespmem:s4+$0xFE80];
	_ =	sdelay $0x4  }
0x3dc: {  	v1 =	vadd.f32 v1, v2;
	_ =	sdelay $0x1  }
0x3dd: {  	s15 =	simm.s32 $0x40;
	[tilespmem:s4+$0xFE80] =	vst v1  }
.LBB2_44:
0x3de: {  	p1 =	sne.s32 s15, $0x9C0;
	v1 =	vld [tilespmem:s14+$0xFE80];
	_ =	sdelay $0x4  }
0x3df: {  	v1 =	vadd.f32 $1.000000000e+00, v1;
	_ =	sdelay $0x1  }
0x3e0: {  	v2 =	vshra.s32 v1, $0x1;
	v1 =	vmul.f32 $5.000000000e-01, v1  }
0x3e1: {  	v2 =	vsub.s32 $0x5F3759DF, v2  }
0x3e2: {  	v3 =	vmul.f32 v2, v1;
	_ =	sdelay $0x1  }
0x3e3: {  	v3 =	vmul.f32 v2, v3;
	_ =	sdelay $0x1  }
0x3e4: {  	v3 =	vsub.f32 $1.500000000e+00, v3;
	_ =	sdelay $0x1  }
0x3e5: {  	v2 =	vmul.f32 v2, v3;
	_ =	sdelay $0x1  }
0x3e6: {  	v3 =	vmul.f32 v2, v1;
	_ =	sdelay $0x1  }
0x3e7: {  	v3 =	vmul.f32 v3, v2;
	_ =	sdelay $0x1  }
0x3e8: {  	v3 =	vsub.f32 $1.500000000e+00, v3;
	_ =	sdelay $0x1  }
0x3e9: {  	v2 =	vmul.f32 v3, v2;
	_ =	sdelay $0x1  }
0x3ea: {  	v1 =	vmul.f32 v2, v1;
	_ =	sdelay $0x1  }
0x3eb: {  	v1 =	vmul.f32 v1, v2;
	_ =	sdelay $0x1  }
.Ltmp23:
0x3ec: {  	v1 =	vsub.f32 $1.500000000e+00, v1;
	(pc) =	sbr.rel @p1 .LBB2_44-.Ltmp23, $3  }
0x3ed: {  	_ = 	snop  }
0x3ee: {  	v1 =	vmul.f32 v1, v2;
	_ =	sdelay $0x1  }
0x3ef: {  	[tilespmem:s14+$0xFE80] =	vst v1;
	s14 =	sshra.s32 s15, $0x2;
	s15 =	sadd.s32 $0x40, s15  }
0x3f0: {  	v1 =	vld [tilespmem:s14+$0xFE80];
	_ =	sdelay $0x4  }
0x3f1: {  	v1 =	vadd.f32 $1.000000000e+00, v1;
	_ =	sdelay $0x1  }
0x3f2: {  	v2 =	vshra.s32 v1, $0x1;
	v1 =	vmul.f32 $5.000000000e-01, v1  }
0x3f3: {  	v2 =	vsub.s32 $0x5F3759DF, v2  }
0x3f4: {  	v3 =	vmul.f32 v2, v1;
	_ =	sdelay $0x1  }
0x3f5: {  	v3 =	vmul.f32 v2, v3;
	_ =	sdelay $0x1  }
0x3f6: {  	v3 =	vsub.f32 $1.500000000e+00, v3;
	_ =	sdelay $0x1  }
0x3f7: {  	v2 =	vmul.f32 v2, v3;
	_ =	sdelay $0x1  }
0x3f8: {  	v3 =	vmul.f32 v2, v1;
	_ =	sdelay $0x1  }
0x3f9: {  	v3 =	vmul.f32 v3, v2;
	_ =	sdelay $0x1  }
0x3fa: {  	v3 =	vsub.f32 $1.500000000e+00, v3;
	_ =	sdelay $0x1  }
0x3fb: {  	v2 =	vmul.f32 v3, v2;
	_ =	sdelay $0x1  }
0x3fc: {  	v1 =	vmul.f32 v2, v1;
	_ =	sdelay $0x1  }
0x3fd: {  	v1 =	vmul.f32 v1, v2;
	_ =	sdelay $0x1  }
0x3fe: {  	v1 =	vsub.f32 $1.500000000e+00, v1;
	_ =	sdelay $0x1  }
0x3ff: {  	s4 =	sld [smem:$0x7FC];
	v1 =	vmul.f32 v1, v2;
	_ =	sdelay $0x1  }
0x400: {  	s5 =	simm.s32 $0xFE80;
	[tilespmem:s14+$0xFE80] =	vst v1  }
0x401: {  	[spmem:s4] =	stream.linear.scatter [tilespmem:s5], [sflag:$0x2], $0x280, $0x38;
	[tilespmem:$0x1CB80] =	vst v63  }
0x402: {  	_ =	swait.ge [sflag:s11], $0x280  }
0x403: {  	[sflag:s11] =	ssyncset.done $0x0  }
0x404: {  	[sflag:s11] =	ssyncadd.s32 $0xFFFFFD80  }
0x405: {  	[bflag:$0x0] =	sbarrier.arrive $0xFFFF  }
0x406: {  	s14 =	rddreg [dreg:$0x3]  }
0x407: {  	[tilespmem:s9], [sflag:$0x2] =	stream.linear.gather [spmem:s14], $0x2800, $0x38;
	[tilespmem:$0x1CB80] =	vst v63  }
0x408: {  	_ =	swait.ge [sflag:s11], $0x2800  }
0x409: {  	s15 =	sadd.s32 $0x0, s23;
	[sflag:s11] =	ssyncset.done $0x0  }
0x40a: {  	s16 =	simm.s32 $0x0;
	v1 =	vmov s15;
	s17 =	rddreg [dreg:$0x18];
	[sflag:s11] =	ssyncadd.s32 $0xFFFFD800  }
0x40b: {  	[tilespmem:s10], [sflag:$0x2] =	stream.linear.gather [hbm4b:s17+s16], $0x2000, $0x38;
	[tilespmem:$0x1CB80] =	vst v63  }
0x40c: {  	_ =	swait.ge [sflag:s11], $0x2000  }
0x40d: {  	[sflag:s11] =	ssyncset.done $0x0  }
0x40e: {  	[sflag:s11] =	ssyncadd.s32 $0xFFFFE000  }
0x40f: {  	v1 =	vld.idx.msk [tilespmem:v1+s9+$0x0], $0xffff;
	_ =	sdelay $0x2  }
0x410: {  	s14 =	simm.s32 $0xDC20  }
0x411: {  	v4 =	vld [tilespmem:s14+$0xFFFFFFF0]  }
0x412: {  	v5 =	vld [tilespmem:s14+$0xFFFFFFE0];
	v1 =	vmul.f32 v1, v1  }
0x413: {  	v3 =	vld [tilespmem:s14+$0x0]  }
0x414: {  	v2 =	vmul.f32 $5.000000000e-01, v1;
	v1 =	vld [tilespmem:s14+$0x10];
	_ =	sdelay $0x3  }
0x415: {  	s5 =	sadd.s32 $0x1, s23;
	s4 =	simm.s32 $0x2;
	v5 =	vmul.f32 v2, v5;
	v4 =	vmul.f32 v4, v2  }
.LBB2_46:
0x416: {  	p1 =	sne.s32 s4, $0x7F;
	v6 =	vmov s5;
	v3 =	vmul.f32 v3, v2;
	v1 =	vmul.f32 v1, v2  }
0x417: {  	[tilespmem:s14+$0xFFFFFFE0] =	vst v5  }
0x418: {  	[tilespmem:s14+$0xFFFFFFF0] =	vst v4  }
0x419: {  	[tilespmem:s14+$0x0] =	vst v3  }
0x41a: {  	[tilespmem:s14+$0x10] =	vst v1  }
0x41b: {  	v2 =	vld.idx.msk [tilespmem:v6+s9+$0x0], $0xffff;
	_ =	sdelay $0x1  }
0x41c: {  	s14 =	sadd.s32 $0x40, s14  }
0x41d: {  	v4 =	vld [tilespmem:s14+$0xFFFFFFF0]  }
0x41e: {  	v1 =	vld [tilespmem:s14+$0x10]  }
0x41f: {  	v5 =	vld [tilespmem:s14+$0xFFFFFFE0]  }
.Ltmp24:
0x420: {  	v2 =	vmul.f32 v2, v2;
	v3 =	vld [tilespmem:s14+$0x0];
	(pc) =	sbr.rel @p1 .LBB2_46-.Ltmp24, $3  }
0x421: {  	_ = 	snop  }
0x422: {  	v2 =	vmul.f32 $5.000000000e-01, v2;
	_ =	sdelay $0x1  }
0x423: {  	s5 =	sadd.s32 s4, s23;
	s4 =	sadd.s32 $0x1, s4;
	v4 =	vmul.f32 v4, v2;
	v5 =	vmul.f32 v2, v5  }
0x424: {  	v6 =	vmov s5  }
0x425: {  	v3 =	vmul.f32 v3, v2;
	[tilespmem:s14+$0xFFFFFFE0] =	vst v5  }
0x426: {  	v1 =	vmul.f32 v1, v2;
	[tilespmem:s14+$0xFFFFFFF0] =	vst v4  }
0x427: {  	[tilespmem:s14+$0x0] =	vst v3  }
0x428: {  	[tilespmem:s14+$0x10] =	vst v1  }
0x429: {  	v1 =	vld.idx.msk [tilespmem:v6+s9+$0x0], $0xffff;
	_ =	sdelay $0x2  }
0x42a: {  	s4 =	sadd.s32 $0x40, s14  }
0x42b: {  	v2 =	vld [tilespmem:s4+$0xFFFFFFE0]  }
0x42c: {  	v3 =	vld [tilespmem:s4+$0xFFFFFFF0];
	v1 =	vmul.f32 v1, v1  }
0x42d: {  	v4 =	vld [tilespmem:s4+$0x0]  }
0x42e: {  	v5 =	vld [tilespmem:s4+$0x10];
	v1 =	vmul.f32 $5.000000000e-01, v1;
	_ =	sdelay $0x1  }
0x42f: {  	v2 =	vmul.f32 v1, v2  }
0x430: {  	v3 =	vmul.f32 v3, v1  }
0x431: {  	v4 =	vmul.f32 v4, v1;
	[tilespmem:s4+$0xFFFFFFE0] =	vst v2  }
0x432: {  	v1 =	vmul.f32 v5, v1;
	[tilespmem:s4+$0xFFFFFFF0] =	vst v3  }
0x433: {  	[tilespmem:s4+$0x0] =	vst v4  }
0x434: {  	[tilespmem:s4+$0x10] =	vst v1  }
0x435: {  	[spmem:s24] =	stream.linear.scatter [tilespmem:s10], [sflag:$0x2], $0x2000, $0x38;
	[tilespmem:$0x1CB80] =	vst v63  }
0x436: {  	_ =	swait.ge [sflag:s11], $0x2000  }
0x437: {  	s15 =	sadd.s32 $0x0, s26;
	[sflag:s11] =	ssyncset.done $0x0  }
0x438: {  	s16 =	simm.s32 $0x0;
	v1 =	vmov s15;
	s17 =	rddreg [dreg:$0x19];
	[sflag:s11] =	ssyncadd.s32 $0xFFFFE000  }
0x439: {  	[tilespmem:s10], [sflag:$0x2] =	stream.linear.gather [hbm4b:s17+s16], $0x2000, $0x38;
	[tilespmem:$0x1CB80] =	vst v63  }
0x43a: {  	_ =	swait.ge [sflag:s11], $0x2000  }
0x43b: {  	[sflag:s11] =	ssyncset.done $0x0  }
0x43c: {  	[sflag:s11] =	ssyncadd.s32 $0xFFFFE000  }
0x43d: {  	v1 =	vld.idx.msk [tilespmem:v1+s9+$0x0], $0xffff;
	_ =	sdelay $0x2  }
0x43e: {  	s14 =	simm.s32 $0xDC20  }
0x43f: {  	v4 =	vld [tilespmem:s14+$0xFFFFFFF0]  }
0x440: {  	v5 =	vld [tilespmem:s14+$0xFFFFFFE0];
	v1 =	vmul.f32 v1, v1  }
0x441: {  	v3 =	vld [tilespmem:s14+$0x0]  }
0x442: {  	v2 =	vmul.f32 $5.000000000e-01, v1;
	v1 =	vld [tilespmem:s14+$0x10];
	_ =	sdelay $0x3  }
0x443: {  	s5 =	sadd.s32 $0x1, s26;
	s4 =	simm.s32 $0x2;
	v5 =	vmul.f32 v2, v5;
	v4 =	vmul.f32 v4, v2  }
.LBB2_48:
0x444: {  	p1 =	sne.s32 s4, $0x7F;
	v6 =	vmov s5;
	v3 =	vmul.f32 v3, v2;
	v1 =	vmul.f32 v1, v2  }
0x445: {  	[tilespmem:s14+$0xFFFFFFE0] =	vst v5  }
0x446: {  	[tilespmem:s14+$0xFFFFFFF0] =	vst v4  }
0x447: {  	[tilespmem:s14+$0x0] =	vst v3  }
0x448: {  	[tilespmem:s14+$0x10] =	vst v1  }
0x449: {  	v2 =	vld.idx.msk [tilespmem:v6+s9+$0x0], $0xffff;
	_ =	sdelay $0x1  }
0x44a: {  	s14 =	sadd.s32 $0x40, s14  }
0x44b: {  	v4 =	vld [tilespmem:s14+$0xFFFFFFF0]  }
0x44c: {  	v1 =	vld [tilespmem:s14+$0x10]  }
0x44d: {  	v5 =	vld [tilespmem:s14+$0xFFFFFFE0]  }
.Ltmp25:
0x44e: {  	v2 =	vmul.f32 v2, v2;
	v3 =	vld [tilespmem:s14+$0x0];
	(pc) =	sbr.rel @p1 .LBB2_48-.Ltmp25, $3  }
0x44f: {  	_ = 	snop  }
0x450: {  	v2 =	vmul.f32 $5.000000000e-01, v2;
	_ =	sdelay $0x1  }
0x451: {  	s5 =	sadd.s32 s4, s26;
	s4 =	sadd.s32 $0x1, s4;
	v4 =	vmul.f32 v4, v2;
	v5 =	vmul.f32 v2, v5  }
0x452: {  	v6 =	vmov s5  }
0x453: {  	v3 =	vmul.f32 v3, v2;
	[tilespmem:s14+$0xFFFFFFE0] =	vst v5  }
0x454: {  	v1 =	vmul.f32 v1, v2;
	[tilespmem:s14+$0xFFFFFFF0] =	vst v4  }
0x455: {  	[tilespmem:s14+$0x0] =	vst v3  }
0x456: {  	[tilespmem:s14+$0x10] =	vst v1  }
0x457: {  	v1 =	vld.idx.msk [tilespmem:v6+s9+$0x0], $0xffff;
	_ =	sdelay $0x2  }
0x458: {  	s4 =	sadd.s32 $0x40, s14  }
0x459: {  	v2 =	vld [tilespmem:s4+$0xFFFFFFE0]  }
0x45a: {  	v3 =	vld [tilespmem:s4+$0xFFFFFFF0];
	v1 =	vmul.f32 v1, v1  }
0x45b: {  	v4 =	vld [tilespmem:s4+$0x0]  }
0x45c: {  	v5 =	vld [tilespmem:s4+$0x10];
	v1 =	vmul.f32 $5.000000000e-01, v1;
	_ =	sdelay $0x1  }
0x45d: {  	v2 =	vmul.f32 v1, v2  }
0x45e: {  	v3 =	vmul.f32 v3, v1  }
0x45f: {  	v4 =	vmul.f32 v4, v1;
	[tilespmem:s4+$0xFFFFFFE0] =	vst v2  }
0x460: {  	v1 =	vmul.f32 v5, v1;
	[tilespmem:s4+$0xFFFFFFF0] =	vst v3  }
0x461: {  	[tilespmem:s4+$0x0] =	vst v4  }
0x462: {  	[tilespmem:s4+$0x10] =	vst v1  }
0x463: {  	[spmem:s30] =	stream.linear.scatter [tilespmem:s10], [sflag:$0x2], $0x2000, $0x38;
	[tilespmem:$0x1CB80] =	vst v63  }
0x464: {  	_ =	swait.ge [sflag:s11], $0x2000  }
0x465: {  	s15 =	sadd.s32 $0x0, s21;
	[sflag:s11] =	ssyncset.done $0x0  }
0x466: {  	s16 =	simm.s32 $0x0;
	v1 =	vmov s15;
	s17 =	rddreg [dreg:$0x1a];
	[sflag:s11] =	ssyncadd.s32 $0xFFFFE000  }
0x467: {  	[tilespmem:s10], [sflag:$0x2] =	stream.linear.gather [hbm4b:s17+s16], $0x2000, $0x38;
	[tilespmem:$0x1CB80] =	vst v63  }
0x468: {  	_ =	swait.ge [sflag:s11], $0x2000  }
0x469: {  	[sflag:s11] =	ssyncset.done $0x0  }
0x46a: {  	[sflag:s11] =	ssyncadd.s32 $0xFFFFE000  }
0x46b: {  	v1 =	vld.idx.msk [tilespmem:v1+s9+$0x0], $0xffff;
	_ =	sdelay $0x2  }
0x46c: {  	s14 =	simm.s32 $0xDC20  }
0x46d: {  	v4 =	vld [tilespmem:s14+$0xFFFFFFF0]  }
0x46e: {  	v5 =	vld [tilespmem:s14+$0xFFFFFFE0];
	v1 =	vmul.f32 v1, v1  }
0x46f: {  	v3 =	vld [tilespmem:s14+$0x0]  }
0x470: {  	v2 =	vmul.f32 $5.000000000e-01, v1;
	v1 =	vld [tilespmem:s14+$0x10];
	_ =	sdelay $0x3  }
0x471: {  	s5 =	sadd.s32 $0x1, s21;
	s4 =	simm.s32 $0x2;
	v5 =	vmul.f32 v2, v5;
	v4 =	vmul.f32 v4, v2  }
.LBB2_50:
0x472: {  	p1 =	sne.s32 s4, $0x7F;
	v6 =	vmov s5;
	v3 =	vmul.f32 v3, v2;
	v1 =	vmul.f32 v1, v2  }
0x473: {  	[tilespmem:s14+$0xFFFFFFE0] =	vst v5  }
0x474: {  	[tilespmem:s14+$0xFFFFFFF0] =	vst v4  }
0x475: {  	[tilespmem:s14+$0x0] =	vst v3  }
0x476: {  	[tilespmem:s14+$0x10] =	vst v1  }
0x477: {  	v2 =	vld.idx.msk [tilespmem:v6+s9+$0x0], $0xffff;
	_ =	sdelay $0x1  }
0x478: {  	s14 =	sadd.s32 $0x40, s14  }
0x479: {  	v4 =	vld [tilespmem:s14+$0xFFFFFFF0]  }
0x47a: {  	v1 =	vld [tilespmem:s14+$0x10]  }
0x47b: {  	v5 =	vld [tilespmem:s14+$0xFFFFFFE0]  }
.Ltmp26:
0x47c: {  	v2 =	vmul.f32 v2, v2;
	v3 =	vld [tilespmem:s14+$0x0];
	(pc) =	sbr.rel @p1 .LBB2_50-.Ltmp26, $3  }
0x47d: {  	_ = 	snop  }
0x47e: {  	v2 =	vmul.f32 $5.000000000e-01, v2;
	_ =	sdelay $0x1  }
0x47f: {  	s5 =	sadd.s32 s4, s21;
	s4 =	sadd.s32 $0x1, s4;
	v4 =	vmul.f32 v4, v2;
	v5 =	vmul.f32 v2, v5  }
0x480: {  	v6 =	vmov s5  }
0x481: {  	v3 =	vmul.f32 v3, v2;
	[tilespmem:s14+$0xFFFFFFE0] =	vst v5  }
0x482: {  	v1 =	vmul.f32 v1, v2;
	[tilespmem:s14+$0xFFFFFFF0] =	vst v4  }
0x483: {  	[tilespmem:s14+$0x0] =	vst v3  }
0x484: {  	[tilespmem:s14+$0x10] =	vst v1  }
0x485: {  	v1 =	vld.idx.msk [tilespmem:v6+s9+$0x0], $0xffff;
	_ =	sdelay $0x2  }
0x486: {  	s4 =	sadd.s32 $0x40, s14  }
0x487: {  	v2 =	vld [tilespmem:s4+$0xFFFFFFE0]  }
0x488: {  	v3 =	vld [tilespmem:s4+$0xFFFFFFF0];
	v1 =	vmul.f32 v1, v1  }
0x489: {  	v4 =	vld [tilespmem:s4+$0x0]  }
0x48a: {  	v5 =	vld [tilespmem:s4+$0x10];
	v1 =	vmul.f32 $5.000000000e-01, v1;
	_ =	sdelay $0x1  }
0x48b: {  	v2 =	vmul.f32 v1, v2  }
0x48c: {  	v3 =	vmul.f32 v3, v1  }
0x48d: {  	v4 =	vmul.f32 v4, v1;
	[tilespmem:s4+$0xFFFFFFE0] =	vst v2  }
0x48e: {  	v1 =	vmul.f32 v5, v1;
	[tilespmem:s4+$0xFFFFFFF0] =	vst v3  }
0x48f: {  	[tilespmem:s4+$0x0] =	vst v4  }
0x490: {  	[tilespmem:s4+$0x10] =	vst v1  }
0x491: {  	[spmem:s20] =	stream.linear.scatter [tilespmem:s10], [sflag:$0x2], $0x2000, $0x38;
	[tilespmem:$0x1CB80] =	vst v63  }
0x492: {  	_ =	swait.ge [sflag:s11], $0x2000  }
0x493: {  	s15 =	sadd.s32 $0x0, s19;
	[sflag:s11] =	ssyncset.done $0x0  }
0x494: {  	s16 =	simm.s32 $0x0;
	v1 =	vmov s15;
	s17 =	rddreg [dreg:$0x1b];
	[sflag:s11] =	ssyncadd.s32 $0xFFFFE000  }
0x495: {  	[tilespmem:s10], [sflag:$0x2] =	stream.linear.gather [hbm4b:s17+s16], $0x2000, $0x38;
	[tilespmem:$0x1CB80] =	vst v63  }
0x496: {  	_ =	swait.ge [sflag:s11], $0x2000  }
0x497: {  	[sflag:s11] =	ssyncset.done $0x0  }
0x498: {  	[sflag:s11] =	ssyncadd.s32 $0xFFFFE000  }
0x499: {  	v1 =	vld.idx.msk [tilespmem:v1+s9+$0x0], $0xffff;
	_ =	sdelay $0x2  }
0x49a: {  	s14 =	simm.s32 $0xDC20  }
0x49b: {  	v4 =	vld [tilespmem:s14+$0xFFFFFFF0]  }
0x49c: {  	v5 =	vld [tilespmem:s14+$0xFFFFFFE0];
	v1 =	vmul.f32 v1, v1  }
0x49d: {  	v3 =	vld [tilespmem:s14+$0x0]  }
0x49e: {  	v2 =	vmul.f32 $5.000000000e-01, v1;
	v1 =	vld [tilespmem:s14+$0x10];
	_ =	sdelay $0x3  }
0x49f: {  	s5 =	sadd.s32 $0x1, s19;
	s4 =	simm.s32 $0x2;
	v5 =	vmul.f32 v2, v5;
	v4 =	vmul.f32 v4, v2  }
.LBB2_52:
0x4a0: {  	p1 =	sne.s32 s4, $0x7F;
	v6 =	vmov s5;
	v3 =	vmul.f32 v3, v2;
	v1 =	vmul.f32 v1, v2  }
0x4a1: {  	[tilespmem:s14+$0xFFFFFFE0] =	vst v5  }
0x4a2: {  	[tilespmem:s14+$0xFFFFFFF0] =	vst v4  }
0x4a3: {  	[tilespmem:s14+$0x0] =	vst v3  }
0x4a4: {  	[tilespmem:s14+$0x10] =	vst v1  }
0x4a5: {  	v2 =	vld.idx.msk [tilespmem:v6+s9+$0x0], $0xffff;
	_ =	sdelay $0x1  }
0x4a6: {  	s14 =	sadd.s32 $0x40, s14  }
0x4a7: {  	v4 =	vld [tilespmem:s14+$0xFFFFFFF0]  }
0x4a8: {  	v1 =	vld [tilespmem:s14+$0x10]  }
0x4a9: {  	v5 =	vld [tilespmem:s14+$0xFFFFFFE0]  }
.Ltmp27:
0x4aa: {  	v2 =	vmul.f32 v2, v2;
	v3 =	vld [tilespmem:s14+$0x0];
	(pc) =	sbr.rel @p1 .LBB2_52-.Ltmp27, $3  }
0x4ab: {  	_ = 	snop  }
0x4ac: {  	v2 =	vmul.f32 $5.000000000e-01, v2;
	_ =	sdelay $0x1  }
0x4ad: {  	s5 =	sadd.s32 s4, s19;
	s4 =	sadd.s32 $0x1, s4;
	v4 =	vmul.f32 v4, v2;
	v5 =	vmul.f32 v2, v5  }
0x4ae: {  	v6 =	vmov s5  }
0x4af: {  	v3 =	vmul.f32 v3, v2;
	[tilespmem:s14+$0xFFFFFFE0] =	vst v5  }
0x4b0: {  	v1 =	vmul.f32 v1, v2;
	[tilespmem:s14+$0xFFFFFFF0] =	vst v4  }
0x4b1: {  	[tilespmem:s14+$0x0] =	vst v3  }
0x4b2: {  	[tilespmem:s14+$0x10] =	vst v1  }
0x4b3: {  	v1 =	vld.idx.msk [tilespmem:v6+s9+$0x0], $0xffff;
	_ =	sdelay $0x2  }
0x4b4: {  	s4 =	sadd.s32 $0x40, s14  }
0x4b5: {  	v2 =	vld [tilespmem:s4+$0xFFFFFFE0]  }
0x4b6: {  	v3 =	vld [tilespmem:s4+$0xFFFFFFF0];
	v1 =	vmul.f32 v1, v1  }
0x4b7: {  	v4 =	vld [tilespmem:s4+$0x0]  }
0x4b8: {  	v5 =	vld [tilespmem:s4+$0x10];
	v1 =	vmul.f32 $5.000000000e-01, v1;
	_ =	sdelay $0x1  }
0x4b9: {  	v2 =	vmul.f32 v1, v2  }
0x4ba: {  	v3 =	vmul.f32 v3, v1  }
0x4bb: {  	v4 =	vmul.f32 v4, v1;
	[tilespmem:s4+$0xFFFFFFE0] =	vst v2  }
0x4bc: {  	v1 =	vmul.f32 v5, v1;
	[tilespmem:s4+$0xFFFFFFF0] =	vst v3  }
0x4bd: {  	[tilespmem:s4+$0x0] =	vst v4  }
0x4be: {  	s14 =	rddreg [dreg:$0x1f];
	[tilespmem:s4+$0x10] =	vst v1  }
0x4bf: {  	[spmem:s14] =	stream.linear.scatter [tilespmem:s10], [sflag:$0x2], $0x2000, $0x38;
	[tilespmem:$0x1CB80] =	vst v63  }
0x4c0: {  	_ =	swait.ge [sflag:s11], $0x2000  }
0x4c1: {  	s15 =	sadd.s32 $0x0, s0;
	[sflag:s11] =	ssyncset.done $0x0  }
0x4c2: {  	s16 =	simm.s32 $0x0;
	v1 =	vmov s15;
	s17 =	rddreg [dreg:$0x1c];
	[sflag:s11] =	ssyncadd.s32 $0xFFFFE000  }
0x4c3: {  	[tilespmem:s10], [sflag:$0x2] =	stream.linear.gather [hbm4b:s17+s16], $0x2000, $0x38;
	[tilespmem:$0x1CB80] =	vst v63  }
0x4c4: {  	_ =	swait.ge [sflag:s11], $0x2000  }
0x4c5: {  	[sflag:s11] =	ssyncset.done $0x0  }
0x4c6: {  	[sflag:s11] =	ssyncadd.s32 $0xFFFFE000  }
0x4c7: {  	v1 =	vld.idx.msk [tilespmem:v1+s9+$0x0], $0xffff;
	_ =	sdelay $0x2  }
0x4c8: {  	s14 =	simm.s32 $0xDC20  }
0x4c9: {  	v4 =	vld [tilespmem:s14+$0xFFFFFFF0]  }
0x4ca: {  	v5 =	vld [tilespmem:s14+$0xFFFFFFE0];
	v1 =	vmul.f32 v1, v1  }
0x4cb: {  	v3 =	vld [tilespmem:s14+$0x0]  }
0x4cc: {  	v2 =	vmul.f32 $5.000000000e-01, v1;
	v1 =	vld [tilespmem:s14+$0x10];
	_ =	sdelay $0x3  }
0x4cd: {  	s5 =	sadd.s32 $0x1, s0;
	s4 =	simm.s32 $0x2;
	v5 =	vmul.f32 v2, v5;
	v4 =	vmul.f32 v4, v2  }
.LBB2_54:
0x4ce: {  	p1 =	sne.s32 s4, $0x7F;
	v6 =	vmov s5;
	v3 =	vmul.f32 v3, v2;
	v1 =	vmul.f32 v1, v2  }
0x4cf: {  	[tilespmem:s14+$0xFFFFFFE0] =	vst v5  }
0x4d0: {  	[tilespmem:s14+$0xFFFFFFF0] =	vst v4  }
0x4d1: {  	[tilespmem:s14+$0x0] =	vst v3  }
0x4d2: {  	[tilespmem:s14+$0x10] =	vst v1  }
0x4d3: {  	v2 =	vld.idx.msk [tilespmem:v6+s9+$0x0], $0xffff;
	_ =	sdelay $0x1  }
0x4d4: {  	s14 =	sadd.s32 $0x40, s14  }
0x4d5: {  	v4 =	vld [tilespmem:s14+$0xFFFFFFF0]  }
0x4d6: {  	v1 =	vld [tilespmem:s14+$0x10]  }
0x4d7: {  	v5 =	vld [tilespmem:s14+$0xFFFFFFE0]  }
.Ltmp28:
0x4d8: {  	v2 =	vmul.f32 v2, v2;
	v3 =	vld [tilespmem:s14+$0x0];
	(pc) =	sbr.rel @p1 .LBB2_54-.Ltmp28, $3  }
0x4d9: {  	_ = 	snop  }
0x4da: {  	v2 =	vmul.f32 $5.000000000e-01, v2;
	_ =	sdelay $0x1  }
0x4db: {  	s5 =	sadd.s32 s4, s0;
	s4 =	sadd.s32 $0x1, s4;
	v4 =	vmul.f32 v4, v2;
	v5 =	vmul.f32 v2, v5  }
0x4dc: {  	v6 =	vmov s5  }
0x4dd: {  	v3 =	vmul.f32 v3, v2;
	[tilespmem:s14+$0xFFFFFFE0] =	vst v5  }
0x4de: {  	v1 =	vmul.f32 v1, v2;
	[tilespmem:s14+$0xFFFFFFF0] =	vst v4  }
0x4df: {  	[tilespmem:s14+$0x0] =	vst v3  }
0x4e0: {  	[tilespmem:s14+$0x10] =	vst v1  }
0x4e1: {  	v1 =	vld.idx.msk [tilespmem:v6+s9+$0x0], $0xffff;
	_ =	sdelay $0x2  }
0x4e2: {  	s4 =	sadd.s32 $0x40, s14  }
0x4e3: {  	v2 =	vld [tilespmem:s4+$0xFFFFFFE0]  }
0x4e4: {  	v3 =	vld [tilespmem:s4+$0xFFFFFFF0];
	v1 =	vmul.f32 v1, v1  }
0x4e5: {  	v4 =	vld [tilespmem:s4+$0x0]  }
0x4e6: {  	v5 =	vld [tilespmem:s4+$0x10];
	v1 =	vmul.f32 $5.000000000e-01, v1;
	_ =	sdelay $0x1  }
0x4e7: {  	v2 =	vmul.f32 v1, v2  }
0x4e8: {  	v3 =	vmul.f32 v3, v1  }
0x4e9: {  	v4 =	vmul.f32 v4, v1;
	[tilespmem:s4+$0xFFFFFFE0] =	vst v2  }
0x4ea: {  	s16 =	sld [smem:$0x7E6];
	v1 =	vmul.f32 v5, v1;
	[tilespmem:s4+$0xFFFFFFF0] =	vst v3  }
0x4eb: {  	[tilespmem:s4+$0x0] =	vst v4  }
0x4ec: {  	[tilespmem:s4+$0x10] =	vst v1  }
0x4ed: {  	[spmem:s16] =	stream.linear.scatter [tilespmem:s10], [sflag:$0x2], $0x2000, $0x38;
	[tilespmem:$0x1CB80] =	vst v63  }
0x4ee: {  	_ =	swait.ge [sflag:s11], $0x2000  }
0x4ef: {  	[sflag:s11] =	ssyncset.done $0x0  }
0x4f0: {  	[sflag:s11] =	ssyncadd.s32 $0xFFFFE000  }
0x4f1: {  	s14 =	simm.s32 $0x0;
	[bflag:$0x0] =	sbarrier.arrive $0xFFFF  }
0x4f2: {  	[tilespmem:s14], [sflag:$0x2] =	stream.linear.gather [hbm4b:s8+s14], $0x1C00, $0x38;
	[tilespmem:$0x1CB80] =	vst v63  }
0x4f3: {  	_ =	swait.ge [sflag:s11], $0x1C00  }
0x4f4: {  	[sflag:s11] =	ssyncset.done $0x0  }
0x4f5: {  	[sflag:s11] =	ssyncadd.s32 $0xFFFFE400  }
0x4f6: {  	[tilespmem:s6], [sflag:$0x2] =	stream.linear.gather [hbm4b:s18+s14], $0x1C00, $0x38;
	[tilespmem:$0x1CB80] =	vst v63  }
0x4f7: {  	_ =	swait.ge [sflag:s11], $0x1C00  }
0x4f8: {  	[sflag:s11] =	ssyncset.done $0x0  }
0x4f9: {  	s17 =	rddreg [dreg:$0x12];
	[sflag:s11] =	ssyncadd.s32 $0xFFFFE400  }
0x4fa: {  	[tilespmem:s31], [sflag:$0x2] =	stream.linear.gather [hbm4b:s17+s14], $0x1C00, $0x38;
	[tilespmem:$0x1CB80] =	vst v63  }
0x4fb: {  	_ =	swait.ge [sflag:s11], $0x1C00  }
0x4fc: {  	[sflag:s11] =	ssyncset.done $0x0  }
0x4fd: {  	s15 =	simm.s32 $0x0;
	[sflag:s11] =	ssyncadd.s32 $0xFFFFE400  }
.LBB2_56:
0x4fe: {  	s16 =	sshll.u32 s15, $0x7  }
0x4ff: {  	[tilespmem:s10], [sflag:$0x1] =	stream.indirect.gather [hbm4b:s25+s29], $0x40, s16, s29, $0xb8;
	[tilespmem:$0x1CB80] =	vst v63  }
0x500: {  	v1 =	vld [tilespmem:s16+$0x0];
	_ =	sdelay $0x1  }
0x501: {  	v2 =	vld [tilespmem:s16+$0x1C00];
	_ =	sdelay $0x4  }
0x502: {  	v3 =	vld [tilespmem:s16+$0x3800]  }
0x503: {  	v4 =	vld.idx.msk [tilespmem:v1+s9+$0x0], $0xffff  }
0x504: {  	v6 =	vld [tilespmem:s16+$0x10]  }
0x505: {  	v5 =	vld.idx.msk [tilespmem:v2+s9+$0x0], $0xffff  }
0x506: {  	vm0 =	veq.s32 v1, v2  }
0x507: {  	v1 =	vld [tilespmem:s16+$0x1C10];
	v2 =	vsel vm0, $0x0, v3  }
0x508: {  	v2 =	vmul.f32 v2, v4;
	_ =	sdelay $0x1  }
0x509: {  	v2 =	vmul.f32 v5, v2;
	_ =	sdelay $0x1  }
0x50a: {  	[tilespmem:s16+$0xA400] =	vst v2;
	v2 =	vld [tilespmem:s16+$0x3810]  }
0x50b: {  	v3 =	vld.idx.msk [tilespmem:v6+s9+$0x0], $0xffff  }
0x50c: {  	v5 =	vld [tilespmem:s16+$0x20]  }
0x50d: {  	v4 =	vld.idx.msk [tilespmem:v1+s9+$0x0], $0xffff  }
0x50e: {  	vm9 =	veq.s32 v6, v1  }
0x50f: {  	v1 =	vld [tilespmem:s16+$0x1C20];
	v2 =	vsel vm9, $0x0, v2  }
0x510: {  	v2 =	vmul.f32 v2, v3;
	_ =	sdelay $0x1  }
0x511: {  	v2 =	vmul.f32 v4, v2;
	_ =	sdelay $0x1  }
0x512: {  	[tilespmem:s16+$0xA410] =	vst v2;
	v2 =	vld [tilespmem:s16+$0x3820]  }
0x513: {  	v3 =	vld.idx.msk [tilespmem:v5+s9+$0x0], $0xffff  }
0x514: {  	v6 =	vld [tilespmem:s16+$0x30]  }
0x515: {  	v4 =	vld.idx.msk [tilespmem:v1+s9+$0x0], $0xffff  }
0x516: {  	vm10 =	veq.s32 v5, v1  }
0x517: {  	v1 =	vld [tilespmem:s16+$0x1C30];
	v2 =	vsel vm10, $0x0, v2  }
0x518: {  	v2 =	vmul.f32 v2, v3;
	_ =	sdelay $0x1  }
0x519: {  	v2 =	vmul.f32 v4, v2;
	_ =	sdelay $0x1  }
0x51a: {  	[tilespmem:s16+$0xA420] =	vst v2;
	v2 =	vld [tilespmem:s16+$0x3830]  }
0x51b: {  	v3 =	vld.idx.msk [tilespmem:v6+s9+$0x0], $0xffff  }
0x51c: {  	v5 =	vld [tilespmem:s16+$0x40]  }
0x51d: {  	v4 =	vld.idx.msk [tilespmem:v1+s9+$0x0], $0xffff  }
0x51e: {  	vm11 =	veq.s32 v6, v1  }
0x51f: {  	v1 =	vld [tilespmem:s16+$0x1C40];
	v2 =	vsel vm11, $0x0, v2  }
0x520: {  	v2 =	vmul.f32 v2, v3;
	_ =	sdelay $0x1  }
0x521: {  	v2 =	vmul.f32 v4, v2;
	_ =	sdelay $0x1  }
0x522: {  	[tilespmem:s16+$0xA430] =	vst v2;
	v2 =	vld [tilespmem:s16+$0x3840]  }
0x523: {  	v3 =	vld.idx.msk [tilespmem:v5+s9+$0x0], $0xffff  }
0x524: {  	v6 =	vld [tilespmem:s16+$0x50]  }
0x525: {  	v4 =	vld.idx.msk [tilespmem:v1+s9+$0x0], $0xffff  }
0x526: {  	vm12 =	veq.s32 v5, v1  }
0x527: {  	v1 =	vld [tilespmem:s16+$0x1C50];
	v2 =	vsel vm12, $0x0, v2  }
0x528: {  	v2 =	vmul.f32 v2, v3;
	_ =	sdelay $0x1  }
0x529: {  	v2 =	vmul.f32 v4, v2;
	_ =	sdelay $0x1  }
0x52a: {  	[tilespmem:s16+$0xA440] =	vst v2;
	v2 =	vld [tilespmem:s16+$0x3850]  }
0x52b: {  	v3 =	vld.idx.msk [tilespmem:v6+s9+$0x0], $0xffff  }
0x52c: {  	v5 =	vld [tilespmem:s16+$0x60]  }
0x52d: {  	v4 =	vld.idx.msk [tilespmem:v1+s9+$0x0], $0xffff  }
0x52e: {  	vm13 =	veq.s32 v6, v1  }
0x52f: {  	v1 =	vld [tilespmem:s16+$0x1C60];
	v2 =	vsel vm13, $0x0, v2  }
0x530: {  	v2 =	vmul.f32 v2, v3;
	_ =	sdelay $0x1  }
0x531: {  	v2 =	vmul.f32 v4, v2;
	_ =	sdelay $0x1  }
0x532: {  	[tilespmem:s16+$0xA450] =	vst v2;
	v2 =	vld [tilespmem:s16+$0x3860]  }
0x533: {  	v3 =	vld.idx.msk [tilespmem:v5+s9+$0x0], $0xffff  }
0x534: {  	v6 =	vld [tilespmem:s16+$0x70]  }
0x535: {  	v4 =	vld.idx.msk [tilespmem:v1+s9+$0x0], $0xffff  }
0x536: {  	vm14 =	veq.s32 v5, v1  }
0x537: {  	v1 =	vsel vm14, $0x0, v2;
	v2 =	vld [tilespmem:s16+$0x1C70]  }
0x538: {  	v1 =	vmul.f32 v1, v3;
	_ =	sdelay $0x1  }
0x539: {  	v1 =	vmul.f32 v4, v1;
	_ =	sdelay $0x1  }
0x53a: {  	[tilespmem:s16+$0xA460] =	vst v1;
	v1 =	vld [tilespmem:s16+$0x3870]  }
0x53b: {  	v3 =	vld.idx.msk [tilespmem:v6+s9+$0x0], $0xffff;
	_ =	sdelay $0x1  }
0x53c: {  	v4 =	vld.idx.msk [tilespmem:v2+s9+$0x0], $0xffff  }
0x53d: {  	vm15 =	veq.s32 v6, v2  }
0x53e: {  	v1 =	vsel vm15, $0x0, v1  }
0x53f: {  	v1 =	vmul.f32 v1, v3;
	_ =	sdelay $0x1  }
0x540: {  	v1 =	vmul.f32 v4, v1;
	_ =	sdelay $0x1  }
0x541: {  	s4 =	sadd.s32 $0x0, s14;
	[tilespmem:s16+$0xA470] =	vst v1  }
0x542: {  	v1 =	vmov s4;
	_ =	swait.ge [sflag:s28], $0x2000  }
0x543: {  	[sflag:s28] =	ssyncset.done $0x0  }
0x544: {  	s17 =	simm.s32 $0xDC20;
	[sflag:s28] =	ssyncadd.s32 $0xFFFFE000  }
0x545: {  	v3 =	vld [tilespmem:s17+$0xFFFFFFF0]  }
0x546: {  	v4 =	vld [tilespmem:s17+$0x10]  }
0x547: {  	v6 =	vld.idx.msk [tilespmem:v1+s13+$0x0], $0xffff  }
0x548: {  	v1 =	vld [tilespmem:s17+$0xFFFFFFE0]  }
0x549: {  	v7 =	vld [tilespmem:s17+$0x0];
	_ =	sdelay $0x3  }
0x54a: {  	s5 =	sadd.s32 $0x1, s14;
	v2 =	vmul.f32 v1, v6;
	v5 =	vmul.f32 v4, v6  }
0x54b: {  	s16 =	sadd.s32 $0x1C00, s16;
	s4 =	simm.s32 $0x2;
	v1 =	vmov s5;
	v4 =	vmul.f32 v3, v6;
	v3 =	vmul.f32 v7, v6;
	s5 =	simm.s32 $0xDC20  }
.LBB2_57:
0x54c: {  	p1 =	sne.s32 s4, $0x7F  }
0x54d: {  	[tilespmem:s17+$0x10] =	vst v5;
	s5 =	sadd.s32 $0x40, s5;
	s7 =	smov.u32 s4;
	s4 =	sadd.s32 $0x1, s4  }
0x54e: {  	[tilespmem:s17+$0xFFFFFFE0] =	vst v2  }
0x54f: {  	v6 =	vld [tilespmem:s5+$0xFFFFFFF0];
	[tilespmem:s17+$0xFFFFFFF0] =	vst v4  }
0x550: {  	v4 =	vld [tilespmem:s5+$0x10];
	[tilespmem:s17+$0x0] =	vst v3;
	s17 =	smov.u32 s5  }
0x551: {  	v3 =	vld.idx.msk [tilespmem:v1+s13+$0x0], $0xffff  }
0x552: {  	v1 =	vld [tilespmem:s5+$0xFFFFFFE0]  }
0x553: {  	v7 =	vld [tilespmem:s5+$0x0]  }
.Ltmp29:
0x554: {  	(pc) =	sbr.rel @p1 .LBB2_57-.Ltmp29, $3  }
0x555: {  	_ =	sdelay $0x1  }
0x556: {  	s7 =	sadd.s32 s7, s14;
	v5 =	vmul.f32 v4, v3;
	v2 =	vmul.f32 v1, v3  }
0x557: {  	v4 =	vmul.f32 v6, v3;
	v1 =	vmov s7;
	v3 =	vmul.f32 v7, v3  }
0x558: {  	[tilespmem:s17+$0x10] =	vst v5  }
0x559: {  	s4 =	sadd.s32 $0x40, s5;
	[tilespmem:s17+$0xFFFFFFE0] =	vst v2  }
0x55a: {  	v2 =	vld [tilespmem:s4+$0xFFFFFFF0];
	[tilespmem:s17+$0xFFFFFFF0] =	vst v4  }
0x55b: {  	v4 =	vld [tilespmem:s4+$0x10];
	[tilespmem:s17+$0x0] =	vst v3  }
0x55c: {  	v1 =	vld.idx.msk [tilespmem:v1+s13+$0x0], $0xffff  }
0x55d: {  	v3 =	vld [tilespmem:s4+$0xFFFFFFE0];
	_ =	sdelay $0x1  }
0x55e: {  	v5 =	vld [tilespmem:s4+$0x0];
	_ =	sdelay $0x1  }
0x55f: {  	v4 =	vmul.f32 v4, v1  }
0x560: {  	v3 =	vmul.f32 v3, v1  }
0x561: {  	v2 =	vmul.f32 v2, v1;
	[tilespmem:s4+$0x10] =	vst v4  }
0x562: {  	s15 =	sadd.s32 $0x1, s15;
	v1 =	vmul.f32 v5, v1;
	[tilespmem:s4+$0xFFFFFFE0] =	vst v3  }
0x563: {  	p1 =	sne.s32 s15, s1;
	[tilespmem:s4+$0xFFFFFFF0] =	vst v2  }
.Ltmp30:
0x564: {  	[tilespmem:s4+$0x0] =	vst v1;
	(pc) =	sbr.rel @p1 .LBB2_56-.Ltmp30, $4  }
0x565: {  	[spmem:s22] =	stream.indirect.scatter.add.f32 [tilespmem:s10], [sflag:$0x2], $0x40, s16, s29, $0xb8;
	[tilespmem:$0x1CB80] =	vst v63  }
0x566: {  	_ =	swait.ge [sflag:s11], $0x2000  }
0x567: {  	[sflag:s11] =	ssyncset.done $0x0  }
0x568: {  	s14 =	sadd.s32 $0x80, s14;
	[sflag:s11] =	ssyncadd.s32 $0xFFFFE000  }
0x569: {  	s14 =	simm.s32 $0x0;
	s4 =	rddreg [dreg:$0x13]  }
0x56a: {  	[tilespmem:s14], [sflag:$0x2] =	stream.linear.gather [hbm4b:s4+s14], $0x1C00, $0x38;
	[tilespmem:$0x1CB80] =	vst v63  }
0x56b: {  	_ =	swait.ge [sflag:s11], $0x1C00  }
0x56c: {  	[sflag:s11] =	ssyncset.done $0x0  }
0x56d: {  	s15 =	simm.s32 $0x1C00;
	s16 =	rddreg [dreg:$0x14];
	[sflag:s11] =	ssyncadd.s32 $0xFFFFE400  }
0x56e: {  	[tilespmem:s15], [sflag:$0x2] =	stream.linear.gather [hbm4b:s16+s14], $0x1C00, $0x38;
	[tilespmem:$0x1CB80] =	vst v63  }
0x56f: {  	_ =	swait.ge [sflag:s11], $0x1C00  }
0x570: {  	[sflag:s11] =	ssyncset.done $0x0  }
.Ltmp31:
0x571: {  	s17 =	rddreg [dreg:$0x15];
	[sflag:s11] =	ssyncadd.s32 $0xFFFFE400;
	(pc) =	sbr.rel @p0 .LBB2_63-.Ltmp31, $4  }
0x572: {  	[tilespmem:s31], [sflag:$0x2] =	stream.linear.gather [hbm4b:s17+s14], $0x1C00, $0x38;
	[tilespmem:$0x1CB80] =	vst v63  }
0x573: {  	_ =	swait.ge [sflag:s11], $0x1C00  }
0x574: {  	[sflag:s11] =	ssyncset.done $0x0  }
0x575: {  	[sflag:s11] =	ssyncadd.s32 $0xFFFFE400  }
.LBB2_60:
0x576: {  	s16 =	sshll.u32 s14, $0x7  }
0x577: {  	[tilespmem:s10], [sflag:$0x1] =	stream.indirect.gather [hbm4b:s25+s29], $0x40, s16, s29, $0xb8;
	[tilespmem:$0x1CB80] =	vst v63  }
0x578: {  	v1 =	vld [tilespmem:s16+$0x0];
	_ =	sdelay $0x1  }
0x579: {  	v2 =	vld [tilespmem:s16+$0x1C00];
	_ =	sdelay $0x4  }
0x57a: {  	v3 =	vld [tilespmem:s16+$0x3800]  }
0x57b: {  	v4 =	vld.idx.msk [tilespmem:v1+s9+$0x0], $0xffff  }
0x57c: {  	v6 =	vld [tilespmem:s16+$0x10]  }
0x57d: {  	v5 =	vld.idx.msk [tilespmem:v2+s9+$0x0], $0xffff  }
0x57e: {  	vm0 =	veq.s32 v1, v2  }
0x57f: {  	v1 =	vld [tilespmem:s16+$0x1C10];
	v2 =	vsel vm0, $0x0, v3  }
0x580: {  	v2 =	vmul.f32 v2, v4;
	_ =	sdelay $0x1  }
0x581: {  	v2 =	vmul.f32 v5, v2;
	_ =	sdelay $0x1  }
0x582: {  	[tilespmem:s16+$0xC000] =	vst v2;
	v2 =	vld [tilespmem:s16+$0x3810]  }
0x583: {  	v3 =	vld.idx.msk [tilespmem:v6+s9+$0x0], $0xffff  }
0x584: {  	v5 =	vld [tilespmem:s16+$0x20]  }
0x585: {  	v4 =	vld.idx.msk [tilespmem:v1+s9+$0x0], $0xffff  }
0x586: {  	vm9 =	veq.s32 v6, v1  }
0x587: {  	v1 =	vld [tilespmem:s16+$0x1C20];
	v2 =	vsel vm9, $0x0, v2  }
0x588: {  	v2 =	vmul.f32 v2, v3;
	_ =	sdelay $0x1  }
0x589: {  	v2 =	vmul.f32 v4, v2;
	_ =	sdelay $0x1  }
0x58a: {  	[tilespmem:s16+$0xC010] =	vst v2;
	v2 =	vld [tilespmem:s16+$0x3820]  }
0x58b: {  	v3 =	vld.idx.msk [tilespmem:v5+s9+$0x0], $0xffff  }
0x58c: {  	v6 =	vld [tilespmem:s16+$0x30]  }
0x58d: {  	v4 =	vld.idx.msk [tilespmem:v1+s9+$0x0], $0xffff  }
0x58e: {  	vm10 =	veq.s32 v5, v1  }
0x58f: {  	v1 =	vld [tilespmem:s16+$0x1C30];
	v2 =	vsel vm10, $0x0, v2  }
0x590: {  	v2 =	vmul.f32 v2, v3;
	_ =	sdelay $0x1  }
0x591: {  	v2 =	vmul.f32 v4, v2;
	_ =	sdelay $0x1  }
0x592: {  	[tilespmem:s16+$0xC020] =	vst v2;
	v2 =	vld [tilespmem:s16+$0x3830]  }
0x593: {  	v3 =	vld.idx.msk [tilespmem:v6+s9+$0x0], $0xffff  }
0x594: {  	v5 =	vld [tilespmem:s16+$0x40]  }
0x595: {  	v4 =	vld.idx.msk [tilespmem:v1+s9+$0x0], $0xffff  }
0x596: {  	vm11 =	veq.s32 v6, v1  }
0x597: {  	v1 =	vld [tilespmem:s16+$0x1C40];
	v2 =	vsel vm11, $0x0, v2  }
0x598: {  	v2 =	vmul.f32 v2, v3;
	_ =	sdelay $0x1  }
0x599: {  	v2 =	vmul.f32 v4, v2;
	_ =	sdelay $0x1  }
0x59a: {  	[tilespmem:s16+$0xC030] =	vst v2;
	v2 =	vld [tilespmem:s16+$0x3840]  }
0x59b: {  	v3 =	vld.idx.msk [tilespmem:v5+s9+$0x0], $0xffff  }
0x59c: {  	v6 =	vld [tilespmem:s16+$0x50]  }
0x59d: {  	v4 =	vld.idx.msk [tilespmem:v1+s9+$0x0], $0xffff  }
0x59e: {  	vm12 =	veq.s32 v5, v1  }
0x59f: {  	v1 =	vld [tilespmem:s16+$0x1C50];
	v2 =	vsel vm12, $0x0, v2  }
0x5a0: {  	v2 =	vmul.f32 v2, v3;
	_ =	sdelay $0x1  }
0x5a1: {  	v2 =	vmul.f32 v4, v2;
	_ =	sdelay $0x1  }
0x5a2: {  	[tilespmem:s16+$0xC040] =	vst v2;
	v2 =	vld [tilespmem:s16+$0x3850]  }
0x5a3: {  	v3 =	vld.idx.msk [tilespmem:v6+s9+$0x0], $0xffff  }
0x5a4: {  	v5 =	vld [tilespmem:s16+$0x60]  }
0x5a5: {  	v4 =	vld.idx.msk [tilespmem:v1+s9+$0x0], $0xffff  }
0x5a6: {  	vm13 =	veq.s32 v6, v1  }
0x5a7: {  	v1 =	vld [tilespmem:s16+$0x1C60];
	v2 =	vsel vm13, $0x0, v2  }
0x5a8: {  	v2 =	vmul.f32 v2, v3;
	_ =	sdelay $0x1  }
0x5a9: {  	v2 =	vmul.f32 v4, v2;
	_ =	sdelay $0x1  }
0x5aa: {  	[tilespmem:s16+$0xC050] =	vst v2;
	v2 =	vld [tilespmem:s16+$0x3860]  }
0x5ab: {  	v3 =	vld.idx.msk [tilespmem:v5+s9+$0x0], $0xffff  }
0x5ac: {  	v6 =	vld [tilespmem:s16+$0x70]  }
0x5ad: {  	v4 =	vld.idx.msk [tilespmem:v1+s9+$0x0], $0xffff  }
0x5ae: {  	vm14 =	veq.s32 v5, v1  }
0x5af: {  	v1 =	vsel vm14, $0x0, v2;
	v2 =	vld [tilespmem:s16+$0x1C70]  }
0x5b0: {  	v1 =	vmul.f32 v1, v3;
	_ =	sdelay $0x1  }
0x5b1: {  	v1 =	vmul.f32 v4, v1;
	_ =	sdelay $0x1  }
0x5b2: {  	[tilespmem:s16+$0xC060] =	vst v1;
	v1 =	vld [tilespmem:s16+$0x3870]  }
0x5b3: {  	v3 =	vld.idx.msk [tilespmem:v6+s9+$0x0], $0xffff;
	_ =	sdelay $0x1  }
0x5b4: {  	v4 =	vld.idx.msk [tilespmem:v2+s9+$0x0], $0xffff  }
0x5b5: {  	vm15 =	veq.s32 v6, v2  }
0x5b6: {  	v1 =	vsel vm15, $0x0, v1  }
0x5b7: {  	v1 =	vmul.f32 v1, v3;
	_ =	sdelay $0x1  }
0x5b8: {  	v1 =	vmul.f32 v4, v1;
	_ =	sdelay $0x1  }
0x5b9: {  	s4 =	sadd.s32 $0x0, s15;
	[tilespmem:s16+$0xC070] =	vst v1  }
0x5ba: {  	v1 =	vmov s4;
	_ =	swait.ge [sflag:s28], $0x2000  }
0x5bb: {  	[sflag:s28] =	ssyncset.done $0x0  }
0x5bc: {  	s17 =	simm.s32 $0xDC20;
	[sflag:s28] =	ssyncadd.s32 $0xFFFFE000  }
0x5bd: {  	v3 =	vld [tilespmem:s17+$0xFFFFFFF0]  }
0x5be: {  	v4 =	vld [tilespmem:s17+$0x10]  }
0x5bf: {  	v6 =	vld.idx.msk [tilespmem:v1+s13+$0x0], $0xffff  }
0x5c0: {  	v1 =	vld [tilespmem:s17+$0xFFFFFFE0]  }
0x5c1: {  	v7 =	vld [tilespmem:s17+$0x0];
	_ =	sdelay $0x3  }
0x5c2: {  	s5 =	sadd.s32 $0x1, s15;
	v2 =	vmul.f32 v1, v6;
	v5 =	vmul.f32 v4, v6  }
0x5c3: {  	s16 =	sadd.s32 $0x1C00, s16;
	s4 =	simm.s32 $0x2;
	v1 =	vmov s5;
	v4 =	vmul.f32 v3, v6;
	v3 =	vmul.f32 v7, v6;
	s5 =	simm.s32 $0xDC20  }
.LBB2_61:
0x5c4: {  	p1 =	sne.s32 s4, $0x7F  }
0x5c5: {  	[tilespmem:s17+$0x10] =	vst v5;
	s5 =	sadd.s32 $0x40, s5;
	s7 =	smov.u32 s4;
	s4 =	sadd.s32 $0x1, s4  }
0x5c6: {  	[tilespmem:s17+$0xFFFFFFE0] =	vst v2  }
0x5c7: {  	v6 =	vld [tilespmem:s5+$0xFFFFFFF0];
	[tilespmem:s17+$0xFFFFFFF0] =	vst v4  }
0x5c8: {  	v4 =	vld [tilespmem:s5+$0x10];
	[tilespmem:s17+$0x0] =	vst v3;
	s17 =	smov.u32 s5  }
0x5c9: {  	v3 =	vld.idx.msk [tilespmem:v1+s13+$0x0], $0xffff  }
0x5ca: {  	v1 =	vld [tilespmem:s5+$0xFFFFFFE0]  }
0x5cb: {  	v7 =	vld [tilespmem:s5+$0x0]  }
.Ltmp32:
0x5cc: {  	(pc) =	sbr.rel @p1 .LBB2_61-.Ltmp32, $3  }
0x5cd: {  	_ =	sdelay $0x1  }
0x5ce: {  	s7 =	sadd.s32 s7, s15;
	v5 =	vmul.f32 v4, v3;
	v2 =	vmul.f32 v1, v3  }
0x5cf: {  	v4 =	vmul.f32 v6, v3;
	v1 =	vmov s7;
	v3 =	vmul.f32 v7, v3  }
0x5d0: {  	[tilespmem:s17+$0x10] =	vst v5  }
0x5d1: {  	s4 =	sadd.s32 $0x40, s5;
	[tilespmem:s17+$0xFFFFFFE0] =	vst v2  }
0x5d2: {  	v2 =	vld [tilespmem:s4+$0xFFFFFFF0];
	[tilespmem:s17+$0xFFFFFFF0] =	vst v4  }
0x5d3: {  	v4 =	vld [tilespmem:s4+$0x10];
	[tilespmem:s17+$0x0] =	vst v3  }
0x5d4: {  	v1 =	vld.idx.msk [tilespmem:v1+s13+$0x0], $0xffff  }
0x5d5: {  	v3 =	vld [tilespmem:s4+$0xFFFFFFE0];
	_ =	sdelay $0x1  }
0x5d6: {  	v5 =	vld [tilespmem:s4+$0x0];
	_ =	sdelay $0x1  }
0x5d7: {  	v4 =	vmul.f32 v4, v1  }
0x5d8: {  	v3 =	vmul.f32 v3, v1  }
0x5d9: {  	v2 =	vmul.f32 v2, v1;
	[tilespmem:s4+$0x10] =	vst v4  }
0x5da: {  	s14 =	sadd.s32 $0x1, s14;
	v1 =	vmul.f32 v5, v1;
	[tilespmem:s4+$0xFFFFFFE0] =	vst v3  }
0x5db: {  	p1 =	sne.s32 s14, s2;
	[tilespmem:s4+$0xFFFFFFF0] =	vst v2  }
.Ltmp33:
0x5dc: {  	[tilespmem:s4+$0x0] =	vst v1;
	(pc) =	sbr.rel @p1 .LBB2_60-.Ltmp33, $4  }
0x5dd: {  	[spmem:s22] =	stream.indirect.scatter.add.f32 [tilespmem:s10], [sflag:$0x2], $0x40, s16, s29, $0xb8;
	[tilespmem:$0x1CB80] =	vst v63  }
0x5de: {  	_ =	swait.ge [sflag:s11], $0x2000  }
0x5df: {  	[sflag:s11] =	ssyncset.done $0x0  }
0x5e0: {  	s15 =	sadd.s32 $0x80, s15;
	[sflag:s11] =	ssyncadd.s32 $0xFFFFE000  }
.LBB2_63:
0x5e1: {  	[bflag:$0x0] =	sbarrier.arrive $0xFFFF  }
0x5e2: {  	s4 =	stileid.u32;
	s16 =	sld [smem:$0x7EA]  }
0x5e3: {  	s4 =	sshll.u32 s4, $0x6  }
0x5e4: {  	s15 =	sshrl.u32 s24, $0x3;
	s14 =	sor.u32 $0x1C02, s4  }
0x5e5: {  	[hbm:s16], [sflag:s14] =	dma.local [spmem:s15], $0x1400  }
0x5e6: {  	_ =	swait.ge [sflag:s11], $0x1400  }
0x5e7: {  	[sflag:s11] =	ssyncset.done $0x0  }
0x5e8: {  	[sflag:s11] =	ssyncadd.s32 $0xFFFFEC00  }
0x5e9: {  	[bflag:$0x0] =	sbarrier.arrive $0xFFFF  }
0x5ea: {  	s31 =	sld [smem:$0x7FD]  }
0x5eb: {  	s17 =	sadd.s32 $0x0, s23  }
0x5ec: {  	s5 =	simm.s32 $0x0;
	v1 =	vmov s17  }
0x5ed: {  	[tilespmem:s10], [sflag:$0x2] =	stream.linear.gather [hbm4b:s31+s5], $0x2000, $0x38;
	[tilespmem:$0x1CB80] =	vst v63  }
0x5ee: {  	_ =	swait.ge [sflag:s11], $0x2000  }
0x5ef: {  	[sflag:s11] =	ssyncset.done $0x0  }
0x5f0: {  	[sflag:s11] =	ssyncadd.s32 $0xFFFFE000  }
0x5f1: {  	v1 =	vld.idx.msk [tilespmem:v1+s9+$0x0], $0xffff;
	_ =	sdelay $0x2  }
0x5f2: {  	s16 =	simm.s32 $0xDC20  }
0x5f3: {  	v4 =	vld [tilespmem:s16+$0xFFFFFFF0]  }
0x5f4: {  	v5 =	vld [tilespmem:s16+$0xFFFFFFE0];
	v1 =	vmul.f32 v1, v1  }
0x5f5: {  	v3 =	vld [tilespmem:s16+$0x0]  }
0x5f6: {  	v2 =	vmul.f32 $5.000000000e-01, v1;
	v1 =	vld [tilespmem:s16+$0x10];
	_ =	sdelay $0x3  }
0x5f7: {  	s4 =	simm.s32 $0x2;
	s5 =	sadd.s32 $0x1, s23;
	v5 =	vmul.f32 v2, v5;
	v4 =	vmul.f32 v4, v2  }
.LBB2_64:
0x5f8: {  	p1 =	sne.s32 s4, $0x7F;
	v6 =	vmov s5;
	v3 =	vmul.f32 v3, v2;
	v1 =	vmul.f32 v1, v2  }
0x5f9: {  	[tilespmem:s16+$0xFFFFFFE0] =	vst v5  }
0x5fa: {  	[tilespmem:s16+$0xFFFFFFF0] =	vst v4  }
0x5fb: {  	[tilespmem:s16+$0x0] =	vst v3  }
0x5fc: {  	[tilespmem:s16+$0x10] =	vst v1  }
0x5fd: {  	v2 =	vld.idx.msk [tilespmem:v6+s9+$0x0], $0xffff;
	_ =	sdelay $0x1  }
0x5fe: {  	s16 =	sadd.s32 $0x40, s16  }
0x5ff: {  	v4 =	vld [tilespmem:s16+$0xFFFFFFF0]  }
0x600: {  	v1 =	vld [tilespmem:s16+$0x10]  }
0x601: {  	v5 =	vld [tilespmem:s16+$0xFFFFFFE0]  }
.Ltmp34:
0x602: {  	v2 =	vmul.f32 v2, v2;
	v3 =	vld [tilespmem:s16+$0x0];
	(pc) =	sbr.rel @p1 .LBB2_64-.Ltmp34, $3  }
0x603: {  	_ = 	snop  }
0x604: {  	v2 =	vmul.f32 $5.000000000e-01, v2;
	_ =	sdelay $0x1  }
0x605: {  	s5 =	sadd.s32 s4, s23;
	s4 =	sadd.s32 $0x1, s4;
	v4 =	vmul.f32 v4, v2;
	v5 =	vmul.f32 v2, v5  }
0x606: {  	v6 =	vmov s5  }
0x607: {  	v3 =	vmul.f32 v3, v2;
	[tilespmem:s16+$0xFFFFFFE0] =	vst v5  }
0x608: {  	v1 =	vmul.f32 v1, v2;
	[tilespmem:s16+$0xFFFFFFF0] =	vst v4  }
0x609: {  	[tilespmem:s16+$0x0] =	vst v3  }
0x60a: {  	[tilespmem:s16+$0x10] =	vst v1  }
0x60b: {  	v1 =	vld.idx.msk [tilespmem:v6+s9+$0x0], $0xffff;
	_ =	sdelay $0x2  }
0x60c: {  	s4 =	sadd.s32 $0x40, s16  }
0x60d: {  	v2 =	vld [tilespmem:s4+$0xFFFFFFE0]  }
0x60e: {  	v3 =	vld [tilespmem:s4+$0xFFFFFFF0];
	v1 =	vmul.f32 v1, v1  }
0x60f: {  	v4 =	vld [tilespmem:s4+$0x0]  }
0x610: {  	v5 =	vld [tilespmem:s4+$0x10];
	v1 =	vmul.f32 $5.000000000e-01, v1;
	_ =	sdelay $0x1  }
0x611: {  	v2 =	vmul.f32 v1, v2  }
0x612: {  	v3 =	vmul.f32 v3, v1  }
0x613: {  	v4 =	vmul.f32 v4, v1;
	[tilespmem:s4+$0xFFFFFFE0] =	vst v2  }
0x614: {  	v1 =	vmul.f32 v5, v1;
	[tilespmem:s4+$0xFFFFFFF0] =	vst v3  }
0x615: {  	[tilespmem:s4+$0x0] =	vst v4  }
0x616: {  	[tilespmem:s4+$0x10] =	vst v1  }
0x617: {  	[spmem:s24] =	stream.linear.scatter [tilespmem:s10], [sflag:$0x2], $0x2000, $0x38;
	[tilespmem:$0x1CB80] =	vst v63  }
0x618: {  	_ =	swait.ge [sflag:s11], $0x2000  }
0x619: {  	s16 =	sadd.s32 $0x0, s26;
	[sflag:s11] =	ssyncset.done $0x0  }
0x61a: {  	s17 =	simm.s32 $0x0;
	v1 =	vmov s16;
	s31 =	rddreg [dreg:$0x1e];
	[sflag:s11] =	ssyncadd.s32 $0xFFFFE000  }
0x61b: {  	[tilespmem:s10], [sflag:$0x2] =	stream.linear.gather [hbm4b:s31+s17], $0x2000, $0x38;
	[tilespmem:$0x1CB80] =	vst v63  }
0x61c: {  	_ =	swait.ge [sflag:s11], $0x2000  }
0x61d: {  	[sflag:s11] =	ssyncset.done $0x0  }
0x61e: {  	[sflag:s11] =	ssyncadd.s32 $0xFFFFE000  }
0x61f: {  	v1 =	vld.idx.msk [tilespmem:v1+s9+$0x0], $0xffff;
	_ =	sdelay $0x2  }
0x620: {  	s16 =	simm.s32 $0xDC20  }
0x621: {  	v4 =	vld [tilespmem:s16+$0xFFFFFFF0]  }
0x622: {  	v5 =	vld [tilespmem:s16+$0xFFFFFFE0];
	v1 =	vmul.f32 v1, v1  }
0x623: {  	v3 =	vld [tilespmem:s16+$0x0]  }
0x624: {  	v2 =	vmul.f32 $5.000000000e-01, v1;
	v1 =	vld [tilespmem:s16+$0x10];
	_ =	sdelay $0x3  }
0x625: {  	s5 =	sadd.s32 $0x1, s26;
	s4 =	simm.s32 $0x2;
	v5 =	vmul.f32 v2, v5;
	v4 =	vmul.f32 v4, v2  }
.LBB2_66:
0x626: {  	p1 =	sne.s32 s4, $0x7F;
	v6 =	vmov s5;
	v3 =	vmul.f32 v3, v2;
	v1 =	vmul.f32 v1, v2  }
0x627: {  	[tilespmem:s16+$0xFFFFFFE0] =	vst v5  }
0x628: {  	[tilespmem:s16+$0xFFFFFFF0] =	vst v4  }
0x629: {  	[tilespmem:s16+$0x0] =	vst v3  }
0x62a: {  	[tilespmem:s16+$0x10] =	vst v1  }
0x62b: {  	v2 =	vld.idx.msk [tilespmem:v6+s9+$0x0], $0xffff;
	_ =	sdelay $0x1  }
0x62c: {  	s16 =	sadd.s32 $0x40, s16  }
0x62d: {  	v4 =	vld [tilespmem:s16+$0xFFFFFFF0]  }
0x62e: {  	v1 =	vld [tilespmem:s16+$0x10]  }
0x62f: {  	v5 =	vld [tilespmem:s16+$0xFFFFFFE0]  }
.Ltmp35:
0x630: {  	v2 =	vmul.f32 v2, v2;
	v3 =	vld [tilespmem:s16+$0x0];
	(pc) =	sbr.rel @p1 .LBB2_66-.Ltmp35, $3  }
0x631: {  	_ = 	snop  }
0x632: {  	v2 =	vmul.f32 $5.000000000e-01, v2;
	_ =	sdelay $0x1  }
0x633: {  	s5 =	sadd.s32 s4, s26;
	s4 =	sadd.s32 $0x1, s4;
	v4 =	vmul.f32 v4, v2;
	v5 =	vmul.f32 v2, v5  }
0x634: {  	v6 =	vmov s5  }
0x635: {  	v3 =	vmul.f32 v3, v2;
	[tilespmem:s16+$0xFFFFFFE0] =	vst v5  }
0x636: {  	v1 =	vmul.f32 v1, v2;
	[tilespmem:s16+$0xFFFFFFF0] =	vst v4  }
0x637: {  	[tilespmem:s16+$0x0] =	vst v3  }
0x638: {  	[tilespmem:s16+$0x10] =	vst v1  }
0x639: {  	v1 =	vld.idx.msk [tilespmem:v6+s9+$0x0], $0xffff;
	_ =	sdelay $0x2  }
0x63a: {  	s4 =	sadd.s32 $0x40, s16  }
0x63b: {  	v2 =	vld [tilespmem:s4+$0xFFFFFFE0]  }
0x63c: {  	v3 =	vld [tilespmem:s4+$0xFFFFFFF0];
	v1 =	vmul.f32 v1, v1  }
0x63d: {  	v4 =	vld [tilespmem:s4+$0x0]  }
0x63e: {  	v5 =	vld [tilespmem:s4+$0x10];
	v1 =	vmul.f32 $5.000000000e-01, v1;
	_ =	sdelay $0x1  }
0x63f: {  	v2 =	vmul.f32 v1, v2  }
0x640: {  	v3 =	vmul.f32 v3, v1  }
0x641: {  	v4 =	vmul.f32 v4, v1;
	[tilespmem:s4+$0xFFFFFFE0] =	vst v2  }
0x642: {  	v1 =	vmul.f32 v5, v1;
	[tilespmem:s4+$0xFFFFFFF0] =	vst v3  }
0x643: {  	[tilespmem:s4+$0x0] =	vst v4  }
0x644: {  	[tilespmem:s4+$0x10] =	vst v1  }
0x645: {  	[spmem:s30] =	stream.linear.scatter [tilespmem:s10], [sflag:$0x2], $0x2000, $0x38;
	[tilespmem:$0x1CB80] =	vst v63  }
0x646: {  	_ =	swait.ge [sflag:s11], $0x2000  }
0x647: {  	s31 =	sld [smem:$0x7E7]  }
0x648: {  	s16 =	sadd.s32 $0x0, s21;
	[sflag:s11] =	ssyncset.done $0x0  }
0x649: {  	s17 =	simm.s32 $0x0;
	v1 =	vmov s16;
	[sflag:s11] =	ssyncadd.s32 $0xFFFFE000  }
0x64a: {  	[tilespmem:s10], [sflag:$0x2] =	stream.linear.gather [hbm4b:s31+s17], $0x2000, $0x38;
	[tilespmem:$0x1CB80] =	vst v63  }
0x64b: {  	_ =	swait.ge [sflag:s11], $0x2000  }
0x64c: {  	[sflag:s11] =	ssyncset.done $0x0  }
0x64d: {  	[sflag:s11] =	ssyncadd.s32 $0xFFFFE000  }
0x64e: {  	v1 =	vld.idx.msk [tilespmem:v1+s9+$0x0], $0xffff;
	_ =	sdelay $0x2  }
0x64f: {  	s16 =	simm.s32 $0xDC20  }
0x650: {  	v4 =	vld [tilespmem:s16+$0xFFFFFFF0]  }
0x651: {  	v5 =	vld [tilespmem:s16+$0xFFFFFFE0];
	v1 =	vmul.f32 v1, v1  }
0x652: {  	v3 =	vld [tilespmem:s16+$0x0]  }
0x653: {  	v2 =	vmul.f32 $5.000000000e-01, v1;
	v1 =	vld [tilespmem:s16+$0x10];
	_ =	sdelay $0x3  }
0x654: {  	s7 =	simm.s32 $0x1C00;
	s5 =	sadd.s32 $0x1, s21;
	s4 =	simm.s32 $0x2;
	v5 =	vmul.f32 v2, v5;
	v4 =	vmul.f32 v4, v2  }
.LBB2_68:
0x655: {  	p1 =	sne.s32 s4, $0x7F;
	v6 =	vmov s5;
	v3 =	vmul.f32 v3, v2;
	v1 =	vmul.f32 v1, v2  }
0x656: {  	[tilespmem:s16+$0xFFFFFFE0] =	vst v5  }
0x657: {  	[tilespmem:s16+$0xFFFFFFF0] =	vst v4  }
0x658: {  	[tilespmem:s16+$0x0] =	vst v3  }
0x659: {  	[tilespmem:s16+$0x10] =	vst v1  }
0x65a: {  	v2 =	vld.idx.msk [tilespmem:v6+s9+$0x0], $0xffff;
	_ =	sdelay $0x1  }
0x65b: {  	s16 =	sadd.s32 $0x40, s16  }
0x65c: {  	v4 =	vld [tilespmem:s16+$0xFFFFFFF0]  }
0x65d: {  	v1 =	vld [tilespmem:s16+$0x10]  }
0x65e: {  	v5 =	vld [tilespmem:s16+$0xFFFFFFE0]  }
.Ltmp36:
0x65f: {  	v2 =	vmul.f32 v2, v2;
	v3 =	vld [tilespmem:s16+$0x0];
	(pc) =	sbr.rel @p1 .LBB2_68-.Ltmp36, $3  }
0x660: {  	_ = 	snop  }
0x661: {  	v2 =	vmul.f32 $5.000000000e-01, v2;
	_ =	sdelay $0x1  }
0x662: {  	s5 =	sadd.s32 s4, s21;
	s4 =	sadd.s32 $0x1, s4;
	v4 =	vmul.f32 v4, v2;
	v5 =	vmul.f32 v2, v5  }
0x663: {  	v6 =	vmov s5  }
0x664: {  	v3 =	vmul.f32 v3, v2;
	[tilespmem:s16+$0xFFFFFFE0] =	vst v5  }
0x665: {  	v1 =	vmul.f32 v1, v2;
	[tilespmem:s16+$0xFFFFFFF0] =	vst v4  }
0x666: {  	[tilespmem:s16+$0x0] =	vst v3  }
0x667: {  	[tilespmem:s16+$0x10] =	vst v1  }
0x668: {  	v1 =	vld.idx.msk [tilespmem:v6+s9+$0x0], $0xffff;
	_ =	sdelay $0x2  }
0x669: {  	s4 =	sadd.s32 $0x40, s16  }
0x66a: {  	v2 =	vld [tilespmem:s4+$0xFFFFFFE0]  }
0x66b: {  	v3 =	vld [tilespmem:s4+$0xFFFFFFF0];
	v1 =	vmul.f32 v1, v1  }
0x66c: {  	v4 =	vld [tilespmem:s4+$0x0]  }
0x66d: {  	v5 =	vld [tilespmem:s4+$0x10];
	v1 =	vmul.f32 $5.000000000e-01, v1;
	_ =	sdelay $0x1  }
0x66e: {  	v2 =	vmul.f32 v1, v2  }
0x66f: {  	v3 =	vmul.f32 v3, v1  }
0x670: {  	v4 =	vmul.f32 v4, v1;
	[tilespmem:s4+$0xFFFFFFE0] =	vst v2  }
0x671: {  	v1 =	vmul.f32 v5, v1;
	[tilespmem:s4+$0xFFFFFFF0] =	vst v3  }
0x672: {  	[tilespmem:s4+$0x0] =	vst v4  }
0x673: {  	[tilespmem:s4+$0x10] =	vst v1  }
0x674: {  	[spmem:s20] =	stream.linear.scatter [tilespmem:s10], [sflag:$0x2], $0x2000, $0x38;
	[tilespmem:$0x1CB80] =	vst v63  }
0x675: {  	_ =	swait.ge [sflag:s11], $0x2000  }
0x676: {  	s31 =	sld [smem:$0x7E8]  }
0x677: {  	s17 =	sadd.s32 $0x0, s19;
	[sflag:s11] =	ssyncset.done $0x0  }
0x678: {  	s6 =	smov.u32 s20;
	v1 =	vmov s17;
	s20 =	simm.s32 $0x0;
	[sflag:s11] =	ssyncadd.s32 $0xFFFFE000  }
0x679: {  	[tilespmem:s10], [sflag:$0x2] =	stream.linear.gather [hbm4b:s31+s20], $0x2000, $0x38;
	[tilespmem:$0x1CB80] =	vst v63  }
0x67a: {  	_ =	swait.ge [sflag:s11], $0x2000  }
0x67b: {  	[sflag:s11] =	ssyncset.done $0x0  }
0x67c: {  	[sflag:s11] =	ssyncadd.s32 $0xFFFFE000  }
0x67d: {  	v1 =	vld.idx.msk [tilespmem:v1+s9+$0x0], $0xffff;
	_ =	sdelay $0x2  }
0x67e: {  	s16 =	simm.s32 $0xDC20  }
0x67f: {  	v4 =	vld [tilespmem:s16+$0xFFFFFFF0]  }
0x680: {  	v5 =	vld [tilespmem:s16+$0xFFFFFFE0];
	v1 =	vmul.f32 v1, v1  }
0x681: {  	v3 =	vld [tilespmem:s16+$0x0]  }
0x682: {  	v2 =	vmul.f32 $5.000000000e-01, v1;
	v1 =	vld [tilespmem:s16+$0x10];
	_ =	sdelay $0x3  }
0x683: {  	s5 =	sadd.s32 $0x1, s19;
	s4 =	simm.s32 $0x2;
	v5 =	vmul.f32 v2, v5;
	v4 =	vmul.f32 v4, v2  }
.LBB2_70:
0x684: {  	p1 =	sne.s32 s4, $0x7F;
	v6 =	vmov s5;
	v3 =	vmul.f32 v3, v2;
	v1 =	vmul.f32 v1, v2  }
0x685: {  	[tilespmem:s16+$0xFFFFFFE0] =	vst v5  }
0x686: {  	[tilespmem:s16+$0xFFFFFFF0] =	vst v4  }
0x687: {  	[tilespmem:s16+$0x0] =	vst v3  }
0x688: {  	[tilespmem:s16+$0x10] =	vst v1  }
0x689: {  	v2 =	vld.idx.msk [tilespmem:v6+s9+$0x0], $0xffff;
	_ =	sdelay $0x1  }
0x68a: {  	s16 =	sadd.s32 $0x40, s16  }
0x68b: {  	v4 =	vld [tilespmem:s16+$0xFFFFFFF0]  }
0x68c: {  	v1 =	vld [tilespmem:s16+$0x10]  }
0x68d: {  	v5 =	vld [tilespmem:s16+$0xFFFFFFE0]  }
.Ltmp37:
0x68e: {  	v2 =	vmul.f32 v2, v2;
	v3 =	vld [tilespmem:s16+$0x0];
	(pc) =	sbr.rel @p1 .LBB2_70-.Ltmp37, $3  }
0x68f: {  	_ = 	snop  }
0x690: {  	v2 =	vmul.f32 $5.000000000e-01, v2;
	_ =	sdelay $0x1  }
0x691: {  	s5 =	sadd.s32 s4, s19;
	s4 =	sadd.s32 $0x1, s4;
	v4 =	vmul.f32 v4, v2;
	v5 =	vmul.f32 v2, v5  }
0x692: {  	v6 =	vmov s5  }
0x693: {  	v3 =	vmul.f32 v3, v2;
	[tilespmem:s16+$0xFFFFFFE0] =	vst v5  }
0x694: {  	v1 =	vmul.f32 v1, v2;
	[tilespmem:s16+$0xFFFFFFF0] =	vst v4  }
0x695: {  	[tilespmem:s16+$0x0] =	vst v3  }
0x696: {  	[tilespmem:s16+$0x10] =	vst v1  }
0x697: {  	v1 =	vld.idx.msk [tilespmem:v6+s9+$0x0], $0xffff;
	_ =	sdelay $0x2  }
0x698: {  	s4 =	sadd.s32 $0x40, s16  }
0x699: {  	v2 =	vld [tilespmem:s4+$0xFFFFFFE0]  }
0x69a: {  	v3 =	vld [tilespmem:s4+$0xFFFFFFF0];
	v1 =	vmul.f32 v1, v1  }
0x69b: {  	v4 =	vld [tilespmem:s4+$0x0]  }
0x69c: {  	v5 =	vld [tilespmem:s4+$0x10];
	v1 =	vmul.f32 $5.000000000e-01, v1;
	_ =	sdelay $0x1  }
0x69d: {  	v2 =	vmul.f32 v1, v2  }
0x69e: {  	v3 =	vmul.f32 v3, v1  }
0x69f: {  	v4 =	vmul.f32 v4, v1;
	[tilespmem:s4+$0xFFFFFFE0] =	vst v2  }
0x6a0: {  	v1 =	vmul.f32 v5, v1;
	[tilespmem:s4+$0xFFFFFFF0] =	vst v3  }
0x6a1: {  	[tilespmem:s4+$0x0] =	vst v4  }
0x6a2: {  	s16 =	rddreg [dreg:$0x1f];
	[tilespmem:s4+$0x10] =	vst v1  }
0x6a3: {  	[spmem:s16] =	stream.linear.scatter [tilespmem:s10], [sflag:$0x2], $0x2000, $0x38;
	[tilespmem:$0x1CB80] =	vst v63  }
0x6a4: {  	_ =	swait.ge [sflag:s11], $0x2000  }
0x6a5: {  	s20 =	smov.u32 s30;
	s30 =	sld [smem:$0x7E9]  }
0x6a6: {  	s17 =	sadd.s32 $0x0, s0;
	[sflag:s11] =	ssyncset.done $0x0  }
0x6a7: {  	s31 =	smov.u32 s24;
	s24 =	simm.s32 $0x0;
	v1 =	vmov s17;
	[sflag:s11] =	ssyncadd.s32 $0xFFFFE000  }
0x6a8: {  	[tilespmem:s10], [sflag:$0x2] =	stream.linear.gather [hbm4b:s30+s24], $0x2000, $0x38;
	[tilespmem:$0x1CB80] =	vst v63  }
0x6a9: {  	_ =	swait.ge [sflag:s11], $0x2000  }
0x6aa: {  	[sflag:s11] =	ssyncset.done $0x0  }
0x6ab: {  	[sflag:s11] =	ssyncadd.s32 $0xFFFFE000  }
0x6ac: {  	v1 =	vld.idx.msk [tilespmem:v1+s9+$0x0], $0xffff;
	_ =	sdelay $0x2  }
0x6ad: {  	s16 =	simm.s32 $0xDC20  }
0x6ae: {  	v4 =	vld [tilespmem:s16+$0xFFFFFFF0]  }
0x6af: {  	v5 =	vld [tilespmem:s16+$0xFFFFFFE0];
	v1 =	vmul.f32 v1, v1  }
0x6b0: {  	v3 =	vld [tilespmem:s16+$0x0]  }
0x6b1: {  	v2 =	vmul.f32 $5.000000000e-01, v1;
	v1 =	vld [tilespmem:s16+$0x10];
	_ =	sdelay $0x3  }
0x6b2: {  	s5 =	sadd.s32 $0x1, s0;
	s4 =	simm.s32 $0x2;
	v5 =	vmul.f32 v2, v5;
	v4 =	vmul.f32 v4, v2  }
.LBB2_72:
0x6b3: {  	p1 =	sne.s32 s4, $0x7F;
	v6 =	vmov s5;
	v3 =	vmul.f32 v3, v2;
	v1 =	vmul.f32 v1, v2  }
0x6b4: {  	[tilespmem:s16+$0xFFFFFFE0] =	vst v5  }
0x6b5: {  	[tilespmem:s16+$0xFFFFFFF0] =	vst v4  }
0x6b6: {  	[tilespmem:s16+$0x0] =	vst v3  }
0x6b7: {  	[tilespmem:s16+$0x10] =	vst v1  }
0x6b8: {  	v2 =	vld.idx.msk [tilespmem:v6+s9+$0x0], $0xffff;
	_ =	sdelay $0x1  }
0x6b9: {  	s16 =	sadd.s32 $0x40, s16  }
0x6ba: {  	v4 =	vld [tilespmem:s16+$0xFFFFFFF0]  }
0x6bb: {  	v1 =	vld [tilespmem:s16+$0x10]  }
0x6bc: {  	v5 =	vld [tilespmem:s16+$0xFFFFFFE0]  }
.Ltmp38:
0x6bd: {  	v2 =	vmul.f32 v2, v2;
	v3 =	vld [tilespmem:s16+$0x0];
	(pc) =	sbr.rel @p1 .LBB2_72-.Ltmp38, $3  }
0x6be: {  	_ = 	snop  }
0x6bf: {  	v2 =	vmul.f32 $5.000000000e-01, v2;
	_ =	sdelay $0x1  }
0x6c0: {  	s5 =	sadd.s32 s4, s0;
	s4 =	sadd.s32 $0x1, s4;
	v4 =	vmul.f32 v4, v2;
	v5 =	vmul.f32 v2, v5  }
0x6c1: {  	v6 =	vmov s5  }
0x6c2: {  	v3 =	vmul.f32 v3, v2;
	[tilespmem:s16+$0xFFFFFFE0] =	vst v5  }
0x6c3: {  	v1 =	vmul.f32 v1, v2;
	[tilespmem:s16+$0xFFFFFFF0] =	vst v4  }
0x6c4: {  	[tilespmem:s16+$0x0] =	vst v3  }
0x6c5: {  	[tilespmem:s16+$0x10] =	vst v1  }
0x6c6: {  	v1 =	vld.idx.msk [tilespmem:v6+s9+$0x0], $0xffff;
	_ =	sdelay $0x2  }
0x6c7: {  	s4 =	sadd.s32 $0x40, s16  }
0x6c8: {  	v2 =	vld [tilespmem:s4+$0xFFFFFFE0]  }
0x6c9: {  	v3 =	vld [tilespmem:s4+$0xFFFFFFF0];
	v1 =	vmul.f32 v1, v1  }
0x6ca: {  	v4 =	vld [tilespmem:s4+$0x0]  }
0x6cb: {  	v5 =	vld [tilespmem:s4+$0x10];
	v1 =	vmul.f32 $5.000000000e-01, v1;
	_ =	sdelay $0x1  }
0x6cc: {  	v2 =	vmul.f32 v1, v2  }
0x6cd: {  	v3 =	vmul.f32 v3, v1  }
0x6ce: {  	v4 =	vmul.f32 v4, v1;
	[tilespmem:s4+$0xFFFFFFE0] =	vst v2  }
0x6cf: {  	s16 =	sld [smem:$0x7E6];
	v1 =	vmul.f32 v5, v1;
	[tilespmem:s4+$0xFFFFFFF0] =	vst v3  }
0x6d0: {  	[tilespmem:s4+$0x0] =	vst v4  }
0x6d1: {  	[tilespmem:s4+$0x10] =	vst v1  }
0x6d2: {  	[spmem:s16] =	stream.linear.scatter [tilespmem:s10], [sflag:$0x2], $0x2000, $0x38;
	[tilespmem:$0x1CB80] =	vst v63  }
0x6d3: {  	_ =	swait.ge [sflag:s11], $0x2000  }
0x6d4: {  	[sflag:s11] =	ssyncset.done $0x0  }
0x6d5: {  	[sflag:s11] =	ssyncadd.s32 $0xFFFFE000  }
0x6d6: {  	s16 =	simm.s32 $0x0;
	[bflag:$0x0] =	sbarrier.arrive $0xFFFF  }
0x6d7: {  	[tilespmem:s16], [sflag:$0x2] =	stream.linear.gather [hbm4b:s8+s16], $0x1C00, $0x38;
	[tilespmem:$0x1CB80] =	vst v63  }
0x6d8: {  	_ =	swait.ge [sflag:s11], $0x1C00  }
0x6d9: {  	[sflag:s11] =	ssyncset.done $0x0  }
0x6da: {  	[sflag:s11] =	ssyncadd.s32 $0xFFFFE400  }
0x6db: {  	[tilespmem:s7], [sflag:$0x2] =	stream.linear.gather [hbm4b:s18+s16], $0x1C00, $0x38;
	[tilespmem:$0x1CB80] =	vst v63  }
0x6dc: {  	_ =	swait.ge [sflag:s11], $0x1C00  }
0x6dd: {  	s24 =	smov.u32 s18;
	[sflag:s11] =	ssyncset.done $0x0  }
0x6de: {  	s18 =	simm.s32 $0x3800;
	s17 =	rddreg [dreg:$0x12];
	[sflag:s11] =	ssyncadd.s32 $0xFFFFE400  }
0x6df: {  	[tilespmem:s18], [sflag:$0x2] =	stream.linear.gather [hbm4b:s17+s16], $0x1C00, $0x38;
	[tilespmem:$0x1CB80] =	vst v63  }
0x6e0: {  	_ =	swait.ge [sflag:s11], $0x1C00  }
0x6e1: {  	[sflag:s11] =	ssyncset.done $0x0  }
0x6e2: {  	s30 =	smov.u32 s8;
	s17 =	simm.s32 $0x0;
	[sflag:s11] =	ssyncadd.s32 $0xFFFFE400  }
.LBB2_74:
0x6e3: {  	s18 =	sshll.u32 s17, $0x7;
	s4 =	sadd.s32 $0x0, s16  }
0x6e4: {  	[tilespmem:s10], [sflag:$0x1] =	stream.indirect.gather [hbm4b:s12+s29], $0x40, s18, s29, $0xb8;
	[tilespmem:$0x1CB80] =	vst v63  }
0x6e5: {  	v1 =	vmov s4;
	_ =	swait.ge [sflag:s28], $0x2000  }
0x6e6: {  	[sflag:s28] =	ssyncset.done $0x0  }
0x6e7: {  	s4 =	simm.s32 $0xDC20;
	[sflag:s28] =	ssyncadd.s32 $0xFFFFE000  }
0x6e8: {  	v3 =	vld [tilespmem:s4+$0xFFFFFFF0]  }
0x6e9: {  	v4 =	vld [tilespmem:s4+$0x10]  }
0x6ea: {  	v6 =	vld.idx.msk [tilespmem:v1+s13+$0x0], $0xffff  }
0x6eb: {  	v1 =	vld [tilespmem:s4+$0xFFFFFFE0]  }
0x6ec: {  	v7 =	vld [tilespmem:s4+$0x0];
	_ =	sdelay $0x3  }
0x6ed: {  	s7 =	sadd.s32 $0x1, s16;
	v2 =	vmul.f32 v1, v6;
	v5 =	vmul.f32 v4, v6  }
0x6ee: {  	s5 =	simm.s32 $0x2;
	v1 =	vmov s7;
	v4 =	vmul.f32 v3, v6;
	v3 =	vmul.f32 v7, v6;
	s7 =	simm.s32 $0xDC20  }
.LBB2_75:
0x6ef: {  	p1 =	sne.s32 s5, $0x7F  }
0x6f0: {  	[tilespmem:s4+$0x10] =	vst v5;
	s7 =	sadd.s32 $0x40, s7;
	s8 =	smov.u32 s5;
	s5 =	sadd.s32 $0x1, s5  }
0x6f1: {  	[tilespmem:s4+$0xFFFFFFE0] =	vst v2  }
0x6f2: {  	v6 =	vld [tilespmem:s7+$0xFFFFFFF0];
	[tilespmem:s4+$0xFFFFFFF0] =	vst v4  }
0x6f3: {  	v4 =	vld [tilespmem:s7+$0x10];
	[tilespmem:s4+$0x0] =	vst v3;
	s4 =	smov.u32 s7  }
0x6f4: {  	v3 =	vld.idx.msk [tilespmem:v1+s13+$0x0], $0xffff  }
0x6f5: {  	v1 =	vld [tilespmem:s7+$0xFFFFFFE0]  }
0x6f6: {  	v7 =	vld [tilespmem:s7+$0x0]  }
.Ltmp39:
0x6f7: {  	(pc) =	sbr.rel @p1 .LBB2_75-.Ltmp39, $3  }
0x6f8: {  	_ =	sdelay $0x1  }
0x6f9: {  	s8 =	sadd.s32 s8, s16;
	v5 =	vmul.f32 v4, v3;
	v2 =	vmul.f32 v1, v3  }
0x6fa: {  	v4 =	vmul.f32 v6, v3;
	v1 =	vmov s8;
	v3 =	vmul.f32 v7, v3  }
0x6fb: {  	[tilespmem:s4+$0x10] =	vst v5  }
0x6fc: {  	s5 =	sadd.s32 $0x40, s7;
	[tilespmem:s4+$0xFFFFFFE0] =	vst v2  }
0x6fd: {  	v2 =	vld [tilespmem:s5+$0xFFFFFFF0];
	[tilespmem:s4+$0xFFFFFFF0] =	vst v4  }
0x6fe: {  	v4 =	vld [tilespmem:s5+$0x10];
	[tilespmem:s4+$0x0] =	vst v3  }
0x6ff: {  	v1 =	vld.idx.msk [tilespmem:v1+s13+$0x0], $0xffff  }
0x700: {  	v3 =	vld [tilespmem:s5+$0xFFFFFFE0];
	_ =	sdelay $0x1  }
0x701: {  	v5 =	vld [tilespmem:s5+$0x0];
	_ =	sdelay $0x1  }
0x702: {  	v4 =	vmul.f32 v4, v1  }
0x703: {  	v3 =	vmul.f32 v3, v1  }
0x704: {  	v2 =	vmul.f32 v2, v1;
	[tilespmem:s5+$0x10] =	vst v4  }
0x705: {  	s17 =	sadd.s32 $0x1, s17;
	v1 =	vmul.f32 v5, v1;
	[tilespmem:s5+$0xFFFFFFE0] =	vst v3  }
0x706: {  	p1 =	sne.s32 s17, s1;
	[tilespmem:s5+$0xFFFFFFF0] =	vst v2  }
.Ltmp40:
0x707: {  	s18 =	sadd.s32 $0x1C00, s18;
	[tilespmem:s5+$0x0] =	vst v1;
	(pc) =	sbr.rel @p1 .LBB2_74-.Ltmp40, $4  }
0x708: {  	[spmem:s22] =	stream.indirect.scatter.add.f32 [tilespmem:s10], [sflag:$0x2], $0x40, s18, s29, $0xb8;
	[tilespmem:$0x1CB80] =	vst v63  }
0x709: {  	_ =	swait.ge [sflag:s11], $0x2000  }
0x70a: {  	[sflag:s11] =	ssyncset.done $0x0  }
0x70b: {  	s16 =	sadd.s32 $0x80, s16;
	[sflag:s11] =	ssyncadd.s32 $0xFFFFE000  }
0x70c: {  	s16 =	simm.s32 $0x0;
	s4 =	rddreg [dreg:$0x13]  }
0x70d: {  	[tilespmem:s16], [sflag:$0x2] =	stream.linear.gather [hbm4b:s4+s16], $0x1C00, $0x38;
	[tilespmem:$0x1CB80] =	vst v63  }
0x70e: {  	_ =	swait.ge [sflag:s11], $0x1C00  }
0x70f: {  	[sflag:s11] =	ssyncset.done $0x0  }
0x710: {  	s17 =	simm.s32 $0x1C00;
	s8 =	rddreg [dreg:$0x14];
	[sflag:s11] =	ssyncadd.s32 $0xFFFFE400  }
0x711: {  	[tilespmem:s17], [sflag:$0x2] =	stream.linear.gather [hbm4b:s8+s16], $0x1C00, $0x38;
	[tilespmem:$0x1CB80] =	vst v63  }
0x712: {  	_ =	swait.ge [sflag:s11], $0x1C00  }
0x713: {  	s5 =	simm.s32 $0x3800;
	[sflag:s11] =	ssyncset.done $0x0  }
.Ltmp41:
0x714: {  	s18 =	rddreg [dreg:$0x15];
	[sflag:s11] =	ssyncadd.s32 $0xFFFFE400;
	(pc) =	sbr.rel @p0 .LBB2_81-.Ltmp41, $4  }
0x715: {  	[tilespmem:s5], [sflag:$0x2] =	stream.linear.gather [hbm4b:s18+s16], $0x1C00, $0x38;
	[tilespmem:$0x1CB80] =	vst v63  }
0x716: {  	_ =	swait.ge [sflag:s11], $0x1C00  }
0x717: {  	[sflag:s11] =	ssyncset.done $0x0  }
0x718: {  	[sflag:s11] =	ssyncadd.s32 $0xFFFFE400  }
.LBB2_78:
0x719: {  	s18 =	sshll.u32 s16, $0x7;
	s4 =	sadd.s32 $0x0, s17  }
0x71a: {  	[tilespmem:s10], [sflag:$0x1] =	stream.indirect.gather [hbm4b:s12+s29], $0x40, s18, s29, $0xb8;
	[tilespmem:$0x1CB80] =	vst v63  }
0x71b: {  	v1 =	vmov s4;
	_ =	swait.ge [sflag:s28], $0x2000  }
0x71c: {  	[sflag:s28] =	ssyncset.done $0x0  }
0x71d: {  	s4 =	simm.s32 $0xDC20;
	[sflag:s28] =	ssyncadd.s32 $0xFFFFE000  }
0x71e: {  	v3 =	vld [tilespmem:s4+$0xFFFFFFF0]  }
0x71f: {  	v4 =	vld [tilespmem:s4+$0x10]  }
0x720: {  	v6 =	vld.idx.msk [tilespmem:v1+s13+$0x0], $0xffff  }
0x721: {  	v1 =	vld [tilespmem:s4+$0xFFFFFFE0]  }
0x722: {  	v7 =	vld [tilespmem:s4+$0x0];
	_ =	sdelay $0x3  }
0x723: {  	s7 =	sadd.s32 $0x1, s17;
	v2 =	vmul.f32 v1, v6;
	v5 =	vmul.f32 v4, v6  }
0x724: {  	s5 =	simm.s32 $0x2;
	v1 =	vmov s7;
	v4 =	vmul.f32 v3, v6;
	v3 =	vmul.f32 v7, v6;
	s7 =	simm.s32 $0xDC20  }
.LBB2_79:
0x725: {  	p1 =	sne.s32 s5, $0x7F  }
0x726: {  	[tilespmem:s4+$0x10] =	vst v5;
	s7 =	sadd.s32 $0x40, s7;
	s8 =	smov.u32 s5;
	s5 =	sadd.s32 $0x1, s5  }
0x727: {  	[tilespmem:s4+$0xFFFFFFE0] =	vst v2  }
0x728: {  	v6 =	vld [tilespmem:s7+$0xFFFFFFF0];
	[tilespmem:s4+$0xFFFFFFF0] =	vst v4  }
0x729: {  	v4 =	vld [tilespmem:s7+$0x10];
	[tilespmem:s4+$0x0] =	vst v3;
	s4 =	smov.u32 s7  }
0x72a: {  	v3 =	vld.idx.msk [tilespmem:v1+s13+$0x0], $0xffff  }
0x72b: {  	v1 =	vld [tilespmem:s7+$0xFFFFFFE0]  }
0x72c: {  	v7 =	vld [tilespmem:s7+$0x0]  }
.Ltmp42:
0x72d: {  	(pc) =	sbr.rel @p1 .LBB2_79-.Ltmp42, $3  }
0x72e: {  	_ =	sdelay $0x1  }
0x72f: {  	s8 =	sadd.s32 s8, s17;
	v5 =	vmul.f32 v4, v3;
	v2 =	vmul.f32 v1, v3  }
0x730: {  	v4 =	vmul.f32 v6, v3;
	v1 =	vmov s8;
	v3 =	vmul.f32 v7, v3  }
0x731: {  	[tilespmem:s4+$0x10] =	vst v5  }
0x732: {  	s5 =	sadd.s32 $0x40, s7;
	[tilespmem:s4+$0xFFFFFFE0] =	vst v2  }
0x733: {  	v2 =	vld [tilespmem:s5+$0xFFFFFFF0];
	[tilespmem:s4+$0xFFFFFFF0] =	vst v4  }
0x734: {  	v4 =	vld [tilespmem:s5+$0x10];
	[tilespmem:s4+$0x0] =	vst v3  }
0x735: {  	v1 =	vld.idx.msk [tilespmem:v1+s13+$0x0], $0xffff  }
0x736: {  	v3 =	vld [tilespmem:s5+$0xFFFFFFE0];
	_ =	sdelay $0x1  }
0x737: {  	v5 =	vld [tilespmem:s5+$0x0];
	_ =	sdelay $0x1  }
0x738: {  	v4 =	vmul.f32 v4, v1  }
0x739: {  	v3 =	vmul.f32 v3, v1  }
0x73a: {  	v2 =	vmul.f32 v2, v1;
	[tilespmem:s5+$0x10] =	vst v4  }
0x73b: {  	v1 =	vmul.f32 v5, v1;
	[tilespmem:s5+$0xFFFFFFE0] =	vst v3  }
0x73c: {  	s16 =	sadd.s32 $0x1, s16;
	[tilespmem:s5+$0xFFFFFFF0] =	vst v2  }
0x73d: {  	s18 =	sadd.s32 $0x1C00, s18;
	p1 =	sne.s32 s16, s2;
	[tilespmem:s5+$0x0] =	vst v1  }
0x73e: {  	[spmem:s22] =	stream.indirect.scatter.add.f32 [tilespmem:s10], [sflag:$0x2], $0x40, s18, s29, $0xb8;
	[tilespmem:$0x1CB80] =	vst v63  }
.Ltmp43:
0x73f: {  	_ = 	snop;
	(pc) =	sbr.rel @p1 .LBB2_78-.Ltmp43, $4  }
.Ltmp44:
0x740: {  	_ = 	snop;
	(pc) =	sbr.rel @!p1 .LBB2_81-.Ltmp44, $4  }
0x741: {  	_ =	swait.ge [sflag:s11], $0x2000  }
0x742: {  	[sflag:s11] =	ssyncset.done $0x0  }
0x743: {  	s17 =	sadd.s32 $0x80, s17;
	[sflag:s11] =	ssyncadd.s32 $0xFFFFE000  }
0x744: {  	_ = 	snop  }
.LBB2_82:
0x745: {  	_ =	sfence.sel $0x180000  }
0x746: {  	[bflag:$0x0] =	sbarrier.arrive $0xFFFF  }
0x747: {  	_ =	strace $0x90000047  }
0x748: {  	s0 =	stileid.u32;
	[bflag:$0x2] =	sbarrier.arrive $0xFFFF  }
0x749: {  	p0 =	sne.s32 s0, $0x0;
	s0 =	rddreg [dreg:$0x5]  }
0x74a: {  	s0 =	sadd.s32 @!p0 $0x100000, s0  }
0x74b: {  	[sflag:s0] =	ssyncadd.tile.s32 @!p0 $0x1;
	_ =	shalt  }
.Lfunc_end2:
_tile_overlayer_lowered:
.L_overlay_start_2:
0x74c: {  	(tag) =	ssettag $0x2  }
0x74d: {  	s0 =	rddreg [dreg:$0x0];
	s2 =	stileid.u32  }
0x74e: {  	s1 =	rddreg [dreg:$0x1];
	p0 =	sne.s32 s2, $0x0  }
0x74f: {  	s3 =	rddreg [dreg:$0x2];
	[bflag:$0x3] =	sbarrier.arrive $0xFFFF;
	s2 =	simm.s32 @!p0 $0x1C02  }
0x750: {  	[timem:s3], [sflag:s2] =	dma.local @!p0 [hbm:s0], s1  }
0x751: {  	s0 =	simm.s32 @!p0 $0x2  }
0x752: {  	_ =	swait.ge @!p0 [sflag:s0], s1  }
0x753: {  	s1 =	ssub.s32 @!p0 $0x0, s1;
	[sflag:s0] =	ssyncset.done @!p0 $0x0  }
0x754: {  	[sflag:s0] =	ssyncadd.s32 @!p0 s1  }
0x755: {  	[bflag:$0x3] =	sbarrier.arrive $0xFFFF  }
0x756: {  	_ =	shalt  }

</sc_bundles>
